<compile_context>
chip_gen: v7x
topology: tpu7x:2x2x1
jax: 0.10.2.dev20260603
libtpu: 0.0.44.dev20260713+nightly
codegen_flags: <defaults>
</compile_context>

<pallas_src>
import functools

import jax
import jax.numpy as jnp
from jax import lax
from jax.experimental import pallas as pl
from jax.experimental.pallas import tpu as pltpu
from jax.experimental.pallas import tpu_sc as plsc

N = 10000
E = 320000
D = 128
NPAD = 10240
NC = 2
NS = 16
NW = NC * NS
CHUNK = 128
CPW = 80
HALF = CPW // 2
EPAD = NW * CPW * CHUNK
ROWS_PER_TILE = NPAD // NS

_mesh = plsc.VectorSubcoreMesh(
    core_axis_name="c", subcore_axis_name="s", num_cores=NC, num_subcores=NS)


@functools.partial(
    pl.kernel,
    out_type=jax.ShapeDtypeStruct((NC, NPAD, D), jnp.float32),
    mesh=_mesh,
    scratch_types=[
        pltpu.VMEM((HALF + 8, CHUNK), jnp.int32),
        pltpu.VMEM((HALF + 8, CHUNK), jnp.int32),
        [pltpu.VMEM((CHUNK, D), jnp.float32)] * 2,
        pltpu.VMEM_SHARED((NPAD, D), jnp.float32),
        [pltpu.SemaphoreType.DMA] * 2,
    ],
)
def _sc_gather_scatter(hs, srcc, dstc, zeros, out, idx_s, idx_d, rows, acc,
                       sems):
    cid = lax.axis_index("c")
    sid = lax.axis_index("s")
    w = sid * NC + cid
    base = sid * ROWS_PER_TILE

    pltpu.sync_copy(zeros, acc.at[pl.ds(base, ROWS_PER_TILE)])
    pltpu.sync_copy(srcc.at[w, pl.ds(0, HALF + 8)], idx_s)
    pltpu.sync_copy(dstc.at[w, pl.ds(0, HALF + 8)], idx_d)
    plsc.subcore_barrier()

    for j in range(2):
        pltpu.async_copy(hs.at[idx_s.at[j]], rows[j], sems[j])

    def step(j, b, issue=True):
        r = b % 2
        pltpu.make_async_copy(hs.at[idx_s.at[j]], rows[r], sems[r]).wait()
        pltpu.sync_copy(rows[r], acc.at[idx_d.at[j]], add=True)
        if issue:
            pltpu.async_copy(hs.at[idx_s.at[j + 2]], rows[r], sems[r])

    def group(g, _):
        for b in range(2):
            step(g * 2 + b, b)
        return _

    lax.fori_loop(0, HALF // 2, group, 0)
    pltpu.sync_copy(srcc.at[w, pl.ds(HALF, HALF)], idx_s.at[pl.ds(0, HALF)])
    pltpu.sync_copy(dstc.at[w, pl.ds(HALF, HALF)], idx_d.at[pl.ds(0, HALF)])
    lax.fori_loop(0, HALF // 2 - 1, group, 0)
    for b in range(2):
        step(HALF - 2 + b, b, issue=False)
    plsc.subcore_barrier()

    base = sid * ROWS_PER_TILE
    pltpu.sync_copy(acc.at[pl.ds(base, ROWS_PER_TILE)],
                    out.at[cid, pl.ds(base, ROWS_PER_TILE)])


_BLK = 1024
_NBLK = NPAD // _BLK


def _tc_embed_body(po_ref, pi_ref, h_ref, w_ref, b_ref, h0_ref, hs_ref,
                   a_ref, b8_ref):
    deg_o = po_ref[0, :, 0:1] + po_ref[1, :, 0:1]
    deg_i = pi_ref[0, :, 0:1] + pi_ref[1, :, 0:1]
    a = lax.rsqrt(jnp.maximum(deg_o, 1.0))
    b = lax.rsqrt(jnp.maximum(deg_i, 1.0))
    h0 = jnp.dot(h_ref[...], w_ref[...], preferred_element_type=jnp.float32)
    h0 = h0 + b_ref[...]
    h0_ref[...] = h0
    hs_ref[...] = a * h0
    a_ref[...] = jnp.broadcast_to(a, (_BLK, 8))
    b8_ref[...] = jnp.broadcast_to(b, (_BLK, 8))


def _tc_embed(parts_o, parts_i, h_pad, W, bvec):
    return pl.pallas_call(
        _tc_embed_body,
        grid=(_NBLK,),
        in_specs=[
            pl.BlockSpec((NC, _BLK, D), lambda i: (0, i, 0)),
            pl.BlockSpec((NC, _BLK, D), lambda i: (0, i, 0)),
            pl.BlockSpec((_BLK, D), lambda i: (i, 0)),
            pl.BlockSpec((D, D), lambda i: (0, 0)),
            pl.BlockSpec((1, D), lambda i: (0, 0)),
        ],
        out_specs=[
            pl.BlockSpec((_BLK, D), lambda i: (i, 0)),
            pl.BlockSpec((_BLK, D), lambda i: (i, 0)),
            pl.BlockSpec((_BLK, 8), lambda i: (i, 0)),
            pl.BlockSpec((_BLK, 8), lambda i: (i, 0)),
        ],
        out_shape=[
            jax.ShapeDtypeStruct((NPAD, D), jnp.float32),
            jax.ShapeDtypeStruct((NPAD, D), jnp.float32),
            jax.ShapeDtypeStruct((NPAD, 8), jnp.float32),
            jax.ShapeDtypeStruct((NPAD, 8), jnp.float32),
        ],
    )(parts_o, parts_i, h_pad, W, bvec)


def _tc_layer_a_body(p_ref, b8_ref, w_ref, bias_ref, y_ref, s1_ref, s2_ref):
    i = pl.program_id(0)
    t = (p_ref[0, :, :] + p_ref[1, :, :]) * b8_ref[:, 0:1]
    y = jnp.dot(t, w_ref[...], preferred_element_type=jnp.float32) + bias_ref[...]
    rows = lax.broadcasted_iota(jnp.int32, (_BLK, 1), 0) + i * _BLK
    y = jnp.where(rows < N, y, 0.0)
    y_ref[...] = y

    @pl.when(i == 0)
    def _():
        s1_ref[...] = jnp.zeros_like(s1_ref)
        s2_ref[...] = jnp.zeros_like(s2_ref)

    s1_ref[...] += jnp.sum(y, axis=0, keepdims=True)
    s2_ref[...] += jnp.sum(y * y, axis=0, keepdims=True)


def _tc_layer_a(parts, b8, W, bias):
    return pl.pallas_call(
        _tc_layer_a_body,
        grid=(_NBLK,),
        in_specs=[
            pl.BlockSpec((NC, _BLK, D), lambda i: (0, i, 0)),
            pl.BlockSpec((_BLK, 8), lambda i: (i, 0)),
            pl.BlockSpec((D, D), lambda i: (0, 0)),
            pl.BlockSpec((1, D), lambda i: (0, 0)),
        ],
        out_specs=[
            pl.BlockSpec((_BLK, D), lambda i: (i, 0)),
            pl.BlockSpec((1, D), lambda i: (0, 0)),
            pl.BlockSpec((1, D), lambda i: (0, 0)),
        ],
        out_shape=[
            jax.ShapeDtypeStruct((NPAD, D), jnp.float32),
            jax.ShapeDtypeStruct((1, D), jnp.float32),
            jax.ShapeDtypeStruct((1, D), jnp.float32),
        ],
    )(parts, b8, W, bias)


def _tc_layer_b_body(y_ref, h_ref, s1_ref, s2_ref, g_ref, bt_ref, a8_ref,
                     hn_ref, hs_ref):
    mu = s1_ref[...] / N
    var = s2_ref[...] / N - mu * mu
    inv = g_ref[...] * lax.rsqrt(var + 1e-5)
    hn = (y_ref[...] - mu) * inv + bt_ref[...]
    hn = jnp.maximum(hn, 0.0)
    h_new = h_ref[...] + hn
    hn_ref[...] = h_new
    hs_ref[...] = a8_ref[:, 0:1] * h_new


def _tc_layer_b(y, h, s1, s2, gamma, beta, a8):
    return pl.pallas_call(
        _tc_layer_b_body,
        grid=(_NBLK,),
        in_specs=[
            pl.BlockSpec((_BLK, D), lambda i: (i, 0)),
            pl.BlockSpec((_BLK, D), lambda i: (i, 0)),
            pl.BlockSpec((1, D), lambda i: (0, 0)),
            pl.BlockSpec((1, D), lambda i: (0, 0)),
            pl.BlockSpec((1, D), lambda i: (0, 0)),
            pl.BlockSpec((1, D), lambda i: (0, 0)),
            pl.BlockSpec((_BLK, 8), lambda i: (i, 0)),
        ],
        out_specs=[
            pl.BlockSpec((_BLK, D), lambda i: (i, 0)),
            pl.BlockSpec((_BLK, D), lambda i: (i, 0)),
        ],
        out_shape=[
            jax.ShapeDtypeStruct((NPAD, D), jnp.float32),
            jax.ShapeDtypeStruct((NPAD, D), jnp.float32),
        ],
    )(y, h, s1, s2, gamma, beta, a8)


def _tc_head_body(h_ref, w0_ref, b0_ref, w1_ref, b1_ref, w2_ref, b2_ref,
                  out_ref, acc_ref):
    i = pl.program_id(0)

    @pl.when(i == 0)
    def _():
        acc_ref[...] = jnp.zeros_like(acc_ref)

    rows = lax.broadcasted_iota(jnp.int32, (_BLK, 1), 0) + i * _BLK
    hm = jnp.where(rows < N, h_ref[...], 0.0)
    acc_ref[...] += jnp.sum(hm, axis=0, keepdims=True)

    @pl.when(i == _NBLK - 1)
    def _():
        hg = acc_ref[...] / N
        y = jnp.dot(hg, w0_ref[...], preferred_element_type=jnp.float32)
        y = jnp.maximum(y + b0_ref[...], 0.0)
        y = jnp.dot(y, w1_ref[...], preferred_element_type=jnp.float32)
        y = jnp.maximum(y + b1_ref[...], 0.0)
        y = jnp.dot(y, w2_ref[...], preferred_element_type=jnp.float32)
        out_ref[...] = y + b2_ref[...]


def _tc_head(h, W0, b0, W1, b1, W2, b2):
    return pl.pallas_call(
        _tc_head_body,
        grid=(_NBLK,),
        in_specs=[
            pl.BlockSpec((_BLK, D), lambda i: (i, 0)),
            pl.BlockSpec(W0.shape, lambda i: (0, 0)),
            pl.BlockSpec((1, W0.shape[1]), lambda i: (0, 0)),
            pl.BlockSpec(W1.shape, lambda i: (0, 0)),
            pl.BlockSpec((1, W1.shape[1]), lambda i: (0, 0)),
            pl.BlockSpec(W2.shape, lambda i: (0, 0)),
            pl.BlockSpec((1, W2.shape[1]), lambda i: (0, 0)),
        ],
        out_specs=pl.BlockSpec((1, W2.shape[1]), lambda i: (0, 0)),
        out_shape=jax.ShapeDtypeStruct((1, W2.shape[1]), jnp.float32),
        scratch_shapes=[pltpu.VMEM((1, D), jnp.float32)],
    )(h, W0, b0, W1, b1, W2, b2)


def kernel(h, e, edge_index, W_emb_h, b_emb_h, W_emb_e, b_emb_e, W_conv,
           b_conv, gamma, beta, W_mlp0, b_mlp0, W_mlp1, b_mlp1, W_mlp2, b_mlp2):
    del e, W_emb_e, b_emb_e

    padidx = N + jnp.arange(EPAD - E, dtype=jnp.int32) % (NPAD - N)
    srcc = jnp.concatenate([edge_index[0], padidx]).reshape(NW, CPW, CHUNK)
    dstc = jnp.concatenate([edge_index[1], padidx]).reshape(NW, CPW, CHUNK)
    h_pad = jnp.pad(h, ((0, NPAD - N), (0, 0)))
    zeros = jnp.zeros((ROWS_PER_TILE, D), jnp.float32)
    ones_tab = jnp.ones((NPAD, D), jnp.float32)

    parts_o = _sc_gather_scatter(ones_tab, dstc, srcc, zeros)
    parts_i = _sc_gather_scatter(ones_tab, srcc, dstc, zeros)
    hcur, hs, a8, b8 = _tc_embed(parts_o, parts_i, h_pad, W_emb_h,
                                 b_emb_h.reshape(1, D))
    for l in range(W_conv.shape[0]):
        parts = _sc_gather_scatter(hs, srcc, dstc, zeros)
        y, s1, s2 = _tc_layer_a(parts, b8, W_conv[l], b_conv[l].reshape(1, D))
        hcur, hs = _tc_layer_b(y, hcur, s1, s2, gamma[l].reshape(1, D),
                               beta[l].reshape(1, D), a8)
    return _tc_head(hcur, W_mlp0, b_mlp0.reshape(1, -1), W_mlp1,
                    b_mlp1.reshape(1, -1), W_mlp2, b_mlp2.reshape(1, -1))

# --- scband reference (transcript-rebuilt; emitter-appended) ---
"""Pipeline reference for scband-gcnnet-3255585210597 (READ-ONLY COPY).

The authoritative reference and input builder live on the scoring server;
editing this copy changes nothing except your own understanding.
"""

import jax, jax.numpy as jnp
import numpy as np

N = 10000
E = 320000
IN_DIM = 128
EDGE_DIM = 16
HID = 128
N_LAYERS = 4
N_CLASSES = 10


def setup_inputs(seed: int = 0) -> dict:
    key = jax.random.key(seed)
    ks = jax.random.split(key, 16)
    s = 0.05
    inp = {}
    inp["h"] = jax.random.normal(ks[0], (N, IN_DIM), dtype=jnp.float32)
    inp["e"] = jax.random.normal(ks[1], (E, EDGE_DIM), dtype=jnp.float32)
    inp["edge_index"] = jax.random.randint(ks[2], (2, E), 0, N, dtype=jnp.int32)
    inp["W_emb_h"] = jax.random.normal(ks[3], (IN_DIM, HID), dtype=jnp.float32) * s
    inp["b_emb_h"] = jnp.zeros((HID,), dtype=jnp.float32)
    inp["W_emb_e"] = jax.random.normal(ks[4], (EDGE_DIM, HID), dtype=jnp.float32) * s
    inp["b_emb_e"] = jnp.zeros((HID,), dtype=jnp.float32)
    inp["W_conv"] = jax.random.normal(ks[5], (N_LAYERS, HID, HID), dtype=jnp.float32) * s
    inp["b_conv"] = jnp.zeros((N_LAYERS, HID), dtype=jnp.float32)
    inp["gamma"] = jnp.ones((N_LAYERS, HID), dtype=jnp.float32)
    inp["beta"] = jnp.zeros((N_LAYERS, HID), dtype=jnp.float32)
    inp["W_mlp0"] = jax.random.normal(ks[6], (HID, HID // 2), dtype=jnp.float32) * s
    inp["b_mlp0"] = jnp.zeros((HID // 2,), dtype=jnp.float32)
    inp["W_mlp1"] = jax.random.normal(ks[7], (HID // 2, HID // 4), dtype=jnp.float32) * s
    inp["b_mlp1"] = jnp.zeros((HID // 4,), dtype=jnp.float32)
    inp["W_mlp2"] = jax.random.normal(ks[8], (HID // 4, N_CLASSES), dtype=jnp.float32) * s
    inp["b_mlp2"] = jnp.zeros((N_CLASSES,), dtype=jnp.float32)
    return inp


def _bn(x, g, b):
    mu = jnp.mean(x, axis=0)
    var = jnp.var(x, axis=0)
    return g * (x - mu) / jnp.sqrt(var + 1e-5) + b


def reference(h, e, edge_index, W_emb_h, b_emb_h, W_emb_e, b_emb_e, W_conv, b_conv, gamma, beta, W_mlp0, b_mlp0, W_mlp1, b_mlp1, W_mlp2, b_mlp2):
    src = edge_index[0]
    dst = edge_index[1]
    h = h @ W_emb_h + b_emb_h
    e = e @ W_emb_e + b_emb_e
    ones = jnp.ones((E,), dtype=jnp.float32)
    deg_out = jax.ops.segment_sum(ones, src, num_segments=N)
    deg_in = jax.ops.segment_sum(ones, dst, num_segments=N)
    norm = jax.lax.rsqrt(jnp.maximum(deg_out[src], 1.0) * jnp.maximum(deg_in[dst], 1.0))
    for l in range(N_LAYERS):
        msg = h[src] * norm[:, None]
        agg = jax.ops.segment_sum(msg, dst, num_segments=N)
        hn = agg @ W_conv[l] + b_conv[l]
        hn = _bn(hn, gamma[l], beta[l])
        hn = jax.nn.relu(hn)
        h = h + hn
    hg = jnp.mean(h, axis=0, keepdims=True)
    y = jax.nn.relu(hg @ W_mlp0 + b_mlp0)
    y = jax.nn.relu(y @ W_mlp1 + b_mlp1)
    scores = y @ W_mlp2 + b_mlp2
    return scores

if __name__ == "__main__":
    import jax
    _d = setup_inputs()
    print(jax.jit(kernel)(*tuple(_d.values())))

</pallas_src>

<mosaic_0001>
#map = affine_map<(d0, d1) -> (0, 0)>
#map1 = affine_map<(d0, d1) -> (0, 0, 0)>
module attributes {stable_mosaic.version = 14 : i64} {
  func.func @_sc_gather_scatter(%arg0: i32, %arg1: i32, %arg2: memref<10240x128xf32, #tpu.memory_space<hbm>>, %arg3: memref<32x80x128xi32, #tpu.memory_space<hbm>>, %arg4: memref<32x80x128xi32, #tpu.memory_space<hbm>>, %arg5: memref<640x128xf32, #tpu.memory_space<hbm>>, %arg6: memref<2x10240x128xf32, #tpu.memory_space<hbm>>, %arg7: memref<48x128xi32, #tpu.memory_space<vmem>>, %arg8: memref<48x128xi32, #tpu.memory_space<vmem>>, %arg9: memref<128x128xf32, #tpu.memory_space<vmem>>, %arg10: memref<128x128xf32, #tpu.memory_space<vmem>>, %arg11: memref<10240x128xf32, #tpu.memory_space<vmem_shared>>, %arg12: memref<!tpu.dma_semaphore, #tpu.memory_space<semaphore_mem>>, %arg13: memref<!tpu.dma_semaphore, #tpu.memory_space<semaphore_mem>>) attributes {dimension_semantics = [#tpu.dimension_semantics<core_parallel>, #tpu.dimension_semantics<subcore_parallel>], iteration_bounds = array<i64: 2, 16>, scalar_prefetch = 0 : i64, scratch_operands = 7 : i64, tpu.core_type = #tpu.core_type<sc_vector_subcore>, window_params = [{transform_indices = #map}, {transform_indices = #map1}, {transform_indices = #map1}, {transform_indices = #map}, {transform_indices = #map1}]} {
    %mul3A = arith.constant 2 : i32
    %mul3A_0 = arith.muli %arg1, %mul3A : i32
    %add3A = arith.addi %mul3A_0, %arg0 : i32
    %mul3A_1 = arith.constant 640 : i32
    %mul3A_2 = arith.muli %arg1, %mul3A_1 : i32
    "tpu.region"() ({
      %run_scoped3A_44 = tpu.sem_alloc : memref<!tpu.dma_semaphore, #tpu.memory_space<semaphore_mem>>
      %dma_start3A_45 = arith.constant 0 : i32
      %dma_start3A_46 = tpu.memref_slice %arg11[%mul3A_2, %dma_start3A_45] : memref<10240x128xf32, #tpu.memory_space<vmem_shared>> -> memref<640x128xf32, #tpu.memory_space<vmem_shared>>
      tpu.enqueue_dma source(%arg5 : memref<640x128xf32, #tpu.memory_space<hbm>>) target(%dma_start3A_46 : memref<640x128xf32, #tpu.memory_space<vmem_shared>>) target_semaphore(%run_scoped3A_44 : memref<!tpu.dma_semaphore, #tpu.memory_space<semaphore_mem>>)
      %dma_wait3A_47 = arith.constant 0 : i32
      %dma_wait3A_48 = tpu.memref_slice %arg11[%mul3A_2, %dma_wait3A_47] : memref<10240x128xf32, #tpu.memory_space<vmem_shared>> -> memref<640x128xf32, #tpu.memory_space<vmem_shared>>
      tpu.wait_dma2 semaphore(%run_scoped3A_44 : memref<!tpu.dma_semaphore, #tpu.memory_space<semaphore_mem>>) src(%arg5 : memref<640x128xf32, #tpu.memory_space<hbm>>) dst(%dma_wait3A_48 : memref<640x128xf32, #tpu.memory_space<vmem_shared>>)
      tpu.yield
    }) : () -> ()
    "tpu.region"() ({
      %run_scoped3A_44 = tpu.sem_alloc : memref<!tpu.dma_semaphore, #tpu.memory_space<semaphore_mem>>
      %dma_start3A_45 = arith.constant 0 : i32
      %dma_start3A_46 = arith.constant 0 : i32
      %dma_start3A_47 = tpu.memref_slice %arg3[%add3A, %dma_start3A_45, %dma_start3A_46] : memref<32x80x128xi32, #tpu.memory_space<hbm>> -> memref<1x48x128xi32, #tpu.memory_space<hbm>>
      %dma_start3A_48 = tpu.memref_squeeze %dma_start3A_47 : memref<1x48x128xi32, #tpu.memory_space<hbm>> -> memref<48x128xi32, #tpu.memory_space<hbm>>
      %dma_start3A_49 = arith.constant 0 : i32
      %dma_start3A_50 = arith.constant 0 : i32
      %dma_start3A_51 = tpu.memref_slice %arg3[%add3A, %dma_start3A_49, %dma_start3A_50] : memref<32x80x128xi32, #tpu.memory_space<hbm>> -> memref<1x48x128xi32, #tpu.memory_space<hbm>>
      %dma_start3A_52 = tpu.memref_squeeze %dma_start3A_51 : memref<1x48x128xi32, #tpu.memory_space<hbm>> -> memref<48x128xi32, #tpu.memory_space<hbm>>
      tpu.enqueue_dma source(%dma_start3A_52 : memref<48x128xi32, #tpu.memory_space<hbm>>) target(%arg7 : memref<48x128xi32, #tpu.memory_space<vmem>>) target_semaphore(%run_scoped3A_44 : memref<!tpu.dma_semaphore, #tpu.memory_space<semaphore_mem>>)
      %dma_wait3A_53 = arith.constant 0 : i32
      %dma_wait3A_54 = arith.constant 0 : i32
      %dma_wait3A_55 = tpu.memref_slice %arg3[%add3A, %dma_wait3A_53, %dma_wait3A_54] : memref<32x80x128xi32, #tpu.memory_space<hbm>> -> memref<1x48x128xi32, #tpu.memory_space<hbm>>
      %dma_wait3A_56 = tpu.memref_squeeze %dma_wait3A_55 : memref<1x48x128xi32, #tpu.memory_space<hbm>> -> memref<48x128xi32, #tpu.memory_space<hbm>>
      %dma_wait3A_57 = arith.constant 0 : i32
      %dma_wait3A_58 = arith.constant 0 : i32
      %dma_wait3A_59 = tpu.memref_slice %arg3[%add3A, %dma_wait3A_57, %dma_wait3A_58] : memref<32x80x128xi32, #tpu.memory_space<hbm>> -> memref<1x48x128xi32, #tpu.memory_space<hbm>>
      %dma_wait3A_60 = tpu.memref_squeeze %dma_wait3A_59 : memref<1x48x128xi32, #tpu.memory_space<hbm>> -> memref<48x128xi32, #tpu.memory_space<hbm>>
      tpu.wait_dma2 semaphore(%run_scoped3A_44 : memref<!tpu.dma_semaphore, #tpu.memory_space<semaphore_mem>>) src(%dma_wait3A_60 : memref<48x128xi32, #tpu.memory_space<hbm>>) dst(%arg7 : memref<48x128xi32, #tpu.memory_space<vmem>>)
      tpu.yield
    }) : () -> ()
    "tpu.region"() ({
      %run_scoped3A_44 = tpu.sem_alloc : memref<!tpu.dma_semaphore, #tpu.memory_space<semaphore_mem>>
      %dma_start3A_45 = arith.constant 0 : i32
      %dma_start3A_46 = arith.constant 0 : i32
      %dma_start3A_47 = tpu.memref_slice %arg4[%add3A, %dma_start3A_45, %dma_start3A_46] : memref<32x80x128xi32, #tpu.memory_space<hbm>> -> memref<1x48x128xi32, #tpu.memory_space<hbm>>
      %dma_start3A_48 = tpu.memref_squeeze %dma_start3A_47 : memref<1x48x128xi32, #tpu.memory_space<hbm>> -> memref<48x128xi32, #tpu.memory_space<hbm>>
      %dma_start3A_49 = arith.constant 0 : i32
      %dma_start3A_50 = arith.constant 0 : i32
      %dma_start3A_51 = tpu.memref_slice %arg4[%add3A, %dma_start3A_49, %dma_start3A_50] : memref<32x80x128xi32, #tpu.memory_space<hbm>> -> memref<1x48x128xi32, #tpu.memory_space<hbm>>
      %dma_start3A_52 = tpu.memref_squeeze %dma_start3A_51 : memref<1x48x128xi32, #tpu.memory_space<hbm>> -> memref<48x128xi32, #tpu.memory_space<hbm>>
      tpu.enqueue_dma source(%dma_start3A_52 : memref<48x128xi32, #tpu.memory_space<hbm>>) target(%arg8 : memref<48x128xi32, #tpu.memory_space<vmem>>) target_semaphore(%run_scoped3A_44 : memref<!tpu.dma_semaphore, #tpu.memory_space<semaphore_mem>>)
      %dma_wait3A_53 = arith.constant 0 : i32
      %dma_wait3A_54 = arith.constant 0 : i32
      %dma_wait3A_55 = tpu.memref_slice %arg4[%add3A, %dma_wait3A_53, %dma_wait3A_54] : memref<32x80x128xi32, #tpu.memory_space<hbm>> -> memref<1x48x128xi32, #tpu.memory_space<hbm>>
      %dma_wait3A_56 = tpu.memref_squeeze %dma_wait3A_55 : memref<1x48x128xi32, #tpu.memory_space<hbm>> -> memref<48x128xi32, #tpu.memory_space<hbm>>
      %dma_wait3A_57 = arith.constant 0 : i32
      %dma_wait3A_58 = arith.constant 0 : i32
      %dma_wait3A_59 = tpu.memref_slice %arg4[%add3A, %dma_wait3A_57, %dma_wait3A_58] : memref<32x80x128xi32, #tpu.memory_space<hbm>> -> memref<1x48x128xi32, #tpu.memory_space<hbm>>
      %dma_wait3A_60 = tpu.memref_squeeze %dma_wait3A_59 : memref<1x48x128xi32, #tpu.memory_space<hbm>> -> memref<48x128xi32, #tpu.memory_space<hbm>>
      tpu.wait_dma2 semaphore(%run_scoped3A_44 : memref<!tpu.dma_semaphore, #tpu.memory_space<semaphore_mem>>) src(%dma_wait3A_60 : memref<48x128xi32, #tpu.memory_space<hbm>>) dst(%arg8 : memref<48x128xi32, #tpu.memory_space<vmem>>)
      tpu.yield
    }) : () -> ()
    %barrier3A = arith.constant 0 : index
    tpu.barrier barrier_id(%barrier3A)
    %dma_start3A = arith.constant 0 : i32
    %dma_start3A_3 = arith.constant 0 : i32
    %dma_start3A_4 = tpu.memref_slice %arg7[%dma_start3A, %dma_start3A_3] : memref<48x128xi32, #tpu.memory_space<vmem>> -> memref<1x128xi32, #tpu.memory_space<vmem>>
    %dma_start3A_5 = tpu.memref_squeeze %dma_start3A_4 : memref<1x128xi32, #tpu.memory_space<vmem>> -> memref<128xi32, #tpu.memory_space<vmem>>
    %dma_start3A_6 = arith.constant 0 : i32
    %dma_start3A_7 = arith.constant 0 : i32
    %dma_start3A_8 = tpu.memref_slice %arg2[%dma_start3A_6, %dma_start3A_7] : memref<10240x128xf32, #tpu.memory_space<hbm>> -> memref<10240x128xf32, #tpu.memory_space<hbm>>
    tpu.enqueue_indirect_dma source(%dma_start3A_8 : memref<10240x128xf32, #tpu.memory_space<hbm>>) target(%arg9 : memref<128x128xf32, #tpu.memory_space<vmem>>) offsets(%dma_start3A_5 : memref<128xi32, #tpu.memory_space<vmem>>) semaphore(%arg12 : memref<!tpu.dma_semaphore, #tpu.memory_space<semaphore_mem>>)
    %dma_start3A_9 = arith.constant 1 : i32
    %dma_start3A_10 = arith.constant 0 : i32
    %dma_start3A_11 = tpu.memref_slice %arg7[%dma_start3A_9, %dma_start3A_10] : memref<48x128xi32, #tpu.memory_space<vmem>> -> memref<1x128xi32, #tpu.memory_space<vmem>>
    %dma_start3A_12 = tpu.memref_squeeze %dma_start3A_11 : memref<1x128xi32, #tpu.memory_space<vmem>> -> memref<128xi32, #tpu.memory_space<vmem>>
    %dma_start3A_13 = arith.constant 0 : i32
    %dma_start3A_14 = arith.constant 0 : i32
    %dma_start3A_15 = tpu.memref_slice %arg2[%dma_start3A_13, %dma_start3A_14] : memref<10240x128xf32, #tpu.memory_space<hbm>> -> memref<10240x128xf32, #tpu.memory_space<hbm>>
    tpu.enqueue_indirect_dma source(%dma_start3A_15 : memref<10240x128xf32, #tpu.memory_space<hbm>>) target(%arg10 : memref<128x128xf32, #tpu.memory_space<vmem>>) offsets(%dma_start3A_12 : memref<128xi32, #tpu.memory_space<vmem>>) semaphore(%arg13 : memref<!tpu.dma_semaphore, #tpu.memory_space<semaphore_mem>>)
    %scan3A = arith.constant 0 : i32
    %scan3A_16 = arith.constant 0 : i32
    %scan3A_17 = arith.constant 20 : i32
    %scan3A_18 = arith.addi %scan3A_16, %scan3A_17 : i32
    %scan3A_19 = arith.constant 1 : i32
    scf.for %scan3A_44 = %scan3A_16 to %scan3A_18 step %scan3A_19  : i32 {
      %mul3A_45 = arith.constant 2 : i32
      %mul3A_46 = arith.muli %scan3A_44, %mul3A_45 : i32
      %add3A_47 = arith.constant 0 : i32
      %add3A_48 = arith.addi %mul3A_46, %add3A_47 : i32
      %dma_wait3A_49 = arith.constant 0 : i32
      %dma_wait3A_50 = tpu.memref_slice %arg7[%add3A_48, %dma_wait3A_49] : memref<48x128xi32, #tpu.memory_space<vmem>> -> memref<1x128xi32, #tpu.memory_space<vmem>>
      %dma_wait3A_51 = tpu.memref_squeeze %dma_wait3A_50 : memref<1x128xi32, #tpu.memory_space<vmem>> -> memref<128xi32, #tpu.memory_space<vmem>>
      %dma_wait3A_52 = arith.constant 0 : i32
      %dma_wait3A_53 = arith.constant 0 : i32
      %dma_wait3A_54 = tpu.memref_slice %arg2[%dma_wait3A_52, %dma_wait3A_53] : memref<10240x128xf32, #tpu.memory_space<hbm>> -> memref<10240x128xf32, #tpu.memory_space<hbm>>
      tpu.wait_indirect_dma semaphore(%arg12 : memref<!tpu.dma_semaphore, #tpu.memory_space<semaphore_mem>>) src(%dma_wait3A_54 : memref<10240x128xf32, #tpu.memory_space<hbm>>) dst(%arg9 : memref<128x128xf32, #tpu.memory_space<vmem>>)
      "tpu.region"() ({
        %run_scoped3A_81 = tpu.sem_alloc : memref<!tpu.dma_semaphore, #tpu.memory_space<semaphore_mem>>
        %dma_start3A_82 = arith.constant 0 : i32
        %dma_start3A_83 = tpu.memref_slice %arg8[%add3A_48, %dma_start3A_82] : memref<48x128xi32, #tpu.memory_space<vmem>> -> memref<1x128xi32, #tpu.memory_space<vmem>>
        %dma_start3A_84 = tpu.memref_squeeze %dma_start3A_83 : memref<1x128xi32, #tpu.memory_space<vmem>> -> memref<128xi32, #tpu.memory_space<vmem>>
        %dma_start3A_85 = arith.constant 0 : i32
        %dma_start3A_86 = arith.constant 0 : i32
        %dma_start3A_87 = tpu.memref_slice %arg11[%dma_start3A_85, %dma_start3A_86] : memref<10240x128xf32, #tpu.memory_space<vmem_shared>> -> memref<10240x128xf32, #tpu.memory_space<vmem_shared>>
        tpu.enqueue_indirect_dma source(%arg9 : memref<128x128xf32, #tpu.memory_space<vmem>>) target(%dma_start3A_87 : memref<10240x128xf32, #tpu.memory_space<vmem_shared>>) offsets(%dma_start3A_84 : memref<128xi32, #tpu.memory_space<vmem>>) semaphore(%run_scoped3A_81 : memref<!tpu.dma_semaphore, #tpu.memory_space<semaphore_mem>>) {add = true}
        %dma_wait3A_88 = arith.constant 0 : i32
        %dma_wait3A_89 = tpu.memref_slice %arg8[%add3A_48, %dma_wait3A_88] : memref<48x128xi32, #tpu.memory_space<vmem>> -> memref<1x128xi32, #tpu.memory_space<vmem>>
        %dma_wait3A_90 = tpu.memref_squeeze %dma_wait3A_89 : memref<1x128xi32, #tpu.memory_space<vmem>> -> memref<128xi32, #tpu.memory_space<vmem>>
        %dma_wait3A_91 = arith.constant 0 : i32
        %dma_wait3A_92 = arith.constant 0 : i32
        %dma_wait3A_93 = tpu.memref_slice %arg11[%dma_wait3A_91, %dma_wait3A_92] : memref<10240x128xf32, #tpu.memory_space<vmem_shared>> -> memref<10240x128xf32, #tpu.memory_space<vmem_shared>>
        tpu.wait_indirect_dma semaphore(%run_scoped3A_81 : memref<!tpu.dma_semaphore, #tpu.memory_space<semaphore_mem>>) src(%arg9 : memref<128x128xf32, #tpu.memory_space<vmem>>) dst(%dma_wait3A_93 : memref<10240x128xf32, #tpu.memory_space<vmem_shared>>)
        tpu.yield
      }) : () -> ()
      %add3A_55 = arith.constant 2 : i32
      %add3A_56 = arith.addi %add3A_48, %add3A_55 : i32
      %dma_start3A_57 = arith.constant 0 : i32
      %dma_start3A_58 = tpu.memref_slice %arg7[%add3A_56, %dma_start3A_57] : memref<48x128xi32, #tpu.memory_space<vmem>> -> memref<1x128xi32, #tpu.memory_space<vmem>>
      %dma_start3A_59 = tpu.memref_squeeze %dma_start3A_58 : memref<1x128xi32, #tpu.memory_space<vmem>> -> memref<128xi32, #tpu.memory_space<vmem>>
      %dma_start3A_60 = arith.constant 0 : i32
      %dma_start3A_61 = arith.constant 0 : i32
      %dma_start3A_62 = tpu.memref_slice %arg2[%dma_start3A_60, %dma_start3A_61] : memref<10240x128xf32, #tpu.memory_space<hbm>> -> memref<10240x128xf32, #tpu.memory_space<hbm>>
      tpu.enqueue_indirect_dma source(%dma_start3A_62 : memref<10240x128xf32, #tpu.memory_space<hbm>>) target(%arg9 : memref<128x128xf32, #tpu.memory_space<vmem>>) offsets(%dma_start3A_59 : memref<128xi32, #tpu.memory_space<vmem>>) semaphore(%arg12 : memref<!tpu.dma_semaphore, #tpu.memory_space<semaphore_mem>>)
      %mul3A_63 = arith.constant 2 : i32
      %mul3A_64 = arith.muli %scan3A_44, %mul3A_63 : i32
      %add3A_65 = arith.constant 1 : i32
      %add3A_66 = arith.addi %mul3A_64, %add3A_65 : i32
      %dma_wait3A_67 = arith.constant 0 : i32
      %dma_wait3A_68 = tpu.memref_slice %arg7[%add3A_66, %dma_wait3A_67] : memref<48x128xi32, #tpu.memory_space<vmem>> -> memref<1x128xi32, #tpu.memory_space<vmem>>
      %dma_wait3A_69 = tpu.memref_squeeze %dma_wait3A_68 : memref<1x128xi32, #tpu.memory_space<vmem>> -> memref<128xi32, #tpu.memory_space<vmem>>
      %dma_wait3A_70 = arith.constant 0 : i32
      %dma_wait3A_71 = arith.constant 0 : i32
      %dma_wait3A_72 = tpu.memref_slice %arg2[%dma_wait3A_70, %dma_wait3A_71] : memref<10240x128xf32, #tpu.memory_space<hbm>> -> memref<10240x128xf32, #tpu.memory_space<hbm>>
      tpu.wait_indirect_dma semaphore(%arg13 : memref<!tpu.dma_semaphore, #tpu.memory_space<semaphore_mem>>) src(%dma_wait3A_72 : memref<10240x128xf32, #tpu.memory_space<hbm>>) dst(%arg10 : memref<128x128xf32, #tpu.memory_space<vmem>>)
      "tpu.region"() ({
        %run_scoped3A_81 = tpu.sem_alloc : memref<!tpu.dma_semaphore, #tpu.memory_space<semaphore_mem>>
        %dma_start3A_82 = arith.constant 0 : i32
        %dma_start3A_83 = tpu.memref_slice %arg8[%add3A_66, %dma_start3A_82] : memref<48x128xi32, #tpu.memory_space<vmem>> -> memref<1x128xi32, #tpu.memory_space<vmem>>
        %dma_start3A_84 = tpu.memref_squeeze %dma_start3A_83 : memref<1x128xi32, #tpu.memory_space<vmem>> -> memref<128xi32, #tpu.memory_space<vmem>>
        %dma_start3A_85 = arith.constant 0 : i32
        %dma_start3A_86 = arith.constant 0 : i32
        %dma_start3A_87 = tpu.memref_slice %arg11[%dma_start3A_85, %dma_start3A_86] : memref<10240x128xf32, #tpu.memory_space<vmem_shared>> -> memref<10240x128xf32, #tpu.memory_space<vmem_shared>>
        tpu.enqueue_indirect_dma source(%arg10 : memref<128x128xf32, #tpu.memory_space<vmem>>) target(%dma_start3A_87 : memref<10240x128xf32, #tpu.memory_space<vmem_shared>>) offsets(%dma_start3A_84 : memref<128xi32, #tpu.memory_space<vmem>>) semaphore(%run_scoped3A_81 : memref<!tpu.dma_semaphore, #tpu.memory_space<semaphore_mem>>) {add = true}
        %dma_wait3A_88 = arith.constant 0 : i32
        %dma_wait3A_89 = tpu.memref_slice %arg8[%add3A_66, %dma_wait3A_88] : memref<48x128xi32, #tpu.memory_space<vmem>> -> memref<1x128xi32, #tpu.memory_space<vmem>>
        %dma_wait3A_90 = tpu.memref_squeeze %dma_wait3A_89 : memref<1x128xi32, #tpu.memory_space<vmem>> -> memref<128xi32, #tpu.memory_space<vmem>>
        %dma_wait3A_91 = arith.constant 0 : i32
        %dma_wait3A_92 = arith.constant 0 : i32
        %dma_wait3A_93 = tpu.memref_slice %arg11[%dma_wait3A_91, %dma_wait3A_92] : memref<10240x128xf32, #tpu.memory_space<vmem_shared>> -> memref<10240x128xf32, #tpu.memory_space<vmem_shared>>
        tpu.wait_indirect_dma semaphore(%run_scoped3A_81 : memref<!tpu.dma_semaphore, #tpu.memory_space<semaphore_mem>>) src(%arg10 : memref<128x128xf32, #tpu.memory_space<vmem>>) dst(%dma_wait3A_93 : memref<10240x128xf32, #tpu.memory_space<vmem_shared>>)
        tpu.yield
      }) : () -> ()
      %add3A_73 = arith.constant 2 : i32
      %add3A_74 = arith.addi %add3A_66, %add3A_73 : i32
      %dma_start3A_75 = arith.constant 0 : i32
      %dma_start3A_76 = tpu.memref_slice %arg7[%add3A_74, %dma_start3A_75] : memref<48x128xi32, #tpu.memory_space<vmem>> -> memref<1x128xi32, #tpu.memory_space<vmem>>
      %dma_start3A_77 = tpu.memref_squeeze %dma_start3A_76 : memref<1x128xi32, #tpu.memory_space<vmem>> -> memref<128xi32, #tpu.memory_space<vmem>>
      %dma_start3A_78 = arith.constant 0 : i32
      %dma_start3A_79 = arith.constant 0 : i32
      %dma_start3A_80 = tpu.memref_slice %arg2[%dma_start3A_78, %dma_start3A_79] : memref<10240x128xf32, #tpu.memory_space<hbm>> -> memref<10240x128xf32, #tpu.memory_space<hbm>>
      tpu.enqueue_indirect_dma source(%dma_start3A_80 : memref<10240x128xf32, #tpu.memory_space<hbm>>) target(%arg10 : memref<128x128xf32, #tpu.memory_space<vmem>>) offsets(%dma_start3A_77 : memref<128xi32, #tpu.memory_space<vmem>>) semaphore(%arg13 : memref<!tpu.dma_semaphore, #tpu.memory_space<semaphore_mem>>)
    }
    %scan3A_20 = arith.constant 20 : i32
    "tpu.region"() ({
      %run_scoped3A_44 = tpu.sem_alloc : memref<!tpu.dma_semaphore, #tpu.memory_space<semaphore_mem>>
      %dma_start3A_45 = arith.constant 0 : i32
      %dma_start3A_46 = arith.constant 0 : i32
      %dma_start3A_47 = tpu.memref_slice %arg7[%dma_start3A_45, %dma_start3A_46] : memref<48x128xi32, #tpu.memory_space<vmem>> -> memref<40x128xi32, #tpu.memory_space<vmem>>
      %dma_start3A_48 = arith.constant 40 : i32
      %dma_start3A_49 = arith.constant 0 : i32
      %dma_start3A_50 = tpu.memref_slice %arg3[%add3A, %dma_start3A_48, %dma_start3A_49] : memref<32x80x128xi32, #tpu.memory_space<hbm>> -> memref<1x40x128xi32, #tpu.memory_space<hbm>>
      %dma_start3A_51 = tpu.memref_squeeze %dma_start3A_50 : memref<1x40x128xi32, #tpu.memory_space<hbm>> -> memref<40x128xi32, #tpu.memory_space<hbm>>
      %dma_start3A_52 = arith.constant 0 : i32
      %dma_start3A_53 = arith.constant 0 : i32
      %dma_start3A_54 = tpu.memref_slice %arg7[%dma_start3A_52, %dma_start3A_53] : memref<48x128xi32, #tpu.memory_space<vmem>> -> memref<40x128xi32, #tpu.memory_space<vmem>>
      %dma_start3A_55 = arith.constant 40 : i32
      %dma_start3A_56 = arith.constant 0 : i32
      %dma_start3A_57 = tpu.memref_slice %arg3[%add3A, %dma_start3A_55, %dma_start3A_56] : memref<32x80x128xi32, #tpu.memory_space<hbm>> -> memref<1x40x128xi32, #tpu.memory_space<hbm>>
      %dma_start3A_58 = tpu.memref_squeeze %dma_start3A_57 : memref<1x40x128xi32, #tpu.memory_space<hbm>> -> memref<40x128xi32, #tpu.memory_space<hbm>>
      tpu.enqueue_dma source(%dma_start3A_58 : memref<40x128xi32, #tpu.memory_space<hbm>>) target(%dma_start3A_54 : memref<40x128xi32, #tpu.memory_space<vmem>>) target_semaphore(%run_scoped3A_44 : memref<!tpu.dma_semaphore, #tpu.memory_space<semaphore_mem>>)
      %dma_wait3A_59 = arith.constant 0 : i32
      %dma_wait3A_60 = arith.constant 0 : i32
      %dma_wait3A_61 = tpu.memref_slice %arg7[%dma_wait3A_59, %dma_wait3A_60] : memref<48x128xi32, #tpu.memory_space<vmem>> -> memref<40x128xi32, #tpu.memory_space<vmem>>
      %dma_wait3A_62 = arith.constant 40 : i32
      %dma_wait3A_63 = arith.constant 0 : i32
      %dma_wait3A_64 = tpu.memref_slice %arg3[%add3A, %dma_wait3A_62, %dma_wait3A_63] : memref<32x80x128xi32, #tpu.memory_space<hbm>> -> memref<1x40x128xi32, #tpu.memory_space<hbm>>
      %dma_wait3A_65 = tpu.memref_squeeze %dma_wait3A_64 : memref<1x40x128xi32, #tpu.memory_space<hbm>> -> memref<40x128xi32, #tpu.memory_space<hbm>>
      %dma_wait3A_66 = arith.constant 0 : i32
      %dma_wait3A_67 = arith.constant 0 : i32
      %dma_wait3A_68 = tpu.memref_slice %arg7[%dma_wait3A_66, %dma_wait3A_67] : memref<48x128xi32, #tpu.memory_space<vmem>> -> memref<40x128xi32, #tpu.memory_space<vmem>>
      %dma_wait3A_69 = arith.constant 40 : i32
      %dma_wait3A_70 = arith.constant 0 : i32
      %dma_wait3A_71 = tpu.memref_slice %arg3[%add3A, %dma_wait3A_69, %dma_wait3A_70] : memref<32x80x128xi32, #tpu.memory_space<hbm>> -> memref<1x40x128xi32, #tpu.memory_space<hbm>>
      %dma_wait3A_72 = tpu.memref_squeeze %dma_wait3A_71 : memref<1x40x128xi32, #tpu.memory_space<hbm>> -> memref<40x128xi32, #tpu.memory_space<hbm>>
      tpu.wait_dma2 semaphore(%run_scoped3A_44 : memref<!tpu.dma_semaphore, #tpu.memory_space<semaphore_mem>>) src(%dma_wait3A_72 : memref<40x128xi32, #tpu.memory_space<hbm>>) dst(%dma_wait3A_68 : memref<40x128xi32, #tpu.memory_space<vmem>>)
      tpu.yield
    }) : () -> ()
    "tpu.region"() ({
      %run_scoped3A_44 = tpu.sem_alloc : memref<!tpu.dma_semaphore, #tpu.memory_space<semaphore_mem>>
      %dma_start3A_45 = arith.constant 0 : i32
      %dma_start3A_46 = arith.constant 0 : i32
      %dma_start3A_47 = tpu.memref_slice %arg8[%dma_start3A_45, %dma_start3A_46] : memref<48x128xi32, #tpu.memory_space<vmem>> -> memref<40x128xi32, #tpu.memory_space<vmem>>
      %dma_start3A_48 = arith.constant 40 : i32
      %dma_start3A_49 = arith.constant 0 : i32
      %dma_start3A_50 = tpu.memref_slice %arg4[%add3A, %dma_start3A_48, %dma_start3A_49] : memref<32x80x128xi32, #tpu.memory_space<hbm>> -> memref<1x40x128xi32, #tpu.memory_space<hbm>>
      %dma_start3A_51 = tpu.memref_squeeze %dma_start3A_50 : memref<1x40x128xi32, #tpu.memory_space<hbm>> -> memref<40x128xi32, #tpu.memory_space<hbm>>
      %dma_start3A_52 = arith.constant 0 : i32
      %dma_start3A_53 = arith.constant 0 : i32
      %dma_start3A_54 = tpu.memref_slice %arg8[%dma_start3A_52, %dma_start3A_53] : memref<48x128xi32, #tpu.memory_space<vmem>> -> memref<40x128xi32, #tpu.memory_space<vmem>>
      %dma_start3A_55 = arith.constant 40 : i32
      %dma_start3A_56 = arith.constant 0 : i32
      %dma_start3A_57 = tpu.memref_slice %arg4[%add3A, %dma_start3A_55, %dma_start3A_56] : memref<32x80x128xi32, #tpu.memory_space<hbm>> -> memref<1x40x128xi32, #tpu.memory_space<hbm>>
      %dma_start3A_58 = tpu.memref_squeeze %dma_start3A_57 : memref<1x40x128xi32, #tpu.memory_space<hbm>> -> memref<40x128xi32, #tpu.memory_space<hbm>>
      tpu.enqueue_dma source(%dma_start3A_58 : memref<40x128xi32, #tpu.memory_space<hbm>>) target(%dma_start3A_54 : memref<40x128xi32, #tpu.memory_space<vmem>>) target_semaphore(%run_scoped3A_44 : memref<!tpu.dma_semaphore, #tpu.memory_space<semaphore_mem>>)
      %dma_wait3A_59 = arith.constant 0 : i32
      %dma_wait3A_60 = arith.constant 0 : i32
      %dma_wait3A_61 = tpu.memref_slice %arg8[%dma_wait3A_59, %dma_wait3A_60] : memref<48x128xi32, #tpu.memory_space<vmem>> -> memref<40x128xi32, #tpu.memory_space<vmem>>
      %dma_wait3A_62 = arith.constant 40 : i32
      %dma_wait3A_63 = arith.constant 0 : i32
      %dma_wait3A_64 = tpu.memref_slice %arg4[%add3A, %dma_wait3A_62, %dma_wait3A_63] : memref<32x80x128xi32, #tpu.memory_space<hbm>> -> memref<1x40x128xi32, #tpu.memory_space<hbm>>
      %dma_wait3A_65 = tpu.memref_squeeze %dma_wait3A_64 : memref<1x40x128xi32, #tpu.memory_space<hbm>> -> memref<40x128xi32, #tpu.memory_space<hbm>>
      %dma_wait3A_66 = arith.constant 0 : i32
      %dma_wait3A_67 = arith.constant 0 : i32
      %dma_wait3A_68 = tpu.memref_slice %arg8[%dma_wait3A_66, %dma_wait3A_67] : memref<48x128xi32, #tpu.memory_space<vmem>> -> memref<40x128xi32, #tpu.memory_space<vmem>>
      %dma_wait3A_69 = arith.constant 40 : i32
      %dma_wait3A_70 = arith.constant 0 : i32
      %dma_wait3A_71 = tpu.memref_slice %arg4[%add3A, %dma_wait3A_69, %dma_wait3A_70] : memref<32x80x128xi32, #tpu.memory_space<hbm>> -> memref<1x40x128xi32, #tpu.memory_space<hbm>>
      %dma_wait3A_72 = tpu.memref_squeeze %dma_wait3A_71 : memref<1x40x128xi32, #tpu.memory_space<hbm>> -> memref<40x128xi32, #tpu.memory_space<hbm>>
      tpu.wait_dma2 semaphore(%run_scoped3A_44 : memref<!tpu.dma_semaphore, #tpu.memory_space<semaphore_mem>>) src(%dma_wait3A_72 : memref<40x128xi32, #tpu.memory_space<hbm>>) dst(%dma_wait3A_68 : memref<40x128xi32, #tpu.memory_space<vmem>>)
      tpu.yield
    }) : () -> ()
    %scan3A_21 = arith.constant 0 : i32
    %scan3A_22 = arith.constant 0 : i32
    %scan3A_23 = arith.constant 19 : i32
    %scan3A_24 = arith.addi %scan3A_22, %scan3A_23 : i32
    %scan3A_25 = arith.constant 1 : i32
    scf.for %scan3A_44 = %scan3A_22 to %scan3A_24 step %scan3A_25  : i32 {
      %mul3A_45 = arith.constant 2 : i32
      %mul3A_46 = arith.muli %scan3A_44, %mul3A_45 : i32
      %add3A_47 = arith.constant 0 : i32
      %add3A_48 = arith.addi %mul3A_46, %add3A_47 : i32
      %dma_wait3A_49 = arith.constant 0 : i32
      %dma_wait3A_50 = tpu.memref_slice %arg7[%add3A_48, %dma_wait3A_49] : memref<48x128xi32, #tpu.memory_space<vmem>> -> memref<1x128xi32, #tpu.memory_space<vmem>>
      %dma_wait3A_51 = tpu.memref_squeeze %dma_wait3A_50 : memref<1x128xi32, #tpu.memory_space<vmem>> -> memref<128xi32, #tpu.memory_space<vmem>>
      %dma_wait3A_52 = arith.constant 0 : i32
      %dma_wait3A_53 = arith.constant 0 : i32
      %dma_wait3A_54 = tpu.memref_slice %arg2[%dma_wait3A_52, %dma_wait3A_53] : memref<10240x128xf32, #tpu.memory_space<hbm>> -> memref<10240x128xf32, #tpu.memory_space<hbm>>
      tpu.wait_indirect_dma semaphore(%arg12 : memref<!tpu.dma_semaphore, #tpu.memory_space<semaphore_mem>>) src(%dma_wait3A_54 : memref<10240x128xf32, #tpu.memory_space<hbm>>) dst(%arg9 : memref<128x128xf32, #tpu.memory_space<vmem>>)
      "tpu.region"() ({
        %run_scoped3A_81 = tpu.sem_alloc : memref<!tpu.dma_semaphore, #tpu.memory_space<semaphore_mem>>
        %dma_start3A_82 = arith.constant 0 : i32
        %dma_start3A_83 = tpu.memref_slice %arg8[%add3A_48, %dma_start3A_82] : memref<48x128xi32, #tpu.memory_space<vmem>> -> memref<1x128xi32, #tpu.memory_space<vmem>>
        %dma_start3A_84 = tpu.memref_squeeze %dma_start3A_83 : memref<1x128xi32, #tpu.memory_space<vmem>> -> memref<128xi32, #tpu.memory_space<vmem>>
        %dma_start3A_85 = arith.constant 0 : i32
        %dma_start3A_86 = arith.constant 0 : i32
        %dma_start3A_87 = tpu.memref_slice %arg11[%dma_start3A_85, %dma_start3A_86] : memref<10240x128xf32, #tpu.memory_space<vmem_shared>> -> memref<10240x128xf32, #tpu.memory_space<vmem_shared>>
        tpu.enqueue_indirect_dma source(%arg9 : memref<128x128xf32, #tpu.memory_space<vmem>>) target(%dma_start3A_87 : memref<10240x128xf32, #tpu.memory_space<vmem_shared>>) offsets(%dma_start3A_84 : memref<128xi32, #tpu.memory_space<vmem>>) semaphore(%run_scoped3A_81 : memref<!tpu.dma_semaphore, #tpu.memory_space<semaphore_mem>>) {add = true}
        %dma_wait3A_88 = arith.constant 0 : i32
        %dma_wait3A_89 = tpu.memref_slice %arg8[%add3A_48, %dma_wait3A_88] : memref<48x128xi32, #tpu.memory_space<vmem>> -> memref<1x128xi32, #tpu.memory_space<vmem>>
        %dma_wait3A_90 = tpu.memref_squeeze %dma_wait3A_89 : memref<1x128xi32, #tpu.memory_space<vmem>> -> memref<128xi32, #tpu.memory_space<vmem>>
        %dma_wait3A_91 = arith.constant 0 : i32
        %dma_wait3A_92 = arith.constant 0 : i32
        %dma_wait3A_93 = tpu.memref_slice %arg11[%dma_wait3A_91, %dma_wait3A_92] : memref<10240x128xf32, #tpu.memory_space<vmem_shared>> -> memref<10240x128xf32, #tpu.memory_space<vmem_shared>>
        tpu.wait_indirect_dma semaphore(%run_scoped3A_81 : memref<!tpu.dma_semaphore, #tpu.memory_space<semaphore_mem>>) src(%arg9 : memref<128x128xf32, #tpu.memory_space<vmem>>) dst(%dma_wait3A_93 : memref<10240x128xf32, #tpu.memory_space<vmem_shared>>)
        tpu.yield
      }) : () -> ()
      %add3A_55 = arith.constant 2 : i32
      %add3A_56 = arith.addi %add3A_48, %add3A_55 : i32
      %dma_start3A_57 = arith.constant 0 : i32
      %dma_start3A_58 = tpu.memref_slice %arg7[%add3A_56, %dma_start3A_57] : memref<48x128xi32, #tpu.memory_space<vmem>> -> memref<1x128xi32, #tpu.memory_space<vmem>>
      %dma_start3A_59 = tpu.memref_squeeze %dma_start3A_58 : memref<1x128xi32, #tpu.memory_space<vmem>> -> memref<128xi32, #tpu.memory_space<vmem>>
      %dma_start3A_60 = arith.constant 0 : i32
      %dma_start3A_61 = arith.constant 0 : i32
      %dma_start3A_62 = tpu.memref_slice %arg2[%dma_start3A_60, %dma_start3A_61] : memref<10240x128xf32, #tpu.memory_space<hbm>> -> memref<10240x128xf32, #tpu.memory_space<hbm>>
      tpu.enqueue_indirect_dma source(%dma_start3A_62 : memref<10240x128xf32, #tpu.memory_space<hbm>>) target(%arg9 : memref<128x128xf32, #tpu.memory_space<vmem>>) offsets(%dma_start3A_59 : memref<128xi32, #tpu.memory_space<vmem>>) semaphore(%arg12 : memref<!tpu.dma_semaphore, #tpu.memory_space<semaphore_mem>>)
      %mul3A_63 = arith.constant 2 : i32
      %mul3A_64 = arith.muli %scan3A_44, %mul3A_63 : i32
      %add3A_65 = arith.constant 1 : i32
      %add3A_66 = arith.addi %mul3A_64, %add3A_65 : i32
      %dma_wait3A_67 = arith.constant 0 : i32
      %dma_wait3A_68 = tpu.memref_slice %arg7[%add3A_66, %dma_wait3A_67] : memref<48x128xi32, #tpu.memory_space<vmem>> -> memref<1x128xi32, #tpu.memory_space<vmem>>
      %dma_wait3A_69 = tpu.memref_squeeze %dma_wait3A_68 : memref<1x128xi32, #tpu.memory_space<vmem>> -> memref<128xi32, #tpu.memory_space<vmem>>
      %dma_wait3A_70 = arith.constant 0 : i32
      %dma_wait3A_71 = arith.constant 0 : i32
      %dma_wait3A_72 = tpu.memref_slice %arg2[%dma_wait3A_70, %dma_wait3A_71] : memref<10240x128xf32, #tpu.memory_space<hbm>> -> memref<10240x128xf32, #tpu.memory_space<hbm>>
      tpu.wait_indirect_dma semaphore(%arg13 : memref<!tpu.dma_semaphore, #tpu.memory_space<semaphore_mem>>) src(%dma_wait3A_72 : memref<10240x128xf32, #tpu.memory_space<hbm>>) dst(%arg10 : memref<128x128xf32, #tpu.memory_space<vmem>>)
      "tpu.region"() ({
        %run_scoped3A_81 = tpu.sem_alloc : memref<!tpu.dma_semaphore, #tpu.memory_space<semaphore_mem>>
        %dma_start3A_82 = arith.constant 0 : i32
        %dma_start3A_83 = tpu.memref_slice %arg8[%add3A_66, %dma_start3A_82] : memref<48x128xi32, #tpu.memory_space<vmem>> -> memref<1x128xi32, #tpu.memory_space<vmem>>
        %dma_start3A_84 = tpu.memref_squeeze %dma_start3A_83 : memref<1x128xi32, #tpu.memory_space<vmem>> -> memref<128xi32, #tpu.memory_space<vmem>>
        %dma_start3A_85 = arith.constant 0 : i32
        %dma_start3A_86 = arith.constant 0 : i32
        %dma_start3A_87 = tpu.memref_slice %arg11[%dma_start3A_85, %dma_start3A_86] : memref<10240x128xf32, #tpu.memory_space<vmem_shared>> -> memref<10240x128xf32, #tpu.memory_space<vmem_shared>>
        tpu.enqueue_indirect_dma source(%arg10 : memref<128x128xf32, #tpu.memory_space<vmem>>) target(%dma_start3A_87 : memref<10240x128xf32, #tpu.memory_space<vmem_shared>>) offsets(%dma_start3A_84 : memref<128xi32, #tpu.memory_space<vmem>>) semaphore(%run_scoped3A_81 : memref<!tpu.dma_semaphore, #tpu.memory_space<semaphore_mem>>) {add = true}
        %dma_wait3A_88 = arith.constant 0 : i32
        %dma_wait3A_89 = tpu.memref_slice %arg8[%add3A_66, %dma_wait3A_88] : memref<48x128xi32, #tpu.memory_space<vmem>> -> memref<1x128xi32, #tpu.memory_space<vmem>>
        %dma_wait3A_90 = tpu.memref_squeeze %dma_wait3A_89 : memref<1x128xi32, #tpu.memory_space<vmem>> -> memref<128xi32, #tpu.memory_space<vmem>>
        %dma_wait3A_91 = arith.constant 0 : i32
        %dma_wait3A_92 = arith.constant 0 : i32
        %dma_wait3A_93 = tpu.memref_slice %arg11[%dma_wait3A_91, %dma_wait3A_92] : memref<10240x128xf32, #tpu.memory_space<vmem_shared>> -> memref<10240x128xf32, #tpu.memory_space<vmem_shared>>
        tpu.wait_indirect_dma semaphore(%run_scoped3A_81 : memref<!tpu.dma_semaphore, #tpu.memory_space<semaphore_mem>>) src(%arg10 : memref<128x128xf32, #tpu.memory_space<vmem>>) dst(%dma_wait3A_93 : memref<10240x128xf32, #tpu.memory_space<vmem_shared>>)
        tpu.yield
      }) : () -> ()
      %add3A_73 = arith.constant 2 : i32
      %add3A_74 = arith.addi %add3A_66, %add3A_73 : i32
      %dma_start3A_75 = arith.constant 0 : i32
      %dma_start3A_76 = tpu.memref_slice %arg7[%add3A_74, %dma_start3A_75] : memref<48x128xi32, #tpu.memory_space<vmem>> -> memref<1x128xi32, #tpu.memory_space<vmem>>
      %dma_start3A_77 = tpu.memref_squeeze %dma_start3A_76 : memref<1x128xi32, #tpu.memory_space<vmem>> -> memref<128xi32, #tpu.memory_space<vmem>>
      %dma_start3A_78 = arith.constant 0 : i32
      %dma_start3A_79 = arith.constant 0 : i32
      %dma_start3A_80 = tpu.memref_slice %arg2[%dma_start3A_78, %dma_start3A_79] : memref<10240x128xf32, #tpu.memory_space<hbm>> -> memref<10240x128xf32, #tpu.memory_space<hbm>>
      tpu.enqueue_indirect_dma source(%dma_start3A_80 : memref<10240x128xf32, #tpu.memory_space<hbm>>) target(%arg10 : memref<128x128xf32, #tpu.memory_space<vmem>>) offsets(%dma_start3A_77 : memref<128xi32, #tpu.memory_space<vmem>>) semaphore(%arg13 : memref<!tpu.dma_semaphore, #tpu.memory_space<semaphore_mem>>)
    }
    %scan3A_26 = arith.constant 19 : i32
    %dma_wait3A = arith.constant 38 : i32
    %dma_wait3A_27 = arith.constant 0 : i32
    %dma_wait3A_28 = tpu.memref_slice %arg7[%dma_wait3A, %dma_wait3A_27] : memref<48x128xi32, #tpu.memory_space<vmem>> -> memref<1x128xi32, #tpu.memory_space<vmem>>
    %dma_wait3A_29 = tpu.memref_squeeze %dma_wait3A_28 : memref<1x128xi32, #tpu.memory_space<vmem>> -> memref<128xi32, #tpu.memory_space<vmem>>
    %dma_wait3A_30 = arith.constant 0 : i32
    %dma_wait3A_31 = arith.constant 0 : i32
    %dma_wait3A_32 = tpu.memref_slice %arg2[%dma_wait3A_30, %dma_wait3A_31] : memref<10240x128xf32, #tpu.memory_space<hbm>> -> memref<10240x128xf32, #tpu.memory_space<hbm>>
    tpu.wait_indirect_dma semaphore(%arg12 : memref<!tpu.dma_semaphore, #tpu.memory_space<semaphore_mem>>) src(%dma_wait3A_32 : memref<10240x128xf32, #tpu.memory_space<hbm>>) dst(%arg9 : memref<128x128xf32, #tpu.memory_space<vmem>>)
    %run_scoped3A = arith.constant 38 : i32
    "tpu.region"() ({
      %run_scoped3A_44 = tpu.sem_alloc : memref<!tpu.dma_semaphore, #tpu.memory_space<semaphore_mem>>
      %dma_start3A_45 = arith.constant 0 : i32
      %dma_start3A_46 = tpu.memref_slice %arg8[%run_scoped3A, %dma_start3A_45] : memref<48x128xi32, #tpu.memory_space<vmem>> -> memref<1x128xi32, #tpu.memory_space<vmem>>
      %dma_start3A_47 = tpu.memref_squeeze %dma_start3A_46 : memref<1x128xi32, #tpu.memory_space<vmem>> -> memref<128xi32, #tpu.memory_space<vmem>>
      %dma_start3A_48 = arith.constant 0 : i32
      %dma_start3A_49 = arith.constant 0 : i32
      %dma_start3A_50 = tpu.memref_slice %arg11[%dma_start3A_48, %dma_start3A_49] : memref<10240x128xf32, #tpu.memory_space<vmem_shared>> -> memref<10240x128xf32, #tpu.memory_space<vmem_shared>>
      tpu.enqueue_indirect_dma source(%arg9 : memref<128x128xf32, #tpu.memory_space<vmem>>) target(%dma_start3A_50 : memref<10240x128xf32, #tpu.memory_space<vmem_shared>>) offsets(%dma_start3A_47 : memref<128xi32, #tpu.memory_space<vmem>>) semaphore(%run_scoped3A_44 : memref<!tpu.dma_semaphore, #tpu.memory_space<semaphore_mem>>) {add = true}
      %dma_wait3A_51 = arith.constant 0 : i32
      %dma_wait3A_52 = tpu.memref_slice %arg8[%run_scoped3A, %dma_wait3A_51] : memref<48x128xi32, #tpu.memory_space<vmem>> -> memref<1x128xi32, #tpu.memory_space<vmem>>
      %dma_wait3A_53 = tpu.memref_squeeze %dma_wait3A_52 : memref<1x128xi32, #tpu.memory_space<vmem>> -> memref<128xi32, #tpu.memory_space<vmem>>
      %dma_wait3A_54 = arith.constant 0 : i32
      %dma_wait3A_55 = arith.constant 0 : i32
      %dma_wait3A_56 = tpu.memref_slice %arg11[%dma_wait3A_54, %dma_wait3A_55] : memref<10240x128xf32, #tpu.memory_space<vmem_shared>> -> memref<10240x128xf32, #tpu.memory_space<vmem_shared>>
      tpu.wait_indirect_dma semaphore(%run_scoped3A_44 : memref<!tpu.dma_semaphore, #tpu.memory_space<semaphore_mem>>) src(%arg9 : memref<128x128xf32, #tpu.memory_space<vmem>>) dst(%dma_wait3A_56 : memref<10240x128xf32, #tpu.memory_space<vmem_shared>>)
      tpu.yield
    }) : () -> ()
    %dma_wait3A_33 = arith.constant 39 : i32
    %dma_wait3A_34 = arith.constant 0 : i32
    %dma_wait3A_35 = tpu.memref_slice %arg7[%dma_wait3A_33, %dma_wait3A_34] : memref<48x128xi32, #tpu.memory_space<vmem>> -> memref<1x128xi32, #tpu.memory_space<vmem>>
    %dma_wait3A_36 = tpu.memref_squeeze %dma_wait3A_35 : memref<1x128xi32, #tpu.memory_space<vmem>> -> memref<128xi32, #tpu.memory_space<vmem>>
    %dma_wait3A_37 = arith.constant 0 : i32
    %dma_wait3A_38 = arith.constant 0 : i32
    %dma_wait3A_39 = tpu.memref_slice %arg2[%dma_wait3A_37, %dma_wait3A_38] : memref<10240x128xf32, #tpu.memory_space<hbm>> -> memref<10240x128xf32, #tpu.memory_space<hbm>>
    tpu.wait_indirect_dma semaphore(%arg13 : memref<!tpu.dma_semaphore, #tpu.memory_space<semaphore_mem>>) src(%dma_wait3A_39 : memref<10240x128xf32, #tpu.memory_space<hbm>>) dst(%arg10 : memref<128x128xf32, #tpu.memory_space<vmem>>)
    %run_scoped3A_40 = arith.constant 39 : i32
    "tpu.region"() ({
      %run_scoped3A_44 = tpu.sem_alloc : memref<!tpu.dma_semaphore, #tpu.memory_space<semaphore_mem>>
      %dma_start3A_45 = arith.constant 0 : i32
      %dma_start3A_46 = tpu.memref_slice %arg8[%run_scoped3A_40, %dma_start3A_45] : memref<48x128xi32, #tpu.memory_space<vmem>> -> memref<1x128xi32, #tpu.memory_space<vmem>>
      %dma_start3A_47 = tpu.memref_squeeze %dma_start3A_46 : memref<1x128xi32, #tpu.memory_space<vmem>> -> memref<128xi32, #tpu.memory_space<vmem>>
      %dma_start3A_48 = arith.constant 0 : i32
      %dma_start3A_49 = arith.constant 0 : i32
      %dma_start3A_50 = tpu.memref_slice %arg11[%dma_start3A_48, %dma_start3A_49] : memref<10240x128xf32, #tpu.memory_space<vmem_shared>> -> memref<10240x128xf32, #tpu.memory_space<vmem_shared>>
      tpu.enqueue_indirect_dma source(%arg10 : memref<128x128xf32, #tpu.memory_space<vmem>>) target(%dma_start3A_50 : memref<10240x128xf32, #tpu.memory_space<vmem_shared>>) offsets(%dma_start3A_47 : memref<128xi32, #tpu.memory_space<vmem>>) semaphore(%run_scoped3A_44 : memref<!tpu.dma_semaphore, #tpu.memory_space<semaphore_mem>>) {add = true}
      %dma_wait3A_51 = arith.constant 0 : i32
      %dma_wait3A_52 = tpu.memref_slice %arg8[%run_scoped3A_40, %dma_wait3A_51] : memref<48x128xi32, #tpu.memory_space<vmem>> -> memref<1x128xi32, #tpu.memory_space<vmem>>
      %dma_wait3A_53 = tpu.memref_squeeze %dma_wait3A_52 : memref<1x128xi32, #tpu.memory_space<vmem>> -> memref<128xi32, #tpu.memory_space<vmem>>
      %dma_wait3A_54 = arith.constant 0 : i32
      %dma_wait3A_55 = arith.constant 0 : i32
      %dma_wait3A_56 = tpu.memref_slice %arg11[%dma_wait3A_54, %dma_wait3A_55] : memref<10240x128xf32, #tpu.memory_space<vmem_shared>> -> memref<10240x128xf32, #tpu.memory_space<vmem_shared>>
      tpu.wait_indirect_dma semaphore(%run_scoped3A_44 : memref<!tpu.dma_semaphore, #tpu.memory_space<semaphore_mem>>) src(%arg10 : memref<128x128xf32, #tpu.memory_space<vmem>>) dst(%dma_wait3A_56 : memref<10240x128xf32, #tpu.memory_space<vmem_shared>>)
      tpu.yield
    }) : () -> ()
    %barrier3A_41 = arith.constant 0 : index
    tpu.barrier barrier_id(%barrier3A_41)
    %mul3A_42 = arith.constant 640 : i32
    %mul3A_43 = arith.muli %arg1, %mul3A_42 : i32
    "tpu.region"() ({
      %run_scoped3A_44 = tpu.sem_alloc : memref<!tpu.dma_semaphore, #tpu.memory_space<semaphore_mem>>
      %dma_start3A_45 = arith.constant 0 : i32
      %dma_start3A_46 = tpu.memref_slice %arg6[%arg0, %mul3A_43, %dma_start3A_45] : memref<2x10240x128xf32, #tpu.memory_space<hbm>> -> memref<1x640x128xf32, #tpu.memory_space<hbm>>
      %dma_start3A_47 = tpu.memref_squeeze %dma_start3A_46 : memref<1x640x128xf32, #tpu.memory_space<hbm>> -> memref<640x128xf32, #tpu.memory_space<hbm>>
      %dma_start3A_48 = arith.constant 0 : i32
      %dma_start3A_49 = tpu.memref_slice %arg11[%mul3A_43, %dma_start3A_48] : memref<10240x128xf32, #tpu.memory_space<vmem_shared>> -> memref<640x128xf32, #tpu.memory_space<vmem_shared>>
      tpu.enqueue_dma source(%dma_start3A_49 : memref<640x128xf32, #tpu.memory_space<vmem_shared>>) target(%dma_start3A_47 : memref<640x128xf32, #tpu.memory_space<hbm>>) target_semaphore(%run_scoped3A_44 : memref<!tpu.dma_semaphore, #tpu.memory_space<semaphore_mem>>)
      %dma_wait3A_50 = arith.constant 0 : i32
      %dma_wait3A_51 = tpu.memref_slice %arg6[%arg0, %mul3A_43, %dma_wait3A_50] : memref<2x10240x128xf32, #tpu.memory_space<hbm>> -> memref<1x640x128xf32, #tpu.memory_space<hbm>>
      %dma_wait3A_52 = tpu.memref_squeeze %dma_wait3A_51 : memref<1x640x128xf32, #tpu.memory_space<hbm>> -> memref<640x128xf32, #tpu.memory_space<hbm>>
      %dma_wait3A_53 = arith.constant 0 : i32
      %dma_wait3A_54 = tpu.memref_slice %arg11[%mul3A_43, %dma_wait3A_53] : memref<10240x128xf32, #tpu.memory_space<vmem_shared>> -> memref<640x128xf32, #tpu.memory_space<vmem_shared>>
      tpu.wait_dma2 semaphore(%run_scoped3A_44 : memref<!tpu.dma_semaphore, #tpu.memory_space<semaphore_mem>>) src(%dma_wait3A_54 : memref<640x128xf32, #tpu.memory_space<vmem_shared>>) dst(%dma_wait3A_52 : memref<640x128xf32, #tpu.memory_space<hbm>>)
      tpu.yield
    }) : () -> ()
    return
  }
}

#map = affine_map<(d0, d1) -> (0, 0)>
#map1 = affine_map<(d0, d1) -> (0, 0, 0)>
module attributes {stable_mosaic.version = 14 : i64} {
  func.func @_sc_gather_scatter(%arg0: i32, %arg1: i32, %arg2: memref<10240x128xf32, #tpu.memory_space<hbm>>, %arg3: memref<32x80x128xi32, #tpu.memory_space<hbm>>, %arg4: memref<32x80x128xi32, #tpu.memory_space<hbm>>, %arg5: memref<640x128xf32, #tpu.memory_space<hbm>>, %arg6: memref<2x10240x128xf32, #tpu.memory_space<hbm>>, %arg7: memref<48x128xi32, #tpu.memory_space<vmem>>, %arg8: memref<48x128xi32, #tpu.memory_space<vmem>>, %arg9: memref<128x128xf32, #tpu.memory_space<vmem>>, %arg10: memref<128x128xf32, #tpu.memory_space<vmem>>, %arg11: memref<10240x128xf32, #tpu.memory_space<vmem_shared>>, %arg12: memref<!tpu.dma_semaphore, #tpu.memory_space<semaphore_mem>>, %arg13: memref<!tpu.dma_semaphore, #tpu.memory_space<semaphore_mem>>) attributes {dimension_semantics = [#tpu.dimension_semantics<core_parallel>, #tpu.dimension_semantics<subcore_parallel>], iteration_bounds = array<i64: 2, 16>, scalar_prefetch = 0 : i64, scratch_operands = 7 : i64, tpu.core_type = #tpu.core_type<sc_vector_subcore>, window_params = [{transform_indices = #map}, {transform_indices = #map1}, {transform_indices = #map1}, {transform_indices = #map}, {transform_indices = #map1}]} {
    %mul3A = arith.constant 2 : i32
    %mul3A_0 = arith.muli %arg1, %mul3A : i32
    %add3A = arith.addi %mul3A_0, %arg0 : i32
    %mul3A_1 = arith.constant 640 : i32
    %mul3A_2 = arith.muli %arg1, %mul3A_1 : i32
    "tpu.region"() ({
      %run_scoped3A_44 = tpu.sem_alloc : memref<!tpu.dma_semaphore, #tpu.memory_space<semaphore_mem>>
      %dma_start3A_45 = arith.constant 0 : i32
      %dma_start3A_46 = tpu.memref_slice %arg11[%mul3A_2, %dma_start3A_45] : memref<10240x128xf32, #tpu.memory_space<vmem_shared>> -> memref<640x128xf32, #tpu.memory_space<vmem_shared>>
      tpu.enqueue_dma source(%arg5 : memref<640x128xf32, #tpu.memory_space<hbm>>) target(%dma_start3A_46 : memref<640x128xf32, #tpu.memory_space<vmem_shared>>) target_semaphore(%run_scoped3A_44 : memref<!tpu.dma_semaphore, #tpu.memory_space<semaphore_mem>>)
      %dma_wait3A_47 = arith.constant 0 : i32
      %dma_wait3A_48 = tpu.memref_slice %arg11[%mul3A_2, %dma_wait3A_47] : memref<10240x128xf32, #tpu.memory_space<vmem_shared>> -> memref<640x128xf32, #tpu.memory_space<vmem_shared>>
      tpu.wait_dma2 semaphore(%run_scoped3A_44 : memref<!tpu.dma_semaphore, #tpu.memory_space<semaphore_mem>>) src(%arg5 : memref<640x128xf32, #tpu.memory_space<hbm>>) dst(%dma_wait3A_48 : memref<640x128xf32, #tpu.memory_space<vmem_shared>>)
      tpu.yield
    }) : () -> ()
    "tpu.region"() ({
      %run_scoped3A_44 = tpu.sem_alloc : memref<!tpu.dma_semaphore, #tpu.memory_space<semaphore_mem>>
      %dma_start3A_45 = arith.constant 0 : i32
      %dma_start3A_46 = arith.constant 0 : i32
      %dma_start3A_47 = tpu.memref_slice %arg3[%add3A, %dma_start3A_45, %dma_start3A_46] : memref<32x80x128xi32, #tpu.memory_space<hbm>> -> memref<1x48x128xi32, #tpu.memory_space<hbm>>
      %dma_start3A_48 = tpu.memref_squeeze %dma_start3A_47 : memref<1x48x128xi32, #tpu.memory_space<hbm>> -> memref<48x128xi32, #tpu.memory_space<hbm>>
      %dma_start3A_49 = arith.constant 0 : i32
      %dma_start3A_50 = arith.constant 0 : i32
      %dma_start3A_51 = tpu.memref_slice %arg3[%add3A, %dma_start3A_49, %dma_start3A_50] : memref<32x80x128xi32, #tpu.memory_space<hbm>> -> memref<1x48x128xi32, #tpu.memory_space<hbm>>
      %dma_start3A_52 = tpu.memref_squeeze %dma_start3A_51 : memref<1x48x128xi32, #tpu.memory_space<hbm>> -> memref<48x128xi32, #tpu.memory_space<hbm>>
      tpu.enqueue_dma source(%dma_start3A_52 : memref<48x128xi32, #tpu.memory_space<hbm>>) target(%arg7 : memref<48x128xi32, #tpu.memory_space<vmem>>) target_semaphore(%run_scoped3A_44 : memref<!tpu.dma_semaphore, #tpu.memory_space<semaphore_mem>>)
      %dma_wait3A_53 = arith.constant 0 : i32
      %dma_wait3A_54 = arith.constant 0 : i32
      %dma_wait3A_55 = tpu.memref_slice %arg3[%add3A, %dma_wait3A_53, %dma_wait3A_54] : memref<32x80x128xi32, #tpu.memory_space<hbm>> -> memref<1x48x128xi32, #tpu.memory_space<hbm>>
      %dma_wait3A_56 = tpu.memref_squeeze %dma_wait3A_55 : memref<1x48x128xi32, #tpu.memory_space<hbm>> -> memref<48x128xi32, #tpu.memory_space<hbm>>
      %dma_wait3A_57 = arith.constant 0 : i32
      %dma_wait3A_58 = arith.constant 0 : i32
      %dma_wait3A_59 = tpu.memref_slice %arg3[%add3A, %dma_wait3A_57, %dma_wait3A_58] : memref<32x80x128xi32, #tpu.memory_space<hbm>> -> memref<1x48x128xi32, #tpu.memory_space<hbm>>
      %dma_wait3A_60 = tpu.memref_squeeze %dma_wait3A_59 : memref<1x48x128xi32, #tpu.memory_space<hbm>> -> memref<48x128xi32, #tpu.memory_space<hbm>>
      tpu.wait_dma2 semaphore(%run_scoped3A_44 : memref<!tpu.dma_semaphore, #tpu.memory_space<semaphore_mem>>) src(%dma_wait3A_60 : memref<48x128xi32, #tpu.memory_space<hbm>>) dst(%arg7 : memref<48x128xi32, #tpu.memory_space<vmem>>)
      tpu.yield
    }) : () -> ()
    "tpu.region"() ({
      %run_scoped3A_44 = tpu.sem_alloc : memref<!tpu.dma_semaphore, #tpu.memory_space<semaphore_mem>>
      %dma_start3A_45 = arith.constant 0 : i32
      %dma_start3A_46 = arith.constant 0 : i32
      %dma_start3A_47 = tpu.memref_slice %arg4[%add3A, %dma_start3A_45, %dma_start3A_46] : memref<32x80x128xi32, #tpu.memory_space<hbm>> -> memref<1x48x128xi32, #tpu.memory_space<hbm>>
      %dma_start3A_48 = tpu.memref_squeeze %dma_start3A_47 : memref<1x48x128xi32, #tpu.memory_space<hbm>> -> memref<48x128xi32, #tpu.memory_space<hbm>>
      %dma_start3A_49 = arith.constant 0 : i32
      %dma_start3A_50 = arith.constant 0 : i32
      %dma_start3A_51 = tpu.memref_slice %arg4[%add3A, %dma_start3A_49, %dma_start3A_50] : memref<32x80x128xi32, #tpu.memory_space<hbm>> -> memref<1x48x128xi32, #tpu.memory_space<hbm>>
      %dma_start3A_52 = tpu.memref_squeeze %dma_start3A_51 : memref<1x48x128xi32, #tpu.memory_space<hbm>> -> memref<48x128xi32, #tpu.memory_space<hbm>>
      tpu.enqueue_dma source(%dma_start3A_52 : memref<48x128xi32, #tpu.memory_space<hbm>>) target(%arg8 : memref<48x128xi32, #tpu.memory_space<vmem>>) target_semaphore(%run_scoped3A_44 : memref<!tpu.dma_semaphore, #tpu.memory_space<semaphore_mem>>)
      %dma_wait3A_53 = arith.constant 0 : i32
      %dma_wait3A_54 = arith.constant 0 : i32
      %dma_wait3A_55 = tpu.memref_slice %arg4[%add3A, %dma_wait3A_53, %dma_wait3A_54] : memref<32x80x128xi32, #tpu.memory_space<hbm>> -> memref<1x48x128xi32, #tpu.memory_space<hbm>>
      %dma_wait3A_56 = tpu.memref_squeeze %dma_wait3A_55 : memref<1x48x128xi32, #tpu.memory_space<hbm>> -> memref<48x128xi32, #tpu.memory_space<hbm>>
      %dma_wait3A_57 = arith.constant 0 : i32
      %dma_wait3A_58 = arith.constant 0 : i32
      %dma_wait3A_59 = tpu.memref_slice %arg4[%add3A, %dma_wait3A_57, %dma_wait3A_58] : memref<32x80x128xi32, #tpu.memory_space<hbm>> -> memref<1x48x128xi32, #tpu.memory_space<hbm>>
      %dma_wait3A_60 = tpu.memref_squeeze %dma_wait3A_59 : memref<1x48x128xi32, #tpu.memory_space<hbm>> -> memref<48x128xi32, #tpu.memory_space<hbm>>
      tpu.wait_dma2 semaphore(%run_scoped3A_44 : memref<!tpu.dma_semaphore, #tpu.memory_space<semaphore_mem>>) src(%dma_wait3A_60 : memref<48x128xi32, #tpu.memory_space<hbm>>) dst(%arg8 : memref<48x128xi32, #tpu.memory_space<vmem>>)
      tpu.yield
    }) : () -> ()
    %barrier3A = arith.constant 0 : index
    tpu.barrier barrier_id(%barrier3A)
    %dma_start3A = arith.constant 0 : i32
    %dma_start3A_3 = arith.constant 0 : i32
    %dma_start3A_4 = tpu.memref_slice %arg7[%dma_start3A, %dma_start3A_3] : memref<48x128xi32, #tpu.memory_space<vmem>> -> memref<1x128xi32, #tpu.memory_space<vmem>>
    %dma_start3A_5 = tpu.memref_squeeze %dma_start3A_4 : memref<1x128xi32, #tpu.memory_space<vmem>> -> memref<128xi32, #tpu.memory_space<vmem>>
    %dma_start3A_6 = arith.constant 0 : i32
    %dma_start3A_7 = arith.constant 0 : i32
    %dma_start3A_8 = tpu.memref_slice %arg2[%dma_start3A_6, %dma_start3A_7] : memref<10240x128xf32, #tpu.memory_space<hbm>> -> memref<10240x128xf32, #tpu.memory_space<hbm>>
    tpu.enqueue_indirect_dma source(%dma_start3A_8 : memref<10240x128xf32, #tpu.memory_space<hbm>>) target(%arg9 : memref<128x128xf32, #tpu.memory_space<vmem>>) offsets(%dma_start3A_5 : memref<128xi32, #tpu.memory_space<vmem>>) semaphore(%arg12 : memref<!tpu.dma_semaphore, #tpu.memory_space<semaphore_mem>>)
    %dma_start3A_9 = arith.constant 1 : i32
    %dma_start3A_10 = arith.constant 0 : i32
    %dma_start3A_11 = tpu.memref_slice %arg7[%dma_start3A_9, %dma_start3A_10] : memref<48x128xi32, #tpu.memory_space<vmem>> -> memref<1x128xi32, #tpu.memory_space<vmem>>
    %dma_start3A_12 = tpu.memref_squeeze %dma_start3A_11 : memref<1x128xi32, #tpu.memory_space<vmem>> -> memref<128xi32, #tpu.memory_space<vmem>>
    %dma_start3A_13 = arith.constant 0 : i32
    %dma_start3A_14 = arith.constant 0 : i32
    %dma_start3A_15 = tpu.memref_slice %arg2[%dma_start3A_13, %dma_start3A_14] : memref<10240x128xf32, #tpu.memory_space<hbm>> -> memref<10240x128xf32, #tpu.memory_space<hbm>>
    tpu.enqueue_indirect_dma source(%dma_start3A_15 : memref<10240x128xf32, #tpu.memory_space<hbm>>) target(%arg10 : memref<128x128xf32, #tpu.memory_space<vmem>>) offsets(%dma_start3A_12 : memref<128xi32, #tpu.memory_space<vmem>>) semaphore(%arg13 : memref<!tpu.dma_semaphore, #tpu.memory_space<semaphore_mem>>)
    %scan3A = arith.constant 0 : i32
    %scan3A_16 = arith.constant 0 : i32
    %scan3A_17 = arith.constant 20 : i32
    %scan3A_18 = arith.addi %scan3A_16, %scan3A_17 : i32
    %scan3A_19 = arith.constant 1 : i32
    scf.for %scan3A_44 = %scan3A_16 to %scan3A_18 step %scan3A_19  : i32 {
      %mul3A_45 = arith.constant 2 : i32
      %mul3A_46 = arith.muli %scan3A_44, %mul3A_45 : i32
      %add3A_47 = arith.constant 0 : i32
      %add3A_48 = arith.addi %mul3A_46, %add3A_47 : i32
      %dma_wait3A_49 = arith.constant 0 : i32
      %dma_wait3A_50 = tpu.memref_slice %arg7[%add3A_48, %dma_wait3A_49] : memref<48x128xi32, #tpu.memory_space<vmem>> -> memref<1x128xi32, #tpu.memory_space<vmem>>
      %dma_wait3A_51 = tpu.memref_squeeze %dma_wait3A_50 : memref<1x128xi32, #tpu.memory_space<vmem>> -> memref<128xi32, #tpu.memory_space<vmem>>
      %dma_wait3A_52 = arith.constant 0 : i32
      %dma_wait3A_53 = arith.constant 0 : i32
      %dma_wait3A_54 = tpu.memref_slice %arg2[%dma_wait3A_52, %dma_wait3A_53] : memref<10240x128xf32, #tpu.memory_space<hbm>> -> memref<10240x128xf32, #tpu.memory_space<hbm>>
      tpu.wait_indirect_dma semaphore(%arg12 : memref<!tpu.dma_semaphore, #tpu.memory_space<semaphore_mem>>) src(%dma_wait3A_54 : memref<10240x128xf32, #tpu.memory_space<hbm>>) dst(%arg9 : memref<128x128xf32, #tpu.memory_space<vmem>>)
      "tpu.region"() ({
        %run_scoped3A_81 = tpu.sem_alloc : memref<!tpu.dma_semaphore, #tpu.memory_space<semaphore_mem>>
        %dma_start3A_82 = arith.constant 0 : i32
        %dma_start3A_83 = tpu.memref_slice %arg8[%add3A_48, %dma_start3A_82] : memref<48x128xi32, #tpu.memory_space<vmem>> -> memref<1x128xi32, #tpu.memory_space<vmem>>
        %dma_start3A_84 = tpu.memref_squeeze %dma_start3A_83 : memref<1x128xi32, #tpu.memory_space<vmem>> -> memref<128xi32, #tpu.memory_space<vmem>>
        %dma_start3A_85 = arith.constant 0 : i32
        %dma_start3A_86 = arith.constant 0 : i32
        %dma_start3A_87 = tpu.memref_slice %arg11[%dma_start3A_85, %dma_start3A_86] : memref<10240x128xf32, #tpu.memory_space<vmem_shared>> -> memref<10240x128xf32, #tpu.memory_space<vmem_shared>>
        tpu.enqueue_indirect_dma source(%arg9 : memref<128x128xf32, #tpu.memory_space<vmem>>) target(%dma_start3A_87 : memref<10240x128xf32, #tpu.memory_space<vmem_shared>>) offsets(%dma_start3A_84 : memref<128xi32, #tpu.memory_space<vmem>>) semaphore(%run_scoped3A_81 : memref<!tpu.dma_semaphore, #tpu.memory_space<semaphore_mem>>) {add = true}
        %dma_wait3A_88 = arith.constant 0 : i32
        %dma_wait3A_89 = tpu.memref_slice %arg8[%add3A_48, %dma_wait3A_88] : memref<48x128xi32, #tpu.memory_space<vmem>> -> memref<1x128xi32, #tpu.memory_space<vmem>>
        %dma_wait3A_90 = tpu.memref_squeeze %dma_wait3A_89 : memref<1x128xi32, #tpu.memory_space<vmem>> -> memref<128xi32, #tpu.memory_space<vmem>>
        %dma_wait3A_91 = arith.constant 0 : i32
        %dma_wait3A_92 = arith.constant 0 : i32
        %dma_wait3A_93 = tpu.memref_slice %arg11[%dma_wait3A_91, %dma_wait3A_92] : memref<10240x128xf32, #tpu.memory_space<vmem_shared>> -> memref<10240x128xf32, #tpu.memory_space<vmem_shared>>
        tpu.wait_indirect_dma semaphore(%run_scoped3A_81 : memref<!tpu.dma_semaphore, #tpu.memory_space<semaphore_mem>>) src(%arg9 : memref<128x128xf32, #tpu.memory_space<vmem>>) dst(%dma_wait3A_93 : memref<10240x128xf32, #tpu.memory_space<vmem_shared>>)
        tpu.yield
      }) : () -> ()
      %add3A_55 = arith.constant 2 : i32
      %add3A_56 = arith.addi %add3A_48, %add3A_55 : i32
      %dma_start3A_57 = arith.constant 0 : i32
      %dma_start3A_58 = tpu.memref_slice %arg7[%add3A_56, %dma_start3A_57] : memref<48x128xi32, #tpu.memory_space<vmem>> -> memref<1x128xi32, #tpu.memory_space<vmem>>
      %dma_start3A_59 = tpu.memref_squeeze %dma_start3A_58 : memref<1x128xi32, #tpu.memory_space<vmem>> -> memref<128xi32, #tpu.memory_space<vmem>>
      %dma_start3A_60 = arith.constant 0 : i32
      %dma_start3A_61 = arith.constant 0 : i32
      %dma_start3A_62 = tpu.memref_slice %arg2[%dma_start3A_60, %dma_start3A_61] : memref<10240x128xf32, #tpu.memory_space<hbm>> -> memref<10240x128xf32, #tpu.memory_space<hbm>>
      tpu.enqueue_indirect_dma source(%dma_start3A_62 : memref<10240x128xf32, #tpu.memory_space<hbm>>) target(%arg9 : memref<128x128xf32, #tpu.memory_space<vmem>>) offsets(%dma_start3A_59 : memref<128xi32, #tpu.memory_space<vmem>>) semaphore(%arg12 : memref<!tpu.dma_semaphore, #tpu.memory_space<semaphore_mem>>)
      %mul3A_63 = arith.constant 2 : i32
      %mul3A_64 = arith.muli %scan3A_44, %mul3A_63 : i32
      %add3A_65 = arith.constant 1 : i32
      %add3A_66 = arith.addi %mul3A_64, %add3A_65 : i32
      %dma_wait3A_67 = arith.constant 0 : i32
      %dma_wait3A_68 = tpu.memref_slice %arg7[%add3A_66, %dma_wait3A_67] : memref<48x128xi32, #tpu.memory_space<vmem>> -> memref<1x128xi32, #tpu.memory_space<vmem>>
      %dma_wait3A_69 = tpu.memref_squeeze %dma_wait3A_68 : memref<1x128xi32, #tpu.memory_space<vmem>> -> memref<128xi32, #tpu.memory_space<vmem>>
      %dma_wait3A_70 = arith.constant 0 : i32
      %dma_wait3A_71 = arith.constant 0 : i32
      %dma_wait3A_72 = tpu.memref_slice %arg2[%dma_wait3A_70, %dma_wait3A_71] : memref<10240x128xf32, #tpu.memory_space<hbm>> -> memref<10240x128xf32, #tpu.memory_space<hbm>>
      tpu.wait_indirect_dma semaphore(%arg13 : memref<!tpu.dma_semaphore, #tpu.memory_space<semaphore_mem>>) src(%dma_wait3A_72 : memref<10240x128xf32, #tpu.memory_space<hbm>>) dst(%arg10 : memref<128x128xf32, #tpu.memory_space<vmem>>)
      "tpu.region"() ({
        %run_scoped3A_81 = tpu.sem_alloc : memref<!tpu.dma_semaphore, #tpu.memory_space<semaphore_mem>>
        %dma_start3A_82 = arith.constant 0 : i32
        %dma_start3A_83 = tpu.memref_slice %arg8[%add3A_66, %dma_start3A_82] : memref<48x128xi32, #tpu.memory_space<vmem>> -> memref<1x128xi32, #tpu.memory_space<vmem>>
        %dma_start3A_84 = tpu.memref_squeeze %dma_start3A_83 : memref<1x128xi32, #tpu.memory_space<vmem>> -> memref<128xi32, #tpu.memory_space<vmem>>
        %dma_start3A_85 = arith.constant 0 : i32
        %dma_start3A_86 = arith.constant 0 : i32
        %dma_start3A_87 = tpu.memref_slice %arg11[%dma_start3A_85, %dma_start3A_86] : memref<10240x128xf32, #tpu.memory_space<vmem_shared>> -> memref<10240x128xf32, #tpu.memory_space<vmem_shared>>
        tpu.enqueue_indirect_dma source(%arg10 : memref<128x128xf32, #tpu.memory_space<vmem>>) target(%dma_start3A_87 : memref<10240x128xf32, #tpu.memory_space<vmem_shared>>) offsets(%dma_start3A_84 : memref<128xi32, #tpu.memory_space<vmem>>) semaphore(%run_scoped3A_81 : memref<!tpu.dma_semaphore, #tpu.memory_space<semaphore_mem>>) {add = true}
        %dma_wait3A_88 = arith.constant 0 : i32
        %dma_wait3A_89 = tpu.memref_slice %arg8[%add3A_66, %dma_wait3A_88] : memref<48x128xi32, #tpu.memory_space<vmem>> -> memref<1x128xi32, #tpu.memory_space<vmem>>
        %dma_wait3A_90 = tpu.memref_squeeze %dma_wait3A_89 : memref<1x128xi32, #tpu.memory_space<vmem>> -> memref<128xi32, #tpu.memory_space<vmem>>
        %dma_wait3A_91 = arith.constant 0 : i32
        %dma_wait3A_92 = arith.constant 0 : i32
        %dma_wait3A_93 = tpu.memref_slice %arg11[%dma_wait3A_91, %dma_wait3A_92] : memref<10240x128xf32, #tpu.memory_space<vmem_shared>> -> memref<10240x128xf32, #tpu.memory_space<vmem_shared>>
        tpu.wait_indirect_dma semaphore(%run_scoped3A_81 : memref<!tpu.dma_semaphore, #tpu.memory_space<semaphore_mem>>) src(%arg10 : memref<128x128xf32, #tpu.memory_space<vmem>>) dst(%dma_wait3A_93 : memref<10240x128xf32, #tpu.memory_space<vmem_shared>>)
        tpu.yield
      }) : () -> ()
      %add3A_73 = arith.constant 2 : i32
      %add3A_74 = arith.addi %add3A_66, %add3A_73 : i32
      %dma_start3A_75 = arith.constant 0 : i32
      %dma_start3A_76 = tpu.memref_slice %arg7[%add3A_74, %dma_start3A_75] : memref<48x128xi32, #tpu.memory_space<vmem>> -> memref<1x128xi32, #tpu.memory_space<vmem>>
      %dma_start3A_77 = tpu.memref_squeeze %dma_start3A_76 : memref<1x128xi32, #tpu.memory_space<vmem>> -> memref<128xi32, #tpu.memory_space<vmem>>
      %dma_start3A_78 = arith.constant 0 : i32
      %dma_start3A_79 = arith.constant 0 : i32
      %dma_start3A_80 = tpu.memref_slice %arg2[%dma_start3A_78, %dma_start3A_79] : memref<10240x128xf32, #tpu.memory_space<hbm>> -> memref<10240x128xf32, #tpu.memory_space<hbm>>
      tpu.enqueue_indirect_dma source(%dma_start3A_80 : memref<10240x128xf32, #tpu.memory_space<hbm>>) target(%arg10 : memref<128x128xf32, #tpu.memory_space<vmem>>) offsets(%dma_start3A_77 : memref<128xi32, #tpu.memory_space<vmem>>) semaphore(%arg13 : memref<!tpu.dma_semaphore, #tpu.memory_space<semaphore_mem>>)
    }
    %scan3A_20 = arith.constant 20 : i32
    "tpu.region"() ({
      %run_scoped3A_44 = tpu.sem_alloc : memref<!tpu.dma_semaphore, #tpu.memory_space<semaphore_mem>>
      %dma_start3A_45 = arith.constant 0 : i32
      %dma_start3A_46 = arith.constant 0 : i32
      %dma_start3A_47 = tpu.memref_slice %arg7[%dma_start3A_45, %dma_start3A_46] : memref<48x128xi32, #tpu.memory_space<vmem>> -> memref<40x128xi32, #tpu.memory_space<vmem>>
      %dma_start3A_48 = arith.constant 40 : i32
      %dma_start3A_49 = arith.constant 0 : i32
      %dma_start3A_50 = tpu.memref_slice %arg3[%add3A, %dma_start3A_48, %dma_start3A_49] : memref<32x80x128xi32, #tpu.memory_space<hbm>> -> memref<1x40x128xi32, #tpu.memory_space<hbm>>
      %dma_start3A_51 = tpu.memref_squeeze %dma_start3A_50 : memref<1x40x128xi32, #tpu.memory_space<hbm>> -> memref<40x128xi32, #tpu.memory_space<hbm>>
      %dma_start3A_52 = arith.constant 0 : i32
      %dma_start3A_53 = arith.constant 0 : i32
      %dma_start3A_54 = tpu.memref_slice %arg7[%dma_start3A_52, %dma_start3A_53] : memref<48x128xi32, #tpu.memory_space<vmem>> -> memref<40x128xi32, #tpu.memory_space<vmem>>
      %dma_start3A_55 = arith.constant 40 : i32
      %dma_start3A_56 = arith.constant 0 : i32
      %dma_start3A_57 = tpu.memref_slice %arg3[%add3A, %dma_start3A_55, %dma_start3A_56] : memref<32x80x128xi32, #tpu.memory_space<hbm>> -> memref<1x40x128xi32, #tpu.memory_space<hbm>>
      %dma_start3A_58 = tpu.memref_squeeze %dma_start3A_57 : memref<1x40x128xi32, #tpu.memory_space<hbm>> -> memref<40x128xi32, #tpu.memory_space<hbm>>
      tpu.enqueue_dma source(%dma_start3A_58 : memref<40x128xi32, #tpu.memory_space<hbm>>) target(%dma_start3A_54 : memref<40x128xi32, #tpu.memory_space<vmem>>) target_semaphore(%run_scoped3A_44 : memref<!tpu.dma_semaphore, #tpu.memory_space<semaphore_mem>>)
      %dma_wait3A_59 = arith.constant 0 : i32
      %dma_wait3A_60 = arith.constant 0 : i32
      %dma_wait3A_61 = tpu.memref_slice %arg7[%dma_wait3A_59, %dma_wait3A_60] : memref<48x128xi32, #tpu.memory_space<vmem>> -> memref<40x128xi32, #tpu.memory_space<vmem>>
      %dma_wait3A_62 = arith.constant 40 : i32
      %dma_wait3A_63 = arith.constant 0 : i32
      %dma_wait3A_64 = tpu.memref_slice %arg3[%add3A, %dma_wait3A_62, %dma_wait3A_63] : memref<32x80x128xi32, #tpu.memory_space<hbm>> -> memref<1x40x128xi32, #tpu.memory_space<hbm>>
      %dma_wait3A_65 = tpu.memref_squeeze %dma_wait3A_64 : memref<1x40x128xi32, #tpu.memory_space<hbm>> -> memref<40x128xi32, #tpu.memory_space<hbm>>
      %dma_wait3A_66 = arith.constant 0 : i32
      %dma_wait3A_67 = arith.constant 0 : i32
      %dma_wait3A_68 = tpu.memref_slice %arg7[%dma_wait3A_66, %dma_wait3A_67] : memref<48x128xi32, #tpu.memory_space<vmem>> -> memref<40x128xi32, #tpu.memory_space<vmem>>
      %dma_wait3A_69 = arith.constant 40 : i32
      %dma_wait3A_70 = arith.constant 0 : i32
      %dma_wait3A_71 = tpu.memref_slice %arg3[%add3A, %dma_wait3A_69, %dma_wait3A_70] : memref<32x80x128xi32, #tpu.memory_space<hbm>> -> memref<1x40x128xi32, #tpu.memory_space<hbm>>
      %dma_wait3A_72 = tpu.memref_squeeze %dma_wait3A_71 : memref<1x40x128xi32, #tpu.memory_space<hbm>> -> memref<40x128xi32, #tpu.memory_space<hbm>>
      tpu.wait_dma2 semaphore(%run_scoped3A_44 : memref<!tpu.dma_semaphore, #tpu.memory_space<semaphore_mem>>) src(%dma_wait3A_72 : memref<40x128xi32, #tpu.memory_space<hbm>>) dst(%dma_wait3A_68 : memref<40x128xi32, #tpu.memory_space<vmem>>)
      tpu.yield
    }) : () -> ()
    "tpu.region"() ({
      %run_scoped3A_44 = tpu.sem_alloc : memref<!tpu.dma_semaphore, #tpu.memory_space<semaphore_mem>>
      %dma_start3A_45 = arith.constant 0 : i32
      %dma_start3A_46 = arith.constant 0 : i32
      %dma_start3A_47 = tpu.memref_slice %arg8[%dma_start3A_45, %dma_start3A_46] : memref<48x128xi32, #tpu.memory_space<vmem>> -> memref<40x128xi32, #tpu.memory_space<vmem>>
      %dma_start3A_48 = arith.constant 40 : i32
      %dma_start3A_49 = arith.constant 0 : i32
      %dma_start3A_50 = tpu.memref_slice %arg4[%add3A, %dma_start3A_48, %dma_start3A_49] : memref<32x80x128xi32, #tpu.memory_space<hbm>> -> memref<1x40x128xi32, #tpu.memory_space<hbm>>
      %dma_start3A_51 = tpu.memref_squeeze %dma_start3A_50 : memref<1x40x128xi32, #tpu.memory_space<hbm>> -> memref<40x128xi32, #tpu.memory_space<hbm>>
      %dma_start3A_52 = arith.constant 0 : i32
      %dma_start3A_53 = arith.constant 0 : i32
      %dma_start3A_54 = tpu.memref_slice %arg8[%dma_start3A_52, %dma_start3A_53] : memref<48x128xi32, #tpu.memory_space<vmem>> -> memref<40x128xi32, #tpu.memory_space<vmem>>
      %dma_start3A_55 = arith.constant 40 : i32
      %dma_start3A_56 = arith.constant 0 : i32
      %dma_start3A_57 = tpu.memref_slice %arg4[%add3A, %dma_start3A_55, %dma_start3A_56] : memref<32x80x128xi32, #tpu.memory_space<hbm>> -> memref<1x40x128xi32, #tpu.memory_space<hbm>>
      %dma_start3A_58 = tpu.memref_squeeze %dma_start3A_57 : memref<1x40x128xi32, #tpu.memory_space<hbm>> -> memref<40x128xi32, #tpu.memory_space<hbm>>
      tpu.enqueue_dma source(%dma_start3A_58 : memref<40x128xi32, #tpu.memory_space<hbm>>) target(%dma_start3A_54 : memref<40x128xi32, #tpu.memory_space<vmem>>) target_semaphore(%run_scoped3A_44 : memref<!tpu.dma_semaphore, #tpu.memory_space<semaphore_mem>>)
      %dma_wait3A_59 = arith.constant 0 : i32
      %dma_wait3A_60 = arith.constant 0 : i32
      %dma_wait3A_61 = tpu.memref_slice %arg8[%dma_wait3A_59, %dma_wait3A_60] : memref<48x128xi32, #tpu.memory_space<vmem>> -> memref<40x128xi32, #tpu.memory_space<vmem>>
      %dma_wait3A_62 = arith.constant 40 : i32
      %dma_wait3A_63 = arith.constant 0 : i32
      %dma_wait3A_64 = tpu.memref_slice %arg4[%add3A, %dma_wait3A_62, %dma_wait3A_63] : memref<32x80x128xi32, #tpu.memory_space<hbm>> -> memref<1x40x128xi32, #tpu.memory_space<hbm>>
      %dma_wait3A_65 = tpu.memref_squeeze %dma_wait3A_64 : memref<1x40x128xi32, #tpu.memory_space<hbm>> -> memref<40x128xi32, #tpu.memory_space<hbm>>
      %dma_wait3A_66 = arith.constant 0 : i32
      %dma_wait3A_67 = arith.constant 0 : i32
      %dma_wait3A_68 = tpu.memref_slice %arg8[%dma_wait3A_66, %dma_wait3A_67] : memref<48x128xi32, #tpu.memory_space<vmem>> -> memref<40x128xi32, #tpu.memory_space<vmem>>
      %dma_wait3A_69 = arith.constant 40 : i32
      %dma_wait3A_70 = arith.constant 0 : i32
      %dma_wait3A_71 = tpu.memref_slice %arg4[%add3A, %dma_wait3A_69, %dma_wait3A_70] : memref<32x80x128xi32, #tpu.memory_space<hbm>> -> memref<1x40x128xi32, #tpu.memory_space<hbm>>
      %dma_wait3A_72 = tpu.memref_squeeze %dma_wait3A_71 : memref<1x40x128xi32, #tpu.memory_space<hbm>> -> memref<40x128xi32, #tpu.memory_space<hbm>>
      tpu.wait_dma2 semaphore(%run_scoped3A_44 : memref<!tpu.dma_semaphore, #tpu.memory_space<semaphore_mem>>) src(%dma_wait3A_72 : memref<40x128xi32, #tpu.memory_space<hbm>>) dst(%dma_wait3A_68 : memref<40x128xi32, #tpu.memory_space<vmem>>)
      tpu.yield
    }) : () -> ()
    %scan3A_21 = arith.constant 0 : i32
    %scan3A_22 = arith.constant 0 : i32
    %scan3A_23 = arith.constant 19 : i32
    %scan3A_24 = arith.addi %scan3A_22, %scan3A_23 : i32
    %scan3A_25 = arith.constant 1 : i32
    scf.for %scan3A_44 = %scan3A_22 to %scan3A_24 step %scan3A_25  : i32 {
      %mul3A_45 = arith.constant 2 : i32
      %mul3A_46 = arith.muli %scan3A_44, %mul3A_45 : i32
      %add3A_47 = arith.constant 0 : i32
      %add3A_48 = arith.addi %mul3A_46, %add3A_47 : i32
      %dma_wait3A_49 = arith.constant 0 : i32
      %dma_wait3A_50 = tpu.memref_slice %arg7[%add3A_48, %dma_wait3A_49] : memref<48x128xi32, #tpu.memory_space<vmem>> -> memref<1x128xi32, #tpu.memory_space<vmem>>
      %dma_wait3A_51 = tpu.memref_squeeze %dma_wait3A_50 : memref<1x128xi32, #tpu.memory_space<vmem>> -> memref<128xi32, #tpu.memory_space<vmem>>
      %dma_wait3A_52 = arith.constant 0 : i32
      %dma_wait3A_53 = arith.constant 0 : i32
      %dma_wait3A_54 = tpu.memref_slice %arg2[%dma_wait3A_52, %dma_wait3A_53] : memref<10240x128xf32, #tpu.memory_space<hbm>> -> memref<10240x128xf32, #tpu.memory_space<hbm>>
      tpu.wait_indirect_dma semaphore(%arg12 : memref<!tpu.dma_semaphore, #tpu.memory_space<semaphore_mem>>) src(%dma_wait3A_54 : memref<10240x128xf32, #tpu.memory_space<hbm>>) dst(%arg9 : memref<128x128xf32, #tpu.memory_space<vmem>>)
      "tpu.region"() ({
        %run_scoped3A_81 = tpu.sem_alloc : memref<!tpu.dma_semaphore, #tpu.memory_space<semaphore_mem>>
        %dma_start3A_82 = arith.constant 0 : i32
        %dma_start3A_83 = tpu.memref_slice %arg8[%add3A_48, %dma_start3A_82] : memref<48x128xi32, #tpu.memory_space<vmem>> -> memref<1x128xi32, #tpu.memory_space<vmem>>
        %dma_start3A_84 = tpu.memref_squeeze %dma_start3A_83 : memref<1x128xi32, #tpu.memory_space<vmem>> -> memref<128xi32, #tpu.memory_space<vmem>>
        %dma_start3A_85 = arith.constant 0 : i32
        %dma_start3A_86 = arith.constant 0 : i32
        %dma_start3A_87 = tpu.memref_slice %arg11[%dma_start3A_85, %dma_start3A_86] : memref<10240x128xf32, #tpu.memory_space<vmem_shared>> -> memref<10240x128xf32, #tpu.memory_space<vmem_shared>>
        tpu.enqueue_indirect_dma source(%arg9 : memref<128x128xf32, #tpu.memory_space<vmem>>) target(%dma_start3A_87 : memref<10240x128xf32, #tpu.memory_space<vmem_shared>>) offsets(%dma_start3A_84 : memref<128xi32, #tpu.memory_space<vmem>>) semaphore(%run_scoped3A_81 : memref<!tpu.dma_semaphore, #tpu.memory_space<semaphore_mem>>) {add = true}
        %dma_wait3A_88 = arith.constant 0 : i32
        %dma_wait3A_89 = tpu.memref_slice %arg8[%add3A_48, %dma_wait3A_88] : memref<48x128xi32, #tpu.memory_space<vmem>> -> memref<1x128xi32, #tpu.memory_space<vmem>>
        %dma_wait3A_90 = tpu.memref_squeeze %dma_wait3A_89 : memref<1x128xi32, #tpu.memory_space<vmem>> -> memref<128xi32, #tpu.memory_space<vmem>>
        %dma_wait3A_91 = arith.constant 0 : i32
        %dma_wait3A_92 = arith.constant 0 : i32
        %dma_wait3A_93 = tpu.memref_slice %arg11[%dma_wait3A_91, %dma_wait3A_92] : memref<10240x128xf32, #tpu.memory_space<vmem_shared>> -> memref<10240x128xf32, #tpu.memory_space<vmem_shared>>
        tpu.wait_indirect_dma semaphore(%run_scoped3A_81 : memref<!tpu.dma_semaphore, #tpu.memory_space<semaphore_mem>>) src(%arg9 : memref<128x128xf32, #tpu.memory_space<vmem>>) dst(%dma_wait3A_93 : memref<10240x128xf32, #tpu.memory_space<vmem_shared>>)
        tpu.yield
      }) : () -> ()
      %add3A_55 = arith.constant 2 : i32
      %add3A_56 = arith.addi %add3A_48, %add3A_55 : i32
      %dma_start3A_57 = arith.constant 0 : i32
      %dma_start3A_58 = tpu.memref_slice %arg7[%add3A_56, %dma_start3A_57] : memref<48x128xi32, #tpu.memory_space<vmem>> -> memref<1x128xi32, #tpu.memory_space<vmem>>
      %dma_start3A_59 = tpu.memref_squeeze %dma_start3A_58 : memref<1x128xi32, #tpu.memory_space<vmem>> -> memref<128xi32, #tpu.memory_space<vmem>>
      %dma_start3A_60 = arith.constant 0 : i32
      %dma_start3A_61 = arith.constant 0 : i32
      %dma_start3A_62 = tpu.memref_slice %arg2[%dma_start3A_60, %dma_start3A_61] : memref<10240x128xf32, #tpu.memory_space<hbm>> -> memref<10240x128xf32, #tpu.memory_space<hbm>>
      tpu.enqueue_indirect_dma source(%dma_start3A_62 : memref<10240x128xf32, #tpu.memory_space<hbm>>) target(%arg9 : memref<128x128xf32, #tpu.memory_space<vmem>>) offsets(%dma_start3A_59 : memref<128xi32, #tpu.memory_space<vmem>>) semaphore(%arg12 : memref<!tpu.dma_semaphore, #tpu.memory_space<semaphore_mem>>)
      %mul3A_63 = arith.constant 2 : i32
      %mul3A_64 = arith.muli %scan3A_44, %mul3A_63 : i32
      %add3A_65 = arith.constant 1 : i32
      %add3A_66 = arith.addi %mul3A_64, %add3A_65 : i32
      %dma_wait3A_67 = arith.constant 0 : i32
      %dma_wait3A_68 = tpu.memref_slice %arg7[%add3A_66, %dma_wait3A_67] : memref<48x128xi32, #tpu.memory_space<vmem>> -> memref<1x128xi32, #tpu.memory_space<vmem>>
      %dma_wait3A_69 = tpu.memref_squeeze %dma_wait3A_68 : memref<1x128xi32, #tpu.memory_space<vmem>> -> memref<128xi32, #tpu.memory_space<vmem>>
      %dma_wait3A_70 = arith.constant 0 : i32
      %dma_wait3A_71 = arith.constant 0 : i32
      %dma_wait3A_72 = tpu.memref_slice %arg2[%dma_wait3A_70, %dma_wait3A_71] : memref<10240x128xf32, #tpu.memory_space<hbm>> -> memref<10240x128xf32, #tpu.memory_space<hbm>>
      tpu.wait_indirect_dma semaphore(%arg13 : memref<!tpu.dma_semaphore, #tpu.memory_space<semaphore_mem>>) src(%dma_wait3A_72 : memref<10240x128xf32, #tpu.memory_space<hbm>>) dst(%arg10 : memref<128x128xf32, #tpu.memory_space<vmem>>)
      "tpu.region"() ({
        %run_scoped3A_81 = tpu.sem_alloc : memref<!tpu.dma_semaphore, #tpu.memory_space<semaphore_mem>>
        %dma_start3A_82 = arith.constant 0 : i32
        %dma_start3A_83 = tpu.memref_slice %arg8[%add3A_66, %dma_start3A_82] : memref<48x128xi32, #tpu.memory_space<vmem>> -> memref<1x128xi32, #tpu.memory_space<vmem>>
        %dma_start3A_84 = tpu.memref_squeeze %dma_start3A_83 : memref<1x128xi32, #tpu.memory_space<vmem>> -> memref<128xi32, #tpu.memory_space<vmem>>
        %dma_start3A_85 = arith.constant 0 : i32
        %dma_start3A_86 = arith.constant 0 : i32
        %dma_start3A_87 = tpu.memref_slice %arg11[%dma_start3A_85, %dma_start3A_86] : memref<10240x128xf32, #tpu.memory_space<vmem_shared>> -> memref<10240x128xf32, #tpu.memory_space<vmem_shared>>
        tpu.enqueue_indirect_dma source(%arg10 : memref<128x128xf32, #tpu.memory_space<vmem>>) target(%dma_start3A_87 : memref<10240x128xf32, #tpu.memory_space<vmem_shared>>) offsets(%dma_start3A_84 : memref<128xi32, #tpu.memory_space<vmem>>) semaphore(%run_scoped3A_81 : memref<!tpu.dma_semaphore, #tpu.memory_space<semaphore_mem>>) {add = true}
        %dma_wait3A_88 = arith.constant 0 : i32
        %dma_wait3A_89 = tpu.memref_slice %arg8[%add3A_66, %dma_wait3A_88] : memref<48x128xi32, #tpu.memory_space<vmem>> -> memref<1x128xi32, #tpu.memory_space<vmem>>
        %dma_wait3A_90 = tpu.memref_squeeze %dma_wait3A_89 : memref<1x128xi32, #tpu.memory_space<vmem>> -> memref<128xi32, #tpu.memory_space<vmem>>
        %dma_wait3A_91 = arith.constant 0 : i32
        %dma_wait3A_92 = arith.constant 0 : i32
        %dma_wait3A_93 = tpu.memref_slice %arg11[%dma_wait3A_91, %dma_wait3A_92] : memref<10240x128xf32, #tpu.memory_space<vmem_shared>> -> memref<10240x128xf32, #tpu.memory_space<vmem_shared>>
        tpu.wait_indirect_dma semaphore(%run_scoped3A_81 : memref<!tpu.dma_semaphore, #tpu.memory_space<semaphore_mem>>) src(%arg10 : memref<128x128xf32, #tpu.memory_space<vmem>>) dst(%dma_wait3A_93 : memref<10240x128xf32, #tpu.memory_space<vmem_shared>>)
        tpu.yield
      }) : () -> ()
      %add3A_73 = arith.constant 2 : i32
      %add3A_74 = arith.addi %add3A_66, %add3A_73 : i32
      %dma_start3A_75 = arith.constant 0 : i32
      %dma_start3A_76 = tpu.memref_slice %arg7[%add3A_74, %dma_start3A_75] : memref<48x128xi32, #tpu.memory_space<vmem>> -> memref<1x128xi32, #tpu.memory_space<vmem>>
      %dma_start3A_77 = tpu.memref_squeeze %dma_start3A_76 : memref<1x128xi32, #tpu.memory_space<vmem>> -> memref<128xi32, #tpu.memory_space<vmem>>
      %dma_start3A_78 = arith.constant 0 : i32
      %dma_start3A_79 = arith.constant 0 : i32
      %dma_start3A_80 = tpu.memref_slice %arg2[%dma_start3A_78, %dma_start3A_79] : memref<10240x128xf32, #tpu.memory_space<hbm>> -> memref<10240x128xf32, #tpu.memory_space<hbm>>
      tpu.enqueue_indirect_dma source(%dma_start3A_80 : memref<10240x128xf32, #tpu.memory_space<hbm>>) target(%arg10 : memref<128x128xf32, #tpu.memory_space<vmem>>) offsets(%dma_start3A_77 : memref<128xi32, #tpu.memory_space<vmem>>) semaphore(%arg13 : memref<!tpu.dma_semaphore, #tpu.memory_space<semaphore_mem>>)
    }
    %scan3A_26 = arith.constant 19 : i32
    %dma_wait3A = arith.constant 38 : i32
    %dma_wait3A_27 = arith.constant 0 : i32
    %dma_wait3A_28 = tpu.memref_slice %arg7[%dma_wait3A, %dma_wait3A_27] : memref<48x128xi32, #tpu.memory_space<vmem>> -> memref<1x128xi32, #tpu.memory_space<vmem>>
    %dma_wait3A_29 = tpu.memref_squeeze %dma_wait3A_28 : memref<1x128xi32, #tpu.memory_space<vmem>> -> memref<128xi32, #tpu.memory_space<vmem>>
    %dma_wait3A_30 = arith.constant 0 : i32
    %dma_wait3A_31 = arith.constant 0 : i32
    %dma_wait3A_32 = tpu.memref_slice %arg2[%dma_wait3A_30, %dma_wait3A_31] : memref<10240x128xf32, #tpu.memory_space<hbm>> -> memref<10240x128xf32, #tpu.memory_space<hbm>>
    tpu.wait_indirect_dma semaphore(%arg12 : memref<!tpu.dma_semaphore, #tpu.memory_space<semaphore_mem>>) src(%dma_wait3A_32 : memref<10240x128xf32, #tpu.memory_space<hbm>>) dst(%arg9 : memref<128x128xf32, #tpu.memory_space<vmem>>)
    %run_scoped3A = arith.constant 38 : i32
    "tpu.region"() ({
      %run_scoped3A_44 = tpu.sem_alloc : memref<!tpu.dma_semaphore, #tpu.memory_space<semaphore_mem>>
      %dma_start3A_45 = arith.constant 0 : i32
      %dma_start3A_46 = tpu.memref_slice %arg8[%run_scoped3A, %dma_start3A_45] : memref<48x128xi32, #tpu.memory_space<vmem>> -> memref<1x128xi32, #tpu.memory_space<vmem>>
      %dma_start3A_47 = tpu.memref_squeeze %dma_start3A_46 : memref<1x128xi32, #tpu.memory_space<vmem>> -> memref<128xi32, #tpu.memory_space<vmem>>
      %dma_start3A_48 = arith.constant 0 : i32
      %dma_start3A_49 = arith.constant 0 : i32
      %dma_start3A_50 = tpu.memref_slice %arg11[%dma_start3A_48, %dma_start3A_49] : memref<10240x128xf32, #tpu.memory_space<vmem_shared>> -> memref<10240x128xf32, #tpu.memory_space<vmem_shared>>
      tpu.enqueue_indirect_dma source(%arg9 : memref<128x128xf32, #tpu.memory_space<vmem>>) target(%dma_start3A_50 : memref<10240x128xf32, #tpu.memory_space<vmem_shared>>) offsets(%dma_start3A_47 : memref<128xi32, #tpu.memory_space<vmem>>) semaphore(%run_scoped3A_44 : memref<!tpu.dma_semaphore, #tpu.memory_space<semaphore_mem>>) {add = true}
      %dma_wait3A_51 = arith.constant 0 : i32
      %dma_wait3A_52 = tpu.memref_slice %arg8[%run_scoped3A, %dma_wait3A_51] : memref<48x128xi32, #tpu.memory_space<vmem>> -> memref<1x128xi32, #tpu.memory_space<vmem>>
      %dma_wait3A_53 = tpu.memref_squeeze %dma_wait3A_52 : memref<1x128xi32, #tpu.memory_space<vmem>> -> memref<128xi32, #tpu.memory_space<vmem>>
      %dma_wait3A_54 = arith.constant 0 : i32
      %dma_wait3A_55 = arith.constant 0 : i32
      %dma_wait3A_56 = tpu.memref_slice %arg11[%dma_wait3A_54, %dma_wait3A_55] : memref<10240x128xf32, #tpu.memory_space<vmem_shared>> -> memref<10240x128xf32, #tpu.memory_space<vmem_shared>>
      tpu.wait_indirect_dma semaphore(%run_scoped3A_44 : memref<!tpu.dma_semaphore, #tpu.memory_space<semaphore_mem>>) src(%arg9 : memref<128x128xf32, #tpu.memory_space<vmem>>) dst(%dma_wait3A_56 : memref<10240x128xf32, #tpu.memory_space<vmem_shared>>)
      tpu.yield
    }) : () -> ()
    %dma_wait3A_33 = arith.constant 39 : i32
    %dma_wait3A_34 = arith.constant 0 : i32
    %dma_wait3A_35 = tpu.memref_slice %arg7[%dma_wait3A_33, %dma_wait3A_34] : memref<48x128xi32, #tpu.memory_space<vmem>> -> memref<1x128xi32, #tpu.memory_space<vmem>>
    %dma_wait3A_36 = tpu.memref_squeeze %dma_wait3A_35 : memref<1x128xi32, #tpu.memory_space<vmem>> -> memref<128xi32, #tpu.memory_space<vmem>>
    %dma_wait3A_37 = arith.constant 0 : i32
    %dma_wait3A_38 = arith.constant 0 : i32
    %dma_wait3A_39 = tpu.memref_slice %arg2[%dma_wait3A_37, %dma_wait3A_38] : memref<10240x128xf32, #tpu.memory_space<hbm>> -> memref<10240x128xf32, #tpu.memory_space<hbm>>
    tpu.wait_indirect_dma semaphore(%arg13 : memref<!tpu.dma_semaphore, #tpu.memory_space<semaphore_mem>>) src(%dma_wait3A_39 : memref<10240x128xf32, #tpu.memory_space<hbm>>) dst(%arg10 : memref<128x128xf32, #tpu.memory_space<vmem>>)
    %run_scoped3A_40 = arith.constant 39 : i32
    "tpu.region"() ({
      %run_scoped3A_44 = tpu.sem_alloc : memref<!tpu.dma_semaphore, #tpu.memory_space<semaphore_mem>>
      %dma_start3A_45 = arith.constant 0 : i32
      %dma_start3A_46 = tpu.memref_slice %arg8[%run_scoped3A_40, %dma_start3A_45] : memref<48x128xi32, #tpu.memory_space<vmem>> -> memref<1x128xi32, #tpu.memory_space<vmem>>
      %dma_start3A_47 = tpu.memref_squeeze %dma_start3A_46 : memref<1x128xi32, #tpu.memory_space<vmem>> -> memref<128xi32, #tpu.memory_space<vmem>>
      %dma_start3A_48 = arith.constant 0 : i32
      %dma_start3A_49 = arith.constant 0 : i32
      %dma_start3A_50 = tpu.memref_slice %arg11[%dma_start3A_48, %dma_start3A_49] : memref<10240x128xf32, #tpu.memory_space<vmem_shared>> -> memref<10240x128xf32, #tpu.memory_space<vmem_shared>>
      tpu.enqueue_indirect_dma source(%arg10 : memref<128x128xf32, #tpu.memory_space<vmem>>) target(%dma_start3A_50 : memref<10240x128xf32, #tpu.memory_space<vmem_shared>>) offsets(%dma_start3A_47 : memref<128xi32, #tpu.memory_space<vmem>>) semaphore(%run_scoped3A_44 : memref<!tpu.dma_semaphore, #tpu.memory_space<semaphore_mem>>) {add = true}
      %dma_wait3A_51 = arith.constant 0 : i32
      %dma_wait3A_52 = tpu.memref_slice %arg8[%run_scoped3A_40, %dma_wait3A_51] : memref<48x128xi32, #tpu.memory_space<vmem>> -> memref<1x128xi32, #tpu.memory_space<vmem>>
      %dma_wait3A_53 = tpu.memref_squeeze %dma_wait3A_52 : memref<1x128xi32, #tpu.memory_space<vmem>> -> memref<128xi32, #tpu.memory_space<vmem>>
      %dma_wait3A_54 = arith.constant 0 : i32
      %dma_wait3A_55 = arith.constant 0 : i32
      %dma_wait3A_56 = tpu.memref_slice %arg11[%dma_wait3A_54, %dma_wait3A_55] : memref<10240x128xf32, #tpu.memory_space<vmem_shared>> -> memref<10240x128xf32, #tpu.memory_space<vmem_shared>>
      tpu.wait_indirect_dma semaphore(%run_scoped3A_44 : memref<!tpu.dma_semaphore, #tpu.memory_space<semaphore_mem>>) src(%arg10 : memref<128x128xf32, #tpu.memory_space<vmem>>) dst(%dma_wait3A_56 : memref<10240x128xf32, #tpu.memory_space<vmem_shared>>)
      tpu.yield
    }) : () -> ()
    %barrier3A_41 = arith.constant 0 : index
    tpu.barrier barrier_id(%barrier3A_41)
    %mul3A_42 = arith.constant 640 : i32
    %mul3A_43 = arith.muli %arg1, %mul3A_42 : i32
    "tpu.region"() ({
      %run_scoped3A_44 = tpu.sem_alloc : memref<!tpu.dma_semaphore, #tpu.memory_space<semaphore_mem>>
      %dma_start3A_45 = arith.constant 0 : i32
      %dma_start3A_46 = tpu.memref_slice %arg6[%arg0, %mul3A_43, %dma_start3A_45] : memref<2x10240x128xf32, #tpu.memory_space<hbm>> -> memref<1x640x128xf32, #tpu.memory_space<hbm>>
      %dma_start3A_47 = tpu.memref_squeeze %dma_start3A_46 : memref<1x640x128xf32, #tpu.memory_space<hbm>> -> memref<640x128xf32, #tpu.memory_space<hbm>>
      %dma_start3A_48 = arith.constant 0 : i32
      %dma_start3A_49 = tpu.memref_slice %arg11[%mul3A_43, %dma_start3A_48] : memref<10240x128xf32, #tpu.memory_space<vmem_shared>> -> memref<640x128xf32, #tpu.memory_space<vmem_shared>>
      tpu.enqueue_dma source(%dma_start3A_49 : memref<640x128xf32, #tpu.memory_space<vmem_shared>>) target(%dma_start3A_47 : memref<640x128xf32, #tpu.memory_space<hbm>>) target_semaphore(%run_scoped3A_44 : memref<!tpu.dma_semaphore, #tpu.memory_space<semaphore_mem>>)
      %dma_wait3A_50 = arith.constant 0 : i32
      %dma_wait3A_51 = tpu.memref_slice %arg6[%arg0, %mul3A_43, %dma_wait3A_50] : memref<2x10240x128xf32, #tpu.memory_space<hbm>> -> memref<1x640x128xf32, #tpu.memory_space<hbm>>
      %dma_wait3A_52 = tpu.memref_squeeze %dma_wait3A_51 : memref<1x640x128xf32, #tpu.memory_space<hbm>> -> memref<640x128xf32, #tpu.memory_space<hbm>>
      %dma_wait3A_53 = arith.constant 0 : i32
      %dma_wait3A_54 = tpu.memref_slice %arg11[%mul3A_43, %dma_wait3A_53] : memref<10240x128xf32, #tpu.memory_space<vmem_shared>> -> memref<640x128xf32, #tpu.memory_space<vmem_shared>>
      tpu.wait_dma2 semaphore(%run_scoped3A_44 : memref<!tpu.dma_semaphore, #tpu.memory_space<semaphore_mem>>) src(%dma_wait3A_54 : memref<640x128xf32, #tpu.memory_space<vmem_shared>>) dst(%dma_wait3A_52 : memref<640x128xf32, #tpu.memory_space<hbm>>)
      tpu.yield
    }) : () -> ()
    return
  }
}

#map = affine_map<(d0, d1) -> (0, 0)>
#map1 = affine_map<(d0, d1) -> (0, 0, 0)>
module attributes {stable_mosaic.version = 14 : i64} {
  func.func @_sc_gather_scatter(%arg0: i32, %arg1: i32, %arg2: memref<10240x128xf32, #tpu.memory_space<hbm>>, %arg3: memref<32x80x128xi32, #tpu.memory_space<hbm>>, %arg4: memref<32x80x128xi32, #tpu.memory_space<hbm>>, %arg5: memref<640x128xf32, #tpu.memory_space<hbm>>, %arg6: memref<2x10240x128xf32, #tpu.memory_space<hbm>>, %arg7: memref<48x128xi32, #tpu.memory_space<vmem>>, %arg8: memref<48x128xi32, #tpu.memory_space<vmem>>, %arg9: memref<128x128xf32, #tpu.memory_space<vmem>>, %arg10: memref<128x128xf32, #tpu.memory_space<vmem>>, %arg11: memref<10240x128xf32, #tpu.memory_space<vmem_shared>>, %arg12: memref<!tpu.dma_semaphore, #tpu.memory_space<semaphore_mem>>, %arg13: memref<!tpu.dma_semaphore, #tpu.memory_space<semaphore_mem>>) attributes {dimension_semantics = [#tpu.dimension_semantics<core_parallel>, #tpu.dimension_semantics<subcore_parallel>], iteration_bounds = array<i64: 2, 16>, scalar_prefetch = 0 : i64, scratch_operands = 7 : i64, tpu.core_type = #tpu.core_type<sc_vector_subcore>, window_params = [{transform_indices = #map}, {transform_indices = #map1}, {transform_indices = #map1}, {transform_indices = #map}, {transform_indices = #map1}]} {
    %mul3A = arith.constant 2 : i32
    %mul3A_0 = arith.muli %arg1, %mul3A : i32
    %add3A = arith.addi %mul3A_0, %arg0 : i32
    %mul3A_1 = arith.constant 640 : i32
    %mul3A_2 = arith.muli %arg1, %mul3A_1 : i32
    "tpu.region"() ({
      %run_scoped3A_44 = tpu.sem_alloc : memref<!tpu.dma_semaphore, #tpu.memory_space<semaphore_mem>>
      %dma_start3A_45 = arith.constant 0 : i32
      %dma_start3A_46 = tpu.memref_slice %arg11[%mul3A_2, %dma_start3A_45] : memref<10240x128xf32, #tpu.memory_space<vmem_shared>> -> memref<640x128xf32, #tpu.memory_space<vmem_shared>>
      tpu.enqueue_dma source(%arg5 : memref<640x128xf32, #tpu.memory_space<hbm>>) target(%dma_start3A_46 : memref<640x128xf32, #tpu.memory_space<vmem_shared>>) target_semaphore(%run_scoped3A_44 : memref<!tpu.dma_semaphore, #tpu.memory_space<semaphore_mem>>)
      %dma_wait3A_47 = arith.constant 0 : i32
      %dma_wait3A_48 = tpu.memref_slice %arg11[%mul3A_2, %dma_wait3A_47] : memref<10240x128xf32, #tpu.memory_space<vmem_shared>> -> memref<640x128xf32, #tpu.memory_space<vmem_shared>>
      tpu.wait_dma2 semaphore(%run_scoped3A_44 : memref<!tpu.dma_semaphore, #tpu.memory_space<semaphore_mem>>) src(%arg5 : memref<640x128xf32, #tpu.memory_space<hbm>>) dst(%dma_wait3A_48 : memref<640x128xf32, #tpu.memory_space<vmem_shared>>)
      tpu.yield
    }) : () -> ()
    "tpu.region"() ({
      %run_scoped3A_44 = tpu.sem_alloc : memref<!tpu.dma_semaphore, #tpu.memory_space<semaphore_mem>>
      %dma_start3A_45 = arith.constant 0 : i32
      %dma_start3A_46 = arith.constant 0 : i32
      %dma_start3A_47 = tpu.memref_slice %arg3[%add3A, %dma_start3A_45, %dma_start3A_46] : memref<32x80x128xi32, #tpu.memory_space<hbm>> -> memref<1x48x128xi32, #tpu.memory_space<hbm>>
      %dma_start3A_48 = tpu.memref_squeeze %dma_start3A_47 : memref<1x48x128xi32, #tpu.memory_space<hbm>> -> memref<48x128xi32, #tpu.memory_space<hbm>>
      %dma_start3A_49 = arith.constant 0 : i32
      %dma_start3A_50 = arith.constant 0 : i32
      %dma_start3A_51 = tpu.memref_slice %arg3[%add3A, %dma_start3A_49, %dma_start3A_50] : memref<32x80x128xi32, #tpu.memory_space<hbm>> -> memref<1x48x128xi32, #tpu.memory_space<hbm>>
      %dma_start3A_52 = tpu.memref_squeeze %dma_start3A_51 : memref<1x48x128xi32, #tpu.memory_space<hbm>> -> memref<48x128xi32, #tpu.memory_space<hbm>>
      tpu.enqueue_dma source(%dma_start3A_52 : memref<48x128xi32, #tpu.memory_space<hbm>>) target(%arg7 : memref<48x128xi32, #tpu.memory_space<vmem>>) target_semaphore(%run_scoped3A_44 : memref<!tpu.dma_semaphore, #tpu.memory_space<semaphore_mem>>)
      %dma_wait3A_53 = arith.constant 0 : i32
      %dma_wait3A_54 = arith.constant 0 : i32
      %dma_wait3A_55 = tpu.memref_slice %arg3[%add3A, %dma_wait3A_53, %dma_wait3A_54] : memref<32x80x128xi32, #tpu.memory_space<hbm>> -> memref<1x48x128xi32, #tpu.memory_space<hbm>>
      %dma_wait3A_56 = tpu.memref_squeeze %dma_wait3A_55 : memref<1x48x128xi32, #tpu.memory_space<hbm>> -> memref<48x128xi32, #tpu.memory_space<hbm>>
      %dma_wait3A_57 = arith.constant 0 : i32
      %dma_wait3A_58 = arith.constant 0 : i32
      %dma_wait3A_59 = tpu.memref_slice %arg3[%add3A, %dma_wait3A_57, %dma_wait3A_58] : memref<32x80x128xi32, #tpu.memory_space<hbm>> -> memref<1x48x128xi32, #tpu.memory_space<hbm>>
      %dma_wait3A_60 = tpu.memref_squeeze %dma_wait3A_59 : memref<1x48x128xi32, #tpu.memory_space<hbm>> -> memref<48x128xi32, #tpu.memory_space<hbm>>
      tpu.wait_dma2 semaphore(%run_scoped3A_44 : memref<!tpu.dma_semaphore, #tpu.memory_space<semaphore_mem>>) src(%dma_wait3A_60 : memref<48x128xi32, #tpu.memory_space<hbm>>) dst(%arg7 : memref<48x128xi32, #tpu.memory_space<vmem>>)
      tpu.yield
    }) : () -> ()
    "tpu.region"() ({
      %run_scoped3A_44 = tpu.sem_alloc : memref<!tpu.dma_semaphore, #tpu.memory_space<semaphore_mem>>
      %dma_start3A_45 = arith.constant 0 : i32
      %dma_start3A_46 = arith.constant 0 : i32
      %dma_start3A_47 = tpu.memref_slice %arg4[%add3A, %dma_start3A_45, %dma_start3A_46] : memref<32x80x128xi32, #tpu.memory_space<hbm>> -> memref<1x48x128xi32, #tpu.memory_space<hbm>>
      %dma_start3A_48 = tpu.memref_squeeze %dma_start3A_47 : memref<1x48x128xi32, #tpu.memory_space<hbm>> -> memref<48x128xi32, #tpu.memory_space<hbm>>
      %dma_start3A_49 = arith.constant 0 : i32
      %dma_start3A_50 = arith.constant 0 : i32
      %dma_start3A_51 = tpu.memref_slice %arg4[%add3A, %dma_start3A_49, %dma_start3A_50] : memref<32x80x128xi32, #tpu.memory_space<hbm>> -> memref<1x48x128xi32, #tpu.memory_space<hbm>>
      %dma_start3A_52 = tpu.memref_squeeze %dma_start3A_51 : memref<1x48x128xi32, #tpu.memory_space<hbm>> -> memref<48x128xi32, #tpu.memory_space<hbm>>
      tpu.enqueue_dma source(%dma_start3A_52 : memref<48x128xi32, #tpu.memory_space<hbm>>) target(%arg8 : memref<48x128xi32, #tpu.memory_space<vmem>>) target_semaphore(%run_scoped3A_44 : memref<!tpu.dma_semaphore, #tpu.memory_space<semaphore_mem>>)
      %dma_wait3A_53 = arith.constant 0 : i32
      %dma_wait3A_54 = arith.constant 0 : i32
      %dma_wait3A_55 = tpu.memref_slice %arg4[%add3A, %dma_wait3A_53, %dma_wait3A_54] : memref<32x80x128xi32, #tpu.memory_space<hbm>> -> memref<1x48x128xi32, #tpu.memory_space<hbm>>
      %dma_wait3A_56 = tpu.memref_squeeze %dma_wait3A_55 : memref<1x48x128xi32, #tpu.memory_space<hbm>> -> memref<48x128xi32, #tpu.memory_space<hbm>>
      %dma_wait3A_57 = arith.constant 0 : i32
      %dma_wait3A_58 = arith.constant 0 : i32
      %dma_wait3A_59 = tpu.memref_slice %arg4[%add3A, %dma_wait3A_57, %dma_wait3A_58] : memref<32x80x128xi32, #tpu.memory_space<hbm>> -> memref<1x48x128xi32, #tpu.memory_space<hbm>>
      %dma_wait3A_60 = tpu.memref_squeeze %dma_wait3A_59 : memref<1x48x128xi32, #tpu.memory_space<hbm>> -> memref<48x128xi32, #tpu.memory_space<hbm>>
      tpu.wait_dma2 semaphore(%run_scoped3A_44 : memref<!tpu.dma_semaphore, #tpu.memory_space<semaphore_mem>>) src(%dma_wait3A_60 : memref<48x128xi32, #tpu.memory_space<hbm>>) dst(%arg8 : memref<48x128xi32, #tpu.memory_space<vmem>>)
      tpu.yield
    }) : () -> ()
    %barrier3A = arith.constant 0 : index
    tpu.barrier barrier_id(%barrier3A)
    %dma_start3A = arith.constant 0 : i32
    %dma_start3A_3 = arith.constant 0 : i32
    %dma_start3A_4 = tpu.memref_slice %arg7[%dma_start3A, %dma_start3A_3] : memref<48x128xi32, #tpu.memory_space<vmem>> -> memref<1x128xi32, #tpu.memory_space<vmem>>
    %dma_start3A_5 = tpu.memref_squeeze %dma_start3A_4 : memref<1x128xi32, #tpu.memory_space<vmem>> -> memref<128xi32, #tpu.memory_space<vmem>>
    %dma_start3A_6 = arith.constant 0 : i32
    %dma_start3A_7 = arith.constant 0 : i32
    %dma_start3A_8 = tpu.memref_slice %arg2[%dma_start3A_6, %dma_start3A_7] : memref<10240x128xf32, #tpu.memory_space<hbm>> -> memref<10240x128xf32, #tpu.memory_space<hbm>>
    tpu.enqueue_indirect_dma source(%dma_start3A_8 : memref<10240x128xf32, #tpu.memory_space<hbm>>) target(%arg9 : memref<128x128xf32, #tpu.memory_space<vmem>>) offsets(%dma_start3A_5 : memref<128xi32, #tpu.memory_space<vmem>>) semaphore(%arg12 : memref<!tpu.dma_semaphore, #tpu.memory_space<semaphore_mem>>)
    %dma_start3A_9 = arith.constant 1 : i32
    %dma_start3A_10 = arith.constant 0 : i32
    %dma_start3A_11 = tpu.memref_slice %arg7[%dma_start3A_9, %dma_start3A_10] : memref<48x128xi32, #tpu.memory_space<vmem>> -> memref<1x128xi32, #tpu.memory_space<vmem>>
    %dma_start3A_12 = tpu.memref_squeeze %dma_start3A_11 : memref<1x128xi32, #tpu.memory_space<vmem>> -> memref<128xi32, #tpu.memory_space<vmem>>
    %dma_start3A_13 = arith.constant 0 : i32
    %dma_start3A_14 = arith.constant 0 : i32
    %dma_start3A_15 = tpu.memref_slice %arg2[%dma_start3A_13, %dma_start3A_14] : memref<10240x128xf32, #tpu.memory_space<hbm>> -> memref<10240x128xf32, #tpu.memory_space<hbm>>
    tpu.enqueue_indirect_dma source(%dma_start3A_15 : memref<10240x128xf32, #tpu.memory_space<hbm>>) target(%arg10 : memref<128x128xf32, #tpu.memory_space<vmem>>) offsets(%dma_start3A_12 : memref<128xi32, #tpu.memory_space<vmem>>) semaphore(%arg13 : memref<!tpu.dma_semaphore, #tpu.memory_space<semaphore_mem>>)
    %scan3A = arith.constant 0 : i32
    %scan3A_16 = arith.constant 0 : i32
    %scan3A_17 = arith.constant 20 : i32
    %scan3A_18 = arith.addi %scan3A_16, %scan3A_17 : i32
    %scan3A_19 = arith.constant 1 : i32
    scf.for %scan3A_44 = %scan3A_16 to %scan3A_18 step %scan3A_19  : i32 {
      %mul3A_45 = arith.constant 2 : i32
      %mul3A_46 = arith.muli %scan3A_44, %mul3A_45 : i32
      %add3A_47 = arith.constant 0 : i32
      %add3A_48 = arith.addi %mul3A_46, %add3A_47 : i32
      %dma_wait3A_49 = arith.constant 0 : i32
      %dma_wait3A_50 = tpu.memref_slice %arg7[%add3A_48, %dma_wait3A_49] : memref<48x128xi32, #tpu.memory_space<vmem>> -> memref<1x128xi32, #tpu.memory_space<vmem>>
      %dma_wait3A_51 = tpu.memref_squeeze %dma_wait3A_50 : memref<1x128xi32, #tpu.memory_space<vmem>> -> memref<128xi32, #tpu.memory_space<vmem>>
      %dma_wait3A_52 = arith.constant 0 : i32
      %dma_wait3A_53 = arith.constant 0 : i32
      %dma_wait3A_54 = tpu.memref_slice %arg2[%dma_wait3A_52, %dma_wait3A_53] : memref<10240x128xf32, #tpu.memory_space<hbm>> -> memref<10240x128xf32, #tpu.memory_space<hbm>>
      tpu.wait_indirect_dma semaphore(%arg12 : memref<!tpu.dma_semaphore, #tpu.memory_space<semaphore_mem>>) src(%dma_wait3A_54 : memref<10240x128xf32, #tpu.memory_space<hbm>>) dst(%arg9 : memref<128x128xf32, #tpu.memory_space<vmem>>)
      "tpu.region"() ({
        %run_scoped3A_81 = tpu.sem_alloc : memref<!tpu.dma_semaphore, #tpu.memory_space<semaphore_mem>>
        %dma_start3A_82 = arith.constant 0 : i32
        %dma_start3A_83 = tpu.memref_slice %arg8[%add3A_48, %dma_start3A_82] : memref<48x128xi32, #tpu.memory_space<vmem>> -> memref<1x128xi32, #tpu.memory_space<vmem>>
        %dma_start3A_84 = tpu.memref_squeeze %dma_start3A_83 : memref<1x128xi32, #tpu.memory_space<vmem>> -> memref<128xi32, #tpu.memory_space<vmem>>
        %dma_start3A_85 = arith.constant 0 : i32
        %dma_start3A_86 = arith.constant 0 : i32
        %dma_start3A_87 = tpu.memref_slice %arg11[%dma_start3A_85, %dma_start3A_86] : memref<10240x128xf32, #tpu.memory_space<vmem_shared>> -> memref<10240x128xf32, #tpu.memory_space<vmem_shared>>
        tpu.enqueue_indirect_dma source(%arg9 : memref<128x128xf32, #tpu.memory_space<vmem>>) target(%dma_start3A_87 : memref<10240x128xf32, #tpu.memory_space<vmem_shared>>) offsets(%dma_start3A_84 : memref<128xi32, #tpu.memory_space<vmem>>) semaphore(%run_scoped3A_81 : memref<!tpu.dma_semaphore, #tpu.memory_space<semaphore_mem>>) {add = true}
        %dma_wait3A_88 = arith.constant 0 : i32
        %dma_wait3A_89 = tpu.memref_slice %arg8[%add3A_48, %dma_wait3A_88] : memref<48x128xi32, #tpu.memory_space<vmem>> -> memref<1x128xi32, #tpu.memory_space<vmem>>
        %dma_wait3A_90 = tpu.memref_squeeze %dma_wait3A_89 : memref<1x128xi32, #tpu.memory_space<vmem>> -> memref<128xi32, #tpu.memory_space<vmem>>
        %dma_wait3A_91 = arith.constant 0 : i32
        %dma_wait3A_92 = arith.constant 0 : i32
        %dma_wait3A_93 = tpu.memref_slice %arg11[%dma_wait3A_91, %dma_wait3A_92] : memref<10240x128xf32, #tpu.memory_space<vmem_shared>> -> memref<10240x128xf32, #tpu.memory_space<vmem_shared>>
        tpu.wait_indirect_dma semaphore(%run_scoped3A_81 : memref<!tpu.dma_semaphore, #tpu.memory_space<semaphore_mem>>) src(%arg9 : memref<128x128xf32, #tpu.memory_space<vmem>>) dst(%dma_wait3A_93 : memref<10240x128xf32, #tpu.memory_space<vmem_shared>>)
        tpu.yield
      }) : () -> ()
      %add3A_55 = arith.constant 2 : i32
      %add3A_56 = arith.addi %add3A_48, %add3A_55 : i32
      %dma_start3A_57 = arith.constant 0 : i32
      %dma_start3A_58 = tpu.memref_slice %arg7[%add3A_56, %dma_start3A_57] : memref<48x128xi32, #tpu.memory_space<vmem>> -> memref<1x128xi32, #tpu.memory_space<vmem>>
      %dma_start3A_59 = tpu.memref_squeeze %dma_start3A_58 : memref<1x128xi32, #tpu.memory_space<vmem>> -> memref<128xi32, #tpu.memory_space<vmem>>
      %dma_start3A_60 = arith.constant 0 : i32
      %dma_start3A_61 = arith.constant 0 : i32
      %dma_start3A_62 = tpu.memref_slice %arg2[%dma_start3A_60, %dma_start3A_61] : memref<10240x128xf32, #tpu.memory_space<hbm>> -> memref<10240x128xf32, #tpu.memory_space<hbm>>
      tpu.enqueue_indirect_dma source(%dma_start3A_62 : memref<10240x128xf32, #tpu.memory_space<hbm>>) target(%arg9 : memref<128x128xf32, #tpu.memory_space<vmem>>) offsets(%dma_start3A_59 : memref<128xi32, #tpu.memory_space<vmem>>) semaphore(%arg12 : memref<!tpu.dma_semaphore, #tpu.memory_space<semaphore_mem>>)
      %mul3A_63 = arith.constant 2 : i32
      %mul3A_64 = arith.muli %scan3A_44, %mul3A_63 : i32
      %add3A_65 = arith.constant 1 : i32
      %add3A_66 = arith.addi %mul3A_64, %add3A_65 : i32
      %dma_wait3A_67 = arith.constant 0 : i32
      %dma_wait3A_68 = tpu.memref_slice %arg7[%add3A_66, %dma_wait3A_67] : memref<48x128xi32, #tpu.memory_space<vmem>> -> memref<1x128xi32, #tpu.memory_space<vmem>>
      %dma_wait3A_69 = tpu.memref_squeeze %dma_wait3A_68 : memref<1x128xi32, #tpu.memory_space<vmem>> -> memref<128xi32, #tpu.memory_space<vmem>>
      %dma_wait3A_70 = arith.constant 0 : i32
      %dma_wait3A_71 = arith.constant 0 : i32
      %dma_wait3A_72 = tpu.memref_slice %arg2[%dma_wait3A_70, %dma_wait3A_71] : memref<10240x128xf32, #tpu.memory_space<hbm>> -> memref<10240x128xf32, #tpu.memory_space<hbm>>
      tpu.wait_indirect_dma semaphore(%arg13 : memref<!tpu.dma_semaphore, #tpu.memory_space<semaphore_mem>>) src(%dma_wait3A_72 : memref<10240x128xf32, #tpu.memory_space<hbm>>) dst(%arg10 : memref<128x128xf32, #tpu.memory_space<vmem>>)
      "tpu.region"() ({
        %run_scoped3A_81 = tpu.sem_alloc : memref<!tpu.dma_semaphore, #tpu.memory_space<semaphore_mem>>
        %dma_start3A_82 = arith.constant 0 : i32
        %dma_start3A_83 = tpu.memref_slice %arg8[%add3A_66, %dma_start3A_82] : memref<48x128xi32, #tpu.memory_space<vmem>> -> memref<1x128xi32, #tpu.memory_space<vmem>>
        %dma_start3A_84 = tpu.memref_squeeze %dma_start3A_83 : memref<1x128xi32, #tpu.memory_space<vmem>> -> memref<128xi32, #tpu.memory_space<vmem>>
        %dma_start3A_85 = arith.constant 0 : i32
        %dma_start3A_86 = arith.constant 0 : i32
        %dma_start3A_87 = tpu.memref_slice %arg11[%dma_start3A_85, %dma_start3A_86] : memref<10240x128xf32, #tpu.memory_space<vmem_shared>> -> memref<10240x128xf32, #tpu.memory_space<vmem_shared>>
        tpu.enqueue_indirect_dma source(%arg10 : memref<128x128xf32, #tpu.memory_space<vmem>>) target(%dma_start3A_87 : memref<10240x128xf32, #tpu.memory_space<vmem_shared>>) offsets(%dma_start3A_84 : memref<128xi32, #tpu.memory_space<vmem>>) semaphore(%run_scoped3A_81 : memref<!tpu.dma_semaphore, #tpu.memory_space<semaphore_mem>>) {add = true}
        %dma_wait3A_88 = arith.constant 0 : i32
        %dma_wait3A_89 = tpu.memref_slice %arg8[%add3A_66, %dma_wait3A_88] : memref<48x128xi32, #tpu.memory_space<vmem>> -> memref<1x128xi32, #tpu.memory_space<vmem>>
        %dma_wait3A_90 = tpu.memref_squeeze %dma_wait3A_89 : memref<1x128xi32, #tpu.memory_space<vmem>> -> memref<128xi32, #tpu.memory_space<vmem>>
        %dma_wait3A_91 = arith.constant 0 : i32
        %dma_wait3A_92 = arith.constant 0 : i32
        %dma_wait3A_93 = tpu.memref_slice %arg11[%dma_wait3A_91, %dma_wait3A_92] : memref<10240x128xf32, #tpu.memory_space<vmem_shared>> -> memref<10240x128xf32, #tpu.memory_space<vmem_shared>>
        tpu.wait_indirect_dma semaphore(%run_scoped3A_81 : memref<!tpu.dma_semaphore, #tpu.memory_space<semaphore_mem>>) src(%arg10 : memref<128x128xf32, #tpu.memory_space<vmem>>) dst(%dma_wait3A_93 : memref<10240x128xf32, #tpu.memory_space<vmem_shared>>)
        tpu.yield
      }) : () -> ()
      %add3A_73 = arith.constant 2 : i32
      %add3A_74 = arith.addi %add3A_66, %add3A_73 : i32
      %dma_start3A_75 = arith.constant 0 : i32
      %dma_start3A_76 = tpu.memref_slice %arg7[%add3A_74, %dma_start3A_75] : memref<48x128xi32, #tpu.memory_space<vmem>> -> memref<1x128xi32, #tpu.memory_space<vmem>>
      %dma_start3A_77 = tpu.memref_squeeze %dma_start3A_76 : memref<1x128xi32, #tpu.memory_space<vmem>> -> memref<128xi32, #tpu.memory_space<vmem>>
      %dma_start3A_78 = arith.constant 0 : i32
      %dma_start3A_79 = arith.constant 0 : i32
      %dma_start3A_80 = tpu.memref_slice %arg2[%dma_start3A_78, %dma_start3A_79] : memref<10240x128xf32, #tpu.memory_space<hbm>> -> memref<10240x128xf32, #tpu.memory_space<hbm>>
      tpu.enqueue_indirect_dma source(%dma_start3A_80 : memref<10240x128xf32, #tpu.memory_space<hbm>>) target(%arg10 : memref<128x128xf32, #tpu.memory_space<vmem>>) offsets(%dma_start3A_77 : memref<128xi32, #tpu.memory_space<vmem>>) semaphore(%arg13 : memref<!tpu.dma_semaphore, #tpu.memory_space<semaphore_mem>>)
    }
    %scan3A_20 = arith.constant 20 : i32
    "tpu.region"() ({
      %run_scoped3A_44 = tpu.sem_alloc : memref<!tpu.dma_semaphore, #tpu.memory_space<semaphore_mem>>
      %dma_start3A_45 = arith.constant 0 : i32
      %dma_start3A_46 = arith.constant 0 : i32
      %dma_start3A_47 = tpu.memref_slice %arg7[%dma_start3A_45, %dma_start3A_46] : memref<48x128xi32, #tpu.memory_space<vmem>> -> memref<40x128xi32, #tpu.memory_space<vmem>>
      %dma_start3A_48 = arith.constant 40 : i32
      %dma_start3A_49 = arith.constant 0 : i32
      %dma_start3A_50 = tpu.memref_slice %arg3[%add3A, %dma_start3A_48, %dma_start3A_49] : memref<32x80x128xi32, #tpu.memory_space<hbm>> -> memref<1x40x128xi32, #tpu.memory_space<hbm>>
      %dma_start3A_51 = tpu.memref_squeeze %dma_start3A_50 : memref<1x40x128xi32, #tpu.memory_space<hbm>> -> memref<40x128xi32, #tpu.memory_space<hbm>>
      %dma_start3A_52 = arith.constant 0 : i32
      %dma_start3A_53 = arith.constant 0 : i32
      %dma_start3A_54 = tpu.memref_slice %arg7[%dma_start3A_52, %dma_start3A_53] : memref<48x128xi32, #tpu.memory_space<vmem>> -> memref<40x128xi32, #tpu.memory_space<vmem>>
      %dma_start3A_55 = arith.constant 40 : i32
      %dma_start3A_56 = arith.constant 0 : i32
      %dma_start3A_57 = tpu.memref_slice %arg3[%add3A, %dma_start3A_55, %dma_start3A_56] : memref<32x80x128xi32, #tpu.memory_space<hbm>> -> memref<1x40x128xi32, #tpu.memory_space<hbm>>
      %dma_start3A_58 = tpu.memref_squeeze %dma_start3A_57 : memref<1x40x128xi32, #tpu.memory_space<hbm>> -> memref<40x128xi32, #tpu.memory_space<hbm>>
      tpu.enqueue_dma source(%dma_start3A_58 : memref<40x128xi32, #tpu.memory_space<hbm>>) target(%dma_start3A_54 : memref<40x128xi32, #tpu.memory_space<vmem>>) target_semaphore(%run_scoped3A_44 : memref<!tpu.dma_semaphore, #tpu.memory_space<semaphore_mem>>)
      %dma_wait3A_59 = arith.constant 0 : i32
      %dma_wait3A_60 = arith.constant 0 : i32
      %dma_wait3A_61 = tpu.memref_slice %arg7[%dma_wait3A_59, %dma_wait3A_60] : memref<48x128xi32, #tpu.memory_space<vmem>> -> memref<40x128xi32, #tpu.memory_space<vmem>>
      %dma_wait3A_62 = arith.constant 40 : i32
      %dma_wait3A_63 = arith.constant 0 : i32
      %dma_wait3A_64 = tpu.memref_slice %arg3[%add3A, %dma_wait3A_62, %dma_wait3A_63] : memref<32x80x128xi32, #tpu.memory_space<hbm>> -> memref<1x40x128xi32, #tpu.memory_space<hbm>>
      %dma_wait3A_65 = tpu.memref_squeeze %dma_wait3A_64 : memref<1x40x128xi32, #tpu.memory_space<hbm>> -> memref<40x128xi32, #tpu.memory_space<hbm>>
      %dma_wait3A_66 = arith.constant 0 : i32
      %dma_wait3A_67 = arith.constant 0 : i32
      %dma_wait3A_68 = tpu.memref_slice %arg7[%dma_wait3A_66, %dma_wait3A_67] : memref<48x128xi32, #tpu.memory_space<vmem>> -> memref<40x128xi32, #tpu.memory_space<vmem>>
      %dma_wait3A_69 = arith.constant 40 : i32
      %dma_wait3A_70 = arith.constant 0 : i32
      %dma_wait3A_71 = tpu.memref_slice %arg3[%add3A, %dma_wait3A_69, %dma_wait3A_70] : memref<32x80x128xi32, #tpu.memory_space<hbm>> -> memref<1x40x128xi32, #tpu.memory_space<hbm>>
      %dma_wait3A_72 = tpu.memref_squeeze %dma_wait3A_71 : memref<1x40x128xi32, #tpu.memory_space<hbm>> -> memref<40x128xi32, #tpu.memory_space<hbm>>
      tpu.wait_dma2 semaphore(%run_scoped3A_44 : memref<!tpu.dma_semaphore, #tpu.memory_space<semaphore_mem>>) src(%dma_wait3A_72 : memref<40x128xi32, #tpu.memory_space<hbm>>) dst(%dma_wait3A_68 : memref<40x128xi32, #tpu.memory_space<vmem>>)
      tpu.yield
    }) : () -> ()
    "tpu.region"() ({
      %run_scoped3A_44 = tpu.sem_alloc : memref<!tpu.dma_semaphore, #tpu.memory_space<semaphore_mem>>
      %dma_start3A_45 = arith.constant 0 : i32
      %dma_start3A_46 = arith.constant 0 : i32
      %dma_start3A_47 = tpu.memref_slice %arg8[%dma_start3A_45, %dma_start3A_46] : memref<48x128xi32, #tpu.memory_space<vmem>> -> memref<40x128xi32, #tpu.memory_space<vmem>>
      %dma_start3A_48 = arith.constant 40 : i32
      %dma_start3A_49 = arith.constant 0 : i32
      %dma_start3A_50 = tpu.memref_slice %arg4[%add3A, %dma_start3A_48, %dma_start3A_49] : memref<32x80x128xi32, #tpu.memory_space<hbm>> -> memref<1x40x128xi32, #tpu.memory_space<hbm>>
      %dma_start3A_51 = tpu.memref_squeeze %dma_start3A_50 : memref<1x40x128xi32, #tpu.memory_space<hbm>> -> memref<40x128xi32, #tpu.memory_space<hbm>>
      %dma_start3A_52 = arith.constant 0 : i32
      %dma_start3A_53 = arith.constant 0 : i32
      %dma_start3A_54 = tpu.memref_slice %arg8[%dma_start3A_52, %dma_start3A_53] : memref<48x128xi32, #tpu.memory_space<vmem>> -> memref<40x128xi32, #tpu.memory_space<vmem>>
      %dma_start3A_55 = arith.constant 40 : i32
      %dma_start3A_56 = arith.constant 0 : i32
      %dma_start3A_57 = tpu.memref_slice %arg4[%add3A, %dma_start3A_55, %dma_start3A_56] : memref<32x80x128xi32, #tpu.memory_space<hbm>> -> memref<1x40x128xi32, #tpu.memory_space<hbm>>
      %dma_start3A_58 = tpu.memref_squeeze %dma_start3A_57 : memref<1x40x128xi32, #tpu.memory_space<hbm>> -> memref<40x128xi32, #tpu.memory_space<hbm>>
      tpu.enqueue_dma source(%dma_start3A_58 : memref<40x128xi32, #tpu.memory_space<hbm>>) target(%dma_start3A_54 : memref<40x128xi32, #tpu.memory_space<vmem>>) target_semaphore(%run_scoped3A_44 : memref<!tpu.dma_semaphore, #tpu.memory_space<semaphore_mem>>)
      %dma_wait3A_59 = arith.constant 0 : i32
      %dma_wait3A_60 = arith.constant 0 : i32
      %dma_wait3A_61 = tpu.memref_slice %arg8[%dma_wait3A_59, %dma_wait3A_60] : memref<48x128xi32, #tpu.memory_space<vmem>> -> memref<40x128xi32, #tpu.memory_space<vmem>>
      %dma_wait3A_62 = arith.constant 40 : i32
      %dma_wait3A_63 = arith.constant 0 : i32
      %dma_wait3A_64 = tpu.memref_slice %arg4[%add3A, %dma_wait3A_62, %dma_wait3A_63] : memref<32x80x128xi32, #tpu.memory_space<hbm>> -> memref<1x40x128xi32, #tpu.memory_space<hbm>>
      %dma_wait3A_65 = tpu.memref_squeeze %dma_wait3A_64 : memref<1x40x128xi32, #tpu.memory_space<hbm>> -> memref<40x128xi32, #tpu.memory_space<hbm>>
      %dma_wait3A_66 = arith.constant 0 : i32
      %dma_wait3A_67 = arith.constant 0 : i32
      %dma_wait3A_68 = tpu.memref_slice %arg8[%dma_wait3A_66, %dma_wait3A_67] : memref<48x128xi32, #tpu.memory_space<vmem>> -> memref<40x128xi32, #tpu.memory_space<vmem>>
      %dma_wait3A_69 = arith.constant 40 : i32
      %dma_wait3A_70 = arith.constant 0 : i32
      %dma_wait3A_71 = tpu.memref_slice %arg4[%add3A, %dma_wait3A_69, %dma_wait3A_70] : memref<32x80x128xi32, #tpu.memory_space<hbm>> -> memref<1x40x128xi32, #tpu.memory_space<hbm>>
      %dma_wait3A_72 = tpu.memref_squeeze %dma_wait3A_71 : memref<1x40x128xi32, #tpu.memory_space<hbm>> -> memref<40x128xi32, #tpu.memory_space<hbm>>
      tpu.wait_dma2 semaphore(%run_scoped3A_44 : memref<!tpu.dma_semaphore, #tpu.memory_space<semaphore_mem>>) src(%dma_wait3A_72 : memref<40x128xi32, #tpu.memory_space<hbm>>) dst(%dma_wait3A_68 : memref<40x128xi32, #tpu.memory_space<vmem>>)
      tpu.yield
    }) : () -> ()
    %scan3A_21 = arith.constant 0 : i32
    %scan3A_22 = arith.constant 0 : i32
    %scan3A_23 = arith.constant 19 : i32
    %scan3A_24 = arith.addi %scan3A_22, %scan3A_23 : i32
    %scan3A_25 = arith.constant 1 : i32
    scf.for %scan3A_44 = %scan3A_22 to %scan3A_24 step %scan3A_25  : i32 {
      %mul3A_45 = arith.constant 2 : i32
      %mul3A_46 = arith.muli %scan3A_44, %mul3A_45 : i32
      %add3A_47 = arith.constant 0 : i32
      %add3A_48 = arith.addi %mul3A_46, %add3A_47 : i32
      %dma_wait3A_49 = arith.constant 0 : i32
      %dma_wait3A_50 = tpu.memref_slice %arg7[%add3A_48, %dma_wait3A_49] : memref<48x128xi32, #tpu.memory_space<vmem>> -> memref<1x128xi32, #tpu.memory_space<vmem>>
      %dma_wait3A_51 = tpu.memref_squeeze %dma_wait3A_50 : memref<1x128xi32, #tpu.memory_space<vmem>> -> memref<128xi32, #tpu.memory_space<vmem>>
      %dma_wait3A_52 = arith.constant 0 : i32
      %dma_wait3A_53 = arith.constant 0 : i32
      %dma_wait3A_54 = tpu.memref_slice %arg2[%dma_wait3A_52, %dma_wait3A_53] : memref<10240x128xf32, #tpu.memory_space<hbm>> -> memref<10240x128xf32, #tpu.memory_space<hbm>>
      tpu.wait_indirect_dma semaphore(%arg12 : memref<!tpu.dma_semaphore, #tpu.memory_space<semaphore_mem>>) src(%dma_wait3A_54 : memref<10240x128xf32, #tpu.memory_space<hbm>>) dst(%arg9 : memref<128x128xf32, #tpu.memory_space<vmem>>)
      "tpu.region"() ({
        %run_scoped3A_81 = tpu.sem_alloc : memref<!tpu.dma_semaphore, #tpu.memory_space<semaphore_mem>>
        %dma_start3A_82 = arith.constant 0 : i32
        %dma_start3A_83 = tpu.memref_slice %arg8[%add3A_48, %dma_start3A_82] : memref<48x128xi32, #tpu.memory_space<vmem>> -> memref<1x128xi32, #tpu.memory_space<vmem>>
        %dma_start3A_84 = tpu.memref_squeeze %dma_start3A_83 : memref<1x128xi32, #tpu.memory_space<vmem>> -> memref<128xi32, #tpu.memory_space<vmem>>
        %dma_start3A_85 = arith.constant 0 : i32
        %dma_start3A_86 = arith.constant 0 : i32
        %dma_start3A_87 = tpu.memref_slice %arg11[%dma_start3A_85, %dma_start3A_86] : memref<10240x128xf32, #tpu.memory_space<vmem_shared>> -> memref<10240x128xf32, #tpu.memory_space<vmem_shared>>
        tpu.enqueue_indirect_dma source(%arg9 : memref<128x128xf32, #tpu.memory_space<vmem>>) target(%dma_start3A_87 : memref<10240x128xf32, #tpu.memory_space<vmem_shared>>) offsets(%dma_start3A_84 : memref<128xi32, #tpu.memory_space<vmem>>) semaphore(%run_scoped3A_81 : memref<!tpu.dma_semaphore, #tpu.memory_space<semaphore_mem>>) {add = true}
        %dma_wait3A_88 = arith.constant 0 : i32
        %dma_wait3A_89 = tpu.memref_slice %arg8[%add3A_48, %dma_wait3A_88] : memref<48x128xi32, #tpu.memory_space<vmem>> -> memref<1x128xi32, #tpu.memory_space<vmem>>
        %dma_wait3A_90 = tpu.memref_squeeze %dma_wait3A_89 : memref<1x128xi32, #tpu.memory_space<vmem>> -> memref<128xi32, #tpu.memory_space<vmem>>
        %dma_wait3A_91 = arith.constant 0 : i32
        %dma_wait3A_92 = arith.constant 0 : i32
        %dma_wait3A_93 = tpu.memref_slice %arg11[%dma_wait3A_91, %dma_wait3A_92] : memref<10240x128xf32, #tpu.memory_space<vmem_shared>> -> memref<10240x128xf32, #tpu.memory_space<vmem_shared>>
        tpu.wait_indirect_dma semaphore(%run_scoped3A_81 : memref<!tpu.dma_semaphore, #tpu.memory_space<semaphore_mem>>) src(%arg9 : memref<128x128xf32, #tpu.memory_space<vmem>>) dst(%dma_wait3A_93 : memref<10240x128xf32, #tpu.memory_space<vmem_shared>>)
        tpu.yield
      }) : () -> ()
      %add3A_55 = arith.constant 2 : i32
      %add3A_56 = arith.addi %add3A_48, %add3A_55 : i32
      %dma_start3A_57 = arith.constant 0 : i32
      %dma_start3A_58 = tpu.memref_slice %arg7[%add3A_56, %dma_start3A_57] : memref<48x128xi32, #tpu.memory_space<vmem>> -> memref<1x128xi32, #tpu.memory_space<vmem>>
      %dma_start3A_59 = tpu.memref_squeeze %dma_start3A_58 : memref<1x128xi32, #tpu.memory_space<vmem>> -> memref<128xi32, #tpu.memory_space<vmem>>
      %dma_start3A_60 = arith.constant 0 : i32
      %dma_start3A_61 = arith.constant 0 : i32
      %dma_start3A_62 = tpu.memref_slice %arg2[%dma_start3A_60, %dma_start3A_61] : memref<10240x128xf32, #tpu.memory_space<hbm>> -> memref<10240x128xf32, #tpu.memory_space<hbm>>
      tpu.enqueue_indirect_dma source(%dma_start3A_62 : memref<10240x128xf32, #tpu.memory_space<hbm>>) target(%arg9 : memref<128x128xf32, #tpu.memory_space<vmem>>) offsets(%dma_start3A_59 : memref<128xi32, #tpu.memory_space<vmem>>) semaphore(%arg12 : memref<!tpu.dma_semaphore, #tpu.memory_space<semaphore_mem>>)
      %mul3A_63 = arith.constant 2 : i32
      %mul3A_64 = arith.muli %scan3A_44, %mul3A_63 : i32
      %add3A_65 = arith.constant 1 : i32
      %add3A_66 = arith.addi %mul3A_64, %add3A_65 : i32
      %dma_wait3A_67 = arith.constant 0 : i32
      %dma_wait3A_68 = tpu.memref_slice %arg7[%add3A_66, %dma_wait3A_67] : memref<48x128xi32, #tpu.memory_space<vmem>> -> memref<1x128xi32, #tpu.memory_space<vmem>>
      %dma_wait3A_69 = tpu.memref_squeeze %dma_wait3A_68 : memref<1x128xi32, #tpu.memory_space<vmem>> -> memref<128xi32, #tpu.memory_space<vmem>>
      %dma_wait3A_70 = arith.constant 0 : i32
      %dma_wait3A_71 = arith.constant 0 : i32
      %dma_wait3A_72 = tpu.memref_slice %arg2[%dma_wait3A_70, %dma_wait3A_71] : memref<10240x128xf32, #tpu.memory_space<hbm>> -> memref<10240x128xf32, #tpu.memory_space<hbm>>
      tpu.wait_indirect_dma semaphore(%arg13 : memref<!tpu.dma_semaphore, #tpu.memory_space<semaphore_mem>>) src(%dma_wait3A_72 : memref<10240x128xf32, #tpu.memory_space<hbm>>) dst(%arg10 : memref<128x128xf32, #tpu.memory_space<vmem>>)
      "tpu.region"() ({
        %run_scoped3A_81 = tpu.sem_alloc : memref<!tpu.dma_semaphore, #tpu.memory_space<semaphore_mem>>
        %dma_start3A_82 = arith.constant 0 : i32
        %dma_start3A_83 = tpu.memref_slice %arg8[%add3A_66, %dma_start3A_82] : memref<48x128xi32, #tpu.memory_space<vmem>> -> memref<1x128xi32, #tpu.memory_space<vmem>>
        %dma_start3A_84 = tpu.memref_squeeze %dma_start3A_83 : memref<1x128xi32, #tpu.memory_space<vmem>> -> memref<128xi32, #tpu.memory_space<vmem>>
        %dma_start3A_85 = arith.constant 0 : i32
        %dma_start3A_86 = arith.constant 0 : i32
        %dma_start3A_87 = tpu.memref_slice %arg11[%dma_start3A_85, %dma_start3A_86] : memref<10240x128xf32, #tpu.memory_space<vmem_shared>> -> memref<10240x128xf32, #tpu.memory_space<vmem_shared>>
        tpu.enqueue_indirect_dma source(%arg10 : memref<128x128xf32, #tpu.memory_space<vmem>>) target(%dma_start3A_87 : memref<10240x128xf32, #tpu.memory_space<vmem_shared>>) offsets(%dma_start3A_84 : memref<128xi32, #tpu.memory_space<vmem>>) semaphore(%run_scoped3A_81 : memref<!tpu.dma_semaphore, #tpu.memory_space<semaphore_mem>>) {add = true}
        %dma_wait3A_88 = arith.constant 0 : i32
        %dma_wait3A_89 = tpu.memref_slice %arg8[%add3A_66, %dma_wait3A_88] : memref<48x128xi32, #tpu.memory_space<vmem>> -> memref<1x128xi32, #tpu.memory_space<vmem>>
        %dma_wait3A_90 = tpu.memref_squeeze %dma_wait3A_89 : memref<1x128xi32, #tpu.memory_space<vmem>> -> memref<128xi32, #tpu.memory_space<vmem>>
        %dma_wait3A_91 = arith.constant 0 : i32
        %dma_wait3A_92 = arith.constant 0 : i32
        %dma_wait3A_93 = tpu.memref_slice %arg11[%dma_wait3A_91, %dma_wait3A_92] : memref<10240x128xf32, #tpu.memory_space<vmem_shared>> -> memref<10240x128xf32, #tpu.memory_space<vmem_shared>>
        tpu.wait_indirect_dma semaphore(%run_scoped3A_81 : memref<!tpu.dma_semaphore, #tpu.memory_space<semaphore_mem>>) src(%arg10 : memref<128x128xf32, #tpu.memory_space<vmem>>) dst(%dma_wait3A_93 : memref<10240x128xf32, #tpu.memory_space<vmem_shared>>)
        tpu.yield
      }) : () -> ()
      %add3A_73 = arith.constant 2 : i32
      %add3A_74 = arith.addi %add3A_66, %add3A_73 : i32
      %dma_start3A_75 = arith.constant 0 : i32
      %dma_start3A_76 = tpu.memref_slice %arg7[%add3A_74, %dma_start3A_75] : memref<48x128xi32, #tpu.memory_space<vmem>> -> memref<1x128xi32, #tpu.memory_space<vmem>>
      %dma_start3A_77 = tpu.memref_squeeze %dma_start3A_76 : memref<1x128xi32, #tpu.memory_space<vmem>> -> memref<128xi32, #tpu.memory_space<vmem>>
      %dma_start3A_78 = arith.constant 0 : i32
      %dma_start3A_79 = arith.constant 0 : i32
      %dma_start3A_80 = tpu.memref_slice %arg2[%dma_start3A_78, %dma_start3A_79] : memref<10240x128xf32, #tpu.memory_space<hbm>> -> memref<10240x128xf32, #tpu.memory_space<hbm>>
      tpu.enqueue_indirect_dma source(%dma_start3A_80 : memref<10240x128xf32, #tpu.memory_space<hbm>>) target(%arg10 : memref<128x128xf32, #tpu.memory_space<vmem>>) offsets(%dma_start3A_77 : memref<128xi32, #tpu.memory_space<vmem>>) semaphore(%arg13 : memref<!tpu.dma_semaphore, #tpu.memory_space<semaphore_mem>>)
    }
    %scan3A_26 = arith.constant 19 : i32
    %dma_wait3A = arith.constant 38 : i32
    %dma_wait3A_27 = arith.constant 0 : i32
    %dma_wait3A_28 = tpu.memref_slice %arg7[%dma_wait3A, %dma_wait3A_27] : memref<48x128xi32, #tpu.memory_space<vmem>> -> memref<1x128xi32, #tpu.memory_space<vmem>>
    %dma_wait3A_29 = tpu.memref_squeeze %dma_wait3A_28 : memref<1x128xi32, #tpu.memory_space<vmem>> -> memref<128xi32, #tpu.memory_space<vmem>>
    %dma_wait3A_30 = arith.constant 0 : i32
    %dma_wait3A_31 = arith.constant 0 : i32
    %dma_wait3A_32 = tpu.memref_slice %arg2[%dma_wait3A_30, %dma_wait3A_31] : memref<10240x128xf32, #tpu.memory_space<hbm>> -> memref<10240x128xf32, #tpu.memory_space<hbm>>
    tpu.wait_indirect_dma semaphore(%arg12 : memref<!tpu.dma_semaphore, #tpu.memory_space<semaphore_mem>>) src(%dma_wait3A_32 : memref<10240x128xf32, #tpu.memory_space<hbm>>) dst(%arg9 : memref<128x128xf32, #tpu.memory_space<vmem>>)
    %run_scoped3A = arith.constant 38 : i32
    "tpu.region"() ({
      %run_scoped3A_44 = tpu.sem_alloc : memref<!tpu.dma_semaphore, #tpu.memory_space<semaphore_mem>>
      %dma_start3A_45 = arith.constant 0 : i32
      %dma_start3A_46 = tpu.memref_slice %arg8[%run_scoped3A, %dma_start3A_45] : memref<48x128xi32, #tpu.memory_space<vmem>> -> memref<1x128xi32, #tpu.memory_space<vmem>>
      %dma_start3A_47 = tpu.memref_squeeze %dma_start3A_46 : memref<1x128xi32, #tpu.memory_space<vmem>> -> memref<128xi32, #tpu.memory_space<vmem>>
      %dma_start3A_48 = arith.constant 0 : i32
      %dma_start3A_49 = arith.constant 0 : i32
      %dma_start3A_50 = tpu.memref_slice %arg11[%dma_start3A_48, %dma_start3A_49] : memref<10240x128xf32, #tpu.memory_space<vmem_shared>> -> memref<10240x128xf32, #tpu.memory_space<vmem_shared>>
      tpu.enqueue_indirect_dma source(%arg9 : memref<128x128xf32, #tpu.memory_space<vmem>>) target(%dma_start3A_50 : memref<10240x128xf32, #tpu.memory_space<vmem_shared>>) offsets(%dma_start3A_47 : memref<128xi32, #tpu.memory_space<vmem>>) semaphore(%run_scoped3A_44 : memref<!tpu.dma_semaphore, #tpu.memory_space<semaphore_mem>>) {add = true}
      %dma_wait3A_51 = arith.constant 0 : i32
      %dma_wait3A_52 = tpu.memref_slice %arg8[%run_scoped3A, %dma_wait3A_51] : memref<48x128xi32, #tpu.memory_space<vmem>> -> memref<1x128xi32, #tpu.memory_space<vmem>>
      %dma_wait3A_53 = tpu.memref_squeeze %dma_wait3A_52 : memref<1x128xi32, #tpu.memory_space<vmem>> -> memref<128xi32, #tpu.memory_space<vmem>>
      %dma_wait3A_54 = arith.constant 0 : i32
      %dma_wait3A_55 = arith.constant 0 : i32
      %dma_wait3A_56 = tpu.memref_slice %arg11[%dma_wait3A_54, %dma_wait3A_55] : memref<10240x128xf32, #tpu.memory_space<vmem_shared>> -> memref<10240x128xf32, #tpu.memory_space<vmem_shared>>
      tpu.wait_indirect_dma semaphore(%run_scoped3A_44 : memref<!tpu.dma_semaphore, #tpu.memory_space<semaphore_mem>>) src(%arg9 : memref<128x128xf32, #tpu.memory_space<vmem>>) dst(%dma_wait3A_56 : memref<10240x128xf32, #tpu.memory_space<vmem_shared>>)
      tpu.yield
    }) : () -> ()
    %dma_wait3A_33 = arith.constant 39 : i32
    %dma_wait3A_34 = arith.constant 0 : i32
    %dma_wait3A_35 = tpu.memref_slice %arg7[%dma_wait3A_33, %dma_wait3A_34] : memref<48x128xi32, #tpu.memory_space<vmem>> -> memref<1x128xi32, #tpu.memory_space<vmem>>
    %dma_wait3A_36 = tpu.memref_squeeze %dma_wait3A_35 : memref<1x128xi32, #tpu.memory_space<vmem>> -> memref<128xi32, #tpu.memory_space<vmem>>
    %dma_wait3A_37 = arith.constant 0 : i32
    %dma_wait3A_38 = arith.constant 0 : i32
    %dma_wait3A_39 = tpu.memref_slice %arg2[%dma_wait3A_37, %dma_wait3A_38] : memref<10240x128xf32, #tpu.memory_space<hbm>> -> memref<10240x128xf32, #tpu.memory_space<hbm>>
    tpu.wait_indirect_dma semaphore(%arg13 : memref<!tpu.dma_semaphore, #tpu.memory_space<semaphore_mem>>) src(%dma_wait3A_39 : memref<10240x128xf32, #tpu.memory_space<hbm>>) dst(%arg10 : memref<128x128xf32, #tpu.memory_space<vmem>>)
    %run_scoped3A_40 = arith.constant 39 : i32
    "tpu.region"() ({
      %run_scoped3A_44 = tpu.sem_alloc : memref<!tpu.dma_semaphore, #tpu.memory_space<semaphore_mem>>
      %dma_start3A_45 = arith.constant 0 : i32
      %dma_start3A_46 = tpu.memref_slice %arg8[%run_scoped3A_40, %dma_start3A_45] : memref<48x128xi32, #tpu.memory_space<vmem>> -> memref<1x128xi32, #tpu.memory_space<vmem>>
      %dma_start3A_47 = tpu.memref_squeeze %dma_start3A_46 : memref<1x128xi32, #tpu.memory_space<vmem>> -> memref<128xi32, #tpu.memory_space<vmem>>
      %dma_start3A_48 = arith.constant 0 : i32
      %dma_start3A_49 = arith.constant 0 : i32
      %dma_start3A_50 = tpu.memref_slice %arg11[%dma_start3A_48, %dma_start3A_49] : memref<10240x128xf32, #tpu.memory_space<vmem_shared>> -> memref<10240x128xf32, #tpu.memory_space<vmem_shared>>
      tpu.enqueue_indirect_dma source(%arg10 : memref<128x128xf32, #tpu.memory_space<vmem>>) target(%dma_start3A_50 : memref<10240x128xf32, #tpu.memory_space<vmem_shared>>) offsets(%dma_start3A_47 : memref<128xi32, #tpu.memory_space<vmem>>) semaphore(%run_scoped3A_44 : memref<!tpu.dma_semaphore, #tpu.memory_space<semaphore_mem>>) {add = true}
      %dma_wait3A_51 = arith.constant 0 : i32
      %dma_wait3A_52 = tpu.memref_slice %arg8[%run_scoped3A_40, %dma_wait3A_51] : memref<48x128xi32, #tpu.memory_space<vmem>> -> memref<1x128xi32, #tpu.memory_space<vmem>>
      %dma_wait3A_53 = tpu.memref_squeeze %dma_wait3A_52 : memref<1x128xi32, #tpu.memory_space<vmem>> -> memref<128xi32, #tpu.memory_space<vmem>>
      %dma_wait3A_54 = arith.constant 0 : i32
      %dma_wait3A_55 = arith.constant 0 : i32
      %dma_wait3A_56 = tpu.memref_slice %arg11[%dma_wait3A_54, %dma_wait3A_55] : memref<10240x128xf32, #tpu.memory_space<vmem_shared>> -> memref<10240x128xf32, #tpu.memory_space<vmem_shared>>
      tpu.wait_indirect_dma semaphore(%run_scoped3A_44 : memref<!tpu.dma_semaphore, #tpu.memory_space<semaphore_mem>>) src(%arg10 : memref<128x128xf32, #tpu.memory_space<vmem>>) dst(%dma_wait3A_56 : memref<10240x128xf32, #tpu.memory_space<vmem_shared>>)
      tpu.yield
    }) : () -> ()
    %barrier3A_41 = arith.constant 0 : index
    tpu.barrier barrier_id(%barrier3A_41)
    %mul3A_42 = arith.constant 640 : i32
    %mul3A_43 = arith.muli %arg1, %mul3A_42 : i32
    "tpu.region"() ({
      %run_scoped3A_44 = tpu.sem_alloc : memref<!tpu.dma_semaphore, #tpu.memory_space<semaphore_mem>>
      %dma_start3A_45 = arith.constant 0 : i32
      %dma_start3A_46 = tpu.memref_slice %arg6[%arg0, %mul3A_43, %dma_start3A_45] : memref<2x10240x128xf32, #tpu.memory_space<hbm>> -> memref<1x640x128xf32, #tpu.memory_space<hbm>>
      %dma_start3A_47 = tpu.memref_squeeze %dma_start3A_46 : memref<1x640x128xf32, #tpu.memory_space<hbm>> -> memref<640x128xf32, #tpu.memory_space<hbm>>
      %dma_start3A_48 = arith.constant 0 : i32
      %dma_start3A_49 = tpu.memref_slice %arg11[%mul3A_43, %dma_start3A_48] : memref<10240x128xf32, #tpu.memory_space<vmem_shared>> -> memref<640x128xf32, #tpu.memory_space<vmem_shared>>
      tpu.enqueue_dma source(%dma_start3A_49 : memref<640x128xf32, #tpu.memory_space<vmem_shared>>) target(%dma_start3A_47 : memref<640x128xf32, #tpu.memory_space<hbm>>) target_semaphore(%run_scoped3A_44 : memref<!tpu.dma_semaphore, #tpu.memory_space<semaphore_mem>>)
      %dma_wait3A_50 = arith.constant 0 : i32
      %dma_wait3A_51 = tpu.memref_slice %arg6[%arg0, %mul3A_43, %dma_wait3A_50] : memref<2x10240x128xf32, #tpu.memory_space<hbm>> -> memref<1x640x128xf32, #tpu.memory_space<hbm>>
      %dma_wait3A_52 = tpu.memref_squeeze %dma_wait3A_51 : memref<1x640x128xf32, #tpu.memory_space<hbm>> -> memref<640x128xf32, #tpu.memory_space<hbm>>
      %dma_wait3A_53 = arith.constant 0 : i32
      %dma_wait3A_54 = tpu.memref_slice %arg11[%mul3A_43, %dma_wait3A_53] : memref<10240x128xf32, #tpu.memory_space<vmem_shared>> -> memref<640x128xf32, #tpu.memory_space<vmem_shared>>
      tpu.wait_dma2 semaphore(%run_scoped3A_44 : memref<!tpu.dma_semaphore, #tpu.memory_space<semaphore_mem>>) src(%dma_wait3A_54 : memref<640x128xf32, #tpu.memory_space<vmem_shared>>) dst(%dma_wait3A_52 : memref<640x128xf32, #tpu.memory_space<hbm>>)
      tpu.yield
    }) : () -> ()
    return
  }
}

#map = affine_map<(d0, d1) -> (0, 0)>
#map1 = affine_map<(d0, d1) -> (0, 0, 0)>
module attributes {stable_mosaic.version = 14 : i64} {
  func.func @_sc_gather_scatter(%arg0: i32, %arg1: i32, %arg2: memref<10240x128xf32, #tpu.memory_space<hbm>>, %arg3: memref<32x80x128xi32, #tpu.memory_space<hbm>>, %arg4: memref<32x80x128xi32, #tpu.memory_space<hbm>>, %arg5: memref<640x128xf32, #tpu.memory_space<hbm>>, %arg6: memref<2x10240x128xf32, #tpu.memory_space<hbm>>, %arg7: memref<48x128xi32, #tpu.memory_space<vmem>>, %arg8: memref<48x128xi32, #tpu.memory_space<vmem>>, %arg9: memref<128x128xf32, #tpu.memory_space<vmem>>, %arg10: memref<128x128xf32, #tpu.memory_space<vmem>>, %arg11: memref<10240x128xf32, #tpu.memory_space<vmem_shared>>, %arg12: memref<!tpu.dma_semaphore, #tpu.memory_space<semaphore_mem>>, %arg13: memref<!tpu.dma_semaphore, #tpu.memory_space<semaphore_mem>>) attributes {dimension_semantics = [#tpu.dimension_semantics<core_parallel>, #tpu.dimension_semantics<subcore_parallel>], iteration_bounds = array<i64: 2, 16>, scalar_prefetch = 0 : i64, scratch_operands = 7 : i64, tpu.core_type = #tpu.core_type<sc_vector_subcore>, window_params = [{transform_indices = #map}, {transform_indices = #map1}, {transform_indices = #map1}, {transform_indices = #map}, {transform_indices = #map1}]} {
    %mul3A = arith.constant 2 : i32
    %mul3A_0 = arith.muli %arg1, %mul3A : i32
    %add3A = arith.addi %mul3A_0, %arg0 : i32
    %mul3A_1 = arith.constant 640 : i32
    %mul3A_2 = arith.muli %arg1, %mul3A_1 : i32
    "tpu.region"() ({
      %run_scoped3A_44 = tpu.sem_alloc : memref<!tpu.dma_semaphore, #tpu.memory_space<semaphore_mem>>
      %dma_start3A_45 = arith.constant 0 : i32
      %dma_start3A_46 = tpu.memref_slice %arg11[%mul3A_2, %dma_start3A_45] : memref<10240x128xf32, #tpu.memory_space<vmem_shared>> -> memref<640x128xf32, #tpu.memory_space<vmem_shared>>
      tpu.enqueue_dma source(%arg5 : memref<640x128xf32, #tpu.memory_space<hbm>>) target(%dma_start3A_46 : memref<640x128xf32, #tpu.memory_space<vmem_shared>>) target_semaphore(%run_scoped3A_44 : memref<!tpu.dma_semaphore, #tpu.memory_space<semaphore_mem>>)
      %dma_wait3A_47 = arith.constant 0 : i32
      %dma_wait3A_48 = tpu.memref_slice %arg11[%mul3A_2, %dma_wait3A_47] : memref<10240x128xf32, #tpu.memory_space<vmem_shared>> -> memref<640x128xf32, #tpu.memory_space<vmem_shared>>
      tpu.wait_dma2 semaphore(%run_scoped3A_44 : memref<!tpu.dma_semaphore, #tpu.memory_space<semaphore_mem>>) src(%arg5 : memref<640x128xf32, #tpu.memory_space<hbm>>) dst(%dma_wait3A_48 : memref<640x128xf32, #tpu.memory_space<vmem_shared>>)
      tpu.yield
    }) : () -> ()
    "tpu.region"() ({
      %run_scoped3A_44 = tpu.sem_alloc : memref<!tpu.dma_semaphore, #tpu.memory_space<semaphore_mem>>
      %dma_start3A_45 = arith.constant 0 : i32
      %dma_start3A_46 = arith.constant 0 : i32
      %dma_start3A_47 = tpu.memref_slice %arg3[%add3A, %dma_start3A_45, %dma_start3A_46] : memref<32x80x128xi32, #tpu.memory_space<hbm>> -> memref<1x48x128xi32, #tpu.memory_space<hbm>>
      %dma_start3A_48 = tpu.memref_squeeze %dma_start3A_47 : memref<1x48x128xi32, #tpu.memory_space<hbm>> -> memref<48x128xi32, #tpu.memory_space<hbm>>
      %dma_start3A_49 = arith.constant 0 : i32
      %dma_start3A_50 = arith.constant 0 : i32
      %dma_start3A_51 = tpu.memref_slice %arg3[%add3A, %dma_start3A_49, %dma_start3A_50] : memref<32x80x128xi32, #tpu.memory_space<hbm>> -> memref<1x48x128xi32, #tpu.memory_space<hbm>>
      %dma_start3A_52 = tpu.memref_squeeze %dma_start3A_51 : memref<1x48x128xi32, #tpu.memory_space<hbm>> -> memref<48x128xi32, #tpu.memory_space<hbm>>
      tpu.enqueue_dma source(%dma_start3A_52 : memref<48x128xi32, #tpu.memory_space<hbm>>) target(%arg7 : memref<48x128xi32, #tpu.memory_space<vmem>>) target_semaphore(%run_scoped3A_44 : memref<!tpu.dma_semaphore, #tpu.memory_space<semaphore_mem>>)
      %dma_wait3A_53 = arith.constant 0 : i32
      %dma_wait3A_54 = arith.constant 0 : i32
      %dma_wait3A_55 = tpu.memref_slice %arg3[%add3A, %dma_wait3A_53, %dma_wait3A_54] : memref<32x80x128xi32, #tpu.memory_space<hbm>> -> memref<1x48x128xi32, #tpu.memory_space<hbm>>
      %dma_wait3A_56 = tpu.memref_squeeze %dma_wait3A_55 : memref<1x48x128xi32, #tpu.memory_space<hbm>> -> memref<48x128xi32, #tpu.memory_space<hbm>>
      %dma_wait3A_57 = arith.constant 0 : i32
      %dma_wait3A_58 = arith.constant 0 : i32
      %dma_wait3A_59 = tpu.memref_slice %arg3[%add3A, %dma_wait3A_57, %dma_wait3A_58] : memref<32x80x128xi32, #tpu.memory_space<hbm>> -> memref<1x48x128xi32, #tpu.memory_space<hbm>>
      %dma_wait3A_60 = tpu.memref_squeeze %dma_wait3A_59 : memref<1x48x128xi32, #tpu.memory_space<hbm>> -> memref<48x128xi32, #tpu.memory_space<hbm>>
      tpu.wait_dma2 semaphore(%run_scoped3A_44 : memref<!tpu.dma_semaphore, #tpu.memory_space<semaphore_mem>>) src(%dma_wait3A_60 : memref<48x128xi32, #tpu.memory_space<hbm>>) dst(%arg7 : memref<48x128xi32, #tpu.memory_space<vmem>>)
      tpu.yield
    }) : () -> ()
    "tpu.region"() ({
      %run_scoped3A_44 = tpu.sem_alloc : memref<!tpu.dma_semaphore, #tpu.memory_space<semaphore_mem>>
      %dma_start3A_45 = arith.constant 0 : i32
      %dma_start3A_46 = arith.constant 0 : i32
      %dma_start3A_47 = tpu.memref_slice %arg4[%add3A, %dma_start3A_45, %dma_start3A_46] : memref<32x80x128xi32, #tpu.memory_space<hbm>> -> memref<1x48x128xi32, #tpu.memory_space<hbm>>
      %dma_start3A_48 = tpu.memref_squeeze %dma_start3A_47 : memref<1x48x128xi32, #tpu.memory_space<hbm>> -> memref<48x128xi32, #tpu.memory_space<hbm>>
      %dma_start3A_49 = arith.constant 0 : i32
      %dma_start3A_50 = arith.constant 0 : i32
      %dma_start3A_51 = tpu.memref_slice %arg4[%add3A, %dma_start3A_49, %dma_start3A_50] : memref<32x80x128xi32, #tpu.memory_space<hbm>> -> memref<1x48x128xi32, #tpu.memory_space<hbm>>
      %dma_start3A_52 = tpu.memref_squeeze %dma_start3A_51 : memref<1x48x128xi32, #tpu.memory_space<hbm>> -> memref<48x128xi32, #tpu.memory_space<hbm>>
      tpu.enqueue_dma source(%dma_start3A_52 : memref<48x128xi32, #tpu.memory_space<hbm>>) target(%arg8 : memref<48x128xi32, #tpu.memory_space<vmem>>) target_semaphore(%run_scoped3A_44 : memref<!tpu.dma_semaphore, #tpu.memory_space<semaphore_mem>>)
      %dma_wait3A_53 = arith.constant 0 : i32
      %dma_wait3A_54 = arith.constant 0 : i32
      %dma_wait3A_55 = tpu.memref_slice %arg4[%add3A, %dma_wait3A_53, %dma_wait3A_54] : memref<32x80x128xi32, #tpu.memory_space<hbm>> -> memref<1x48x128xi32, #tpu.memory_space<hbm>>
      %dma_wait3A_56 = tpu.memref_squeeze %dma_wait3A_55 : memref<1x48x128xi32, #tpu.memory_space<hbm>> -> memref<48x128xi32, #tpu.memory_space<hbm>>
      %dma_wait3A_57 = arith.constant 0 : i32
      %dma_wait3A_58 = arith.constant 0 : i32
      %dma_wait3A_59 = tpu.memref_slice %arg4[%add3A, %dma_wait3A_57, %dma_wait3A_58] : memref<32x80x128xi32, #tpu.memory_space<hbm>> -> memref<1x48x128xi32, #tpu.memory_space<hbm>>
      %dma_wait3A_60 = tpu.memref_squeeze %dma_wait3A_59 : memref<1x48x128xi32, #tpu.memory_space<hbm>> -> memref<48x128xi32, #tpu.memory_space<hbm>>
      tpu.wait_dma2 semaphore(%run_scoped3A_44 : memref<!tpu.dma_semaphore, #tpu.memory_space<semaphore_mem>>) src(%dma_wait3A_60 : memref<48x128xi32, #tpu.memory_space<hbm>>) dst(%arg8 : memref<48x128xi32, #tpu.memory_space<vmem>>)
      tpu.yield
    }) : () -> ()
    %barrier3A = arith.constant 0 : index
    tpu.barrier barrier_id(%barrier3A)
    %dma_start3A = arith.constant 0 : i32
    %dma_start3A_3 = arith.constant 0 : i32
    %dma_start3A_4 = tpu.memref_slice %arg7[%dma_start3A, %dma_start3A_3] : memref<48x128xi32, #tpu.memory_space<vmem>> -> memref<1x128xi32, #tpu.memory_space<vmem>>
    %dma_start3A_5 = tpu.memref_squeeze %dma_start3A_4 : memref<1x128xi32, #tpu.memory_space<vmem>> -> memref<128xi32, #tpu.memory_space<vmem>>
    %dma_start3A_6 = arith.constant 0 : i32
    %dma_start3A_7 = arith.constant 0 : i32
    %dma_start3A_8 = tpu.memref_slice %arg2[%dma_start3A_6, %dma_start3A_7] : memref<10240x128xf32, #tpu.memory_space<hbm>> -> memref<10240x128xf32, #tpu.memory_space<hbm>>
    tpu.enqueue_indirect_dma source(%dma_start3A_8 : memref<10240x128xf32, #tpu.memory_space<hbm>>) target(%arg9 : memref<128x128xf32, #tpu.memory_space<vmem>>) offsets(%dma_start3A_5 : memref<128xi32, #tpu.memory_space<vmem>>) semaphore(%arg12 : memref<!tpu.dma_semaphore, #tpu.memory_space<semaphore_mem>>)
    %dma_start3A_9 = arith.constant 1 : i32
    %dma_start3A_10 = arith.constant 0 : i32
    %dma_start3A_11 = tpu.memref_slice %arg7[%dma_start3A_9, %dma_start3A_10] : memref<48x128xi32, #tpu.memory_space<vmem>> -> memref<1x128xi32, #tpu.memory_space<vmem>>
    %dma_start3A_12 = tpu.memref_squeeze %dma_start3A_11 : memref<1x128xi32, #tpu.memory_space<vmem>> -> memref<128xi32, #tpu.memory_space<vmem>>
    %dma_start3A_13 = arith.constant 0 : i32
    %dma_start3A_14 = arith.constant 0 : i32
    %dma_start3A_15 = tpu.memref_slice %arg2[%dma_start3A_13, %dma_start3A_14] : memref<10240x128xf32, #tpu.memory_space<hbm>> -> memref<10240x128xf32, #tpu.memory_space<hbm>>
    tpu.enqueue_indirect_dma source(%dma_start3A_15 : memref<10240x128xf32, #tpu.memory_space<hbm>>) target(%arg10 : memref<128x128xf32, #tpu.memory_space<vmem>>) offsets(%dma_start3A_12 : memref<128xi32, #tpu.memory_space<vmem>>) semaphore(%arg13 : memref<!tpu.dma_semaphore, #tpu.memory_space<semaphore_mem>>)
    %scan3A = arith.constant 0 : i32
    %scan3A_16 = arith.constant 0 : i32
    %scan3A_17 = arith.constant 20 : i32
    %scan3A_18 = arith.addi %scan3A_16, %scan3A_17 : i32
    %scan3A_19 = arith.constant 1 : i32
    scf.for %scan3A_44 = %scan3A_16 to %scan3A_18 step %scan3A_19  : i32 {
      %mul3A_45 = arith.constant 2 : i32
      %mul3A_46 = arith.muli %scan3A_44, %mul3A_45 : i32
      %add3A_47 = arith.constant 0 : i32
      %add3A_48 = arith.addi %mul3A_46, %add3A_47 : i32
      %dma_wait3A_49 = arith.constant 0 : i32
      %dma_wait3A_50 = tpu.memref_slice %arg7[%add3A_48, %dma_wait3A_49] : memref<48x128xi32, #tpu.memory_space<vmem>> -> memref<1x128xi32, #tpu.memory_space<vmem>>
      %dma_wait3A_51 = tpu.memref_squeeze %dma_wait3A_50 : memref<1x128xi32, #tpu.memory_space<vmem>> -> memref<128xi32, #tpu.memory_space<vmem>>
      %dma_wait3A_52 = arith.constant 0 : i32
      %dma_wait3A_53 = arith.constant 0 : i32
      %dma_wait3A_54 = tpu.memref_slice %arg2[%dma_wait3A_52, %dma_wait3A_53] : memref<10240x128xf32, #tpu.memory_space<hbm>> -> memref<10240x128xf32, #tpu.memory_space<hbm>>
      tpu.wait_indirect_dma semaphore(%arg12 : memref<!tpu.dma_semaphore, #tpu.memory_space<semaphore_mem>>) src(%dma_wait3A_54 : memref<10240x128xf32, #tpu.memory_space<hbm>>) dst(%arg9 : memref<128x128xf32, #tpu.memory_space<vmem>>)
      "tpu.region"() ({
        %run_scoped3A_81 = tpu.sem_alloc : memref<!tpu.dma_semaphore, #tpu.memory_space<semaphore_mem>>
        %dma_start3A_82 = arith.constant 0 : i32
        %dma_start3A_83 = tpu.memref_slice %arg8[%add3A_48, %dma_start3A_82] : memref<48x128xi32, #tpu.memory_space<vmem>> -> memref<1x128xi32, #tpu.memory_space<vmem>>
        %dma_start3A_84 = tpu.memref_squeeze %dma_start3A_83 : memref<1x128xi32, #tpu.memory_space<vmem>> -> memref<128xi32, #tpu.memory_space<vmem>>
        %dma_start3A_85 = arith.constant 0 : i32
        %dma_start3A_86 = arith.constant 0 : i32
        %dma_start3A_87 = tpu.memref_slice %arg11[%dma_start3A_85, %dma_start3A_86] : memref<10240x128xf32, #tpu.memory_space<vmem_shared>> -> memref<10240x128xf32, #tpu.memory_space<vmem_shared>>
        tpu.enqueue_indirect_dma source(%arg9 : memref<128x128xf32, #tpu.memory_space<vmem>>) target(%dma_start3A_87 : memref<10240x128xf32, #tpu.memory_space<vmem_shared>>) offsets(%dma_start3A_84 : memref<128xi32, #tpu.memory_space<vmem>>) semaphore(%run_scoped3A_81 : memref<!tpu.dma_semaphore, #tpu.memory_space<semaphore_mem>>) {add = true}
        %dma_wait3A_88 = arith.constant 0 : i32
        %dma_wait3A_89 = tpu.memref_slice %arg8[%add3A_48, %dma_wait3A_88] : memref<48x128xi32, #tpu.memory_space<vmem>> -> memref<1x128xi32, #tpu.memory_space<vmem>>
        %dma_wait3A_90 = tpu.memref_squeeze %dma_wait3A_89 : memref<1x128xi32, #tpu.memory_space<vmem>> -> memref<128xi32, #tpu.memory_space<vmem>>
        %dma_wait3A_91 = arith.constant 0 : i32
        %dma_wait3A_92 = arith.constant 0 : i32
        %dma_wait3A_93 = tpu.memref_slice %arg11[%dma_wait3A_91, %dma_wait3A_92] : memref<10240x128xf32, #tpu.memory_space<vmem_shared>> -> memref<10240x128xf32, #tpu.memory_space<vmem_shared>>
        tpu.wait_indirect_dma semaphore(%run_scoped3A_81 : memref<!tpu.dma_semaphore, #tpu.memory_space<semaphore_mem>>) src(%arg9 : memref<128x128xf32, #tpu.memory_space<vmem>>) dst(%dma_wait3A_93 : memref<10240x128xf32, #tpu.memory_space<vmem_shared>>)
        tpu.yield
      }) : () -> ()
      %add3A_55 = arith.constant 2 : i32
      %add3A_56 = arith.addi %add3A_48, %add3A_55 : i32
      %dma_start3A_57 = arith.constant 0 : i32
      %dma_start3A_58 = tpu.memref_slice %arg7[%add3A_56, %dma_start3A_57] : memref<48x128xi32, #tpu.memory_space<vmem>> -> memref<1x128xi32, #tpu.memory_space<vmem>>
      %dma_start3A_59 = tpu.memref_squeeze %dma_start3A_58 : memref<1x128xi32, #tpu.memory_space<vmem>> -> memref<128xi32, #tpu.memory_space<vmem>>
      %dma_start3A_60 = arith.constant 0 : i32
      %dma_start3A_61 = arith.constant 0 : i32
      %dma_start3A_62 = tpu.memref_slice %arg2[%dma_start3A_60, %dma_start3A_61] : memref<10240x128xf32, #tpu.memory_space<hbm>> -> memref<10240x128xf32, #tpu.memory_space<hbm>>
      tpu.enqueue_indirect_dma source(%dma_start3A_62 : memref<10240x128xf32, #tpu.memory_space<hbm>>) target(%arg9 : memref<128x128xf32, #tpu.memory_space<vmem>>) offsets(%dma_start3A_59 : memref<128xi32, #tpu.memory_space<vmem>>) semaphore(%arg12 : memref<!tpu.dma_semaphore, #tpu.memory_space<semaphore_mem>>)
      %mul3A_63 = arith.constant 2 : i32
      %mul3A_64 = arith.muli %scan3A_44, %mul3A_63 : i32
      %add3A_65 = arith.constant 1 : i32
      %add3A_66 = arith.addi %mul3A_64, %add3A_65 : i32
      %dma_wait3A_67 = arith.constant 0 : i32
      %dma_wait3A_68 = tpu.memref_slice %arg7[%add3A_66, %dma_wait3A_67] : memref<48x128xi32, #tpu.memory_space<vmem>> -> memref<1x128xi32, #tpu.memory_space<vmem>>
      %dma_wait3A_69 = tpu.memref_squeeze %dma_wait3A_68 : memref<1x128xi32, #tpu.memory_space<vmem>> -> memref<128xi32, #tpu.memory_space<vmem>>
      %dma_wait3A_70 = arith.constant 0 : i32
      %dma_wait3A_71 = arith.constant 0 : i32
      %dma_wait3A_72 = tpu.memref_slice %arg2[%dma_wait3A_70, %dma_wait3A_71] : memref<10240x128xf32, #tpu.memory_space<hbm>> -> memref<10240x128xf32, #tpu.memory_space<hbm>>
      tpu.wait_indirect_dma semaphore(%arg13 : memref<!tpu.dma_semaphore, #tpu.memory_space<semaphore_mem>>) src(%dma_wait3A_72 : memref<10240x128xf32, #tpu.memory_space<hbm>>) dst(%arg10 : memref<128x128xf32, #tpu.memory_space<vmem>>)
      "tpu.region"() ({
        %run_scoped3A_81 = tpu.sem_alloc : memref<!tpu.dma_semaphore, #tpu.memory_space<semaphore_mem>>
        %dma_start3A_82 = arith.constant 0 : i32
        %dma_start3A_83 = tpu.memref_slice %arg8[%add3A_66, %dma_start3A_82] : memref<48x128xi32, #tpu.memory_space<vmem>> -> memref<1x128xi32, #tpu.memory_space<vmem>>
        %dma_start3A_84 = tpu.memref_squeeze %dma_start3A_83 : memref<1x128xi32, #tpu.memory_space<vmem>> -> memref<128xi32, #tpu.memory_space<vmem>>
        %dma_start3A_85 = arith.constant 0 : i32
        %dma_start3A_86 = arith.constant 0 : i32
        %dma_start3A_87 = tpu.memref_slice %arg11[%dma_start3A_85, %dma_start3A_86] : memref<10240x128xf32, #tpu.memory_space<vmem_shared>> -> memref<10240x128xf32, #tpu.memory_space<vmem_shared>>
        tpu.enqueue_indirect_dma source(%arg10 : memref<128x128xf32, #tpu.memory_space<vmem>>) target(%dma_start3A_87 : memref<10240x128xf32, #tpu.memory_space<vmem_shared>>) offsets(%dma_start3A_84 : memref<128xi32, #tpu.memory_space<vmem>>) semaphore(%run_scoped3A_81 : memref<!tpu.dma_semaphore, #tpu.memory_space<semaphore_mem>>) {add = true}
        %dma_wait3A_88 = arith.constant 0 : i32
        %dma_wait3A_89 = tpu.memref_slice %arg8[%add3A_66, %dma_wait3A_88] : memref<48x128xi32, #tpu.memory_space<vmem>> -> memref<1x128xi32, #tpu.memory_space<vmem>>
        %dma_wait3A_90 = tpu.memref_squeeze %dma_wait3A_89 : memref<1x128xi32, #tpu.memory_space<vmem>> -> memref<128xi32, #tpu.memory_space<vmem>>
        %dma_wait3A_91 = arith.constant 0 : i32
        %dma_wait3A_92 = arith.constant 0 : i32
        %dma_wait3A_93 = tpu.memref_slice %arg11[%dma_wait3A_91, %dma_wait3A_92] : memref<10240x128xf32, #tpu.memory_space<vmem_shared>> -> memref<10240x128xf32, #tpu.memory_space<vmem_shared>>
        tpu.wait_indirect_dma semaphore(%run_scoped3A_81 : memref<!tpu.dma_semaphore, #tpu.memory_space<semaphore_mem>>) src(%arg10 : memref<128x128xf32, #tpu.memory_space<vmem>>) dst(%dma_wait3A_93 : memref<10240x128xf32, #tpu.memory_space<vmem_shared>>)
        tpu.yield
      }) : () -> ()
      %add3A_73 = arith.constant 2 : i32
      %add3A_74 = arith.addi %add3A_66, %add3A_73 : i32
      %dma_start3A_75 = arith.constant 0 : i32
      %dma_start3A_76 = tpu.memref_slice %arg7[%add3A_74, %dma_start3A_75] : memref<48x128xi32, #tpu.memory_space<vmem>> -> memref<1x128xi32, #tpu.memory_space<vmem>>
      %dma_start3A_77 = tpu.memref_squeeze %dma_start3A_76 : memref<1x128xi32, #tpu.memory_space<vmem>> -> memref<128xi32, #tpu.memory_space<vmem>>
      %dma_start3A_78 = arith.constant 0 : i32
      %dma_start3A_79 = arith.constant 0 : i32
      %dma_start3A_80 = tpu.memref_slice %arg2[%dma_start3A_78, %dma_start3A_79] : memref<10240x128xf32, #tpu.memory_space<hbm>> -> memref<10240x128xf32, #tpu.memory_space<hbm>>
      tpu.enqueue_indirect_dma source(%dma_start3A_80 : memref<10240x128xf32, #tpu.memory_space<hbm>>) target(%arg10 : memref<128x128xf32, #tpu.memory_space<vmem>>) offsets(%dma_start3A_77 : memref<128xi32, #tpu.memory_space<vmem>>) semaphore(%arg13 : memref<!tpu.dma_semaphore, #tpu.memory_space<semaphore_mem>>)
    }
    %scan3A_20 = arith.constant 20 : i32
    "tpu.region"() ({
      %run_scoped3A_44 = tpu.sem_alloc : memref<!tpu.dma_semaphore, #tpu.memory_space<semaphore_mem>>
      %dma_start3A_45 = arith.constant 0 : i32
      %dma_start3A_46 = arith.constant 0 : i32
      %dma_start3A_47 = tpu.memref_slice %arg7[%dma_start3A_45, %dma_start3A_46] : memref<48x128xi32, #tpu.memory_space<vmem>> -> memref<40x128xi32, #tpu.memory_space<vmem>>
      %dma_start3A_48 = arith.constant 40 : i32
      %dma_start3A_49 = arith.constant 0 : i32
      %dma_start3A_50 = tpu.memref_slice %arg3[%add3A, %dma_start3A_48, %dma_start3A_49] : memref<32x80x128xi32, #tpu.memory_space<hbm>> -> memref<1x40x128xi32, #tpu.memory_space<hbm>>
      %dma_start3A_51 = tpu.memref_squeeze %dma_start3A_50 : memref<1x40x128xi32, #tpu.memory_space<hbm>> -> memref<40x128xi32, #tpu.memory_space<hbm>>
      %dma_start3A_52 = arith.constant 0 : i32
      %dma_start3A_53 = arith.constant 0 : i32
      %dma_start3A_54 = tpu.memref_slice %arg7[%dma_start3A_52, %dma_start3A_53] : memref<48x128xi32, #tpu.memory_space<vmem>> -> memref<40x128xi32, #tpu.memory_space<vmem>>
      %dma_start3A_55 = arith.constant 40 : i32
      %dma_start3A_56 = arith.constant 0 : i32
      %dma_start3A_57 = tpu.memref_slice %arg3[%add3A, %dma_start3A_55, %dma_start3A_56] : memref<32x80x128xi32, #tpu.memory_space<hbm>> -> memref<1x40x128xi32, #tpu.memory_space<hbm>>
      %dma_start3A_58 = tpu.memref_squeeze %dma_start3A_57 : memref<1x40x128xi32, #tpu.memory_space<hbm>> -> memref<40x128xi32, #tpu.memory_space<hbm>>
      tpu.enqueue_dma source(%dma_start3A_58 : memref<40x128xi32, #tpu.memory_space<hbm>>) target(%dma_start3A_54 : memref<40x128xi32, #tpu.memory_space<vmem>>) target_semaphore(%run_scoped3A_44 : memref<!tpu.dma_semaphore, #tpu.memory_space<semaphore_mem>>)
      %dma_wait3A_59 = arith.constant 0 : i32
      %dma_wait3A_60 = arith.constant 0 : i32
      %dma_wait3A_61 = tpu.memref_slice %arg7[%dma_wait3A_59, %dma_wait3A_60] : memref<48x128xi32, #tpu.memory_space<vmem>> -> memref<40x128xi32, #tpu.memory_space<vmem>>
      %dma_wait3A_62 = arith.constant 40 : i32
      %dma_wait3A_63 = arith.constant 0 : i32
      %dma_wait3A_64 = tpu.memref_slice %arg3[%add3A, %dma_wait3A_62, %dma_wait3A_63] : memref<32x80x128xi32, #tpu.memory_space<hbm>> -> memref<1x40x128xi32, #tpu.memory_space<hbm>>
      %dma_wait3A_65 = tpu.memref_squeeze %dma_wait3A_64 : memref<1x40x128xi32, #tpu.memory_space<hbm>> -> memref<40x128xi32, #tpu.memory_space<hbm>>
      %dma_wait3A_66 = arith.constant 0 : i32
      %dma_wait3A_67 = arith.constant 0 : i32
      %dma_wait3A_68 = tpu.memref_slice %arg7[%dma_wait3A_66, %dma_wait3A_67] : memref<48x128xi32, #tpu.memory_space<vmem>> -> memref<40x128xi32, #tpu.memory_space<vmem>>
      %dma_wait3A_69 = arith.constant 40 : i32
      %dma_wait3A_70 = arith.constant 0 : i32
      %dma_wait3A_71 = tpu.memref_slice %arg3[%add3A, %dma_wait3A_69, %dma_wait3A_70] : memref<32x80x128xi32, #tpu.memory_space<hbm>> -> memref<1x40x128xi32, #tpu.memory_space<hbm>>
      %dma_wait3A_72 = tpu.memref_squeeze %dma_wait3A_71 : memref<1x40x128xi32, #tpu.memory_space<hbm>> -> memref<40x128xi32, #tpu.memory_space<hbm>>
      tpu.wait_dma2 semaphore(%run_scoped3A_44 : memref<!tpu.dma_semaphore, #tpu.memory_space<semaphore_mem>>) src(%dma_wait3A_72 : memref<40x128xi32, #tpu.memory_space<hbm>>) dst(%dma_wait3A_68 : memref<40x128xi32, #tpu.memory_space<vmem>>)
      tpu.yield
    }) : () -> ()
    "tpu.region"() ({
      %run_scoped3A_44 = tpu.sem_alloc : memref<!tpu.dma_semaphore, #tpu.memory_space<semaphore_mem>>
      %dma_start3A_45 = arith.constant 0 : i32
      %dma_start3A_46 = arith.constant 0 : i32
      %dma_start3A_47 = tpu.memref_slice %arg8[%dma_start3A_45, %dma_start3A_46] : memref<48x128xi32, #tpu.memory_space<vmem>> -> memref<40x128xi32, #tpu.memory_space<vmem>>
      %dma_start3A_48 = arith.constant 40 : i32
      %dma_start3A_49 = arith.constant 0 : i32
      %dma_start3A_50 = tpu.memref_slice %arg4[%add3A, %dma_start3A_48, %dma_start3A_49] : memref<32x80x128xi32, #tpu.memory_space<hbm>> -> memref<1x40x128xi32, #tpu.memory_space<hbm>>
      %dma_start3A_51 = tpu.memref_squeeze %dma_start3A_50 : memref<1x40x128xi32, #tpu.memory_space<hbm>> -> memref<40x128xi32, #tpu.memory_space<hbm>>
      %dma_start3A_52 = arith.constant 0 : i32
      %dma_start3A_53 = arith.constant 0 : i32
      %dma_start3A_54 = tpu.memref_slice %arg8[%dma_start3A_52, %dma_start3A_53] : memref<48x128xi32, #tpu.memory_space<vmem>> -> memref<40x128xi32, #tpu.memory_space<vmem>>
      %dma_start3A_55 = arith.constant 40 : i32
      %dma_start3A_56 = arith.constant 0 : i32
      %dma_start3A_57 = tpu.memref_slice %arg4[%add3A, %dma_start3A_55, %dma_start3A_56] : memref<32x80x128xi32, #tpu.memory_space<hbm>> -> memref<1x40x128xi32, #tpu.memory_space<hbm>>
      %dma_start3A_58 = tpu.memref_squeeze %dma_start3A_57 : memref<1x40x128xi32, #tpu.memory_space<hbm>> -> memref<40x128xi32, #tpu.memory_space<hbm>>
      tpu.enqueue_dma source(%dma_start3A_58 : memref<40x128xi32, #tpu.memory_space<hbm>>) target(%dma_start3A_54 : memref<40x128xi32, #tpu.memory_space<vmem>>) target_semaphore(%run_scoped3A_44 : memref<!tpu.dma_semaphore, #tpu.memory_space<semaphore_mem>>)
      %dma_wait3A_59 = arith.constant 0 : i32
      %dma_wait3A_60 = arith.constant 0 : i32
      %dma_wait3A_61 = tpu.memref_slice %arg8[%dma_wait3A_59, %dma_wait3A_60] : memref<48x128xi32, #tpu.memory_space<vmem>> -> memref<40x128xi32, #tpu.memory_space<vmem>>
      %dma_wait3A_62 = arith.constant 40 : i32
      %dma_wait3A_63 = arith.constant 0 : i32
      %dma_wait3A_64 = tpu.memref_slice %arg4[%add3A, %dma_wait3A_62, %dma_wait3A_63] : memref<32x80x128xi32, #tpu.memory_space<hbm>> -> memref<1x40x128xi32, #tpu.memory_space<hbm>>
      %dma_wait3A_65 = tpu.memref_squeeze %dma_wait3A_64 : memref<1x40x128xi32, #tpu.memory_space<hbm>> -> memref<40x128xi32, #tpu.memory_space<hbm>>
      %dma_wait3A_66 = arith.constant 0 : i32
      %dma_wait3A_67 = arith.constant 0 : i32
      %dma_wait3A_68 = tpu.memref_slice %arg8[%dma_wait3A_66, %dma_wait3A_67] : memref<48x128xi32, #tpu.memory_space<vmem>> -> memref<40x128xi32, #tpu.memory_space<vmem>>
      %dma_wait3A_69 = arith.constant 40 : i32
      %dma_wait3A_70 = arith.constant 0 : i32
      %dma_wait3A_71 = tpu.memref_slice %arg4[%add3A, %dma_wait3A_69, %dma_wait3A_70] : memref<32x80x128xi32, #tpu.memory_space<hbm>> -> memref<1x40x128xi32, #tpu.memory_space<hbm>>
      %dma_wait3A_72 = tpu.memref_squeeze %dma_wait3A_71 : memref<1x40x128xi32, #tpu.memory_space<hbm>> -> memref<40x128xi32, #tpu.memory_space<hbm>>
      tpu.wait_dma2 semaphore(%run_scoped3A_44 : memref<!tpu.dma_semaphore, #tpu.memory_space<semaphore_mem>>) src(%dma_wait3A_72 : memref<40x128xi32, #tpu.memory_space<hbm>>) dst(%dma_wait3A_68 : memref<40x128xi32, #tpu.memory_space<vmem>>)
      tpu.yield
    }) : () -> ()
    %scan3A_21 = arith.constant 0 : i32
    %scan3A_22 = arith.constant 0 : i32
    %scan3A_23 = arith.constant 19 : i32
    %scan3A_24 = arith.addi %scan3A_22, %scan3A_23 : i32
    %scan3A_25 = arith.constant 1 : i32
    scf.for %scan3A_44 = %scan3A_22 to %scan3A_24 step %scan3A_25  : i32 {
      %mul3A_45 = arith.constant 2 : i32
      %mul3A_46 = arith.muli %scan3A_44, %mul3A_45 : i32
      %add3A_47 = arith.constant 0 : i32
      %add3A_48 = arith.addi %mul3A_46, %add3A_47 : i32
      %dma_wait3A_49 = arith.constant 0 : i32
      %dma_wait3A_50 = tpu.memref_slice %arg7[%add3A_48, %dma_wait3A_49] : memref<48x128xi32, #tpu.memory_space<vmem>> -> memref<1x128xi32, #tpu.memory_space<vmem>>
      %dma_wait3A_51 = tpu.memref_squeeze %dma_wait3A_50 : memref<1x128xi32, #tpu.memory_space<vmem>> -> memref<128xi32, #tpu.memory_space<vmem>>
      %dma_wait3A_52 = arith.constant 0 : i32
      %dma_wait3A_53 = arith.constant 0 : i32
      %dma_wait3A_54 = tpu.memref_slice %arg2[%dma_wait3A_52, %dma_wait3A_53] : memref<10240x128xf32, #tpu.memory_space<hbm>> -> memref<10240x128xf32, #tpu.memory_space<hbm>>
      tpu.wait_indirect_dma semaphore(%arg12 : memref<!tpu.dma_semaphore, #tpu.memory_space<semaphore_mem>>) src(%dma_wait3A_54 : memref<10240x128xf32, #tpu.memory_space<hbm>>) dst(%arg9 : memref<128x128xf32, #tpu.memory_space<vmem>>)
      "tpu.region"() ({
        %run_scoped3A_81 = tpu.sem_alloc : memref<!tpu.dma_semaphore, #tpu.memory_space<semaphore_mem>>
        %dma_start3A_82 = arith.constant 0 : i32
        %dma_start3A_83 = tpu.memref_slice %arg8[%add3A_48, %dma_start3A_82] : memref<48x128xi32, #tpu.memory_space<vmem>> -> memref<1x128xi32, #tpu.memory_space<vmem>>
        %dma_start3A_84 = tpu.memref_squeeze %dma_start3A_83 : memref<1x128xi32, #tpu.memory_space<vmem>> -> memref<128xi32, #tpu.memory_space<vmem>>
        %dma_start3A_85 = arith.constant 0 : i32
        %dma_start3A_86 = arith.constant 0 : i32
        %dma_start3A_87 = tpu.memref_slice %arg11[%dma_start3A_85, %dma_start3A_86] : memref<10240x128xf32, #tpu.memory_space<vmem_shared>> -> memref<10240x128xf32, #tpu.memory_space<vmem_shared>>
        tpu.enqueue_indirect_dma source(%arg9 : memref<128x128xf32, #tpu.memory_space<vmem>>) target(%dma_start3A_87 : memref<10240x128xf32, #tpu.memory_space<vmem_shared>>) offsets(%dma_start3A_84 : memref<128xi32, #tpu.memory_space<vmem>>) semaphore(%run_scoped3A_81 : memref<!tpu.dma_semaphore, #tpu.memory_space<semaphore_mem>>) {add = true}
        %dma_wait3A_88 = arith.constant 0 : i32
        %dma_wait3A_89 = tpu.memref_slice %arg8[%add3A_48, %dma_wait3A_88] : memref<48x128xi32, #tpu.memory_space<vmem>> -> memref<1x128xi32, #tpu.memory_space<vmem>>
        %dma_wait3A_90 = tpu.memref_squeeze %dma_wait3A_89 : memref<1x128xi32, #tpu.memory_space<vmem>> -> memref<128xi32, #tpu.memory_space<vmem>>
        %dma_wait3A_91 = arith.constant 0 : i32
        %dma_wait3A_92 = arith.constant 0 : i32
        %dma_wait3A_93 = tpu.memref_slice %arg11[%dma_wait3A_91, %dma_wait3A_92] : memref<10240x128xf32, #tpu.memory_space<vmem_shared>> -> memref<10240x128xf32, #tpu.memory_space<vmem_shared>>
        tpu.wait_indirect_dma semaphore(%run_scoped3A_81 : memref<!tpu.dma_semaphore, #tpu.memory_space<semaphore_mem>>) src(%arg9 : memref<128x128xf32, #tpu.memory_space<vmem>>) dst(%dma_wait3A_93 : memref<10240x128xf32, #tpu.memory_space<vmem_shared>>)
        tpu.yield
      }) : () -> ()
      %add3A_55 = arith.constant 2 : i32
      %add3A_56 = arith.addi %add3A_48, %add3A_55 : i32
      %dma_start3A_57 = arith.constant 0 : i32
      %dma_start3A_58 = tpu.memref_slice %arg7[%add3A_56, %dma_start3A_57] : memref<48x128xi32, #tpu.memory_space<vmem>> -> memref<1x128xi32, #tpu.memory_space<vmem>>
      %dma_start3A_59 = tpu.memref_squeeze %dma_start3A_58 : memref<1x128xi32, #tpu.memory_space<vmem>> -> memref<128xi32, #tpu.memory_space<vmem>>
      %dma_start3A_60 = arith.constant 0 : i32
      %dma_start3A_61 = arith.constant 0 : i32
      %dma_start3A_62 = tpu.memref_slice %arg2[%dma_start3A_60, %dma_start3A_61] : memref<10240x128xf32, #tpu.memory_space<hbm>> -> memref<10240x128xf32, #tpu.memory_space<hbm>>
      tpu.enqueue_indirect_dma source(%dma_start3A_62 : memref<10240x128xf32, #tpu.memory_space<hbm>>) target(%arg9 : memref<128x128xf32, #tpu.memory_space<vmem>>) offsets(%dma_start3A_59 : memref<128xi32, #tpu.memory_space<vmem>>) semaphore(%arg12 : memref<!tpu.dma_semaphore, #tpu.memory_space<semaphore_mem>>)
      %mul3A_63 = arith.constant 2 : i32
      %mul3A_64 = arith.muli %scan3A_44, %mul3A_63 : i32
      %add3A_65 = arith.constant 1 : i32
      %add3A_66 = arith.addi %mul3A_64, %add3A_65 : i32
      %dma_wait3A_67 = arith.constant 0 : i32
      %dma_wait3A_68 = tpu.memref_slice %arg7[%add3A_66, %dma_wait3A_67] : memref<48x128xi32, #tpu.memory_space<vmem>> -> memref<1x128xi32, #tpu.memory_space<vmem>>
      %dma_wait3A_69 = tpu.memref_squeeze %dma_wait3A_68 : memref<1x128xi32, #tpu.memory_space<vmem>> -> memref<128xi32, #tpu.memory_space<vmem>>
      %dma_wait3A_70 = arith.constant 0 : i32
      %dma_wait3A_71 = arith.constant 0 : i32
      %dma_wait3A_72 = tpu.memref_slice %arg2[%dma_wait3A_70, %dma_wait3A_71] : memref<10240x128xf32, #tpu.memory_space<hbm>> -> memref<10240x128xf32, #tpu.memory_space<hbm>>
      tpu.wait_indirect_dma semaphore(%arg13 : memref<!tpu.dma_semaphore, #tpu.memory_space<semaphore_mem>>) src(%dma_wait3A_72 : memref<10240x128xf32, #tpu.memory_space<hbm>>) dst(%arg10 : memref<128x128xf32, #tpu.memory_space<vmem>>)
      "tpu.region"() ({
        %run_scoped3A_81 = tpu.sem_alloc : memref<!tpu.dma_semaphore, #tpu.memory_space<semaphore_mem>>
        %dma_start3A_82 = arith.constant 0 : i32
        %dma_start3A_83 = tpu.memref_slice %arg8[%add3A_66, %dma_start3A_82] : memref<48x128xi32, #tpu.memory_space<vmem>> -> memref<1x128xi32, #tpu.memory_space<vmem>>
        %dma_start3A_84 = tpu.memref_squeeze %dma_start3A_83 : memref<1x128xi32, #tpu.memory_space<vmem>> -> memref<128xi32, #tpu.memory_space<vmem>>
        %dma_start3A_85 = arith.constant 0 : i32
        %dma_start3A_86 = arith.constant 0 : i32
        %dma_start3A_87 = tpu.memref_slice %arg11[%dma_start3A_85, %dma_start3A_86] : memref<10240x128xf32, #tpu.memory_space<vmem_shared>> -> memref<10240x128xf32, #tpu.memory_space<vmem_shared>>
        tpu.enqueue_indirect_dma source(%arg10 : memref<128x128xf32, #tpu.memory_space<vmem>>) target(%dma_start3A_87 : memref<10240x128xf32, #tpu.memory_space<vmem_shared>>) offsets(%dma_start3A_84 : memref<128xi32, #tpu.memory_space<vmem>>) semaphore(%run_scoped3A_81 : memref<!tpu.dma_semaphore, #tpu.memory_space<semaphore_mem>>) {add = true}
        %dma_wait3A_88 = arith.constant 0 : i32
        %dma_wait3A_89 = tpu.memref_slice %arg8[%add3A_66, %dma_wait3A_88] : memref<48x128xi32, #tpu.memory_space<vmem>> -> memref<1x128xi32, #tpu.memory_space<vmem>>
        %dma_wait3A_90 = tpu.memref_squeeze %dma_wait3A_89 : memref<1x128xi32, #tpu.memory_space<vmem>> -> memref<128xi32, #tpu.memory_space<vmem>>
        %dma_wait3A_91 = arith.constant 0 : i32
        %dma_wait3A_92 = arith.constant 0 : i32
        %dma_wait3A_93 = tpu.memref_slice %arg11[%dma_wait3A_91, %dma_wait3A_92] : memref<10240x128xf32, #tpu.memory_space<vmem_shared>> -> memref<10240x128xf32, #tpu.memory_space<vmem_shared>>
        tpu.wait_indirect_dma semaphore(%run_scoped3A_81 : memref<!tpu.dma_semaphore, #tpu.memory_space<semaphore_mem>>) src(%arg10 : memref<128x128xf32, #tpu.memory_space<vmem>>) dst(%dma_wait3A_93 : memref<10240x128xf32, #tpu.memory_space<vmem_shared>>)
        tpu.yield
      }) : () -> ()
      %add3A_73 = arith.constant 2 : i32
      %add3A_74 = arith.addi %add3A_66, %add3A_73 : i32
      %dma_start3A_75 = arith.constant 0 : i32
      %dma_start3A_76 = tpu.memref_slice %arg7[%add3A_74, %dma_start3A_75] : memref<48x128xi32, #tpu.memory_space<vmem>> -> memref<1x128xi32, #tpu.memory_space<vmem>>
      %dma_start3A_77 = tpu.memref_squeeze %dma_start3A_76 : memref<1x128xi32, #tpu.memory_space<vmem>> -> memref<128xi32, #tpu.memory_space<vmem>>
      %dma_start3A_78 = arith.constant 0 : i32
      %dma_start3A_79 = arith.constant 0 : i32
      %dma_start3A_80 = tpu.memref_slice %arg2[%dma_start3A_78, %dma_start3A_79] : memref<10240x128xf32, #tpu.memory_space<hbm>> -> memref<10240x128xf32, #tpu.memory_space<hbm>>
      tpu.enqueue_indirect_dma source(%dma_start3A_80 : memref<10240x128xf32, #tpu.memory_space<hbm>>) target(%arg10 : memref<128x128xf32, #tpu.memory_space<vmem>>) offsets(%dma_start3A_77 : memref<128xi32, #tpu.memory_space<vmem>>) semaphore(%arg13 : memref<!tpu.dma_semaphore, #tpu.memory_space<semaphore_mem>>)
    }
    %scan3A_26 = arith.constant 19 : i32
    %dma_wait3A = arith.constant 38 : i32
    %dma_wait3A_27 = arith.constant 0 : i32
    %dma_wait3A_28 = tpu.memref_slice %arg7[%dma_wait3A, %dma_wait3A_27] : memref<48x128xi32, #tpu.memory_space<vmem>> -> memref<1x128xi32, #tpu.memory_space<vmem>>
    %dma_wait3A_29 = tpu.memref_squeeze %dma_wait3A_28 : memref<1x128xi32, #tpu.memory_space<vmem>> -> memref<128xi32, #tpu.memory_space<vmem>>
    %dma_wait3A_30 = arith.constant 0 : i32
    %dma_wait3A_31 = arith.constant 0 : i32
    %dma_wait3A_32 = tpu.memref_slice %arg2[%dma_wait3A_30, %dma_wait3A_31] : memref<10240x128xf32, #tpu.memory_space<hbm>> -> memref<10240x128xf32, #tpu.memory_space<hbm>>
    tpu.wait_indirect_dma semaphore(%arg12 : memref<!tpu.dma_semaphore, #tpu.memory_space<semaphore_mem>>) src(%dma_wait3A_32 : memref<10240x128xf32, #tpu.memory_space<hbm>>) dst(%arg9 : memref<128x128xf32, #tpu.memory_space<vmem>>)
    %run_scoped3A = arith.constant 38 : i32
    "tpu.region"() ({
      %run_scoped3A_44 = tpu.sem_alloc : memref<!tpu.dma_semaphore, #tpu.memory_space<semaphore_mem>>
      %dma_start3A_45 = arith.constant 0 : i32
      %dma_start3A_46 = tpu.memref_slice %arg8[%run_scoped3A, %dma_start3A_45] : memref<48x128xi32, #tpu.memory_space<vmem>> -> memref<1x128xi32, #tpu.memory_space<vmem>>
      %dma_start3A_47 = tpu.memref_squeeze %dma_start3A_46 : memref<1x128xi32, #tpu.memory_space<vmem>> -> memref<128xi32, #tpu.memory_space<vmem>>
      %dma_start3A_48 = arith.constant 0 : i32
      %dma_start3A_49 = arith.constant 0 : i32
      %dma_start3A_50 = tpu.memref_slice %arg11[%dma_start3A_48, %dma_start3A_49] : memref<10240x128xf32, #tpu.memory_space<vmem_shared>> -> memref<10240x128xf32, #tpu.memory_space<vmem_shared>>
      tpu.enqueue_indirect_dma source(%arg9 : memref<128x128xf32, #tpu.memory_space<vmem>>) target(%dma_start3A_50 : memref<10240x128xf32, #tpu.memory_space<vmem_shared>>) offsets(%dma_start3A_47 : memref<128xi32, #tpu.memory_space<vmem>>) semaphore(%run_scoped3A_44 : memref<!tpu.dma_semaphore, #tpu.memory_space<semaphore_mem>>) {add = true}
      %dma_wait3A_51 = arith.constant 0 : i32
      %dma_wait3A_52 = tpu.memref_slice %arg8[%run_scoped3A, %dma_wait3A_51] : memref<48x128xi32, #tpu.memory_space<vmem>> -> memref<1x128xi32, #tpu.memory_space<vmem>>
      %dma_wait3A_53 = tpu.memref_squeeze %dma_wait3A_52 : memref<1x128xi32, #tpu.memory_space<vmem>> -> memref<128xi32, #tpu.memory_space<vmem>>
      %dma_wait3A_54 = arith.constant 0 : i32
      %dma_wait3A_55 = arith.constant 0 : i32
      %dma_wait3A_56 = tpu.memref_slice %arg11[%dma_wait3A_54, %dma_wait3A_55] : memref<10240x128xf32, #tpu.memory_space<vmem_shared>> -> memref<10240x128xf32, #tpu.memory_space<vmem_shared>>
      tpu.wait_indirect_dma semaphore(%run_scoped3A_44 : memref<!tpu.dma_semaphore, #tpu.memory_space<semaphore_mem>>) src(%arg9 : memref<128x128xf32, #tpu.memory_space<vmem>>) dst(%dma_wait3A_56 : memref<10240x128xf32, #tpu.memory_space<vmem_shared>>)
      tpu.yield
    }) : () -> ()
    %dma_wait3A_33 = arith.constant 39 : i32
    %dma_wait3A_34 = arith.constant 0 : i32
    %dma_wait3A_35 = tpu.memref_slice %arg7[%dma_wait3A_33, %dma_wait3A_34] : memref<48x128xi32, #tpu.memory_space<vmem>> -> memref<1x128xi32, #tpu.memory_space<vmem>>
    %dma_wait3A_36 = tpu.memref_squeeze %dma_wait3A_35 : memref<1x128xi32, #tpu.memory_space<vmem>> -> memref<128xi32, #tpu.memory_space<vmem>>
    %dma_wait3A_37 = arith.constant 0 : i32
    %dma_wait3A_38 = arith.constant 0 : i32
    %dma_wait3A_39 = tpu.memref_slice %arg2[%dma_wait3A_37, %dma_wait3A_38] : memref<10240x128xf32, #tpu.memory_space<hbm>> -> memref<10240x128xf32, #tpu.memory_space<hbm>>
    tpu.wait_indirect_dma semaphore(%arg13 : memref<!tpu.dma_semaphore, #tpu.memory_space<semaphore_mem>>) src(%dma_wait3A_39 : memref<10240x128xf32, #tpu.memory_space<hbm>>) dst(%arg10 : memref<128x128xf32, #tpu.memory_space<vmem>>)
    %run_scoped3A_40 = arith.constant 39 : i32
    "tpu.region"() ({
      %run_scoped3A_44 = tpu.sem_alloc : memref<!tpu.dma_semaphore, #tpu.memory_space<semaphore_mem>>
      %dma_start3A_45 = arith.constant 0 : i32
      %dma_start3A_46 = tpu.memref_slice %arg8[%run_scoped3A_40, %dma_start3A_45] : memref<48x128xi32, #tpu.memory_space<vmem>> -> memref<1x128xi32, #tpu.memory_space<vmem>>
      %dma_start3A_47 = tpu.memref_squeeze %dma_start3A_46 : memref<1x128xi32, #tpu.memory_space<vmem>> -> memref<128xi32, #tpu.memory_space<vmem>>
      %dma_start3A_48 = arith.constant 0 : i32
      %dma_start3A_49 = arith.constant 0 : i32
      %dma_start3A_50 = tpu.memref_slice %arg11[%dma_start3A_48, %dma_start3A_49] : memref<10240x128xf32, #tpu.memory_space<vmem_shared>> -> memref<10240x128xf32, #tpu.memory_space<vmem_shared>>
      tpu.enqueue_indirect_dma source(%arg10 : memref<128x128xf32, #tpu.memory_space<vmem>>) target(%dma_start3A_50 : memref<10240x128xf32, #tpu.memory_space<vmem_shared>>) offsets(%dma_start3A_47 : memref<128xi32, #tpu.memory_space<vmem>>) semaphore(%run_scoped3A_44 : memref<!tpu.dma_semaphore, #tpu.memory_space<semaphore_mem>>) {add = true}
      %dma_wait3A_51 = arith.constant 0 : i32
      %dma_wait3A_52 = tpu.memref_slice %arg8[%run_scoped3A_40, %dma_wait3A_51] : memref<48x128xi32, #tpu.memory_space<vmem>> -> memref<1x128xi32, #tpu.memory_space<vmem>>
      %dma_wait3A_53 = tpu.memref_squeeze %dma_wait3A_52 : memref<1x128xi32, #tpu.memory_space<vmem>> -> memref<128xi32, #tpu.memory_space<vmem>>
      %dma_wait3A_54 = arith.constant 0 : i32
      %dma_wait3A_55 = arith.constant 0 : i32
      %dma_wait3A_56 = tpu.memref_slice %arg11[%dma_wait3A_54, %dma_wait3A_55] : memref<10240x128xf32, #tpu.memory_space<vmem_shared>> -> memref<10240x128xf32, #tpu.memory_space<vmem_shared>>
      tpu.wait_indirect_dma semaphore(%run_scoped3A_44 : memref<!tpu.dma_semaphore, #tpu.memory_space<semaphore_mem>>) src(%arg10 : memref<128x128xf32, #tpu.memory_space<vmem>>) dst(%dma_wait3A_56 : memref<10240x128xf32, #tpu.memory_space<vmem_shared>>)
      tpu.yield
    }) : () -> ()
    %barrier3A_41 = arith.constant 0 : index
    tpu.barrier barrier_id(%barrier3A_41)
    %mul3A_42 = arith.constant 640 : i32
    %mul3A_43 = arith.muli %arg1, %mul3A_42 : i32
    "tpu.region"() ({
      %run_scoped3A_44 = tpu.sem_alloc : memref<!tpu.dma_semaphore, #tpu.memory_space<semaphore_mem>>
      %dma_start3A_45 = arith.constant 0 : i32
      %dma_start3A_46 = tpu.memref_slice %arg6[%arg0, %mul3A_43, %dma_start3A_45] : memref<2x10240x128xf32, #tpu.memory_space<hbm>> -> memref<1x640x128xf32, #tpu.memory_space<hbm>>
      %dma_start3A_47 = tpu.memref_squeeze %dma_start3A_46 : memref<1x640x128xf32, #tpu.memory_space<hbm>> -> memref<640x128xf32, #tpu.memory_space<hbm>>
      %dma_start3A_48 = arith.constant 0 : i32
      %dma_start3A_49 = tpu.memref_slice %arg11[%mul3A_43, %dma_start3A_48] : memref<10240x128xf32, #tpu.memory_space<vmem_shared>> -> memref<640x128xf32, #tpu.memory_space<vmem_shared>>
      tpu.enqueue_dma source(%dma_start3A_49 : memref<640x128xf32, #tpu.memory_space<vmem_shared>>) target(%dma_start3A_47 : memref<640x128xf32, #tpu.memory_space<hbm>>) target_semaphore(%run_scoped3A_44 : memref<!tpu.dma_semaphore, #tpu.memory_space<semaphore_mem>>)
      %dma_wait3A_50 = arith.constant 0 : i32
      %dma_wait3A_51 = tpu.memref_slice %arg6[%arg0, %mul3A_43, %dma_wait3A_50] : memref<2x10240x128xf32, #tpu.memory_space<hbm>> -> memref<1x640x128xf32, #tpu.memory_space<hbm>>
      %dma_wait3A_52 = tpu.memref_squeeze %dma_wait3A_51 : memref<1x640x128xf32, #tpu.memory_space<hbm>> -> memref<640x128xf32, #tpu.memory_space<hbm>>
      %dma_wait3A_53 = arith.constant 0 : i32
      %dma_wait3A_54 = tpu.memref_slice %arg11[%mul3A_43, %dma_wait3A_53] : memref<10240x128xf32, #tpu.memory_space<vmem_shared>> -> memref<640x128xf32, #tpu.memory_space<vmem_shared>>
      tpu.wait_dma2 semaphore(%run_scoped3A_44 : memref<!tpu.dma_semaphore, #tpu.memory_space<semaphore_mem>>) src(%dma_wait3A_54 : memref<640x128xf32, #tpu.memory_space<vmem_shared>>) dst(%dma_wait3A_52 : memref<640x128xf32, #tpu.memory_space<hbm>>)
      tpu.yield
    }) : () -> ()
    return
  }
}

#map = affine_map<(d0, d1) -> (0, 0)>
#map1 = affine_map<(d0, d1) -> (0, 0, 0)>
module attributes {stable_mosaic.version = 14 : i64} {
  func.func @_sc_gather_scatter(%arg0: i32, %arg1: i32, %arg2: memref<10240x128xf32, #tpu.memory_space<hbm>>, %arg3: memref<32x80x128xi32, #tpu.memory_space<hbm>>, %arg4: memref<32x80x128xi32, #tpu.memory_space<hbm>>, %arg5: memref<640x128xf32, #tpu.memory_space<hbm>>, %arg6: memref<2x10240x128xf32, #tpu.memory_space<hbm>>, %arg7: memref<48x128xi32, #tpu.memory_space<vmem>>, %arg8: memref<48x128xi32, #tpu.memory_space<vmem>>, %arg9: memref<128x128xf32, #tpu.memory_space<vmem>>, %arg10: memref<128x128xf32, #tpu.memory_space<vmem>>, %arg11: memref<10240x128xf32, #tpu.memory_space<vmem_shared>>, %arg12: memref<!tpu.dma_semaphore, #tpu.memory_space<semaphore_mem>>, %arg13: memref<!tpu.dma_semaphore, #tpu.memory_space<semaphore_mem>>) attributes {dimension_semantics = [#tpu.dimension_semantics<core_parallel>, #tpu.dimension_semantics<subcore_parallel>], iteration_bounds = array<i64: 2, 16>, scalar_prefetch = 0 : i64, scratch_operands = 7 : i64, tpu.core_type = #tpu.core_type<sc_vector_subcore>, window_params = [{transform_indices = #map}, {transform_indices = #map1}, {transform_indices = #map1}, {transform_indices = #map}, {transform_indices = #map1}]} {
    %mul3A = arith.constant 2 : i32
    %mul3A_0 = arith.muli %arg1, %mul3A : i32
    %add3A = arith.addi %mul3A_0, %arg0 : i32
    %mul3A_1 = arith.constant 640 : i32
    %mul3A_2 = arith.muli %arg1, %mul3A_1 : i32
    "tpu.region"() ({
      %run_scoped3A_44 = tpu.sem_alloc : memref<!tpu.dma_semaphore, #tpu.memory_space<semaphore_mem>>
      %dma_start3A_45 = arith.constant 0 : i32
      %dma_start3A_46 = tpu.memref_slice %arg11[%mul3A_2, %dma_start3A_45] : memref<10240x128xf32, #tpu.memory_space<vmem_shared>> -> memref<640x128xf32, #tpu.memory_space<vmem_shared>>
      tpu.enqueue_dma source(%arg5 : memref<640x128xf32, #tpu.memory_space<hbm>>) target(%dma_start3A_46 : memref<640x128xf32, #tpu.memory_space<vmem_shared>>) target_semaphore(%run_scoped3A_44 : memref<!tpu.dma_semaphore, #tpu.memory_space<semaphore_mem>>)
      %dma_wait3A_47 = arith.constant 0 : i32
      %dma_wait3A_48 = tpu.memref_slice %arg11[%mul3A_2, %dma_wait3A_47] : memref<10240x128xf32, #tpu.memory_space<vmem_shared>> -> memref<640x128xf32, #tpu.memory_space<vmem_shared>>
      tpu.wait_dma2 semaphore(%run_scoped3A_44 : memref<!tpu.dma_semaphore, #tpu.memory_space<semaphore_mem>>) src(%arg5 : memref<640x128xf32, #tpu.memory_space<hbm>>) dst(%dma_wait3A_48 : memref<640x128xf32, #tpu.memory_space<vmem_shared>>)
      tpu.yield
    }) : () -> ()
    "tpu.region"() ({
      %run_scoped3A_44 = tpu.sem_alloc : memref<!tpu.dma_semaphore, #tpu.memory_space<semaphore_mem>>
      %dma_start3A_45 = arith.constant 0 : i32
      %dma_start3A_46 = arith.constant 0 : i32
      %dma_start3A_47 = tpu.memref_slice %arg3[%add3A, %dma_start3A_45, %dma_start3A_46] : memref<32x80x128xi32, #tpu.memory_space<hbm>> -> memref<1x48x128xi32, #tpu.memory_space<hbm>>
      %dma_start3A_48 = tpu.memref_squeeze %dma_start3A_47 : memref<1x48x128xi32, #tpu.memory_space<hbm>> -> memref<48x128xi32, #tpu.memory_space<hbm>>
      %dma_start3A_49 = arith.constant 0 : i32
      %dma_start3A_50 = arith.constant 0 : i32
      %dma_start3A_51 = tpu.memref_slice %arg3[%add3A, %dma_start3A_49, %dma_start3A_50] : memref<32x80x128xi32, #tpu.memory_space<hbm>> -> memref<1x48x128xi32, #tpu.memory_space<hbm>>
      %dma_start3A_52 = tpu.memref_squeeze %dma_start3A_51 : memref<1x48x128xi32, #tpu.memory_space<hbm>> -> memref<48x128xi32, #tpu.memory_space<hbm>>
      tpu.enqueue_dma source(%dma_start3A_52 : memref<48x128xi32, #tpu.memory_space<hbm>>) target(%arg7 : memref<48x128xi32, #tpu.memory_space<vmem>>) target_semaphore(%run_scoped3A_44 : memref<!tpu.dma_semaphore, #tpu.memory_space<semaphore_mem>>)
      %dma_wait3A_53 = arith.constant 0 : i32
      %dma_wait3A_54 = arith.constant 0 : i32
      %dma_wait3A_55 = tpu.memref_slice %arg3[%add3A, %dma_wait3A_53, %dma_wait3A_54] : memref<32x80x128xi32, #tpu.memory_space<hbm>> -> memref<1x48x128xi32, #tpu.memory_space<hbm>>
      %dma_wait3A_56 = tpu.memref_squeeze %dma_wait3A_55 : memref<1x48x128xi32, #tpu.memory_space<hbm>> -> memref<48x128xi32, #tpu.memory_space<hbm>>
      %dma_wait3A_57 = arith.constant 0 : i32
      %dma_wait3A_58 = arith.constant 0 : i32
      %dma_wait3A_59 = tpu.memref_slice %arg3[%add3A, %dma_wait3A_57, %dma_wait3A_58] : memref<32x80x128xi32, #tpu.memory_space<hbm>> -> memref<1x48x128xi32, #tpu.memory_space<hbm>>
      %dma_wait3A_60 = tpu.memref_squeeze %dma_wait3A_59 : memref<1x48x128xi32, #tpu.memory_space<hbm>> -> memref<48x128xi32, #tpu.memory_space<hbm>>
      tpu.wait_dma2 semaphore(%run_scoped3A_44 : memref<!tpu.dma_semaphore, #tpu.memory_space<semaphore_mem>>) src(%dma_wait3A_60 : memref<48x128xi32, #tpu.memory_space<hbm>>) dst(%arg7 : memref<48x128xi32, #tpu.memory_space<vmem>>)
      tpu.yield
    }) : () -> ()
    "tpu.region"() ({
      %run_scoped3A_44 = tpu.sem_alloc : memref<!tpu.dma_semaphore, #tpu.memory_space<semaphore_mem>>
      %dma_start3A_45 = arith.constant 0 : i32
      %dma_start3A_46 = arith.constant 0 : i32
      %dma_start3A_47 = tpu.memref_slice %arg4[%add3A, %dma_start3A_45, %dma_start3A_46] : memref<32x80x128xi32, #tpu.memory_space<hbm>> -> memref<1x48x128xi32, #tpu.memory_space<hbm>>
      %dma_start3A_48 = tpu.memref_squeeze %dma_start3A_47 : memref<1x48x128xi32, #tpu.memory_space<hbm>> -> memref<48x128xi32, #tpu.memory_space<hbm>>
      %dma_start3A_49 = arith.constant 0 : i32
      %dma_start3A_50 = arith.constant 0 : i32
      %dma_start3A_51 = tpu.memref_slice %arg4[%add3A, %dma_start3A_49, %dma_start3A_50] : memref<32x80x128xi32, #tpu.memory_space<hbm>> -> memref<1x48x128xi32, #tpu.memory_space<hbm>>
      %dma_start3A_52 = tpu.memref_squeeze %dma_start3A_51 : memref<1x48x128xi32, #tpu.memory_space<hbm>> -> memref<48x128xi32, #tpu.memory_space<hbm>>
      tpu.enqueue_dma source(%dma_start3A_52 : memref<48x128xi32, #tpu.memory_space<hbm>>) target(%arg8 : memref<48x128xi32, #tpu.memory_space<vmem>>) target_semaphore(%run_scoped3A_44 : memref<!tpu.dma_semaphore, #tpu.memory_space<semaphore_mem>>)
      %dma_wait3A_53 = arith.constant 0 : i32
      %dma_wait3A_54 = arith.constant 0 : i32
      %dma_wait3A_55 = tpu.memref_slice %arg4[%add3A, %dma_wait3A_53, %dma_wait3A_54] : memref<32x80x128xi32, #tpu.memory_space<hbm>> -> memref<1x48x128xi32, #tpu.memory_space<hbm>>
      %dma_wait3A_56 = tpu.memref_squeeze %dma_wait3A_55 : memref<1x48x128xi32, #tpu.memory_space<hbm>> -> memref<48x128xi32, #tpu.memory_space<hbm>>
      %dma_wait3A_57 = arith.constant 0 : i32
      %dma_wait3A_58 = arith.constant 0 : i32
      %dma_wait3A_59 = tpu.memref_slice %arg4[%add3A, %dma_wait3A_57, %dma_wait3A_58] : memref<32x80x128xi32, #tpu.memory_space<hbm>> -> memref<1x48x128xi32, #tpu.memory_space<hbm>>
      %dma_wait3A_60 = tpu.memref_squeeze %dma_wait3A_59 : memref<1x48x128xi32, #tpu.memory_space<hbm>> -> memref<48x128xi32, #tpu.memory_space<hbm>>
      tpu.wait_dma2 semaphore(%run_scoped3A_44 : memref<!tpu.dma_semaphore, #tpu.memory_space<semaphore_mem>>) src(%dma_wait3A_60 : memref<48x128xi32, #tpu.memory_space<hbm>>) dst(%arg8 : memref<48x128xi32, #tpu.memory_space<vmem>>)
      tpu.yield
    }) : () -> ()
    %barrier3A = arith.constant 0 : index
    tpu.barrier barrier_id(%barrier3A)
    %dma_start3A = arith.constant 0 : i32
    %dma_start3A_3 = arith.constant 0 : i32
    %dma_start3A_4 = tpu.memref_slice %arg7[%dma_start3A, %dma_start3A_3] : memref<48x128xi32, #tpu.memory_space<vmem>> -> memref<1x128xi32, #tpu.memory_space<vmem>>
    %dma_start3A_5 = tpu.memref_squeeze %dma_start3A_4 : memref<1x128xi32, #tpu.memory_space<vmem>> -> memref<128xi32, #tpu.memory_space<vmem>>
    %dma_start3A_6 = arith.constant 0 : i32
    %dma_start3A_7 = arith.constant 0 : i32
    %dma_start3A_8 = tpu.memref_slice %arg2[%dma_start3A_6, %dma_start3A_7] : memref<10240x128xf32, #tpu.memory_space<hbm>> -> memref<10240x128xf32, #tpu.memory_space<hbm>>
    tpu.enqueue_indirect_dma source(%dma_start3A_8 : memref<10240x128xf32, #tpu.memory_space<hbm>>) target(%arg9 : memref<128x128xf32, #tpu.memory_space<vmem>>) offsets(%dma_start3A_5 : memref<128xi32, #tpu.memory_space<vmem>>) semaphore(%arg12 : memref<!tpu.dma_semaphore, #tpu.memory_space<semaphore_mem>>)
    %dma_start3A_9 = arith.constant 1 : i32
    %dma_start3A_10 = arith.constant 0 : i32
    %dma_start3A_11 = tpu.memref_slice %arg7[%dma_start3A_9, %dma_start3A_10] : memref<48x128xi32, #tpu.memory_space<vmem>> -> memref<1x128xi32, #tpu.memory_space<vmem>>
    %dma_start3A_12 = tpu.memref_squeeze %dma_start3A_11 : memref<1x128xi32, #tpu.memory_space<vmem>> -> memref<128xi32, #tpu.memory_space<vmem>>
    %dma_start3A_13 = arith.constant 0 : i32
    %dma_start3A_14 = arith.constant 0 : i32
    %dma_start3A_15 = tpu.memref_slice %arg2[%dma_start3A_13, %dma_start3A_14] : memref<10240x128xf32, #tpu.memory_space<hbm>> -> memref<10240x128xf32, #tpu.memory_space<hbm>>
    tpu.enqueue_indirect_dma source(%dma_start3A_15 : memref<10240x128xf32, #tpu.memory_space<hbm>>) target(%arg10 : memref<128x128xf32, #tpu.memory_space<vmem>>) offsets(%dma_start3A_12 : memref<128xi32, #tpu.memory_space<vmem>>) semaphore(%arg13 : memref<!tpu.dma_semaphore, #tpu.memory_space<semaphore_mem>>)
    %scan3A = arith.constant 0 : i32
    %scan3A_16 = arith.constant 0 : i32
    %scan3A_17 = arith.constant 20 : i32
    %scan3A_18 = arith.addi %scan3A_16, %scan3A_17 : i32
    %scan3A_19 = arith.constant 1 : i32
    scf.for %scan3A_44 = %scan3A_16 to %scan3A_18 step %scan3A_19  : i32 {
      %mul3A_45 = arith.constant 2 : i32
      %mul3A_46 = arith.muli %scan3A_44, %mul3A_45 : i32
      %add3A_47 = arith.constant 0 : i32
      %add3A_48 = arith.addi %mul3A_46, %add3A_47 : i32
      %dma_wait3A_49 = arith.constant 0 : i32
      %dma_wait3A_50 = tpu.memref_slice %arg7[%add3A_48, %dma_wait3A_49] : memref<48x128xi32, #tpu.memory_space<vmem>> -> memref<1x128xi32, #tpu.memory_space<vmem>>
      %dma_wait3A_51 = tpu.memref_squeeze %dma_wait3A_50 : memref<1x128xi32, #tpu.memory_space<vmem>> -> memref<128xi32, #tpu.memory_space<vmem>>
      %dma_wait3A_52 = arith.constant 0 : i32
      %dma_wait3A_53 = arith.constant 0 : i32
      %dma_wait3A_54 = tpu.memref_slice %arg2[%dma_wait3A_52, %dma_wait3A_53] : memref<10240x128xf32, #tpu.memory_space<hbm>> -> memref<10240x128xf32, #tpu.memory_space<hbm>>
      tpu.wait_indirect_dma semaphore(%arg12 : memref<!tpu.dma_semaphore, #tpu.memory_space<semaphore_mem>>) src(%dma_wait3A_54 : memref<10240x128xf32, #tpu.memory_space<hbm>>) dst(%arg9 : memref<128x128xf32, #tpu.memory_space<vmem>>)
      "tpu.region"() ({
        %run_scoped3A_81 = tpu.sem_alloc : memref<!tpu.dma_semaphore, #tpu.memory_space<semaphore_mem>>
        %dma_start3A_82 = arith.constant 0 : i32
        %dma_start3A_83 = tpu.memref_slice %arg8[%add3A_48, %dma_start3A_82] : memref<48x128xi32, #tpu.memory_space<vmem>> -> memref<1x128xi32, #tpu.memory_space<vmem>>
        %dma_start3A_84 = tpu.memref_squeeze %dma_start3A_83 : memref<1x128xi32, #tpu.memory_space<vmem>> -> memref<128xi32, #tpu.memory_space<vmem>>
        %dma_start3A_85 = arith.constant 0 : i32
        %dma_start3A_86 = arith.constant 0 : i32
        %dma_start3A_87 = tpu.memref_slice %arg11[%dma_start3A_85, %dma_start3A_86] : memref<10240x128xf32, #tpu.memory_space<vmem_shared>> -> memref<10240x128xf32, #tpu.memory_space<vmem_shared>>
        tpu.enqueue_indirect_dma source(%arg9 : memref<128x128xf32, #tpu.memory_space<vmem>>) target(%dma_start3A_87 : memref<10240x128xf32, #tpu.memory_space<vmem_shared>>) offsets(%dma_start3A_84 : memref<128xi32, #tpu.memory_space<vmem>>) semaphore(%run_scoped3A_81 : memref<!tpu.dma_semaphore, #tpu.memory_space<semaphore_mem>>) {add = true}
        %dma_wait3A_88 = arith.constant 0 : i32
        %dma_wait3A_89 = tpu.memref_slice %arg8[%add3A_48, %dma_wait3A_88] : memref<48x128xi32, #tpu.memory_space<vmem>> -> memref<1x128xi32, #tpu.memory_space<vmem>>
        %dma_wait3A_90 = tpu.memref_squeeze %dma_wait3A_89 : memref<1x128xi32, #tpu.memory_space<vmem>> -> memref<128xi32, #tpu.memory_space<vmem>>
        %dma_wait3A_91 = arith.constant 0 : i32
        %dma_wait3A_92 = arith.constant 0 : i32
        %dma_wait3A_93 = tpu.memref_slice %arg11[%dma_wait3A_91, %dma_wait3A_92] : memref<10240x128xf32, #tpu.memory_space<vmem_shared>> -> memref<10240x128xf32, #tpu.memory_space<vmem_shared>>
        tpu.wait_indirect_dma semaphore(%run_scoped3A_81 : memref<!tpu.dma_semaphore, #tpu.memory_space<semaphore_mem>>) src(%arg9 : memref<128x128xf32, #tpu.memory_space<vmem>>) dst(%dma_wait3A_93 : memref<10240x128xf32, #tpu.memory_space<vmem_shared>>)
        tpu.yield
      }) : () -> ()
      %add3A_55 = arith.constant 2 : i32
      %add3A_56 = arith.addi %add3A_48, %add3A_55 : i32
      %dma_start3A_57 = arith.constant 0 : i32
      %dma_start3A_58 = tpu.memref_slice %arg7[%add3A_56, %dma_start3A_57] : memref<48x128xi32, #tpu.memory_space<vmem>> -> memref<1x128xi32, #tpu.memory_space<vmem>>
      %dma_start3A_59 = tpu.memref_squeeze %dma_start3A_58 : memref<1x128xi32, #tpu.memory_space<vmem>> -> memref<128xi32, #tpu.memory_space<vmem>>
      %dma_start3A_60 = arith.constant 0 : i32
      %dma_start3A_61 = arith.constant 0 : i32
      %dma_start3A_62 = tpu.memref_slice %arg2[%dma_start3A_60, %dma_start3A_61] : memref<10240x128xf32, #tpu.memory_space<hbm>> -> memref<10240x128xf32, #tpu.memory_space<hbm>>
      tpu.enqueue_indirect_dma source(%dma_start3A_62 : memref<10240x128xf32, #tpu.memory_space<hbm>>) target(%arg9 : memref<128x128xf32, #tpu.memory_space<vmem>>) offsets(%dma_start3A_59 : memref<128xi32, #tpu.memory_space<vmem>>) semaphore(%arg12 : memref<!tpu.dma_semaphore, #tpu.memory_space<semaphore_mem>>)
      %mul3A_63 = arith.constant 2 : i32
      %mul3A_64 = arith.muli %scan3A_44, %mul3A_63 : i32
      %add3A_65 = arith.constant 1 : i32
      %add3A_66 = arith.addi %mul3A_64, %add3A_65 : i32
      %dma_wait3A_67 = arith.constant 0 : i32
      %dma_wait3A_68 = tpu.memref_slice %arg7[%add3A_66, %dma_wait3A_67] : memref<48x128xi32, #tpu.memory_space<vmem>> -> memref<1x128xi32, #tpu.memory_space<vmem>>
      %dma_wait3A_69 = tpu.memref_squeeze %dma_wait3A_68 : memref<1x128xi32, #tpu.memory_space<vmem>> -> memref<128xi32, #tpu.memory_space<vmem>>
      %dma_wait3A_70 = arith.constant 0 : i32
      %dma_wait3A_71 = arith.constant 0 : i32
      %dma_wait3A_72 = tpu.memref_slice %arg2[%dma_wait3A_70, %dma_wait3A_71] : memref<10240x128xf32, #tpu.memory_space<hbm>> -> memref<10240x128xf32, #tpu.memory_space<hbm>>
      tpu.wait_indirect_dma semaphore(%arg13 : memref<!tpu.dma_semaphore, #tpu.memory_space<semaphore_mem>>) src(%dma_wait3A_72 : memref<10240x128xf32, #tpu.memory_space<hbm>>) dst(%arg10 : memref<128x128xf32, #tpu.memory_space<vmem>>)
      "tpu.region"() ({
        %run_scoped3A_81 = tpu.sem_alloc : memref<!tpu.dma_semaphore, #tpu.memory_space<semaphore_mem>>
        %dma_start3A_82 = arith.constant 0 : i32
        %dma_start3A_83 = tpu.memref_slice %arg8[%add3A_66, %dma_start3A_82] : memref<48x128xi32, #tpu.memory_space<vmem>> -> memref<1x128xi32, #tpu.memory_space<vmem>>
        %dma_start3A_84 = tpu.memref_squeeze %dma_start3A_83 : memref<1x128xi32, #tpu.memory_space<vmem>> -> memref<128xi32, #tpu.memory_space<vmem>>
        %dma_start3A_85 = arith.constant 0 : i32
        %dma_start3A_86 = arith.constant 0 : i32
        %dma_start3A_87 = tpu.memref_slice %arg11[%dma_start3A_85, %dma_start3A_86] : memref<10240x128xf32, #tpu.memory_space<vmem_shared>> -> memref<10240x128xf32, #tpu.memory_space<vmem_shared>>
        tpu.enqueue_indirect_dma source(%arg10 : memref<128x128xf32, #tpu.memory_space<vmem>>) target(%dma_start3A_87 : memref<10240x128xf32, #tpu.memory_space<vmem_shared>>) offsets(%dma_start3A_84 : memref<128xi32, #tpu.memory_space<vmem>>) semaphore(%run_scoped3A_81 : memref<!tpu.dma_semaphore, #tpu.memory_space<semaphore_mem>>) {add = true}
        %dma_wait3A_88 = arith.constant 0 : i32
        %dma_wait3A_89 = tpu.memref_slice %arg8[%add3A_66, %dma_wait3A_88] : memref<48x128xi32, #tpu.memory_space<vmem>> -> memref<1x128xi32, #tpu.memory_space<vmem>>
        %dma_wait3A_90 = tpu.memref_squeeze %dma_wait3A_89 : memref<1x128xi32, #tpu.memory_space<vmem>> -> memref<128xi32, #tpu.memory_space<vmem>>
        %dma_wait3A_91 = arith.constant 0 : i32
        %dma_wait3A_92 = arith.constant 0 : i32
        %dma_wait3A_93 = tpu.memref_slice %arg11[%dma_wait3A_91, %dma_wait3A_92] : memref<10240x128xf32, #tpu.memory_space<vmem_shared>> -> memref<10240x128xf32, #tpu.memory_space<vmem_shared>>
        tpu.wait_indirect_dma semaphore(%run_scoped3A_81 : memref<!tpu.dma_semaphore, #tpu.memory_space<semaphore_mem>>) src(%arg10 : memref<128x128xf32, #tpu.memory_space<vmem>>) dst(%dma_wait3A_93 : memref<10240x128xf32, #tpu.memory_space<vmem_shared>>)
        tpu.yield
      }) : () -> ()
      %add3A_73 = arith.constant 2 : i32
      %add3A_74 = arith.addi %add3A_66, %add3A_73 : i32
      %dma_start3A_75 = arith.constant 0 : i32
      %dma_start3A_76 = tpu.memref_slice %arg7[%add3A_74, %dma_start3A_75] : memref<48x128xi32, #tpu.memory_space<vmem>> -> memref<1x128xi32, #tpu.memory_space<vmem>>
      %dma_start3A_77 = tpu.memref_squeeze %dma_start3A_76 : memref<1x128xi32, #tpu.memory_space<vmem>> -> memref<128xi32, #tpu.memory_space<vmem>>
      %dma_start3A_78 = arith.constant 0 : i32
      %dma_start3A_79 = arith.constant 0 : i32
      %dma_start3A_80 = tpu.memref_slice %arg2[%dma_start3A_78, %dma_start3A_79] : memref<10240x128xf32, #tpu.memory_space<hbm>> -> memref<10240x128xf32, #tpu.memory_space<hbm>>
      tpu.enqueue_indirect_dma source(%dma_start3A_80 : memref<10240x128xf32, #tpu.memory_space<hbm>>) target(%arg10 : memref<128x128xf32, #tpu.memory_space<vmem>>) offsets(%dma_start3A_77 : memref<128xi32, #tpu.memory_space<vmem>>) semaphore(%arg13 : memref<!tpu.dma_semaphore, #tpu.memory_space<semaphore_mem>>)
    }
    %scan3A_20 = arith.constant 20 : i32
    "tpu.region"() ({
      %run_scoped3A_44 = tpu.sem_alloc : memref<!tpu.dma_semaphore, #tpu.memory_space<semaphore_mem>>
      %dma_start3A_45 = arith.constant 0 : i32
      %dma_start3A_46 = arith.constant 0 : i32
      %dma_start3A_47 = tpu.memref_slice %arg7[%dma_start3A_45, %dma_start3A_46] : memref<48x128xi32, #tpu.memory_space<vmem>> -> memref<40x128xi32, #tpu.memory_space<vmem>>
      %dma_start3A_48 = arith.constant 40 : i32
      %dma_start3A_49 = arith.constant 0 : i32
      %dma_start3A_50 = tpu.memref_slice %arg3[%add3A, %dma_start3A_48, %dma_start3A_49] : memref<32x80x128xi32, #tpu.memory_space<hbm>> -> memref<1x40x128xi32, #tpu.memory_space<hbm>>
      %dma_start3A_51 = tpu.memref_squeeze %dma_start3A_50 : memref<1x40x128xi32, #tpu.memory_space<hbm>> -> memref<40x128xi32, #tpu.memory_space<hbm>>
      %dma_start3A_52 = arith.constant 0 : i32
      %dma_start3A_53 = arith.constant 0 : i32
      %dma_start3A_54 = tpu.memref_slice %arg7[%dma_start3A_52, %dma_start3A_53] : memref<48x128xi32, #tpu.memory_space<vmem>> -> memref<40x128xi32, #tpu.memory_space<vmem>>
      %dma_start3A_55 = arith.constant 40 : i32
      %dma_start3A_56 = arith.constant 0 : i32
      %dma_start3A_57 = tpu.memref_slice %arg3[%add3A, %dma_start3A_55, %dma_start3A_56] : memref<32x80x128xi32, #tpu.memory_space<hbm>> -> memref<1x40x128xi32, #tpu.memory_space<hbm>>
      %dma_start3A_58 = tpu.memref_squeeze %dma_start3A_57 : memref<1x40x128xi32, #tpu.memory_space<hbm>> -> memref<40x128xi32, #tpu.memory_space<hbm>>
      tpu.enqueue_dma source(%dma_start3A_58 : memref<40x128xi32, #tpu.memory_space<hbm>>) target(%dma_start3A_54 : memref<40x128xi32, #tpu.memory_space<vmem>>) target_semaphore(%run_scoped3A_44 : memref<!tpu.dma_semaphore, #tpu.memory_space<semaphore_mem>>)
      %dma_wait3A_59 = arith.constant 0 : i32
      %dma_wait3A_60 = arith.constant 0 : i32
      %dma_wait3A_61 = tpu.memref_slice %arg7[%dma_wait3A_59, %dma_wait3A_60] : memref<48x128xi32, #tpu.memory_space<vmem>> -> memref<40x128xi32, #tpu.memory_space<vmem>>
      %dma_wait3A_62 = arith.constant 40 : i32
      %dma_wait3A_63 = arith.constant 0 : i32
      %dma_wait3A_64 = tpu.memref_slice %arg3[%add3A, %dma_wait3A_62, %dma_wait3A_63] : memref<32x80x128xi32, #tpu.memory_space<hbm>> -> memref<1x40x128xi32, #tpu.memory_space<hbm>>
      %dma_wait3A_65 = tpu.memref_squeeze %dma_wait3A_64 : memref<1x40x128xi32, #tpu.memory_space<hbm>> -> memref<40x128xi32, #tpu.memory_space<hbm>>
      %dma_wait3A_66 = arith.constant 0 : i32
      %dma_wait3A_67 = arith.constant 0 : i32
      %dma_wait3A_68 = tpu.memref_slice %arg7[%dma_wait3A_66, %dma_wait3A_67] : memref<48x128xi32, #tpu.memory_space<vmem>> -> memref<40x128xi32, #tpu.memory_space<vmem>>
      %dma_wait3A_69 = arith.constant 40 : i32
      %dma_wait3A_70 = arith.constant 0 : i32
      %dma_wait3A_71 = tpu.memref_slice %arg3[%add3A, %dma_wait3A_69, %dma_wait3A_70] : memref<32x80x128xi32, #tpu.memory_space<hbm>> -> memref<1x40x128xi32, #tpu.memory_space<hbm>>
      %dma_wait3A_72 = tpu.memref_squeeze %dma_wait3A_71 : memref<1x40x128xi32, #tpu.memory_space<hbm>> -> memref<40x128xi32, #tpu.memory_space<hbm>>
      tpu.wait_dma2 semaphore(%run_scoped3A_44 : memref<!tpu.dma_semaphore, #tpu.memory_space<semaphore_mem>>) src(%dma_wait3A_72 : memref<40x128xi32, #tpu.memory_space<hbm>>) dst(%dma_wait3A_68 : memref<40x128xi32, #tpu.memory_space<vmem>>)
      tpu.yield
    }) : () -> ()
    "tpu.region"() ({
      %run_scoped3A_44 = tpu.sem_alloc : memref<!tpu.dma_semaphore, #tpu.memory_space<semaphore_mem>>
      %dma_start3A_45 = arith.constant 0 : i32
      %dma_start3A_46 = arith.constant 0 : i32
      %dma_start3A_47 = tpu.memref_slice %arg8[%dma_start3A_45, %dma_start3A_46] : memref<48x128xi32, #tpu.memory_space<vmem>> -> memref<40x128xi32, #tpu.memory_space<vmem>>
      %dma_start3A_48 = arith.constant 40 : i32
      %dma_start3A_49 = arith.constant 0 : i32
      %dma_start3A_50 = tpu.memref_slice %arg4[%add3A, %dma_start3A_48, %dma_start3A_49] : memref<32x80x128xi32, #tpu.memory_space<hbm>> -> memref<1x40x128xi32, #tpu.memory_space<hbm>>
      %dma_start3A_51 = tpu.memref_squeeze %dma_start3A_50 : memref<1x40x128xi32, #tpu.memory_space<hbm>> -> memref<40x128xi32, #tpu.memory_space<hbm>>
      %dma_start3A_52 = arith.constant 0 : i32
      %dma_start3A_53 = arith.constant 0 : i32
      %dma_start3A_54 = tpu.memref_slice %arg8[%dma_start3A_52, %dma_start3A_53] : memref<48x128xi32, #tpu.memory_space<vmem>> -> memref<40x128xi32, #tpu.memory_space<vmem>>
      %dma_start3A_55 = arith.constant 40 : i32
      %dma_start3A_56 = arith.constant 0 : i32
      %dma_start3A_57 = tpu.memref_slice %arg4[%add3A, %dma_start3A_55, %dma_start3A_56] : memref<32x80x128xi32, #tpu.memory_space<hbm>> -> memref<1x40x128xi32, #tpu.memory_space<hbm>>
      %dma_start3A_58 = tpu.memref_squeeze %dma_start3A_57 : memref<1x40x128xi32, #tpu.memory_space<hbm>> -> memref<40x128xi32, #tpu.memory_space<hbm>>
      tpu.enqueue_dma source(%dma_start3A_58 : memref<40x128xi32, #tpu.memory_space<hbm>>) target(%dma_start3A_54 : memref<40x128xi32, #tpu.memory_space<vmem>>) target_semaphore(%run_scoped3A_44 : memref<!tpu.dma_semaphore, #tpu.memory_space<semaphore_mem>>)
      %dma_wait3A_59 = arith.constant 0 : i32
      %dma_wait3A_60 = arith.constant 0 : i32
      %dma_wait3A_61 = tpu.memref_slice %arg8[%dma_wait3A_59, %dma_wait3A_60] : memref<48x128xi32, #tpu.memory_space<vmem>> -> memref<40x128xi32, #tpu.memory_space<vmem>>
      %dma_wait3A_62 = arith.constant 40 : i32
      %dma_wait3A_63 = arith.constant 0 : i32
      %dma_wait3A_64 = tpu.memref_slice %arg4[%add3A, %dma_wait3A_62, %dma_wait3A_63] : memref<32x80x128xi32, #tpu.memory_space<hbm>> -> memref<1x40x128xi32, #tpu.memory_space<hbm>>
      %dma_wait3A_65 = tpu.memref_squeeze %dma_wait3A_64 : memref<1x40x128xi32, #tpu.memory_space<hbm>> -> memref<40x128xi32, #tpu.memory_space<hbm>>
      %dma_wait3A_66 = arith.constant 0 : i32
      %dma_wait3A_67 = arith.constant 0 : i32
      %dma_wait3A_68 = tpu.memref_slice %arg8[%dma_wait3A_66, %dma_wait3A_67] : memref<48x128xi32, #tpu.memory_space<vmem>> -> memref<40x128xi32, #tpu.memory_space<vmem>>
      %dma_wait3A_69 = arith.constant 40 : i32
      %dma_wait3A_70 = arith.constant 0 : i32
      %dma_wait3A_71 = tpu.memref_slice %arg4[%add3A, %dma_wait3A_69, %dma_wait3A_70] : memref<32x80x128xi32, #tpu.memory_space<hbm>> -> memref<1x40x128xi32, #tpu.memory_space<hbm>>
      %dma_wait3A_72 = tpu.memref_squeeze %dma_wait3A_71 : memref<1x40x128xi32, #tpu.memory_space<hbm>> -> memref<40x128xi32, #tpu.memory_space<hbm>>
      tpu.wait_dma2 semaphore(%run_scoped3A_44 : memref<!tpu.dma_semaphore, #tpu.memory_space<semaphore_mem>>) src(%dma_wait3A_72 : memref<40x128xi32, #tpu.memory_space<hbm>>) dst(%dma_wait3A_68 : memref<40x128xi32, #tpu.memory_space<vmem>>)
      tpu.yield
    }) : () -> ()
    %scan3A_21 = arith.constant 0 : i32
    %scan3A_22 = arith.constant 0 : i32
    %scan3A_23 = arith.constant 19 : i32
    %scan3A_24 = arith.addi %scan3A_22, %scan3A_23 : i32
    %scan3A_25 = arith.constant 1 : i32
    scf.for %scan3A_44 = %scan3A_22 to %scan3A_24 step %scan3A_25  : i32 {
      %mul3A_45 = arith.constant 2 : i32
      %mul3A_46 = arith.muli %scan3A_44, %mul3A_45 : i32
      %add3A_47 = arith.constant 0 : i32
      %add3A_48 = arith.addi %mul3A_46, %add3A_47 : i32
      %dma_wait3A_49 = arith.constant 0 : i32
      %dma_wait3A_50 = tpu.memref_slice %arg7[%add3A_48, %dma_wait3A_49] : memref<48x128xi32, #tpu.memory_space<vmem>> -> memref<1x128xi32, #tpu.memory_space<vmem>>
      %dma_wait3A_51 = tpu.memref_squeeze %dma_wait3A_50 : memref<1x128xi32, #tpu.memory_space<vmem>> -> memref<128xi32, #tpu.memory_space<vmem>>
      %dma_wait3A_52 = arith.constant 0 : i32
      %dma_wait3A_53 = arith.constant 0 : i32
      %dma_wait3A_54 = tpu.memref_slice %arg2[%dma_wait3A_52, %dma_wait3A_53] : memref<10240x128xf32, #tpu.memory_space<hbm>> -> memref<10240x128xf32, #tpu.memory_space<hbm>>
      tpu.wait_indirect_dma semaphore(%arg12 : memref<!tpu.dma_semaphore, #tpu.memory_space<semaphore_mem>>) src(%dma_wait3A_54 : memref<10240x128xf32, #tpu.memory_space<hbm>>) dst(%arg9 : memref<128x128xf32, #tpu.memory_space<vmem>>)
      "tpu.region"() ({
        %run_scoped3A_81 = tpu.sem_alloc : memref<!tpu.dma_semaphore, #tpu.memory_space<semaphore_mem>>
        %dma_start3A_82 = arith.constant 0 : i32
        %dma_start3A_83 = tpu.memref_slice %arg8[%add3A_48, %dma_start3A_82] : memref<48x128xi32, #tpu.memory_space<vmem>> -> memref<1x128xi32, #tpu.memory_space<vmem>>
        %dma_start3A_84 = tpu.memref_squeeze %dma_start3A_83 : memref<1x128xi32, #tpu.memory_space<vmem>> -> memref<128xi32, #tpu.memory_space<vmem>>
        %dma_start3A_85 = arith.constant 0 : i32
        %dma_start3A_86 = arith.constant 0 : i32
        %dma_start3A_87 = tpu.memref_slice %arg11[%dma_start3A_85, %dma_start3A_86] : memref<10240x128xf32, #tpu.memory_space<vmem_shared>> -> memref<10240x128xf32, #tpu.memory_space<vmem_shared>>
        tpu.enqueue_indirect_dma source(%arg9 : memref<128x128xf32, #tpu.memory_space<vmem>>) target(%dma_start3A_87 : memref<10240x128xf32, #tpu.memory_space<vmem_shared>>) offsets(%dma_start3A_84 : memref<128xi32, #tpu.memory_space<vmem>>) semaphore(%run_scoped3A_81 : memref<!tpu.dma_semaphore, #tpu.memory_space<semaphore_mem>>) {add = true}
        %dma_wait3A_88 = arith.constant 0 : i32
        %dma_wait3A_89 = tpu.memref_slice %arg8[%add3A_48, %dma_wait3A_88] : memref<48x128xi32, #tpu.memory_space<vmem>> -> memref<1x128xi32, #tpu.memory_space<vmem>>
        %dma_wait3A_90 = tpu.memref_squeeze %dma_wait3A_89 : memref<1x128xi32, #tpu.memory_space<vmem>> -> memref<128xi32, #tpu.memory_space<vmem>>
        %dma_wait3A_91 = arith.constant 0 : i32
        %dma_wait3A_92 = arith.constant 0 : i32
        %dma_wait3A_93 = tpu.memref_slice %arg11[%dma_wait3A_91, %dma_wait3A_92] : memref<10240x128xf32, #tpu.memory_space<vmem_shared>> -> memref<10240x128xf32, #tpu.memory_space<vmem_shared>>
        tpu.wait_indirect_dma semaphore(%run_scoped3A_81 : memref<!tpu.dma_semaphore, #tpu.memory_space<semaphore_mem>>) src(%arg9 : memref<128x128xf32, #tpu.memory_space<vmem>>) dst(%dma_wait3A_93 : memref<10240x128xf32, #tpu.memory_space<vmem_shared>>)
        tpu.yield
      }) : () -> ()
      %add3A_55 = arith.constant 2 : i32
      %add3A_56 = arith.addi %add3A_48, %add3A_55 : i32
      %dma_start3A_57 = arith.constant 0 : i32
      %dma_start3A_58 = tpu.memref_slice %arg7[%add3A_56, %dma_start3A_57] : memref<48x128xi32, #tpu.memory_space<vmem>> -> memref<1x128xi32, #tpu.memory_space<vmem>>
      %dma_start3A_59 = tpu.memref_squeeze %dma_start3A_58 : memref<1x128xi32, #tpu.memory_space<vmem>> -> memref<128xi32, #tpu.memory_space<vmem>>
      %dma_start3A_60 = arith.constant 0 : i32
      %dma_start3A_61 = arith.constant 0 : i32
      %dma_start3A_62 = tpu.memref_slice %arg2[%dma_start3A_60, %dma_start3A_61] : memref<10240x128xf32, #tpu.memory_space<hbm>> -> memref<10240x128xf32, #tpu.memory_space<hbm>>
      tpu.enqueue_indirect_dma source(%dma_start3A_62 : memref<10240x128xf32, #tpu.memory_space<hbm>>) target(%arg9 : memref<128x128xf32, #tpu.memory_space<vmem>>) offsets(%dma_start3A_59 : memref<128xi32, #tpu.memory_space<vmem>>) semaphore(%arg12 : memref<!tpu.dma_semaphore, #tpu.memory_space<semaphore_mem>>)
      %mul3A_63 = arith.constant 2 : i32
      %mul3A_64 = arith.muli %scan3A_44, %mul3A_63 : i32
      %add3A_65 = arith.constant 1 : i32
      %add3A_66 = arith.addi %mul3A_64, %add3A_65 : i32
      %dma_wait3A_67 = arith.constant 0 : i32
      %dma_wait3A_68 = tpu.memref_slice %arg7[%add3A_66, %dma_wait3A_67] : memref<48x128xi32, #tpu.memory_space<vmem>> -> memref<1x128xi32, #tpu.memory_space<vmem>>
      %dma_wait3A_69 = tpu.memref_squeeze %dma_wait3A_68 : memref<1x128xi32, #tpu.memory_space<vmem>> -> memref<128xi32, #tpu.memory_space<vmem>>
      %dma_wait3A_70 = arith.constant 0 : i32
      %dma_wait3A_71 = arith.constant 0 : i32
      %dma_wait3A_72 = tpu.memref_slice %arg2[%dma_wait3A_70, %dma_wait3A_71] : memref<10240x128xf32, #tpu.memory_space<hbm>> -> memref<10240x128xf32, #tpu.memory_space<hbm>>
      tpu.wait_indirect_dma semaphore(%arg13 : memref<!tpu.dma_semaphore, #tpu.memory_space<semaphore_mem>>) src(%dma_wait3A_72 : memref<10240x128xf32, #tpu.memory_space<hbm>>) dst(%arg10 : memref<128x128xf32, #tpu.memory_space<vmem>>)
      "tpu.region"() ({
        %run_scoped3A_81 = tpu.sem_alloc : memref<!tpu.dma_semaphore, #tpu.memory_space<semaphore_mem>>
        %dma_start3A_82 = arith.constant 0 : i32
        %dma_start3A_83 = tpu.memref_slice %arg8[%add3A_66, %dma_start3A_82] : memref<48x128xi32, #tpu.memory_space<vmem>> -> memref<1x128xi32, #tpu.memory_space<vmem>>
        %dma_start3A_84 = tpu.memref_squeeze %dma_start3A_83 : memref<1x128xi32, #tpu.memory_space<vmem>> -> memref<128xi32, #tpu.memory_space<vmem>>
        %dma_start3A_85 = arith.constant 0 : i32
        %dma_start3A_86 = arith.constant 0 : i32
        %dma_start3A_87 = tpu.memref_slice %arg11[%dma_start3A_85, %dma_start3A_86] : memref<10240x128xf32, #tpu.memory_space<vmem_shared>> -> memref<10240x128xf32, #tpu.memory_space<vmem_shared>>
        tpu.enqueue_indirect_dma source(%arg10 : memref<128x128xf32, #tpu.memory_space<vmem>>) target(%dma_start3A_87 : memref<10240x128xf32, #tpu.memory_space<vmem_shared>>) offsets(%dma_start3A_84 : memref<128xi32, #tpu.memory_space<vmem>>) semaphore(%run_scoped3A_81 : memref<!tpu.dma_semaphore, #tpu.memory_space<semaphore_mem>>) {add = true}
        %dma_wait3A_88 = arith.constant 0 : i32
        %dma_wait3A_89 = tpu.memref_slice %arg8[%add3A_66, %dma_wait3A_88] : memref<48x128xi32, #tpu.memory_space<vmem>> -> memref<1x128xi32, #tpu.memory_space<vmem>>
        %dma_wait3A_90 = tpu.memref_squeeze %dma_wait3A_89 : memref<1x128xi32, #tpu.memory_space<vmem>> -> memref<128xi32, #tpu.memory_space<vmem>>
        %dma_wait3A_91 = arith.constant 0 : i32
        %dma_wait3A_92 = arith.constant 0 : i32
        %dma_wait3A_93 = tpu.memref_slice %arg11[%dma_wait3A_91, %dma_wait3A_92] : memref<10240x128xf32, #tpu.memory_space<vmem_shared>> -> memref<10240x128xf32, #tpu.memory_space<vmem_shared>>
        tpu.wait_indirect_dma semaphore(%run_scoped3A_81 : memref<!tpu.dma_semaphore, #tpu.memory_space<semaphore_mem>>) src(%arg10 : memref<128x128xf32, #tpu.memory_space<vmem>>) dst(%dma_wait3A_93 : memref<10240x128xf32, #tpu.memory_space<vmem_shared>>)
        tpu.yield
      }) : () -> ()
      %add3A_73 = arith.constant 2 : i32
      %add3A_74 = arith.addi %add3A_66, %add3A_73 : i32
      %dma_start3A_75 = arith.constant 0 : i32
      %dma_start3A_76 = tpu.memref_slice %arg7[%add3A_74, %dma_start3A_75] : memref<48x128xi32, #tpu.memory_space<vmem>> -> memref<1x128xi32, #tpu.memory_space<vmem>>
      %dma_start3A_77 = tpu.memref_squeeze %dma_start3A_76 : memref<1x128xi32, #tpu.memory_space<vmem>> -> memref<128xi32, #tpu.memory_space<vmem>>
      %dma_start3A_78 = arith.constant 0 : i32
      %dma_start3A_79 = arith.constant 0 : i32
      %dma_start3A_80 = tpu.memref_slice %arg2[%dma_start3A_78, %dma_start3A_79] : memref<10240x128xf32, #tpu.memory_space<hbm>> -> memref<10240x128xf32, #tpu.memory_space<hbm>>
      tpu.enqueue_indirect_dma source(%dma_start3A_80 : memref<10240x128xf32, #tpu.memory_space<hbm>>) target(%arg10 : memref<128x128xf32, #tpu.memory_space<vmem>>) offsets(%dma_start3A_77 : memref<128xi32, #tpu.memory_space<vmem>>) semaphore(%arg13 : memref<!tpu.dma_semaphore, #tpu.memory_space<semaphore_mem>>)
    }
    %scan3A_26 = arith.constant 19 : i32
    %dma_wait3A = arith.constant 38 : i32
    %dma_wait3A_27 = arith.constant 0 : i32
    %dma_wait3A_28 = tpu.memref_slice %arg7[%dma_wait3A, %dma_wait3A_27] : memref<48x128xi32, #tpu.memory_space<vmem>> -> memref<1x128xi32, #tpu.memory_space<vmem>>
    %dma_wait3A_29 = tpu.memref_squeeze %dma_wait3A_28 : memref<1x128xi32, #tpu.memory_space<vmem>> -> memref<128xi32, #tpu.memory_space<vmem>>
    %dma_wait3A_30 = arith.constant 0 : i32
    %dma_wait3A_31 = arith.constant 0 : i32
    %dma_wait3A_32 = tpu.memref_slice %arg2[%dma_wait3A_30, %dma_wait3A_31] : memref<10240x128xf32, #tpu.memory_space<hbm>> -> memref<10240x128xf32, #tpu.memory_space<hbm>>
    tpu.wait_indirect_dma semaphore(%arg12 : memref<!tpu.dma_semaphore, #tpu.memory_space<semaphore_mem>>) src(%dma_wait3A_32 : memref<10240x128xf32, #tpu.memory_space<hbm>>) dst(%arg9 : memref<128x128xf32, #tpu.memory_space<vmem>>)
    %run_scoped3A = arith.constant 38 : i32
    "tpu.region"() ({
      %run_scoped3A_44 = tpu.sem_alloc : memref<!tpu.dma_semaphore, #tpu.memory_space<semaphore_mem>>
      %dma_start3A_45 = arith.constant 0 : i32
      %dma_start3A_46 = tpu.memref_slice %arg8[%run_scoped3A, %dma_start3A_45] : memref<48x128xi32, #tpu.memory_space<vmem>> -> memref<1x128xi32, #tpu.memory_space<vmem>>
      %dma_start3A_47 = tpu.memref_squeeze %dma_start3A_46 : memref<1x128xi32, #tpu.memory_space<vmem>> -> memref<128xi32, #tpu.memory_space<vmem>>
      %dma_start3A_48 = arith.constant 0 : i32
      %dma_start3A_49 = arith.constant 0 : i32
      %dma_start3A_50 = tpu.memref_slice %arg11[%dma_start3A_48, %dma_start3A_49] : memref<10240x128xf32, #tpu.memory_space<vmem_shared>> -> memref<10240x128xf32, #tpu.memory_space<vmem_shared>>
      tpu.enqueue_indirect_dma source(%arg9 : memref<128x128xf32, #tpu.memory_space<vmem>>) target(%dma_start3A_50 : memref<10240x128xf32, #tpu.memory_space<vmem_shared>>) offsets(%dma_start3A_47 : memref<128xi32, #tpu.memory_space<vmem>>) semaphore(%run_scoped3A_44 : memref<!tpu.dma_semaphore, #tpu.memory_space<semaphore_mem>>) {add = true}
      %dma_wait3A_51 = arith.constant 0 : i32
      %dma_wait3A_52 = tpu.memref_slice %arg8[%run_scoped3A, %dma_wait3A_51] : memref<48x128xi32, #tpu.memory_space<vmem>> -> memref<1x128xi32, #tpu.memory_space<vmem>>
      %dma_wait3A_53 = tpu.memref_squeeze %dma_wait3A_52 : memref<1x128xi32, #tpu.memory_space<vmem>> -> memref<128xi32, #tpu.memory_space<vmem>>
      %dma_wait3A_54 = arith.constant 0 : i32
      %dma_wait3A_55 = arith.constant 0 : i32
      %dma_wait3A_56 = tpu.memref_slice %arg11[%dma_wait3A_54, %dma_wait3A_55] : memref<10240x128xf32, #tpu.memory_space<vmem_shared>> -> memref<10240x128xf32, #tpu.memory_space<vmem_shared>>
      tpu.wait_indirect_dma semaphore(%run_scoped3A_44 : memref<!tpu.dma_semaphore, #tpu.memory_space<semaphore_mem>>) src(%arg9 : memref<128x128xf32, #tpu.memory_space<vmem>>) dst(%dma_wait3A_56 : memref<10240x128xf32, #tpu.memory_space<vmem_shared>>)
      tpu.yield
    }) : () -> ()
    %dma_wait3A_33 = arith.constant 39 : i32
    %dma_wait3A_34 = arith.constant 0 : i32
    %dma_wait3A_35 = tpu.memref_slice %arg7[%dma_wait3A_33, %dma_wait3A_34] : memref<48x128xi32, #tpu.memory_space<vmem>> -> memref<1x128xi32, #tpu.memory_space<vmem>>
    %dma_wait3A_36 = tpu.memref_squeeze %dma_wait3A_35 : memref<1x128xi32, #tpu.memory_space<vmem>> -> memref<128xi32, #tpu.memory_space<vmem>>
    %dma_wait3A_37 = arith.constant 0 : i32
    %dma_wait3A_38 = arith.constant 0 : i32
    %dma_wait3A_39 = tpu.memref_slice %arg2[%dma_wait3A_37, %dma_wait3A_38] : memref<10240x128xf32, #tpu.memory_space<hbm>> -> memref<10240x128xf32, #tpu.memory_space<hbm>>
    tpu.wait_indirect_dma semaphore(%arg13 : memref<!tpu.dma_semaphore, #tpu.memory_space<semaphore_mem>>) src(%dma_wait3A_39 : memref<10240x128xf32, #tpu.memory_space<hbm>>) dst(%arg10 : memref<128x128xf32, #tpu.memory_space<vmem>>)
    %run_scoped3A_40 = arith.constant 39 : i32
    "tpu.region"() ({
      %run_scoped3A_44 = tpu.sem_alloc : memref<!tpu.dma_semaphore, #tpu.memory_space<semaphore_mem>>
      %dma_start3A_45 = arith.constant 0 : i32
      %dma_start3A_46 = tpu.memref_slice %arg8[%run_scoped3A_40, %dma_start3A_45] : memref<48x128xi32, #tpu.memory_space<vmem>> -> memref<1x128xi32, #tpu.memory_space<vmem>>
      %dma_start3A_47 = tpu.memref_squeeze %dma_start3A_46 : memref<1x128xi32, #tpu.memory_space<vmem>> -> memref<128xi32, #tpu.memory_space<vmem>>
      %dma_start3A_48 = arith.constant 0 : i32
      %dma_start3A_49 = arith.constant 0 : i32
      %dma_start3A_50 = tpu.memref_slice %arg11[%dma_start3A_48, %dma_start3A_49] : memref<10240x128xf32, #tpu.memory_space<vmem_shared>> -> memref<10240x128xf32, #tpu.memory_space<vmem_shared>>
      tpu.enqueue_indirect_dma source(%arg10 : memref<128x128xf32, #tpu.memory_space<vmem>>) target(%dma_start3A_50 : memref<10240x128xf32, #tpu.memory_space<vmem_shared>>) offsets(%dma_start3A_47 : memref<128xi32, #tpu.memory_space<vmem>>) semaphore(%run_scoped3A_44 : memref<!tpu.dma_semaphore, #tpu.memory_space<semaphore_mem>>) {add = true}
      %dma_wait3A_51 = arith.constant 0 : i32
      %dma_wait3A_52 = tpu.memref_slice %arg8[%run_scoped3A_40, %dma_wait3A_51] : memref<48x128xi32, #tpu.memory_space<vmem>> -> memref<1x128xi32, #tpu.memory_space<vmem>>
      %dma_wait3A_53 = tpu.memref_squeeze %dma_wait3A_52 : memref<1x128xi32, #tpu.memory_space<vmem>> -> memref<128xi32, #tpu.memory_space<vmem>>
      %dma_wait3A_54 = arith.constant 0 : i32
      %dma_wait3A_55 = arith.constant 0 : i32
      %dma_wait3A_56 = tpu.memref_slice %arg11[%dma_wait3A_54, %dma_wait3A_55] : memref<10240x128xf32, #tpu.memory_space<vmem_shared>> -> memref<10240x128xf32, #tpu.memory_space<vmem_shared>>
      tpu.wait_indirect_dma semaphore(%run_scoped3A_44 : memref<!tpu.dma_semaphore, #tpu.memory_space<semaphore_mem>>) src(%arg10 : memref<128x128xf32, #tpu.memory_space<vmem>>) dst(%dma_wait3A_56 : memref<10240x128xf32, #tpu.memory_space<vmem_shared>>)
      tpu.yield
    }) : () -> ()
    %barrier3A_41 = arith.constant 0 : index
    tpu.barrier barrier_id(%barrier3A_41)
    %mul3A_42 = arith.constant 640 : i32
    %mul3A_43 = arith.muli %arg1, %mul3A_42 : i32
    "tpu.region"() ({
      %run_scoped3A_44 = tpu.sem_alloc : memref<!tpu.dma_semaphore, #tpu.memory_space<semaphore_mem>>
      %dma_start3A_45 = arith.constant 0 : i32
      %dma_start3A_46 = tpu.memref_slice %arg6[%arg0, %mul3A_43, %dma_start3A_45] : memref<2x10240x128xf32, #tpu.memory_space<hbm>> -> memref<1x640x128xf32, #tpu.memory_space<hbm>>
      %dma_start3A_47 = tpu.memref_squeeze %dma_start3A_46 : memref<1x640x128xf32, #tpu.memory_space<hbm>> -> memref<640x128xf32, #tpu.memory_space<hbm>>
      %dma_start3A_48 = arith.constant 0 : i32
      %dma_start3A_49 = tpu.memref_slice %arg11[%mul3A_43, %dma_start3A_48] : memref<10240x128xf32, #tpu.memory_space<vmem_shared>> -> memref<640x128xf32, #tpu.memory_space<vmem_shared>>
      tpu.enqueue_dma source(%dma_start3A_49 : memref<640x128xf32, #tpu.memory_space<vmem_shared>>) target(%dma_start3A_47 : memref<640x128xf32, #tpu.memory_space<hbm>>) target_semaphore(%run_scoped3A_44 : memref<!tpu.dma_semaphore, #tpu.memory_space<semaphore_mem>>)
      %dma_wait3A_50 = arith.constant 0 : i32
      %dma_wait3A_51 = tpu.memref_slice %arg6[%arg0, %mul3A_43, %dma_wait3A_50] : memref<2x10240x128xf32, #tpu.memory_space<hbm>> -> memref<1x640x128xf32, #tpu.memory_space<hbm>>
      %dma_wait3A_52 = tpu.memref_squeeze %dma_wait3A_51 : memref<1x640x128xf32, #tpu.memory_space<hbm>> -> memref<640x128xf32, #tpu.memory_space<hbm>>
      %dma_wait3A_53 = arith.constant 0 : i32
      %dma_wait3A_54 = tpu.memref_slice %arg11[%mul3A_43, %dma_wait3A_53] : memref<10240x128xf32, #tpu.memory_space<vmem_shared>> -> memref<640x128xf32, #tpu.memory_space<vmem_shared>>
      tpu.wait_dma2 semaphore(%run_scoped3A_44 : memref<!tpu.dma_semaphore, #tpu.memory_space<semaphore_mem>>) src(%dma_wait3A_54 : memref<640x128xf32, #tpu.memory_space<vmem_shared>>) dst(%dma_wait3A_52 : memref<640x128xf32, #tpu.memory_space<hbm>>)
      tpu.yield
    }) : () -> ()
    return
  }
}

#map = affine_map<(d0, d1) -> (0, 0)>
#map1 = affine_map<(d0, d1) -> (0, 0, 0)>
module attributes {stable_mosaic.version = 14 : i64} {
  func.func @_sc_gather_scatter(%arg0: i32, %arg1: i32, %arg2: memref<10240x128xf32, #tpu.memory_space<hbm>>, %arg3: memref<32x80x128xi32, #tpu.memory_space<hbm>>, %arg4: memref<32x80x128xi32, #tpu.memory_space<hbm>>, %arg5: memref<640x128xf32, #tpu.memory_space<hbm>>, %arg6: memref<2x10240x128xf32, #tpu.memory_space<hbm>>, %arg7: memref<48x128xi32, #tpu.memory_space<vmem>>, %arg8: memref<48x128xi32, #tpu.memory_space<vmem>>, %arg9: memref<128x128xf32, #tpu.memory_space<vmem>>, %arg10: memref<128x128xf32, #tpu.memory_space<vmem>>, %arg11: memref<10240x128xf32, #tpu.memory_space<vmem_shared>>, %arg12: memref<!tpu.dma_semaphore, #tpu.memory_space<semaphore_mem>>, %arg13: memref<!tpu.dma_semaphore, #tpu.memory_space<semaphore_mem>>) attributes {dimension_semantics = [#tpu.dimension_semantics<core_parallel>, #tpu.dimension_semantics<subcore_parallel>], iteration_bounds = array<i64: 2, 16>, scalar_prefetch = 0 : i64, scratch_operands = 7 : i64, tpu.core_type = #tpu.core_type<sc_vector_subcore>, window_params = [{transform_indices = #map}, {transform_indices = #map1}, {transform_indices = #map1}, {transform_indices = #map}, {transform_indices = #map1}]} {
    %mul3A = arith.constant 2 : i32
    %mul3A_0 = arith.muli %arg1, %mul3A : i32
    %add3A = arith.addi %mul3A_0, %arg0 : i32
    %mul3A_1 = arith.constant 640 : i32
    %mul3A_2 = arith.muli %arg1, %mul3A_1 : i32
    "tpu.region"() ({
      %run_scoped3A_44 = tpu.sem_alloc : memref<!tpu.dma_semaphore, #tpu.memory_space<semaphore_mem>>
      %dma_start3A_45 = arith.constant 0 : i32
      %dma_start3A_46 = tpu.memref_slice %arg11[%mul3A_2, %dma_start3A_45] : memref<10240x128xf32, #tpu.memory_space<vmem_shared>> -> memref<640x128xf32, #tpu.memory_space<vmem_shared>>
      tpu.enqueue_dma source(%arg5 : memref<640x128xf32, #tpu.memory_space<hbm>>) target(%dma_start3A_46 : memref<640x128xf32, #tpu.memory_space<vmem_shared>>) target_semaphore(%run_scoped3A_44 : memref<!tpu.dma_semaphore, #tpu.memory_space<semaphore_mem>>)
      %dma_wait3A_47 = arith.constant 0 : i32
      %dma_wait3A_48 = tpu.memref_slice %arg11[%mul3A_2, %dma_wait3A_47] : memref<10240x128xf32, #tpu.memory_space<vmem_shared>> -> memref<640x128xf32, #tpu.memory_space<vmem_shared>>
      tpu.wait_dma2 semaphore(%run_scoped3A_44 : memref<!tpu.dma_semaphore, #tpu.memory_space<semaphore_mem>>) src(%arg5 : memref<640x128xf32, #tpu.memory_space<hbm>>) dst(%dma_wait3A_48 : memref<640x128xf32, #tpu.memory_space<vmem_shared>>)
      tpu.yield
    }) : () -> ()
    "tpu.region"() ({
      %run_scoped3A_44 = tpu.sem_alloc : memref<!tpu.dma_semaphore, #tpu.memory_space<semaphore_mem>>
      %dma_start3A_45 = arith.constant 0 : i32
      %dma_start3A_46 = arith.constant 0 : i32
      %dma_start3A_47 = tpu.memref_slice %arg3[%add3A, %dma_start3A_45, %dma_start3A_46] : memref<32x80x128xi32, #tpu.memory_space<hbm>> -> memref<1x48x128xi32, #tpu.memory_space<hbm>>
      %dma_start3A_48 = tpu.memref_squeeze %dma_start3A_47 : memref<1x48x128xi32, #tpu.memory_space<hbm>> -> memref<48x128xi32, #tpu.memory_space<hbm>>
      %dma_start3A_49 = arith.constant 0 : i32
      %dma_start3A_50 = arith.constant 0 : i32
      %dma_start3A_51 = tpu.memref_slice %arg3[%add3A, %dma_start3A_49, %dma_start3A_50] : memref<32x80x128xi32, #tpu.memory_space<hbm>> -> memref<1x48x128xi32, #tpu.memory_space<hbm>>
      %dma_start3A_52 = tpu.memref_squeeze %dma_start3A_51 : memref<1x48x128xi32, #tpu.memory_space<hbm>> -> memref<48x128xi32, #tpu.memory_space<hbm>>
      tpu.enqueue_dma source(%dma_start3A_52 : memref<48x128xi32, #tpu.memory_space<hbm>>) target(%arg7 : memref<48x128xi32, #tpu.memory_space<vmem>>) target_semaphore(%run_scoped3A_44 : memref<!tpu.dma_semaphore, #tpu.memory_space<semaphore_mem>>)
      %dma_wait3A_53 = arith.constant 0 : i32
      %dma_wait3A_54 = arith.constant 0 : i32
      %dma_wait3A_55 = tpu.memref_slice %arg3[%add3A, %dma_wait3A_53, %dma_wait3A_54] : memref<32x80x128xi32, #tpu.memory_space<hbm>> -> memref<1x48x128xi32, #tpu.memory_space<hbm>>
      %dma_wait3A_56 = tpu.memref_squeeze %dma_wait3A_55 : memref<1x48x128xi32, #tpu.memory_space<hbm>> -> memref<48x128xi32, #tpu.memory_space<hbm>>
      %dma_wait3A_57 = arith.constant 0 : i32
      %dma_wait3A_58 = arith.constant 0 : i32
      %dma_wait3A_59 = tpu.memref_slice %arg3[%add3A, %dma_wait3A_57, %dma_wait3A_58] : memref<32x80x128xi32, #tpu.memory_space<hbm>> -> memref<1x48x128xi32, #tpu.memory_space<hbm>>
      %dma_wait3A_60 = tpu.memref_squeeze %dma_wait3A_59 : memref<1x48x128xi32, #tpu.memory_space<hbm>> -> memref<48x128xi32, #tpu.memory_space<hbm>>
      tpu.wait_dma2 semaphore(%run_scoped3A_44 : memref<!tpu.dma_semaphore, #tpu.memory_space<semaphore_mem>>) src(%dma_wait3A_60 : memref<48x128xi32, #tpu.memory_space<hbm>>) dst(%arg7 : memref<48x128xi32, #tpu.memory_space<vmem>>)
      tpu.yield
    }) : () -> ()
    "tpu.region"() ({
      %run_scoped3A_44 = tpu.sem_alloc : memref<!tpu.dma_semaphore, #tpu.memory_space<semaphore_mem>>
      %dma_start3A_45 = arith.constant 0 : i32
      %dma_start3A_46 = arith.constant 0 : i32
      %dma_start3A_47 = tpu.memref_slice %arg4[%add3A, %dma_start3A_45, %dma_start3A_46] : memref<32x80x128xi32, #tpu.memory_space<hbm>> -> memref<1x48x128xi32, #tpu.memory_space<hbm>>
      %dma_start3A_48 = tpu.memref_squeeze %dma_start3A_47 : memref<1x48x128xi32, #tpu.memory_space<hbm>> -> memref<48x128xi32, #tpu.memory_space<hbm>>
      %dma_start3A_49 = arith.constant 0 : i32
      %dma_start3A_50 = arith.constant 0 : i32
      %dma_start3A_51 = tpu.memref_slice %arg4[%add3A, %dma_start3A_49, %dma_start3A_50] : memref<32x80x128xi32, #tpu.memory_space<hbm>> -> memref<1x48x128xi32, #tpu.memory_space<hbm>>
      %dma_start3A_52 = tpu.memref_squeeze %dma_start3A_51 : memref<1x48x128xi32, #tpu.memory_space<hbm>> -> memref<48x128xi32, #tpu.memory_space<hbm>>
      tpu.enqueue_dma source(%dma_start3A_52 : memref<48x128xi32, #tpu.memory_space<hbm>>) target(%arg8 : memref<48x128xi32, #tpu.memory_space<vmem>>) target_semaphore(%run_scoped3A_44 : memref<!tpu.dma_semaphore, #tpu.memory_space<semaphore_mem>>)
      %dma_wait3A_53 = arith.constant 0 : i32
      %dma_wait3A_54 = arith.constant 0 : i32
      %dma_wait3A_55 = tpu.memref_slice %arg4[%add3A, %dma_wait3A_53, %dma_wait3A_54] : memref<32x80x128xi32, #tpu.memory_space<hbm>> -> memref<1x48x128xi32, #tpu.memory_space<hbm>>
      %dma_wait3A_56 = tpu.memref_squeeze %dma_wait3A_55 : memref<1x48x128xi32, #tpu.memory_space<hbm>> -> memref<48x128xi32, #tpu.memory_space<hbm>>
      %dma_wait3A_57 = arith.constant 0 : i32
      %dma_wait3A_58 = arith.constant 0 : i32
      %dma_wait3A_59 = tpu.memref_slice %arg4[%add3A, %dma_wait3A_57, %dma_wait3A_58] : memref<32x80x128xi32, #tpu.memory_space<hbm>> -> memref<1x48x128xi32, #tpu.memory_space<hbm>>
      %dma_wait3A_60 = tpu.memref_squeeze %dma_wait3A_59 : memref<1x48x128xi32, #tpu.memory_space<hbm>> -> memref<48x128xi32, #tpu.memory_space<hbm>>
      tpu.wait_dma2 semaphore(%run_scoped3A_44 : memref<!tpu.dma_semaphore, #tpu.memory_space<semaphore_mem>>) src(%dma_wait3A_60 : memref<48x128xi32, #tpu.memory_space<hbm>>) dst(%arg8 : memref<48x128xi32, #tpu.memory_space<vmem>>)
      tpu.yield
    }) : () -> ()
    %barrier3A = arith.constant 0 : index
    tpu.barrier barrier_id(%barrier3A)
    %dma_start3A = arith.constant 0 : i32
    %dma_start3A_3 = arith.constant 0 : i32
    %dma_start3A_4 = tpu.memref_slice %arg7[%dma_start3A, %dma_start3A_3] : memref<48x128xi32, #tpu.memory_space<vmem>> -> memref<1x128xi32, #tpu.memory_space<vmem>>
    %dma_start3A_5 = tpu.memref_squeeze %dma_start3A_4 : memref<1x128xi32, #tpu.memory_space<vmem>> -> memref<128xi32, #tpu.memory_space<vmem>>
    %dma_start3A_6 = arith.constant 0 : i32
    %dma_start3A_7 = arith.constant 0 : i32
    %dma_start3A_8 = tpu.memref_slice %arg2[%dma_start3A_6, %dma_start3A_7] : memref<10240x128xf32, #tpu.memory_space<hbm>> -> memref<10240x128xf32, #tpu.memory_space<hbm>>
    tpu.enqueue_indirect_dma source(%dma_start3A_8 : memref<10240x128xf32, #tpu.memory_space<hbm>>) target(%arg9 : memref<128x128xf32, #tpu.memory_space<vmem>>) offsets(%dma_start3A_5 : memref<128xi32, #tpu.memory_space<vmem>>) semaphore(%arg12 : memref<!tpu.dma_semaphore, #tpu.memory_space<semaphore_mem>>)
    %dma_start3A_9 = arith.constant 1 : i32
    %dma_start3A_10 = arith.constant 0 : i32
    %dma_start3A_11 = tpu.memref_slice %arg7[%dma_start3A_9, %dma_start3A_10] : memref<48x128xi32, #tpu.memory_space<vmem>> -> memref<1x128xi32, #tpu.memory_space<vmem>>
    %dma_start3A_12 = tpu.memref_squeeze %dma_start3A_11 : memref<1x128xi32, #tpu.memory_space<vmem>> -> memref<128xi32, #tpu.memory_space<vmem>>
    %dma_start3A_13 = arith.constant 0 : i32
    %dma_start3A_14 = arith.constant 0 : i32
    %dma_start3A_15 = tpu.memref_slice %arg2[%dma_start3A_13, %dma_start3A_14] : memref<10240x128xf32, #tpu.memory_space<hbm>> -> memref<10240x128xf32, #tpu.memory_space<hbm>>
    tpu.enqueue_indirect_dma source(%dma_start3A_15 : memref<10240x128xf32, #tpu.memory_space<hbm>>) target(%arg10 : memref<128x128xf32, #tpu.memory_space<vmem>>) offsets(%dma_start3A_12 : memref<128xi32, #tpu.memory_space<vmem>>) semaphore(%arg13 : memref<!tpu.dma_semaphore, #tpu.memory_space<semaphore_mem>>)
    %scan3A = arith.constant 0 : i32
    %scan3A_16 = arith.constant 0 : i32
    %scan3A_17 = arith.constant 20 : i32
    %scan3A_18 = arith.addi %scan3A_16, %scan3A_17 : i32
    %scan3A_19 = arith.constant 1 : i32
    scf.for %scan3A_44 = %scan3A_16 to %scan3A_18 step %scan3A_19  : i32 {
      %mul3A_45 = arith.constant 2 : i32
      %mul3A_46 = arith.muli %scan3A_44, %mul3A_45 : i32
      %add3A_47 = arith.constant 0 : i32
      %add3A_48 = arith.addi %mul3A_46, %add3A_47 : i32
      %dma_wait3A_49 = arith.constant 0 : i32
      %dma_wait3A_50 = tpu.memref_slice %arg7[%add3A_48, %dma_wait3A_49] : memref<48x128xi32, #tpu.memory_space<vmem>> -> memref<1x128xi32, #tpu.memory_space<vmem>>
      %dma_wait3A_51 = tpu.memref_squeeze %dma_wait3A_50 : memref<1x128xi32, #tpu.memory_space<vmem>> -> memref<128xi32, #tpu.memory_space<vmem>>
      %dma_wait3A_52 = arith.constant 0 : i32
      %dma_wait3A_53 = arith.constant 0 : i32
      %dma_wait3A_54 = tpu.memref_slice %arg2[%dma_wait3A_52, %dma_wait3A_53] : memref<10240x128xf32, #tpu.memory_space<hbm>> -> memref<10240x128xf32, #tpu.memory_space<hbm>>
      tpu.wait_indirect_dma semaphore(%arg12 : memref<!tpu.dma_semaphore, #tpu.memory_space<semaphore_mem>>) src(%dma_wait3A_54 : memref<10240x128xf32, #tpu.memory_space<hbm>>) dst(%arg9 : memref<128x128xf32, #tpu.memory_space<vmem>>)
      "tpu.region"() ({
        %run_scoped3A_81 = tpu.sem_alloc : memref<!tpu.dma_semaphore, #tpu.memory_space<semaphore_mem>>
        %dma_start3A_82 = arith.constant 0 : i32
        %dma_start3A_83 = tpu.memref_slice %arg8[%add3A_48, %dma_start3A_82] : memref<48x128xi32, #tpu.memory_space<vmem>> -> memref<1x128xi32, #tpu.memory_space<vmem>>
        %dma_start3A_84 = tpu.memref_squeeze %dma_start3A_83 : memref<1x128xi32, #tpu.memory_space<vmem>> -> memref<128xi32, #tpu.memory_space<vmem>>
        %dma_start3A_85 = arith.constant 0 : i32
        %dma_start3A_86 = arith.constant 0 : i32
        %dma_start3A_87 = tpu.memref_slice %arg11[%dma_start3A_85, %dma_start3A_86] : memref<10240x128xf32, #tpu.memory_space<vmem_shared>> -> memref<10240x128xf32, #tpu.memory_space<vmem_shared>>
        tpu.enqueue_indirect_dma source(%arg9 : memref<128x128xf32, #tpu.memory_space<vmem>>) target(%dma_start3A_87 : memref<10240x128xf32, #tpu.memory_space<vmem_shared>>) offsets(%dma_start3A_84 : memref<128xi32, #tpu.memory_space<vmem>>) semaphore(%run_scoped3A_81 : memref<!tpu.dma_semaphore, #tpu.memory_space<semaphore_mem>>) {add = true}
        %dma_wait3A_88 = arith.constant 0 : i32
        %dma_wait3A_89 = tpu.memref_slice %arg8[%add3A_48, %dma_wait3A_88] : memref<48x128xi32, #tpu.memory_space<vmem>> -> memref<1x128xi32, #tpu.memory_space<vmem>>
        %dma_wait3A_90 = tpu.memref_squeeze %dma_wait3A_89 : memref<1x128xi32, #tpu.memory_space<vmem>> -> memref<128xi32, #tpu.memory_space<vmem>>
        %dma_wait3A_91 = arith.constant 0 : i32
        %dma_wait3A_92 = arith.constant 0 : i32
        %dma_wait3A_93 = tpu.memref_slice %arg11[%dma_wait3A_91, %dma_wait3A_92] : memref<10240x128xf32, #tpu.memory_space<vmem_shared>> -> memref<10240x128xf32, #tpu.memory_space<vmem_shared>>
        tpu.wait_indirect_dma semaphore(%run_scoped3A_81 : memref<!tpu.dma_semaphore, #tpu.memory_space<semaphore_mem>>) src(%arg9 : memref<128x128xf32, #tpu.memory_space<vmem>>) dst(%dma_wait3A_93 : memref<10240x128xf32, #tpu.memory_space<vmem_shared>>)
        tpu.yield
      }) : () -> ()
      %add3A_55 = arith.constant 2 : i32
      %add3A_56 = arith.addi %add3A_48, %add3A_55 : i32
      %dma_start3A_57 = arith.constant 0 : i32
      %dma_start3A_58 = tpu.memref_slice %arg7[%add3A_56, %dma_start3A_57] : memref<48x128xi32, #tpu.memory_space<vmem>> -> memref<1x128xi32, #tpu.memory_space<vmem>>
      %dma_start3A_59 = tpu.memref_squeeze %dma_start3A_58 : memref<1x128xi32, #tpu.memory_space<vmem>> -> memref<128xi32, #tpu.memory_space<vmem>>
      %dma_start3A_60 = arith.constant 0 : i32
      %dma_start3A_61 = arith.constant 0 : i32
      %dma_start3A_62 = tpu.memref_slice %arg2[%dma_start3A_60, %dma_start3A_61] : memref<10240x128xf32, #tpu.memory_space<hbm>> -> memref<10240x128xf32, #tpu.memory_space<hbm>>
      tpu.enqueue_indirect_dma source(%dma_start3A_62 : memref<10240x128xf32, #tpu.memory_space<hbm>>) target(%arg9 : memref<128x128xf32, #tpu.memory_space<vmem>>) offsets(%dma_start3A_59 : memref<128xi32, #tpu.memory_space<vmem>>) semaphore(%arg12 : memref<!tpu.dma_semaphore, #tpu.memory_space<semaphore_mem>>)
      %mul3A_63 = arith.constant 2 : i32
      %mul3A_64 = arith.muli %scan3A_44, %mul3A_63 : i32
      %add3A_65 = arith.constant 1 : i32
      %add3A_66 = arith.addi %mul3A_64, %add3A_65 : i32
      %dma_wait3A_67 = arith.constant 0 : i32
      %dma_wait3A_68 = tpu.memref_slice %arg7[%add3A_66, %dma_wait3A_67] : memref<48x128xi32, #tpu.memory_space<vmem>> -> memref<1x128xi32, #tpu.memory_space<vmem>>
      %dma_wait3A_69 = tpu.memref_squeeze %dma_wait3A_68 : memref<1x128xi32, #tpu.memory_space<vmem>> -> memref<128xi32, #tpu.memory_space<vmem>>
      %dma_wait3A_70 = arith.constant 0 : i32
      %dma_wait3A_71 = arith.constant 0 : i32
      %dma_wait3A_72 = tpu.memref_slice %arg2[%dma_wait3A_70, %dma_wait3A_71] : memref<10240x128xf32, #tpu.memory_space<hbm>> -> memref<10240x128xf32, #tpu.memory_space<hbm>>
      tpu.wait_indirect_dma semaphore(%arg13 : memref<!tpu.dma_semaphore, #tpu.memory_space<semaphore_mem>>) src(%dma_wait3A_72 : memref<10240x128xf32, #tpu.memory_space<hbm>>) dst(%arg10 : memref<128x128xf32, #tpu.memory_space<vmem>>)
      "tpu.region"() ({
        %run_scoped3A_81 = tpu.sem_alloc : memref<!tpu.dma_semaphore, #tpu.memory_space<semaphore_mem>>
        %dma_start3A_82 = arith.constant 0 : i32
        %dma_start3A_83 = tpu.memref_slice %arg8[%add3A_66, %dma_start3A_82] : memref<48x128xi32, #tpu.memory_space<vmem>> -> memref<1x128xi32, #tpu.memory_space<vmem>>
        %dma_start3A_84 = tpu.memref_squeeze %dma_start3A_83 : memref<1x128xi32, #tpu.memory_space<vmem>> -> memref<128xi32, #tpu.memory_space<vmem>>
        %dma_start3A_85 = arith.constant 0 : i32
        %dma_start3A_86 = arith.constant 0 : i32
        %dma_start3A_87 = tpu.memref_slice %arg11[%dma_start3A_85, %dma_start3A_86] : memref<10240x128xf32, #tpu.memory_space<vmem_shared>> -> memref<10240x128xf32, #tpu.memory_space<vmem_shared>>
        tpu.enqueue_indirect_dma source(%arg10 : memref<128x128xf32, #tpu.memory_space<vmem>>) target(%dma_start3A_87 : memref<10240x128xf32, #tpu.memory_space<vmem_shared>>) offsets(%dma_start3A_84 : memref<128xi32, #tpu.memory_space<vmem>>) semaphore(%run_scoped3A_81 : memref<!tpu.dma_semaphore, #tpu.memory_space<semaphore_mem>>) {add = true}
        %dma_wait3A_88 = arith.constant 0 : i32
        %dma_wait3A_89 = tpu.memref_slice %arg8[%add3A_66, %dma_wait3A_88] : memref<48x128xi32, #tpu.memory_space<vmem>> -> memref<1x128xi32, #tpu.memory_space<vmem>>
        %dma_wait3A_90 = tpu.memref_squeeze %dma_wait3A_89 : memref<1x128xi32, #tpu.memory_space<vmem>> -> memref<128xi32, #tpu.memory_space<vmem>>
        %dma_wait3A_91 = arith.constant 0 : i32
        %dma_wait3A_92 = arith.constant 0 : i32
        %dma_wait3A_93 = tpu.memref_slice %arg11[%dma_wait3A_91, %dma_wait3A_92] : memref<10240x128xf32, #tpu.memory_space<vmem_shared>> -> memref<10240x128xf32, #tpu.memory_space<vmem_shared>>
        tpu.wait_indirect_dma semaphore(%run_scoped3A_81 : memref<!tpu.dma_semaphore, #tpu.memory_space<semaphore_mem>>) src(%arg10 : memref<128x128xf32, #tpu.memory_space<vmem>>) dst(%dma_wait3A_93 : memref<10240x128xf32, #tpu.memory_space<vmem_shared>>)
        tpu.yield
      }) : () -> ()
      %add3A_73 = arith.constant 2 : i32
      %add3A_74 = arith.addi %add3A_66, %add3A_73 : i32
      %dma_start3A_75 = arith.constant 0 : i32
      %dma_start3A_76 = tpu.memref_slice %arg7[%add3A_74, %dma_start3A_75] : memref<48x128xi32, #tpu.memory_space<vmem>> -> memref<1x128xi32, #tpu.memory_space<vmem>>
      %dma_start3A_77 = tpu.memref_squeeze %dma_start3A_76 : memref<1x128xi32, #tpu.memory_space<vmem>> -> memref<128xi32, #tpu.memory_space<vmem>>
      %dma_start3A_78 = arith.constant 0 : i32
      %dma_start3A_79 = arith.constant 0 : i32
      %dma_start3A_80 = tpu.memref_slice %arg2[%dma_start3A_78, %dma_start3A_79] : memref<10240x128xf32, #tpu.memory_space<hbm>> -> memref<10240x128xf32, #tpu.memory_space<hbm>>
      tpu.enqueue_indirect_dma source(%dma_start3A_80 : memref<10240x128xf32, #tpu.memory_space<hbm>>) target(%arg10 : memref<128x128xf32, #tpu.memory_space<vmem>>) offsets(%dma_start3A_77 : memref<128xi32, #tpu.memory_space<vmem>>) semaphore(%arg13 : memref<!tpu.dma_semaphore, #tpu.memory_space<semaphore_mem>>)
    }
    %scan3A_20 = arith.constant 20 : i32
    "tpu.region"() ({
      %run_scoped3A_44 = tpu.sem_alloc : memref<!tpu.dma_semaphore, #tpu.memory_space<semaphore_mem>>
      %dma_start3A_45 = arith.constant 0 : i32
      %dma_start3A_46 = arith.constant 0 : i32
      %dma_start3A_47 = tpu.memref_slice %arg7[%dma_start3A_45, %dma_start3A_46] : memref<48x128xi32, #tpu.memory_space<vmem>> -> memref<40x128xi32, #tpu.memory_space<vmem>>
      %dma_start3A_48 = arith.constant 40 : i32
      %dma_start3A_49 = arith.constant 0 : i32
      %dma_start3A_50 = tpu.memref_slice %arg3[%add3A, %dma_start3A_48, %dma_start3A_49] : memref<32x80x128xi32, #tpu.memory_space<hbm>> -> memref<1x40x128xi32, #tpu.memory_space<hbm>>
      %dma_start3A_51 = tpu.memref_squeeze %dma_start3A_50 : memref<1x40x128xi32, #tpu.memory_space<hbm>> -> memref<40x128xi32, #tpu.memory_space<hbm>>
      %dma_start3A_52 = arith.constant 0 : i32
      %dma_start3A_53 = arith.constant 0 : i32
      %dma_start3A_54 = tpu.memref_slice %arg7[%dma_start3A_52, %dma_start3A_53] : memref<48x128xi32, #tpu.memory_space<vmem>> -> memref<40x128xi32, #tpu.memory_space<vmem>>
      %dma_start3A_55 = arith.constant 40 : i32
      %dma_start3A_56 = arith.constant 0 : i32
      %dma_start3A_57 = tpu.memref_slice %arg3[%add3A, %dma_start3A_55, %dma_start3A_56] : memref<32x80x128xi32, #tpu.memory_space<hbm>> -> memref<1x40x128xi32, #tpu.memory_space<hbm>>
      %dma_start3A_58 = tpu.memref_squeeze %dma_start3A_57 : memref<1x40x128xi32, #tpu.memory_space<hbm>> -> memref<40x128xi32, #tpu.memory_space<hbm>>
      tpu.enqueue_dma source(%dma_start3A_58 : memref<40x128xi32, #tpu.memory_space<hbm>>) target(%dma_start3A_54 : memref<40x128xi32, #tpu.memory_space<vmem>>) target_semaphore(%run_scoped3A_44 : memref<!tpu.dma_semaphore, #tpu.memory_space<semaphore_mem>>)
      %dma_wait3A_59 = arith.constant 0 : i32
      %dma_wait3A_60 = arith.constant 0 : i32
      %dma_wait3A_61 = tpu.memref_slice %arg7[%dma_wait3A_59, %dma_wait3A_60] : memref<48x128xi32, #tpu.memory_space<vmem>> -> memref<40x128xi32, #tpu.memory_space<vmem>>
      %dma_wait3A_62 = arith.constant 40 : i32
      %dma_wait3A_63 = arith.constant 0 : i32
      %dma_wait3A_64 = tpu.memref_slice %arg3[%add3A, %dma_wait3A_62, %dma_wait3A_63] : memref<32x80x128xi32, #tpu.memory_space<hbm>> -> memref<1x40x128xi32, #tpu.memory_space<hbm>>
      %dma_wait3A_65 = tpu.memref_squeeze %dma_wait3A_64 : memref<1x40x128xi32, #tpu.memory_space<hbm>> -> memref<40x128xi32, #tpu.memory_space<hbm>>
      %dma_wait3A_66 = arith.constant 0 : i32
      %dma_wait3A_67 = arith.constant 0 : i32
      %dma_wait3A_68 = tpu.memref_slice %arg7[%dma_wait3A_66, %dma_wait3A_67] : memref<48x128xi32, #tpu.memory_space<vmem>> -> memref<40x128xi32, #tpu.memory_space<vmem>>
      %dma_wait3A_69 = arith.constant 40 : i32
      %dma_wait3A_70 = arith.constant 0 : i32
      %dma_wait3A_71 = tpu.memref_slice %arg3[%add3A, %dma_wait3A_69, %dma_wait3A_70] : memref<32x80x128xi32, #tpu.memory_space<hbm>> -> memref<1x40x128xi32, #tpu.memory_space<hbm>>
      %dma_wait3A_72 = tpu.memref_squeeze %dma_wait3A_71 : memref<1x40x128xi32, #tpu.memory_space<hbm>> -> memref<40x128xi32, #tpu.memory_space<hbm>>
      tpu.wait_dma2 semaphore(%run_scoped3A_44 : memref<!tpu.dma_semaphore, #tpu.memory_space<semaphore_mem>>) src(%dma_wait3A_72 : memref<40x128xi32, #tpu.memory_space<hbm>>) dst(%dma_wait3A_68 : memref<40x128xi32, #tpu.memory_space<vmem>>)
      tpu.yield
    }) : () -> ()
    "tpu.region"() ({
      %run_scoped3A_44 = tpu.sem_alloc : memref<!tpu.dma_semaphore, #tpu.memory_space<semaphore_mem>>
      %dma_start3A_45 = arith.constant 0 : i32
      %dma_start3A_46 = arith.constant 0 : i32
      %dma_start3A_47 = tpu.memref_slice %arg8[%dma_start3A_45, %dma_start3A_46] : memref<48x128xi32, #tpu.memory_space<vmem>> -> memref<40x128xi32, #tpu.memory_space<vmem>>
      %dma_start3A_48 = arith.constant 40 : i32
      %dma_start3A_49 = arith.constant 0 : i32
      %dma_start3A_50 = tpu.memref_slice %arg4[%add3A, %dma_start3A_48, %dma_start3A_49] : memref<32x80x128xi32, #tpu.memory_space<hbm>> -> memref<1x40x128xi32, #tpu.memory_space<hbm>>
      %dma_start3A_51 = tpu.memref_squeeze %dma_start3A_50 : memref<1x40x128xi32, #tpu.memory_space<hbm>> -> memref<40x128xi32, #tpu.memory_space<hbm>>
      %dma_start3A_52 = arith.constant 0 : i32
      %dma_start3A_53 = arith.constant 0 : i32
      %dma_start3A_54 = tpu.memref_slice %arg8[%dma_start3A_52, %dma_start3A_53] : memref<48x128xi32, #tpu.memory_space<vmem>> -> memref<40x128xi32, #tpu.memory_space<vmem>>
      %dma_start3A_55 = arith.constant 40 : i32
      %dma_start3A_56 = arith.constant 0 : i32
      %dma_start3A_57 = tpu.memref_slice %arg4[%add3A, %dma_start3A_55, %dma_start3A_56] : memref<32x80x128xi32, #tpu.memory_space<hbm>> -> memref<1x40x128xi32, #tpu.memory_space<hbm>>
      %dma_start3A_58 = tpu.memref_squeeze %dma_start3A_57 : memref<1x40x128xi32, #tpu.memory_space<hbm>> -> memref<40x128xi32, #tpu.memory_space<hbm>>
      tpu.enqueue_dma source(%dma_start3A_58 : memref<40x128xi32, #tpu.memory_space<hbm>>) target(%dma_start3A_54 : memref<40x128xi32, #tpu.memory_space<vmem>>) target_semaphore(%run_scoped3A_44 : memref<!tpu.dma_semaphore, #tpu.memory_space<semaphore_mem>>)
      %dma_wait3A_59 = arith.constant 0 : i32
      %dma_wait3A_60 = arith.constant 0 : i32
      %dma_wait3A_61 = tpu.memref_slice %arg8[%dma_wait3A_59, %dma_wait3A_60] : memref<48x128xi32, #tpu.memory_space<vmem>> -> memref<40x128xi32, #tpu.memory_space<vmem>>
      %dma_wait3A_62 = arith.constant 40 : i32
      %dma_wait3A_63 = arith.constant 0 : i32
      %dma_wait3A_64 = tpu.memref_slice %arg4[%add3A, %dma_wait3A_62, %dma_wait3A_63] : memref<32x80x128xi32, #tpu.memory_space<hbm>> -> memref<1x40x128xi32, #tpu.memory_space<hbm>>
      %dma_wait3A_65 = tpu.memref_squeeze %dma_wait3A_64 : memref<1x40x128xi32, #tpu.memory_space<hbm>> -> memref<40x128xi32, #tpu.memory_space<hbm>>
      %dma_wait3A_66 = arith.constant 0 : i32
      %dma_wait3A_67 = arith.constant 0 : i32
      %dma_wait3A_68 = tpu.memref_slice %arg8[%dma_wait3A_66, %dma_wait3A_67] : memref<48x128xi32, #tpu.memory_space<vmem>> -> memref<40x128xi32, #tpu.memory_space<vmem>>
      %dma_wait3A_69 = arith.constant 40 : i32
      %dma_wait3A_70 = arith.constant 0 : i32
      %dma_wait3A_71 = tpu.memref_slice %arg4[%add3A, %dma_wait3A_69, %dma_wait3A_70] : memref<32x80x128xi32, #tpu.memory_space<hbm>> -> memref<1x40x128xi32, #tpu.memory_space<hbm>>
      %dma_wait3A_72 = tpu.memref_squeeze %dma_wait3A_71 : memref<1x40x128xi32, #tpu.memory_space<hbm>> -> memref<40x128xi32, #tpu.memory_space<hbm>>
      tpu.wait_dma2 semaphore(%run_scoped3A_44 : memref<!tpu.dma_semaphore, #tpu.memory_space<semaphore_mem>>) src(%dma_wait3A_72 : memref<40x128xi32, #tpu.memory_space<hbm>>) dst(%dma_wait3A_68 : memref<40x128xi32, #tpu.memory_space<vmem>>)
      tpu.yield
    }) : () -> ()
    %scan3A_21 = arith.constant 0 : i32
    %scan3A_22 = arith.constant 0 : i32
    %scan3A_23 = arith.constant 19 : i32
    %scan3A_24 = arith.addi %scan3A_22, %scan3A_23 : i32
    %scan3A_25 = arith.constant 1 : i32
    scf.for %scan3A_44 = %scan3A_22 to %scan3A_24 step %scan3A_25  : i32 {
      %mul3A_45 = arith.constant 2 : i32
      %mul3A_46 = arith.muli %scan3A_44, %mul3A_45 : i32
      %add3A_47 = arith.constant 0 : i32
      %add3A_48 = arith.addi %mul3A_46, %add3A_47 : i32
      %dma_wait3A_49 = arith.constant 0 : i32
      %dma_wait3A_50 = tpu.memref_slice %arg7[%add3A_48, %dma_wait3A_49] : memref<48x128xi32, #tpu.memory_space<vmem>> -> memref<1x128xi32, #tpu.memory_space<vmem>>
      %dma_wait3A_51 = tpu.memref_squeeze %dma_wait3A_50 : memref<1x128xi32, #tpu.memory_space<vmem>> -> memref<128xi32, #tpu.memory_space<vmem>>
      %dma_wait3A_52 = arith.constant 0 : i32
      %dma_wait3A_53 = arith.constant 0 : i32
      %dma_wait3A_54 = tpu.memref_slice %arg2[%dma_wait3A_52, %dma_wait3A_53] : memref<10240x128xf32, #tpu.memory_space<hbm>> -> memref<10240x128xf32, #tpu.memory_space<hbm>>
      tpu.wait_indirect_dma semaphore(%arg12 : memref<!tpu.dma_semaphore, #tpu.memory_space<semaphore_mem>>) src(%dma_wait3A_54 : memref<10240x128xf32, #tpu.memory_space<hbm>>) dst(%arg9 : memref<128x128xf32, #tpu.memory_space<vmem>>)
      "tpu.region"() ({
        %run_scoped3A_81 = tpu.sem_alloc : memref<!tpu.dma_semaphore, #tpu.memory_space<semaphore_mem>>
        %dma_start3A_82 = arith.constant 0 : i32
        %dma_start3A_83 = tpu.memref_slice %arg8[%add3A_48, %dma_start3A_82] : memref<48x128xi32, #tpu.memory_space<vmem>> -> memref<1x128xi32, #tpu.memory_space<vmem>>
        %dma_start3A_84 = tpu.memref_squeeze %dma_start3A_83 : memref<1x128xi32, #tpu.memory_space<vmem>> -> memref<128xi32, #tpu.memory_space<vmem>>
        %dma_start3A_85 = arith.constant 0 : i32
        %dma_start3A_86 = arith.constant 0 : i32
        %dma_start3A_87 = tpu.memref_slice %arg11[%dma_start3A_85, %dma_start3A_86] : memref<10240x128xf32, #tpu.memory_space<vmem_shared>> -> memref<10240x128xf32, #tpu.memory_space<vmem_shared>>
        tpu.enqueue_indirect_dma source(%arg9 : memref<128x128xf32, #tpu.memory_space<vmem>>) target(%dma_start3A_87 : memref<10240x128xf32, #tpu.memory_space<vmem_shared>>) offsets(%dma_start3A_84 : memref<128xi32, #tpu.memory_space<vmem>>) semaphore(%run_scoped3A_81 : memref<!tpu.dma_semaphore, #tpu.memory_space<semaphore_mem>>) {add = true}
        %dma_wait3A_88 = arith.constant 0 : i32
        %dma_wait3A_89 = tpu.memref_slice %arg8[%add3A_48, %dma_wait3A_88] : memref<48x128xi32, #tpu.memory_space<vmem>> -> memref<1x128xi32, #tpu.memory_space<vmem>>
        %dma_wait3A_90 = tpu.memref_squeeze %dma_wait3A_89 : memref<1x128xi32, #tpu.memory_space<vmem>> -> memref<128xi32, #tpu.memory_space<vmem>>
        %dma_wait3A_91 = arith.constant 0 : i32
        %dma_wait3A_92 = arith.constant 0 : i32
        %dma_wait3A_93 = tpu.memref_slice %arg11[%dma_wait3A_91, %dma_wait3A_92] : memref<10240x128xf32, #tpu.memory_space<vmem_shared>> -> memref<10240x128xf32, #tpu.memory_space<vmem_shared>>
        tpu.wait_indirect_dma semaphore(%run_scoped3A_81 : memref<!tpu.dma_semaphore, #tpu.memory_space<semaphore_mem>>) src(%arg9 : memref<128x128xf32, #tpu.memory_space<vmem>>) dst(%dma_wait3A_93 : memref<10240x128xf32, #tpu.memory_space<vmem_shared>>)
        tpu.yield
      }) : () -> ()
      %add3A_55 = arith.constant 2 : i32
      %add3A_56 = arith.addi %add3A_48, %add3A_55 : i32
      %dma_start3A_57 = arith.constant 0 : i32
      %dma_start3A_58 = tpu.memref_slice %arg7[%add3A_56, %dma_start3A_57] : memref<48x128xi32, #tpu.memory_space<vmem>> -> memref<1x128xi32, #tpu.memory_space<vmem>>
      %dma_start3A_59 = tpu.memref_squeeze %dma_start3A_58 : memref<1x128xi32, #tpu.memory_space<vmem>> -> memref<128xi32, #tpu.memory_space<vmem>>
      %dma_start3A_60 = arith.constant 0 : i32
      %dma_start3A_61 = arith.constant 0 : i32
      %dma_start3A_62 = tpu.memref_slice %arg2[%dma_start3A_60, %dma_start3A_61] : memref<10240x128xf32, #tpu.memory_space<hbm>> -> memref<10240x128xf32, #tpu.memory_space<hbm>>
      tpu.enqueue_indirect_dma source(%dma_start3A_62 : memref<10240x128xf32, #tpu.memory_space<hbm>>) target(%arg9 : memref<128x128xf32, #tpu.memory_space<vmem>>) offsets(%dma_start3A_59 : memref<128xi32, #tpu.memory_space<vmem>>) semaphore(%arg12 : memref<!tpu.dma_semaphore, #tpu.memory_space<semaphore_mem>>)
      %mul3A_63 = arith.constant 2 : i32
      %mul3A_64 = arith.muli %scan3A_44, %mul3A_63 : i32
      %add3A_65 = arith.constant 1 : i32
      %add3A_66 = arith.addi %mul3A_64, %add3A_65 : i32
      %dma_wait3A_67 = arith.constant 0 : i32
      %dma_wait3A_68 = tpu.memref_slice %arg7[%add3A_66, %dma_wait3A_67] : memref<48x128xi32, #tpu.memory_space<vmem>> -> memref<1x128xi32, #tpu.memory_space<vmem>>
      %dma_wait3A_69 = tpu.memref_squeeze %dma_wait3A_68 : memref<1x128xi32, #tpu.memory_space<vmem>> -> memref<128xi32, #tpu.memory_space<vmem>>
      %dma_wait3A_70 = arith.constant 0 : i32
      %dma_wait3A_71 = arith.constant 0 : i32
      %dma_wait3A_72 = tpu.memref_slice %arg2[%dma_wait3A_70, %dma_wait3A_71] : memref<10240x128xf32, #tpu.memory_space<hbm>> -> memref<10240x128xf32, #tpu.memory_space<hbm>>
      tpu.wait_indirect_dma semaphore(%arg13 : memref<!tpu.dma_semaphore, #tpu.memory_space<semaphore_mem>>) src(%dma_wait3A_72 : memref<10240x128xf32, #tpu.memory_space<hbm>>) dst(%arg10 : memref<128x128xf32, #tpu.memory_space<vmem>>)
      "tpu.region"() ({
        %run_scoped3A_81 = tpu.sem_alloc : memref<!tpu.dma_semaphore, #tpu.memory_space<semaphore_mem>>
        %dma_start3A_82 = arith.constant 0 : i32
        %dma_start3A_83 = tpu.memref_slice %arg8[%add3A_66, %dma_start3A_82] : memref<48x128xi32, #tpu.memory_space<vmem>> -> memref<1x128xi32, #tpu.memory_space<vmem>>
        %dma_start3A_84 = tpu.memref_squeeze %dma_start3A_83 : memref<1x128xi32, #tpu.memory_space<vmem>> -> memref<128xi32, #tpu.memory_space<vmem>>
        %dma_start3A_85 = arith.constant 0 : i32
        %dma_start3A_86 = arith.constant 0 : i32
        %dma_start3A_87 = tpu.memref_slice %arg11[%dma_start3A_85, %dma_start3A_86] : memref<10240x128xf32, #tpu.memory_space<vmem_shared>> -> memref<10240x128xf32, #tpu.memory_space<vmem_shared>>
        tpu.enqueue_indirect_dma source(%arg10 : memref<128x128xf32, #tpu.memory_space<vmem>>) target(%dma_start3A_87 : memref<10240x128xf32, #tpu.memory_space<vmem_shared>>) offsets(%dma_start3A_84 : memref<128xi32, #tpu.memory_space<vmem>>) semaphore(%run_scoped3A_81 : memref<!tpu.dma_semaphore, #tpu.memory_space<semaphore_mem>>) {add = true}
        %dma_wait3A_88 = arith.constant 0 : i32
        %dma_wait3A_89 = tpu.memref_slice %arg8[%add3A_66, %dma_wait3A_88] : memref<48x128xi32, #tpu.memory_space<vmem>> -> memref<1x128xi32, #tpu.memory_space<vmem>>
        %dma_wait3A_90 = tpu.memref_squeeze %dma_wait3A_89 : memref<1x128xi32, #tpu.memory_space<vmem>> -> memref<128xi32, #tpu.memory_space<vmem>>
        %dma_wait3A_91 = arith.constant 0 : i32
        %dma_wait3A_92 = arith.constant 0 : i32
        %dma_wait3A_93 = tpu.memref_slice %arg11[%dma_wait3A_91, %dma_wait3A_92] : memref<10240x128xf32, #tpu.memory_space<vmem_shared>> -> memref<10240x128xf32, #tpu.memory_space<vmem_shared>>
        tpu.wait_indirect_dma semaphore(%run_scoped3A_81 : memref<!tpu.dma_semaphore, #tpu.memory_space<semaphore_mem>>) src(%arg10 : memref<128x128xf32, #tpu.memory_space<vmem>>) dst(%dma_wait3A_93 : memref<10240x128xf32, #tpu.memory_space<vmem_shared>>)
        tpu.yield
      }) : () -> ()
      %add3A_73 = arith.constant 2 : i32
      %add3A_74 = arith.addi %add3A_66, %add3A_73 : i32
      %dma_start3A_75 = arith.constant 0 : i32
      %dma_start3A_76 = tpu.memref_slice %arg7[%add3A_74, %dma_start3A_75] : memref<48x128xi32, #tpu.memory_space<vmem>> -> memref<1x128xi32, #tpu.memory_space<vmem>>
      %dma_start3A_77 = tpu.memref_squeeze %dma_start3A_76 : memref<1x128xi32, #tpu.memory_space<vmem>> -> memref<128xi32, #tpu.memory_space<vmem>>
      %dma_start3A_78 = arith.constant 0 : i32
      %dma_start3A_79 = arith.constant 0 : i32
      %dma_start3A_80 = tpu.memref_slice %arg2[%dma_start3A_78, %dma_start3A_79] : memref<10240x128xf32, #tpu.memory_space<hbm>> -> memref<10240x128xf32, #tpu.memory_space<hbm>>
      tpu.enqueue_indirect_dma source(%dma_start3A_80 : memref<10240x128xf32, #tpu.memory_space<hbm>>) target(%arg10 : memref<128x128xf32, #tpu.memory_space<vmem>>) offsets(%dma_start3A_77 : memref<128xi32, #tpu.memory_space<vmem>>) semaphore(%arg13 : memref<!tpu.dma_semaphore, #tpu.memory_space<semaphore_mem>>)
    }
    %scan3A_26 = arith.constant 19 : i32
    %dma_wait3A = arith.constant 38 : i32
    %dma_wait3A_27 = arith.constant 0 : i32
    %dma_wait3A_28 = tpu.memref_slice %arg7[%dma_wait3A, %dma_wait3A_27] : memref<48x128xi32, #tpu.memory_space<vmem>> -> memref<1x128xi32, #tpu.memory_space<vmem>>
    %dma_wait3A_29 = tpu.memref_squeeze %dma_wait3A_28 : memref<1x128xi32, #tpu.memory_space<vmem>> -> memref<128xi32, #tpu.memory_space<vmem>>
    %dma_wait3A_30 = arith.constant 0 : i32
    %dma_wait3A_31 = arith.constant 0 : i32
    %dma_wait3A_32 = tpu.memref_slice %arg2[%dma_wait3A_30, %dma_wait3A_31] : memref<10240x128xf32, #tpu.memory_space<hbm>> -> memref<10240x128xf32, #tpu.memory_space<hbm>>
    tpu.wait_indirect_dma semaphore(%arg12 : memref<!tpu.dma_semaphore, #tpu.memory_space<semaphore_mem>>) src(%dma_wait3A_32 : memref<10240x128xf32, #tpu.memory_space<hbm>>) dst(%arg9 : memref<128x128xf32, #tpu.memory_space<vmem>>)
    %run_scoped3A = arith.constant 38 : i32
    "tpu.region"() ({
      %run_scoped3A_44 = tpu.sem_alloc : memref<!tpu.dma_semaphore, #tpu.memory_space<semaphore_mem>>
      %dma_start3A_45 = arith.constant 0 : i32
      %dma_start3A_46 = tpu.memref_slice %arg8[%run_scoped3A, %dma_start3A_45] : memref<48x128xi32, #tpu.memory_space<vmem>> -> memref<1x128xi32, #tpu.memory_space<vmem>>
      %dma_start3A_47 = tpu.memref_squeeze %dma_start3A_46 : memref<1x128xi32, #tpu.memory_space<vmem>> -> memref<128xi32, #tpu.memory_space<vmem>>
      %dma_start3A_48 = arith.constant 0 : i32
      %dma_start3A_49 = arith.constant 0 : i32
      %dma_start3A_50 = tpu.memref_slice %arg11[%dma_start3A_48, %dma_start3A_49] : memref<10240x128xf32, #tpu.memory_space<vmem_shared>> -> memref<10240x128xf32, #tpu.memory_space<vmem_shared>>
      tpu.enqueue_indirect_dma source(%arg9 : memref<128x128xf32, #tpu.memory_space<vmem>>) target(%dma_start3A_50 : memref<10240x128xf32, #tpu.memory_space<vmem_shared>>) offsets(%dma_start3A_47 : memref<128xi32, #tpu.memory_space<vmem>>) semaphore(%run_scoped3A_44 : memref<!tpu.dma_semaphore, #tpu.memory_space<semaphore_mem>>) {add = true}
      %dma_wait3A_51 = arith.constant 0 : i32
      %dma_wait3A_52 = tpu.memref_slice %arg8[%run_scoped3A, %dma_wait3A_51] : memref<48x128xi32, #tpu.memory_space<vmem>> -> memref<1x128xi32, #tpu.memory_space<vmem>>
      %dma_wait3A_53 = tpu.memref_squeeze %dma_wait3A_52 : memref<1x128xi32, #tpu.memory_space<vmem>> -> memref<128xi32, #tpu.memory_space<vmem>>
      %dma_wait3A_54 = arith.constant 0 : i32
      %dma_wait3A_55 = arith.constant 0 : i32
      %dma_wait3A_56 = tpu.memref_slice %arg11[%dma_wait3A_54, %dma_wait3A_55] : memref<10240x128xf32, #tpu.memory_space<vmem_shared>> -> memref<10240x128xf32, #tpu.memory_space<vmem_shared>>
      tpu.wait_indirect_dma semaphore(%run_scoped3A_44 : memref<!tpu.dma_semaphore, #tpu.memory_space<semaphore_mem>>) src(%arg9 : memref<128x128xf32, #tpu.memory_space<vmem>>) dst(%dma_wait3A_56 : memref<10240x128xf32, #tpu.memory_space<vmem_shared>>)
      tpu.yield
    }) : () -> ()
    %dma_wait3A_33 = arith.constant 39 : i32
    %dma_wait3A_34 = arith.constant 0 : i32
    %dma_wait3A_35 = tpu.memref_slice %arg7[%dma_wait3A_33, %dma_wait3A_34] : memref<48x128xi32, #tpu.memory_space<vmem>> -> memref<1x128xi32, #tpu.memory_space<vmem>>
    %dma_wait3A_36 = tpu.memref_squeeze %dma_wait3A_35 : memref<1x128xi32, #tpu.memory_space<vmem>> -> memref<128xi32, #tpu.memory_space<vmem>>
    %dma_wait3A_37 = arith.constant 0 : i32
    %dma_wait3A_38 = arith.constant 0 : i32
    %dma_wait3A_39 = tpu.memref_slice %arg2[%dma_wait3A_37, %dma_wait3A_38] : memref<10240x128xf32, #tpu.memory_space<hbm>> -> memref<10240x128xf32, #tpu.memory_space<hbm>>
    tpu.wait_indirect_dma semaphore(%arg13 : memref<!tpu.dma_semaphore, #tpu.memory_space<semaphore_mem>>) src(%dma_wait3A_39 : memref<10240x128xf32, #tpu.memory_space<hbm>>) dst(%arg10 : memref<128x128xf32, #tpu.memory_space<vmem>>)
    %run_scoped3A_40 = arith.constant 39 : i32
    "tpu.region"() ({
      %run_scoped3A_44 = tpu.sem_alloc : memref<!tpu.dma_semaphore, #tpu.memory_space<semaphore_mem>>
      %dma_start3A_45 = arith.constant 0 : i32
      %dma_start3A_46 = tpu.memref_slice %arg8[%run_scoped3A_40, %dma_start3A_45] : memref<48x128xi32, #tpu.memory_space<vmem>> -> memref<1x128xi32, #tpu.memory_space<vmem>>
      %dma_start3A_47 = tpu.memref_squeeze %dma_start3A_46 : memref<1x128xi32, #tpu.memory_space<vmem>> -> memref<128xi32, #tpu.memory_space<vmem>>
      %dma_start3A_48 = arith.constant 0 : i32
      %dma_start3A_49 = arith.constant 0 : i32
      %dma_start3A_50 = tpu.memref_slice %arg11[%dma_start3A_48, %dma_start3A_49] : memref<10240x128xf32, #tpu.memory_space<vmem_shared>> -> memref<10240x128xf32, #tpu.memory_space<vmem_shared>>
      tpu.enqueue_indirect_dma source(%arg10 : memref<128x128xf32, #tpu.memory_space<vmem>>) target(%dma_start3A_50 : memref<10240x128xf32, #tpu.memory_space<vmem_shared>>) offsets(%dma_start3A_47 : memref<128xi32, #tpu.memory_space<vmem>>) semaphore(%run_scoped3A_44 : memref<!tpu.dma_semaphore, #tpu.memory_space<semaphore_mem>>) {add = true}
      %dma_wait3A_51 = arith.constant 0 : i32
      %dma_wait3A_52 = tpu.memref_slice %arg8[%run_scoped3A_40, %dma_wait3A_51] : memref<48x128xi32, #tpu.memory_space<vmem>> -> memref<1x128xi32, #tpu.memory_space<vmem>>
      %dma_wait3A_53 = tpu.memref_squeeze %dma_wait3A_52 : memref<1x128xi32, #tpu.memory_space<vmem>> -> memref<128xi32, #tpu.memory_space<vmem>>
      %dma_wait3A_54 = arith.constant 0 : i32
      %dma_wait3A_55 = arith.constant 0 : i32
      %dma_wait3A_56 = tpu.memref_slice %arg11[%dma_wait3A_54, %dma_wait3A_55] : memref<10240x128xf32, #tpu.memory_space<vmem_shared>> -> memref<10240x128xf32, #tpu.memory_space<vmem_shared>>
      tpu.wait_indirect_dma semaphore(%run_scoped3A_44 : memref<!tpu.dma_semaphore, #tpu.memory_space<semaphore_mem>>) src(%arg10 : memref<128x128xf32, #tpu.memory_space<vmem>>) dst(%dma_wait3A_56 : memref<10240x128xf32, #tpu.memory_space<vmem_shared>>)
      tpu.yield
    }) : () -> ()
    %barrier3A_41 = arith.constant 0 : index
    tpu.barrier barrier_id(%barrier3A_41)
    %mul3A_42 = arith.constant 640 : i32
    %mul3A_43 = arith.muli %arg1, %mul3A_42 : i32
    "tpu.region"() ({
      %run_scoped3A_44 = tpu.sem_alloc : memref<!tpu.dma_semaphore, #tpu.memory_space<semaphore_mem>>
      %dma_start3A_45 = arith.constant 0 : i32
      %dma_start3A_46 = tpu.memref_slice %arg6[%arg0, %mul3A_43, %dma_start3A_45] : memref<2x10240x128xf32, #tpu.memory_space<hbm>> -> memref<1x640x128xf32, #tpu.memory_space<hbm>>
      %dma_start3A_47 = tpu.memref_squeeze %dma_start3A_46 : memref<1x640x128xf32, #tpu.memory_space<hbm>> -> memref<640x128xf32, #tpu.memory_space<hbm>>
      %dma_start3A_48 = arith.constant 0 : i32
      %dma_start3A_49 = tpu.memref_slice %arg11[%mul3A_43, %dma_start3A_48] : memref<10240x128xf32, #tpu.memory_space<vmem_shared>> -> memref<640x128xf32, #tpu.memory_space<vmem_shared>>
      tpu.enqueue_dma source(%dma_start3A_49 : memref<640x128xf32, #tpu.memory_space<vmem_shared>>) target(%dma_start3A_47 : memref<640x128xf32, #tpu.memory_space<hbm>>) target_semaphore(%run_scoped3A_44 : memref<!tpu.dma_semaphore, #tpu.memory_space<semaphore_mem>>)
      %dma_wait3A_50 = arith.constant 0 : i32
      %dma_wait3A_51 = tpu.memref_slice %arg6[%arg0, %mul3A_43, %dma_wait3A_50] : memref<2x10240x128xf32, #tpu.memory_space<hbm>> -> memref<1x640x128xf32, #tpu.memory_space<hbm>>
      %dma_wait3A_52 = tpu.memref_squeeze %dma_wait3A_51 : memref<1x640x128xf32, #tpu.memory_space<hbm>> -> memref<640x128xf32, #tpu.memory_space<hbm>>
      %dma_wait3A_53 = arith.constant 0 : i32
      %dma_wait3A_54 = tpu.memref_slice %arg11[%mul3A_43, %dma_wait3A_53] : memref<10240x128xf32, #tpu.memory_space<vmem_shared>> -> memref<640x128xf32, #tpu.memory_space<vmem_shared>>
      tpu.wait_dma2 semaphore(%run_scoped3A_44 : memref<!tpu.dma_semaphore, #tpu.memory_space<semaphore_mem>>) src(%dma_wait3A_54 : memref<640x128xf32, #tpu.memory_space<vmem_shared>>) dst(%dma_wait3A_52 : memref<640x128xf32, #tpu.memory_space<hbm>>)
      tpu.yield
    }) : () -> ()
    return
  }
}

module attributes {stable_mosaic.version = 14 : i64} {
  func.func @_tc_embed_body(%arg0: i32, %arg1: memref<2x1024x128xf32, #tpu.memory_space<vmem>>, %arg2: memref<2x1024x128xf32, #tpu.memory_space<vmem>>, %arg3: memref<1024x128xf32, #tpu.memory_space<vmem>>, %arg4: memref<128x128xf32, #tpu.memory_space<vmem>>, %arg5: memref<1x128xf32, #tpu.memory_space<vmem>>, %arg6: memref<1024x128xf32, #tpu.memory_space<vmem>>, %arg7: memref<1024x128xf32, #tpu.memory_space<vmem>>, %arg8: memref<1024x8xf32, #tpu.memory_space<vmem>>, %arg9: memref<1024x8xf32, #tpu.memory_space<vmem>>) attributes {dimension_semantics = [#tpu.dimension_semantics<arbitrary>], iteration_bounds = array<i64: 10>, scalar_prefetch = 0 : i64, scratch_operands = 0 : i64, tpu.core_type = #tpu.core_type<tc>, window_params = [{transform_indices = @transform_0, window_bounds = array<i64: 2, 1024, 128>}, {transform_indices = @transform_1, window_bounds = array<i64: 2, 1024, 128>}, {transform_indices = @transform_2, window_bounds = array<i64: 1024, 128>}, {pipeline_mode = #tpu.pipeline_mode<synchronous>, transform_indices = @transform_3, window_bounds = array<i64: 128, 128>}, {pipeline_mode = #tpu.pipeline_mode<synchronous>, transform_indices = @transform_4, window_bounds = array<i64: 1, 128>}, {transform_indices = @transform_5, window_bounds = array<i64: 1024, 128>}, {transform_indices = @transform_6, window_bounds = array<i64: 1024, 128>}, {transform_indices = @transform_7, window_bounds = array<i64: 1024, 8>}, {transform_indices = @transform_8, window_bounds = array<i64: 1024, 8>}]} {
    %get3A = arith.constant 0 : index
    %get3A_0 = arith.constant 0 : index
    %get3A_1 = arith.constant 0 : index
    %get3A_2 = vector.load %arg1[%get3A, %get3A_0, %get3A_1] : memref<2x1024x128xf32, #tpu.memory_space<vmem>>, vector<1x1024x1xf32>
    %get3A_3 = vector.shape_cast %get3A_2 : vector<1x1024x1xf32> to vector<1024x1xf32>
    %get3A_4 = arith.constant 1 : index
    %get3A_5 = arith.constant 0 : index
    %get3A_6 = arith.constant 0 : index
    %get3A_7 = vector.load %arg1[%get3A_4, %get3A_5, %get3A_6] : memref<2x1024x128xf32, #tpu.memory_space<vmem>>, vector<1x1024x1xf32>
    %get3A_8 = vector.shape_cast %get3A_7 : vector<1x1024x1xf32> to vector<1024x1xf32>
    %add3A = arith.addf %get3A_3, %get3A_8 : vector<1024x1xf32>
    %get3A_9 = arith.constant 0 : index
    %get3A_10 = arith.constant 0 : index
    %get3A_11 = arith.constant 0 : index
    %get3A_12 = vector.load %arg2[%get3A_9, %get3A_10, %get3A_11] : memref<2x1024x128xf32, #tpu.memory_space<vmem>>, vector<1x1024x1xf32>
    %get3A_13 = vector.shape_cast %get3A_12 : vector<1x1024x1xf32> to vector<1024x1xf32>
    %get3A_14 = arith.constant 1 : index
    %get3A_15 = arith.constant 0 : index
    %get3A_16 = arith.constant 0 : index
    %get3A_17 = vector.load %arg2[%get3A_14, %get3A_15, %get3A_16] : memref<2x1024x128xf32, #tpu.memory_space<vmem>>, vector<1x1024x1xf32>
    %get3A_18 = vector.shape_cast %get3A_17 : vector<1x1024x1xf32> to vector<1024x1xf32>
    %add3A_19 = arith.addf %get3A_13, %get3A_18 : vector<1024x1xf32>
    %max3A = arith.constant 1.000000e+00 : f32
    %max3A_20 = vector.broadcast %max3A : f32 to vector<1024x1xf32>
    %max3A_21 = arith.maximumf %add3A, %max3A_20 : vector<1024x1xf32>
    %rsqrt3A = math.rsqrt %max3A_21 : vector<1024x1xf32>
    %max3A_22 = arith.constant 1.000000e+00 : f32
    %max3A_23 = vector.broadcast %max3A_22 : f32 to vector<1024x1xf32>
    %max3A_24 = arith.maximumf %add3A_19, %max3A_23 : vector<1024x1xf32>
    %rsqrt3A_25 = math.rsqrt %max3A_24 : vector<1024x1xf32>
    %get3A_26 = arith.constant 0 : index
    %get3A_27 = arith.constant 0 : index
    %get3A_28 = vector.load %arg3[%get3A_26, %get3A_27] : memref<1024x128xf32, #tpu.memory_space<vmem>>, vector<1024x128xf32>
    %get3A_29 = arith.constant 0 : index
    %get3A_30 = arith.constant 0 : index
    %get3A_31 = vector.load %arg4[%get3A_29, %get3A_30] : memref<128x128xf32, #tpu.memory_space<vmem>>, vector<128x128xf32>
    %dot_general3A = arith.constant dense<0.000000e+00> : vector<1024x128xf32>
    %dot_general3A_32 = tpu.matmul %get3A_28, %get3A_31, %dot_general3A {dimension_numbers = #tpu.dot_dimension_numbers<[1], [0], [0], [1], [0, 0, 1, 1], [], []>, transpose_lhs_hint = false} : vector<1024x128xf32>, vector<128x128xf32>, vector<1024x128xf32> -> vector<1024x128xf32>
    %get3A_33 = arith.constant 0 : index
    %get3A_34 = arith.constant 0 : index
    %get3A_35 = vector.load %arg5[%get3A_33, %get3A_34] : memref<1x128xf32, #tpu.memory_space<vmem>>, vector<1x128xf32>
    %add3A_36 = vector.broadcast %get3A_35 : vector<1x128xf32> to vector<1024x128xf32>
    %add3A_37 = arith.addf %dot_general3A_32, %add3A_36 : vector<1024x128xf32>
    %swap3A = arith.constant 0 : index
    %swap3A_38 = arith.constant 0 : index
    %swap3A_39 = vector.load %arg6[%swap3A, %swap3A_38] : memref<1024x128xf32, #tpu.memory_space<vmem>>, vector<1024x128xf32>
    tpu.vector_store %arg6[%swap3A, %swap3A_38], %add3A_37 {strides = array<i32>} : memref<1024x128xf32, #tpu.memory_space<vmem>>, vector<1024x128xf32>,
    %mul3A = vector.broadcast %rsqrt3A : vector<1024x1xf32> to vector<1024x128xf32>
    %mul3A_40 = arith.mulf %mul3A, %add3A_37 : vector<1024x128xf32>
    %swap3A_41 = arith.constant 0 : index
    %swap3A_42 = arith.constant 0 : index
    %swap3A_43 = vector.load %arg7[%swap3A_41, %swap3A_42] : memref<1024x128xf32, #tpu.memory_space<vmem>>, vector<1024x128xf32>
    tpu.vector_store %arg7[%swap3A_41, %swap3A_42], %mul3A_40 {strides = array<i32>} : memref<1024x128xf32, #tpu.memory_space<vmem>>, vector<1024x128xf32>,
    %broadcast_in_dim3A = vector.shape_cast %rsqrt3A : vector<1024x1xf32> to vector<1024x1xf32>
    %broadcast_in_dim3A_44 = vector.broadcast %broadcast_in_dim3A : vector<1024x1xf32> to vector<1024x8xf32>
    %swap3A_45 = arith.constant 0 : index
    %swap3A_46 = arith.constant 0 : index
    %swap3A_47 = vector.load %arg8[%swap3A_45, %swap3A_46] : memref<1024x8xf32, #tpu.memory_space<vmem>>, vector<1024x8xf32>
    tpu.vector_store %arg8[%swap3A_45, %swap3A_46], %broadcast_in_dim3A_44 {strides = array<i32>} : memref<1024x8xf32, #tpu.memory_space<vmem>>, vector<1024x8xf32>,
    %broadcast_in_dim3A_48 = vector.shape_cast %rsqrt3A_25 : vector<1024x1xf32> to vector<1024x1xf32>
    %broadcast_in_dim3A_49 = vector.broadcast %broadcast_in_dim3A_48 : vector<1024x1xf32> to vector<1024x8xf32>
    %swap3A_50 = arith.constant 0 : index
    %swap3A_51 = arith.constant 0 : index
    %swap3A_52 = vector.load %arg9[%swap3A_50, %swap3A_51] : memref<1024x8xf32, #tpu.memory_space<vmem>>, vector<1024x8xf32>
    tpu.vector_store %arg9[%swap3A_50, %swap3A_51], %broadcast_in_dim3A_49 {strides = array<i32>} : memref<1024x8xf32, #tpu.memory_space<vmem>>, vector<1024x8xf32>,
    return
  }
  func.func @transform_0(%arg0: i32) -> (i32, i32, i32) {
    %c0_i32 = arith.constant 0 : i32
    %c0_i32_0 = arith.constant 0 : i32
    %c0_i32_1 = arith.constant 0 : i32
    return %c0_i32, %arg0, %c0_i32_0 : i32, i32, i32
  }
  func.func @transform_1(%arg0: i32) -> (i32, i32, i32) {
    %c0_i32 = arith.constant 0 : i32
    %c0_i32_0 = arith.constant 0 : i32
    %c0_i32_1 = arith.constant 0 : i32
    return %c0_i32, %arg0, %c0_i32_0 : i32, i32, i32
  }
  func.func @transform_2(%arg0: i32) -> (i32, i32) {
    %c0_i32 = arith.constant 0 : i32
    %c0_i32_0 = arith.constant 0 : i32
    return %arg0, %c0_i32 : i32, i32
  }
  func.func @transform_3(%arg0: i32) -> (i32, i32) {
    %c0_i32 = arith.constant 0 : i32
    %c0_i32_0 = arith.constant 0 : i32
    %c0_i32_1 = arith.constant 0 : i32
    return %c0_i32, %c0_i32_0 : i32, i32
  }
  func.func @transform_4(%arg0: i32) -> (i32, i32) {
    %c0_i32 = arith.constant 0 : i32
    %c0_i32_0 = arith.constant 0 : i32
    %c0_i32_1 = arith.constant 0 : i32
    return %c0_i32, %c0_i32_0 : i32, i32
  }
  func.func @transform_5(%arg0: i32) -> (i32, i32) {
    %c0_i32 = arith.constant 0 : i32
    %c0_i32_0 = arith.constant 0 : i32
    return %arg0, %c0_i32 : i32, i32
  }
  func.func @transform_6(%arg0: i32) -> (i32, i32) {
    %c0_i32 = arith.constant 0 : i32
    %c0_i32_0 = arith.constant 0 : i32
    return %arg0, %c0_i32 : i32, i32
  }
  func.func @transform_7(%arg0: i32) -> (i32, i32) {
    %c0_i32 = arith.constant 0 : i32
    %c0_i32_0 = arith.constant 0 : i32
    return %arg0, %c0_i32 : i32, i32
  }
  func.func @transform_8(%arg0: i32) -> (i32, i32) {
    %c0_i32 = arith.constant 0 : i32
    %c0_i32_0 = arith.constant 0 : i32
    return %arg0, %c0_i32 : i32, i32
  }
}

module attributes {stable_mosaic.version = 14 : i64} {
  func.func @_tc_layer_a_body(%arg0: i32, %arg1: memref<2x1024x128xf32, #tpu.memory_space<vmem>>, %arg2: memref<1024x8xf32, #tpu.memory_space<vmem>>, %arg3: memref<128x128xf32, #tpu.memory_space<vmem>>, %arg4: memref<1x128xf32, #tpu.memory_space<vmem>>, %arg5: memref<1024x128xf32, #tpu.memory_space<vmem>>, %arg6: memref<1x128xf32, #tpu.memory_space<vmem>>, %arg7: memref<1x128xf32, #tpu.memory_space<vmem>>) attributes {dimension_semantics = [#tpu.dimension_semantics<arbitrary>], iteration_bounds = array<i64: 10>, scalar_prefetch = 0 : i64, scratch_operands = 0 : i64, tpu.core_type = #tpu.core_type<tc>, window_params = [{transform_indices = @transform_0, window_bounds = array<i64: 2, 1024, 128>}, {transform_indices = @transform_1, window_bounds = array<i64: 1024, 8>}, {pipeline_mode = #tpu.pipeline_mode<synchronous>, transform_indices = @transform_2, window_bounds = array<i64: 128, 128>}, {pipeline_mode = #tpu.pipeline_mode<synchronous>, transform_indices = @transform_3, window_bounds = array<i64: 1, 128>}, {transform_indices = @transform_4, window_bounds = array<i64: 1024, 128>}, {pipeline_mode = #tpu.pipeline_mode<synchronous>, transform_indices = @transform_5, window_bounds = array<i64: 1, 128>}, {pipeline_mode = #tpu.pipeline_mode<synchronous>, transform_indices = @transform_6, window_bounds = array<i64: 1, 128>}]} {
    %get3A = arith.constant 0 : index
    %get3A_0 = arith.constant 0 : index
    %get3A_1 = arith.constant 0 : index
    %get3A_2 = vector.load %arg1[%get3A, %get3A_0, %get3A_1] : memref<2x1024x128xf32, #tpu.memory_space<vmem>>, vector<1x1024x128xf32>
    %get3A_3 = vector.shape_cast %get3A_2 : vector<1x1024x128xf32> to vector<1024x128xf32>
    %get3A_4 = arith.constant 1 : index
    %get3A_5 = arith.constant 0 : index
    %get3A_6 = arith.constant 0 : index
    %get3A_7 = vector.load %arg1[%get3A_4, %get3A_5, %get3A_6] : memref<2x1024x128xf32, #tpu.memory_space<vmem>>, vector<1x1024x128xf32>
    %get3A_8 = vector.shape_cast %get3A_7 : vector<1x1024x128xf32> to vector<1024x128xf32>
    %add3A = arith.addf %get3A_3, %get3A_8 : vector<1024x128xf32>
    %get3A_9 = arith.constant 0 : index
    %get3A_10 = arith.constant 0 : index
    %get3A_11 = vector.load %arg2[%get3A_9, %get3A_10] : memref<1024x8xf32, #tpu.memory_space<vmem>>, vector<1024x1xf32>
    %mul3A = vector.broadcast %get3A_11 : vector<1024x1xf32> to vector<1024x128xf32>
    %mul3A_12 = arith.mulf %add3A, %mul3A : vector<1024x128xf32>
    %get3A_13 = arith.constant 0 : index
    %get3A_14 = arith.constant 0 : index
    %get3A_15 = vector.load %arg3[%get3A_13, %get3A_14] : memref<128x128xf32, #tpu.memory_space<vmem>>, vector<128x128xf32>
    %dot_general3A = arith.constant dense<0.000000e+00> : vector<1024x128xf32>
    %dot_general3A_16 = tpu.matmul %mul3A_12, %get3A_15, %dot_general3A {dimension_numbers = #tpu.dot_dimension_numbers<[1], [0], [0], [1], [0, 0, 1, 1], [], []>, transpose_lhs_hint = false} : vector<1024x128xf32>, vector<128x128xf32>, vector<1024x128xf32> -> vector<1024x128xf32>
    %get3A_17 = arith.constant 0 : index
    %get3A_18 = arith.constant 0 : index
    %get3A_19 = vector.load %arg4[%get3A_17, %get3A_18] : memref<1x128xf32, #tpu.memory_space<vmem>>, vector<1x128xf32>
    %add3A_20 = vector.broadcast %get3A_19 : vector<1x128xf32> to vector<1024x128xf32>
    %add3A_21 = arith.addf %dot_general3A_16, %add3A_20 : vector<1024x128xf32>
    %iota3A = tpu.iota {dimensions = array<i32: 0>} : vector<1024x1xi32>
    %mul3A_22 = arith.constant 1024 : i32
    %mul3A_23 = arith.muli %arg0, %mul3A_22 : i32
    %add3A_24 = vector.broadcast %mul3A_23 : i32 to vector<1024x1xi32>
    %add3A_25 = arith.addi %iota3A, %add3A_24 : vector<1024x1xi32>
    %lt3A = arith.constant 10000 : i32
    %lt3A_26 = vector.broadcast %lt3A : i32 to vector<1024x1xi32>
    %lt3A_27 = arith.cmpi slt, %add3A_25, %lt3A_26 : vector<1024x1xi32>
    %jit3A = arith.constant 0.000000e+00 : f32
    %broadcast_in_dim3A = vector.shape_cast %lt3A_27 : vector<1024x1xi1> to vector<1024x1xi1>
    %broadcast_in_dim3A_28 = vector.broadcast %broadcast_in_dim3A : vector<1024x1xi1> to vector<1024x128xi1>
    %broadcast_in_dim3A_29 = vector.broadcast %jit3A : f32 to vector<1024x128xf32>
    %select_n3A = arith.select %broadcast_in_dim3A_28, %add3A_21, %broadcast_in_dim3A_29 : vector<1024x128xi1>, vector<1024x128xf32>
    %swap3A = arith.constant 0 : index
    %swap3A_30 = arith.constant 0 : index
    %swap3A_31 = vector.load %arg5[%swap3A, %swap3A_30] : memref<1024x128xf32, #tpu.memory_space<vmem>>, vector<1024x128xf32>
    tpu.vector_store %arg5[%swap3A, %swap3A_30], %select_n3A {strides = array<i32>} : memref<1024x128xf32, #tpu.memory_space<vmem>>, vector<1024x128xf32>,
    %eq3A = arith.constant 0 : i32
    %eq3A_32 = arith.cmpi eq, %arg0, %eq3A : i32
    %convert_element_type3A = arith.extui %eq3A_32 : i1 to i32
    %cond3A = arith.constant 0 : i32
    %cond3A_33 = arith.cmpi ne, %convert_element_type3A, %cond3A : i32
    scf.if %cond3A_33 {
      %broadcast_in_dim3A_54 = arith.constant 0.000000e+00 : f32
      %broadcast_in_dim3A_55 = vector.broadcast %broadcast_in_dim3A_54 : f32 to vector<1x128xf32>
      %swap3A_56 = arith.constant 0 : index
      %swap3A_57 = arith.constant 0 : index
      %swap3A_58 = vector.load %arg6[%swap3A_56, %swap3A_57] : memref<1x128xf32, #tpu.memory_space<vmem>>, vector<1x128xf32>
      tpu.vector_store %arg6[%swap3A_56, %swap3A_57], %broadcast_in_dim3A_55 {strides = array<i32>} : memref<1x128xf32, #tpu.memory_space<vmem>>, vector<1x128xf32>,
      %broadcast_in_dim3A_59 = arith.constant 0.000000e+00 : f32
      %broadcast_in_dim3A_60 = vector.broadcast %broadcast_in_dim3A_59 : f32 to vector<1x128xf32>
      %swap3A_61 = arith.constant 0 : index
      %swap3A_62 = arith.constant 0 : index
      %swap3A_63 = vector.load %arg7[%swap3A_61, %swap3A_62] : memref<1x128xf32, #tpu.memory_space<vmem>>, vector<1x128xf32>
      tpu.vector_store %arg7[%swap3A_61, %swap3A_62], %broadcast_in_dim3A_60 {strides = array<i32>} : memref<1x128xf32, #tpu.memory_space<vmem>>, vector<1x128xf32>,
    } else {
    }
    %get3A_34 = arith.constant 0 : index
    %get3A_35 = arith.constant 0 : index
    %get3A_36 = vector.load %arg6[%get3A_34, %get3A_35] : memref<1x128xf32, #tpu.memory_space<vmem>>, vector<1x128xf32>
    %reduce_sum3A = arith.constant dense<0.000000e+00> : vector<128xf32>
    %reduce_sum3A_37 = vector.multi_reduction <add>, %select_n3A, %reduce_sum3A [0] : vector<1024x128xf32> to vector<128xf32>
    %broadcast_in_dim3A_38 = vector.shape_cast %reduce_sum3A_37 : vector<128xf32> to vector<1x128xf32>
    %add3A_39 = arith.addf %get3A_36, %broadcast_in_dim3A_38 : vector<1x128xf32>
    %swap3A_40 = arith.constant 0 : index
    %swap3A_41 = arith.constant 0 : index
    %swap3A_42 = vector.load %arg6[%swap3A_40, %swap3A_41] : memref<1x128xf32, #tpu.memory_space<vmem>>, vector<1x128xf32>
    tpu.vector_store %arg6[%swap3A_40, %swap3A_41], %add3A_39 {strides = array<i32>} : memref<1x128xf32, #tpu.memory_space<vmem>>, vector<1x128xf32>,
    %get3A_43 = arith.constant 0 : index
    %get3A_44 = arith.constant 0 : index
    %get3A_45 = vector.load %arg7[%get3A_43, %get3A_44] : memref<1x128xf32, #tpu.memory_space<vmem>>, vector<1x128xf32>
    %mul3A_46 = arith.mulf %select_n3A, %select_n3A : vector<1024x128xf32>
    %reduce_sum3A_47 = arith.constant dense<0.000000e+00> : vector<128xf32>
    %reduce_sum3A_48 = vector.multi_reduction <add>, %mul3A_46, %reduce_sum3A_47 [0] : vector<1024x128xf32> to vector<128xf32>
    %broadcast_in_dim3A_49 = vector.shape_cast %reduce_sum3A_48 : vector<128xf32> to vector<1x128xf32>
    %add3A_50 = arith.addf %get3A_45, %broadcast_in_dim3A_49 : vector<1x128xf32>
    %swap3A_51 = arith.constant 0 : index
    %swap3A_52 = arith.constant 0 : index
    %swap3A_53 = vector.load %arg7[%swap3A_51, %swap3A_52] : memref<1x128xf32, #tpu.memory_space<vmem>>, vector<1x128xf32>
    tpu.vector_store %arg7[%swap3A_51, %swap3A_52], %add3A_50 {strides = array<i32>} : memref<1x128xf32, #tpu.memory_space<vmem>>, vector<1x128xf32>,
    return
  }
  func.func @transform_0(%arg0: i32) -> (i32, i32, i32) {
    %c0_i32 = arith.constant 0 : i32
    %c0_i32_0 = arith.constant 0 : i32
    %c0_i32_1 = arith.constant 0 : i32
    return %c0_i32, %arg0, %c0_i32_0 : i32, i32, i32
  }
  func.func @transform_1(%arg0: i32) -> (i32, i32) {
    %c0_i32 = arith.constant 0 : i32
    %c0_i32_0 = arith.constant 0 : i32
    return %arg0, %c0_i32 : i32, i32
  }
  func.func @transform_2(%arg0: i32) -> (i32, i32) {
    %c0_i32 = arith.constant 0 : i32
    %c0_i32_0 = arith.constant 0 : i32
    %c0_i32_1 = arith.constant 0 : i32
    return %c0_i32, %c0_i32_0 : i32, i32
  }
  func.func @transform_3(%arg0: i32) -> (i32, i32) {
    %c0_i32 = arith.constant 0 : i32
    %c0_i32_0 = arith.constant 0 : i32
    %c0_i32_1 = arith.constant 0 : i32
    return %c0_i32, %c0_i32_0 : i32, i32
  }
  func.func @transform_4(%arg0: i32) -> (i32, i32) {
    %c0_i32 = arith.constant 0 : i32
    %c0_i32_0 = arith.constant 0 : i32
    return %arg0, %c0_i32 : i32, i32
  }
  func.func @transform_5(%arg0: i32) -> (i32, i32) {
    %c0_i32 = arith.constant 0 : i32
    %c0_i32_0 = arith.constant 0 : i32
    %c0_i32_1 = arith.constant 0 : i32
    return %c0_i32, %c0_i32_0 : i32, i32
  }
  func.func @transform_6(%arg0: i32) -> (i32, i32) {
    %c0_i32 = arith.constant 0 : i32
    %c0_i32_0 = arith.constant 0 : i32
    %c0_i32_1 = arith.constant 0 : i32
    return %c0_i32, %c0_i32_0 : i32, i32
  }
}

module attributes {stable_mosaic.version = 14 : i64} {
  func.func @_tc_layer_b_body(%arg0: i32, %arg1: memref<1024x128xf32, #tpu.memory_space<vmem>>, %arg2: memref<1024x128xf32, #tpu.memory_space<vmem>>, %arg3: memref<1x128xf32, #tpu.memory_space<vmem>>, %arg4: memref<1x128xf32, #tpu.memory_space<vmem>>, %arg5: memref<1x128xf32, #tpu.memory_space<vmem>>, %arg6: memref<1x128xf32, #tpu.memory_space<vmem>>, %arg7: memref<1024x8xf32, #tpu.memory_space<vmem>>, %arg8: memref<1024x128xf32, #tpu.memory_space<vmem>>, %arg9: memref<1024x128xf32, #tpu.memory_space<vmem>>) attributes {dimension_semantics = [#tpu.dimension_semantics<arbitrary>], iteration_bounds = array<i64: 10>, scalar_prefetch = 0 : i64, scratch_operands = 0 : i64, tpu.core_type = #tpu.core_type<tc>, window_params = [{transform_indices = @transform_0, window_bounds = array<i64: 1024, 128>}, {transform_indices = @transform_1, window_bounds = array<i64: 1024, 128>}, {pipeline_mode = #tpu.pipeline_mode<synchronous>, transform_indices = @transform_2, window_bounds = array<i64: 1, 128>}, {pipeline_mode = #tpu.pipeline_mode<synchronous>, transform_indices = @transform_3, window_bounds = array<i64: 1, 128>}, {pipeline_mode = #tpu.pipeline_mode<synchronous>, transform_indices = @transform_4, window_bounds = array<i64: 1, 128>}, {pipeline_mode = #tpu.pipeline_mode<synchronous>, transform_indices = @transform_5, window_bounds = array<i64: 1, 128>}, {transform_indices = @transform_6, window_bounds = array<i64: 1024, 8>}, {transform_indices = @transform_7, window_bounds = array<i64: 1024, 128>}, {transform_indices = @transform_8, window_bounds = array<i64: 1024, 128>}]} {
    %get3A = arith.constant 0 : index
    %get3A_0 = arith.constant 0 : index
    %get3A_1 = vector.load %arg3[%get3A, %get3A_0] : memref<1x128xf32, #tpu.memory_space<vmem>>, vector<1x128xf32>
    %div3A = arith.constant 1.000000e+04 : f32
    %div3A_2 = vector.broadcast %div3A : f32 to vector<1x128xf32>
    %div3A_3 = arith.divf %get3A_1, %div3A_2 : vector<1x128xf32>
    %get3A_4 = arith.constant 0 : index
    %get3A_5 = arith.constant 0 : index
    %get3A_6 = vector.load %arg4[%get3A_4, %get3A_5] : memref<1x128xf32, #tpu.memory_space<vmem>>, vector<1x128xf32>
    %div3A_7 = arith.constant 1.000000e+04 : f32
    %div3A_8 = vector.broadcast %div3A_7 : f32 to vector<1x128xf32>
    %div3A_9 = arith.divf %get3A_6, %div3A_8 : vector<1x128xf32>
    %mul3A = arith.mulf %div3A_3, %div3A_3 : vector<1x128xf32>
    %sub3A = arith.subf %div3A_9, %mul3A : vector<1x128xf32>
    %get3A_10 = arith.constant 0 : index
    %get3A_11 = arith.constant 0 : index
    %get3A_12 = vector.load %arg5[%get3A_10, %get3A_11] : memref<1x128xf32, #tpu.memory_space<vmem>>, vector<1x128xf32>
    %add3A = arith.constant 9.99999974E-6 : f32
    %add3A_13 = vector.broadcast %add3A : f32 to vector<1x128xf32>
    %add3A_14 = arith.addf %sub3A, %add3A_13 : vector<1x128xf32>
    %rsqrt3A = math.rsqrt %add3A_14 : vector<1x128xf32>
    %mul3A_15 = arith.mulf %get3A_12, %rsqrt3A : vector<1x128xf32>
    %get3A_16 = arith.constant 0 : index
    %get3A_17 = arith.constant 0 : index
    %get3A_18 = vector.load %arg1[%get3A_16, %get3A_17] : memref<1024x128xf32, #tpu.memory_space<vmem>>, vector<1024x128xf32>
    %sub3A_19 = vector.broadcast %div3A_3 : vector<1x128xf32> to vector<1024x128xf32>
    %sub3A_20 = arith.subf %get3A_18, %sub3A_19 : vector<1024x128xf32>
    %mul3A_21 = vector.broadcast %mul3A_15 : vector<1x128xf32> to vector<1024x128xf32>
    %mul3A_22 = arith.mulf %sub3A_20, %mul3A_21 : vector<1024x128xf32>
    %get3A_23 = arith.constant 0 : index
    %get3A_24 = arith.constant 0 : index
    %get3A_25 = vector.load %arg6[%get3A_23, %get3A_24] : memref<1x128xf32, #tpu.memory_space<vmem>>, vector<1x128xf32>
    %add3A_26 = vector.broadcast %get3A_25 : vector<1x128xf32> to vector<1024x128xf32>
    %add3A_27 = arith.addf %mul3A_22, %add3A_26 : vector<1024x128xf32>
    %max3A = arith.constant 0.000000e+00 : f32
    %max3A_28 = vector.broadcast %max3A : f32 to vector<1024x128xf32>
    %max3A_29 = arith.maximumf %add3A_27, %max3A_28 : vector<1024x128xf32>
    %get3A_30 = arith.constant 0 : index
    %get3A_31 = arith.constant 0 : index
    %get3A_32 = vector.load %arg2[%get3A_30, %get3A_31] : memref<1024x128xf32, #tpu.memory_space<vmem>>, vector<1024x128xf32>
    %add3A_33 = arith.addf %get3A_32, %max3A_29 : vector<1024x128xf32>
    %swap3A = arith.constant 0 : index
    %swap3A_34 = arith.constant 0 : index
    %swap3A_35 = vector.load %arg8[%swap3A, %swap3A_34] : memref<1024x128xf32, #tpu.memory_space<vmem>>, vector<1024x128xf32>
    tpu.vector_store %arg8[%swap3A, %swap3A_34], %add3A_33 {strides = array<i32>} : memref<1024x128xf32, #tpu.memory_space<vmem>>, vector<1024x128xf32>,
    %get3A_36 = arith.constant 0 : index
    %get3A_37 = arith.constant 0 : index
    %get3A_38 = vector.load %arg7[%get3A_36, %get3A_37] : memref<1024x8xf32, #tpu.memory_space<vmem>>, vector<1024x1xf32>
    %mul3A_39 = vector.broadcast %get3A_38 : vector<1024x1xf32> to vector<1024x128xf32>
    %mul3A_40 = arith.mulf %mul3A_39, %add3A_33 : vector<1024x128xf32>
    %swap3A_41 = arith.constant 0 : index
    %swap3A_42 = arith.constant 0 : index
    %swap3A_43 = vector.load %arg9[%swap3A_41, %swap3A_42] : memref<1024x128xf32, #tpu.memory_space<vmem>>, vector<1024x128xf32>
    tpu.vector_store %arg9[%swap3A_41, %swap3A_42], %mul3A_40 {strides = array<i32>} : memref<1024x128xf32, #tpu.memory_space<vmem>>, vector<1024x128xf32>,
    return
  }
  func.func @transform_0(%arg0: i32) -> (i32, i32) {
    %c0_i32 = arith.constant 0 : i32
    %c0_i32_0 = arith.constant 0 : i32
    return %arg0, %c0_i32 : i32, i32
  }
  func.func @transform_1(%arg0: i32) -> (i32, i32) {
    %c0_i32 = arith.constant 0 : i32
    %c0_i32_0 = arith.constant 0 : i32
    return %arg0, %c0_i32 : i32, i32
  }
  func.func @transform_2(%arg0: i32) -> (i32, i32) {
    %c0_i32 = arith.constant 0 : i32
    %c0_i32_0 = arith.constant 0 : i32
    %c0_i32_1 = arith.constant 0 : i32
    return %c0_i32, %c0_i32_0 : i32, i32
  }
  func.func @transform_3(%arg0: i32) -> (i32, i32) {
    %c0_i32 = arith.constant 0 : i32
    %c0_i32_0 = arith.constant 0 : i32
    %c0_i32_1 = arith.constant 0 : i32
    return %c0_i32, %c0_i32_0 : i32, i32
  }
  func.func @transform_4(%arg0: i32) -> (i32, i32) {
    %c0_i32 = arith.constant 0 : i32
    %c0_i32_0 = arith.constant 0 : i32
    %c0_i32_1 = arith.constant 0 : i32
    return %c0_i32, %c0_i32_0 : i32, i32
  }
  func.func @transform_5(%arg0: i32) -> (i32, i32) {
    %c0_i32 = arith.constant 0 : i32
    %c0_i32_0 = arith.constant 0 : i32
    %c0_i32_1 = arith.constant 0 : i32
    return %c0_i32, %c0_i32_0 : i32, i32
  }
  func.func @transform_6(%arg0: i32) -> (i32, i32) {
    %c0_i32 = arith.constant 0 : i32
    %c0_i32_0 = arith.constant 0 : i32
    return %arg0, %c0_i32 : i32, i32
  }
  func.func @transform_7(%arg0: i32) -> (i32, i32) {
    %c0_i32 = arith.constant 0 : i32
    %c0_i32_0 = arith.constant 0 : i32
    return %arg0, %c0_i32 : i32, i32
  }
  func.func @transform_8(%arg0: i32) -> (i32, i32) {
    %c0_i32 = arith.constant 0 : i32
    %c0_i32_0 = arith.constant 0 : i32
    return %arg0, %c0_i32 : i32, i32
  }
}

module attributes {stable_mosaic.version = 14 : i64} {
  func.func @_tc_layer_b_body(%arg0: i32, %arg1: memref<1024x128xf32, #tpu.memory_space<vmem>>, %arg2: memref<1024x128xf32, #tpu.memory_space<vmem>>, %arg3: memref<1x128xf32, #tpu.memory_space<vmem>>, %arg4: memref<1x128xf32, #tpu.memory_space<vmem>>, %arg5: memref<1x128xf32, #tpu.memory_space<vmem>>, %arg6: memref<1x128xf32, #tpu.memory_space<vmem>>, %arg7: memref<1024x8xf32, #tpu.memory_space<vmem>>, %arg8: memref<1024x128xf32, #tpu.memory_space<vmem>>, %arg9: memref<1024x128xf32, #tpu.memory_space<vmem>>) attributes {dimension_semantics = [#tpu.dimension_semantics<arbitrary>], iteration_bounds = array<i64: 10>, scalar_prefetch = 0 : i64, scratch_operands = 0 : i64, tpu.core_type = #tpu.core_type<tc>, window_params = [{transform_indices = @transform_0, window_bounds = array<i64: 1024, 128>}, {transform_indices = @transform_1, window_bounds = array<i64: 1024, 128>}, {pipeline_mode = #tpu.pipeline_mode<synchronous>, transform_indices = @transform_2, window_bounds = array<i64: 1, 128>}, {pipeline_mode = #tpu.pipeline_mode<synchronous>, transform_indices = @transform_3, window_bounds = array<i64: 1, 128>}, {pipeline_mode = #tpu.pipeline_mode<synchronous>, transform_indices = @transform_4, window_bounds = array<i64: 1, 128>}, {pipeline_mode = #tpu.pipeline_mode<synchronous>, transform_indices = @transform_5, window_bounds = array<i64: 1, 128>}, {transform_indices = @transform_6, window_bounds = array<i64: 1024, 8>}, {transform_indices = @transform_7, window_bounds = array<i64: 1024, 128>}, {transform_indices = @transform_8, window_bounds = array<i64: 1024, 128>}]} {
    %get3A = arith.constant 0 : index
    %get3A_0 = arith.constant 0 : index
    %get3A_1 = vector.load %arg3[%get3A, %get3A_0] : memref<1x128xf32, #tpu.memory_space<vmem>>, vector<1x128xf32>
    %div3A = arith.constant 1.000000e+04 : f32
    %div3A_2 = vector.broadcast %div3A : f32 to vector<1x128xf32>
    %div3A_3 = arith.divf %get3A_1, %div3A_2 : vector<1x128xf32>
    %get3A_4 = arith.constant 0 : index
    %get3A_5 = arith.constant 0 : index
    %get3A_6 = vector.load %arg4[%get3A_4, %get3A_5] : memref<1x128xf32, #tpu.memory_space<vmem>>, vector<1x128xf32>
    %div3A_7 = arith.constant 1.000000e+04 : f32
    %div3A_8 = vector.broadcast %div3A_7 : f32 to vector<1x128xf32>
    %div3A_9 = arith.divf %get3A_6, %div3A_8 : vector<1x128xf32>
    %mul3A = arith.mulf %div3A_3, %div3A_3 : vector<1x128xf32>
    %sub3A = arith.subf %div3A_9, %mul3A : vector<1x128xf32>
    %get3A_10 = arith.constant 0 : index
    %get3A_11 = arith.constant 0 : index
    %get3A_12 = vector.load %arg5[%get3A_10, %get3A_11] : memref<1x128xf32, #tpu.memory_space<vmem>>, vector<1x128xf32>
    %add3A = arith.constant 9.99999974E-6 : f32
    %add3A_13 = vector.broadcast %add3A : f32 to vector<1x128xf32>
    %add3A_14 = arith.addf %sub3A, %add3A_13 : vector<1x128xf32>
    %rsqrt3A = math.rsqrt %add3A_14 : vector<1x128xf32>
    %mul3A_15 = arith.mulf %get3A_12, %rsqrt3A : vector<1x128xf32>
    %get3A_16 = arith.constant 0 : index
    %get3A_17 = arith.constant 0 : index
    %get3A_18 = vector.load %arg1[%get3A_16, %get3A_17] : memref<1024x128xf32, #tpu.memory_space<vmem>>, vector<1024x128xf32>
    %sub3A_19 = vector.broadcast %div3A_3 : vector<1x128xf32> to vector<1024x128xf32>
    %sub3A_20 = arith.subf %get3A_18, %sub3A_19 : vector<1024x128xf32>
    %mul3A_21 = vector.broadcast %mul3A_15 : vector<1x128xf32> to vector<1024x128xf32>
    %mul3A_22 = arith.mulf %sub3A_20, %mul3A_21 : vector<1024x128xf32>
    %get3A_23 = arith.constant 0 : index
    %get3A_24 = arith.constant 0 : index
    %get3A_25 = vector.load %arg6[%get3A_23, %get3A_24] : memref<1x128xf32, #tpu.memory_space<vmem>>, vector<1x128xf32>
    %add3A_26 = vector.broadcast %get3A_25 : vector<1x128xf32> to vector<1024x128xf32>
    %add3A_27 = arith.addf %mul3A_22, %add3A_26 : vector<1024x128xf32>
    %max3A = arith.constant 0.000000e+00 : f32
    %max3A_28 = vector.broadcast %max3A : f32 to vector<1024x128xf32>
    %max3A_29 = arith.maximumf %add3A_27, %max3A_28 : vector<1024x128xf32>
    %get3A_30 = arith.constant 0 : index
    %get3A_31 = arith.constant 0 : index
    %get3A_32 = vector.load %arg2[%get3A_30, %get3A_31] : memref<1024x128xf32, #tpu.memory_space<vmem>>, vector<1024x128xf32>
    %add3A_33 = arith.addf %get3A_32, %max3A_29 : vector<1024x128xf32>
    %swap3A = arith.constant 0 : index
    %swap3A_34 = arith.constant 0 : index
    %swap3A_35 = vector.load %arg8[%swap3A, %swap3A_34] : memref<1024x128xf32, #tpu.memory_space<vmem>>, vector<1024x128xf32>
    tpu.vector_store %arg8[%swap3A, %swap3A_34], %add3A_33 {strides = array<i32>} : memref<1024x128xf32, #tpu.memory_space<vmem>>, vector<1024x128xf32>,
    %get3A_36 = arith.constant 0 : index
    %get3A_37 = arith.constant 0 : index
    %get3A_38 = vector.load %arg7[%get3A_36, %get3A_37] : memref<1024x8xf32, #tpu.memory_space<vmem>>, vector<1024x1xf32>
    %mul3A_39 = vector.broadcast %get3A_38 : vector<1024x1xf32> to vector<1024x128xf32>
    %mul3A_40 = arith.mulf %mul3A_39, %add3A_33 : vector<1024x128xf32>
    %swap3A_41 = arith.constant 0 : index
    %swap3A_42 = arith.constant 0 : index
    %swap3A_43 = vector.load %arg9[%swap3A_41, %swap3A_42] : memref<1024x128xf32, #tpu.memory_space<vmem>>, vector<1024x128xf32>
    tpu.vector_store %arg9[%swap3A_41, %swap3A_42], %mul3A_40 {strides = array<i32>} : memref<1024x128xf32, #tpu.memory_space<vmem>>, vector<1024x128xf32>,
    return
  }
  func.func @transform_0(%arg0: i32) -> (i32, i32) {
    %c0_i32 = arith.constant 0 : i32
    %c0_i32_0 = arith.constant 0 : i32
    return %arg0, %c0_i32 : i32, i32
  }
  func.func @transform_1(%arg0: i32) -> (i32, i32) {
    %c0_i32 = arith.constant 0 : i32
    %c0_i32_0 = arith.constant 0 : i32
    return %arg0, %c0_i32 : i32, i32
  }
  func.func @transform_2(%arg0: i32) -> (i32, i32) {
    %c0_i32 = arith.constant 0 : i32
    %c0_i32_0 = arith.constant 0 : i32
    %c0_i32_1 = arith.constant 0 : i32
    return %c0_i32, %c0_i32_0 : i32, i32
  }
  func.func @transform_3(%arg0: i32) -> (i32, i32) {
    %c0_i32 = arith.constant 0 : i32
    %c0_i32_0 = arith.constant 0 : i32
    %c0_i32_1 = arith.constant 0 : i32
    return %c0_i32, %c0_i32_0 : i32, i32
  }
  func.func @transform_4(%arg0: i32) -> (i32, i32) {
    %c0_i32 = arith.constant 0 : i32
    %c0_i32_0 = arith.constant 0 : i32
    %c0_i32_1 = arith.constant 0 : i32
    return %c0_i32, %c0_i32_0 : i32, i32
  }
  func.func @transform_5(%arg0: i32) -> (i32, i32) {
    %c0_i32 = arith.constant 0 : i32
    %c0_i32_0 = arith.constant 0 : i32
    %c0_i32_1 = arith.constant 0 : i32
    return %c0_i32, %c0_i32_0 : i32, i32
  }
  func.func @transform_6(%arg0: i32) -> (i32, i32) {
    %c0_i32 = arith.constant 0 : i32
    %c0_i32_0 = arith.constant 0 : i32
    return %arg0, %c0_i32 : i32, i32
  }
  func.func @transform_7(%arg0: i32) -> (i32, i32) {
    %c0_i32 = arith.constant 0 : i32
    %c0_i32_0 = arith.constant 0 : i32
    return %arg0, %c0_i32 : i32, i32
  }
  func.func @transform_8(%arg0: i32) -> (i32, i32) {
    %c0_i32 = arith.constant 0 : i32
    %c0_i32_0 = arith.constant 0 : i32
    return %arg0, %c0_i32 : i32, i32
  }
}

module attributes {stable_mosaic.version = 14 : i64} {
  func.func @_tc_head_body(%arg0: i32, %arg1: memref<1024x128xf32, #tpu.memory_space<vmem>>, %arg2: memref<128x64xf32, #tpu.memory_space<vmem>>, %arg3: memref<1x64xf32, #tpu.memory_space<vmem>>, %arg4: memref<64x32xf32, #tpu.memory_space<vmem>>, %arg5: memref<1x32xf32, #tpu.memory_space<vmem>>, %arg6: memref<32x10xf32, #tpu.memory_space<vmem>>, %arg7: memref<1x10xf32, #tpu.memory_space<vmem>>, %arg8: memref<1x10xf32, #tpu.memory_space<vmem>>, %arg9: memref<1x128xf32, #tpu.memory_space<vmem>>) attributes {dimension_semantics = [#tpu.dimension_semantics<arbitrary>], iteration_bounds = array<i64: 10>, scalar_prefetch = 0 : i64, scratch_operands = 1 : i64, tpu.core_type = #tpu.core_type<tc>, window_params = [{transform_indices = @transform_0, window_bounds = array<i64: 1024, 128>}, {pipeline_mode = #tpu.pipeline_mode<synchronous>, transform_indices = @transform_1, window_bounds = array<i64: 128, 64>}, {pipeline_mode = #tpu.pipeline_mode<synchronous>, transform_indices = @transform_2, window_bounds = array<i64: 1, 64>}, {pipeline_mode = #tpu.pipeline_mode<synchronous>, transform_indices = @transform_3, window_bounds = array<i64: 64, 32>}, {pipeline_mode = #tpu.pipeline_mode<synchronous>, transform_indices = @transform_4, window_bounds = array<i64: 1, 32>}, {pipeline_mode = #tpu.pipeline_mode<synchronous>, transform_indices = @transform_5, window_bounds = array<i64: 32, 10>}, {pipeline_mode = #tpu.pipeline_mode<synchronous>, transform_indices = @transform_6, window_bounds = array<i64: 1, 10>}, {pipeline_mode = #tpu.pipeline_mode<synchronous>, transform_indices = @transform_7, window_bounds = array<i64: 1, 10>}]} {
    %eq3A = arith.constant 0 : i32
    %eq3A_0 = arith.cmpi eq, %arg0, %eq3A : i32
    %convert_element_type3A = arith.extui %eq3A_0 : i1 to i32
    %cond3A = arith.constant 0 : i32
    %cond3A_1 = arith.cmpi ne, %convert_element_type3A, %cond3A : i32
    scf.if %cond3A_1 {
      %broadcast_in_dim3A_23 = arith.constant 0.000000e+00 : f32
      %broadcast_in_dim3A_24 = vector.broadcast %broadcast_in_dim3A_23 : f32 to vector<1x128xf32>
      %swap3A_25 = arith.constant 0 : index
      %swap3A_26 = arith.constant 0 : index
      %swap3A_27 = vector.load %arg9[%swap3A_25, %swap3A_26] : memref<1x128xf32, #tpu.memory_space<vmem>>, vector<1x128xf32>
      tpu.vector_store %arg9[%swap3A_25, %swap3A_26], %broadcast_in_dim3A_24 {strides = array<i32>} : memref<1x128xf32, #tpu.memory_space<vmem>>, vector<1x128xf32>,
    } else {
    }
    %iota3A = tpu.iota {dimensions = array<i32: 0>} : vector<1024x1xi32>
    %mul3A = arith.constant 1024 : i32
    %mul3A_2 = arith.muli %arg0, %mul3A : i32
    %add3A = vector.broadcast %mul3A_2 : i32 to vector<1024x1xi32>
    %add3A_3 = arith.addi %iota3A, %add3A : vector<1024x1xi32>
    %lt3A = arith.constant 10000 : i32
    %lt3A_4 = vector.broadcast %lt3A : i32 to vector<1024x1xi32>
    %lt3A_5 = arith.cmpi slt, %add3A_3, %lt3A_4 : vector<1024x1xi32>
    %get3A = arith.constant 0 : index
    %get3A_6 = arith.constant 0 : index
    %get3A_7 = vector.load %arg1[%get3A, %get3A_6] : memref<1024x128xf32, #tpu.memory_space<vmem>>, vector<1024x128xf32>
    %jit3A = arith.constant 0.000000e+00 : f32
    %broadcast_in_dim3A = vector.shape_cast %lt3A_5 : vector<1024x1xi1> to vector<1024x1xi1>
    %broadcast_in_dim3A_8 = vector.broadcast %broadcast_in_dim3A : vector<1024x1xi1> to vector<1024x128xi1>
    %broadcast_in_dim3A_9 = vector.broadcast %jit3A : f32 to vector<1024x128xf32>
    %select_n3A = arith.select %broadcast_in_dim3A_8, %get3A_7, %broadcast_in_dim3A_9 : vector<1024x128xi1>, vector<1024x128xf32>
    %get3A_10 = arith.constant 0 : index
    %get3A_11 = arith.constant 0 : index
    %get3A_12 = vector.load %arg9[%get3A_10, %get3A_11] : memref<1x128xf32, #tpu.memory_space<vmem>>, vector<1x128xf32>
    %reduce_sum3A = arith.constant dense<0.000000e+00> : vector<128xf32>
    %reduce_sum3A_13 = vector.multi_reduction <add>, %select_n3A, %reduce_sum3A [0] : vector<1024x128xf32> to vector<128xf32>
    %broadcast_in_dim3A_14 = vector.shape_cast %reduce_sum3A_13 : vector<128xf32> to vector<1x128xf32>
    %add3A_15 = arith.addf %get3A_12, %broadcast_in_dim3A_14 : vector<1x128xf32>
    %swap3A = arith.constant 0 : index
    %swap3A_16 = arith.constant 0 : index
    %swap3A_17 = vector.load %arg9[%swap3A, %swap3A_16] : memref<1x128xf32, #tpu.memory_space<vmem>>, vector<1x128xf32>
    tpu.vector_store %arg9[%swap3A, %swap3A_16], %add3A_15 {strides = array<i32>} : memref<1x128xf32, #tpu.memory_space<vmem>>, vector<1x128xf32>,
    %eq3A_18 = arith.constant 9 : i32
    %eq3A_19 = arith.cmpi eq, %arg0, %eq3A_18 : i32
    %convert_element_type3A_20 = arith.extui %eq3A_19 : i1 to i32
    %cond3A_21 = arith.constant 0 : i32
    %cond3A_22 = arith.cmpi ne, %convert_element_type3A_20, %cond3A_21 : i32
    scf.if %cond3A_22 {
      %get3A_23 = arith.constant 0 : index
      %get3A_24 = arith.constant 0 : index
      %get3A_25 = vector.load %arg9[%get3A_23, %get3A_24] : memref<1x128xf32, #tpu.memory_space<vmem>>, vector<1x128xf32>
      %div3A = arith.constant 1.000000e+04 : f32
      %div3A_26 = vector.broadcast %div3A : f32 to vector<1x128xf32>
      %div3A_27 = arith.divf %get3A_25, %div3A_26 : vector<1x128xf32>
      %get3A_28 = arith.constant 0 : index
      %get3A_29 = arith.constant 0 : index
      %get3A_30 = vector.load %arg2[%get3A_28, %get3A_29] : memref<128x64xf32, #tpu.memory_space<vmem>>, vector<128x64xf32>
      %dot_general3A = arith.constant dense<0.000000e+00> : vector<1x64xf32>
      %dot_general3A_31 = tpu.matmul %div3A_27, %get3A_30, %dot_general3A {dimension_numbers = #tpu.dot_dimension_numbers<[1], [0], [0], [1], [0, 0, 1, 1], [], []>, transpose_lhs_hint = false} : vector<1x128xf32>, vector<128x64xf32>, vector<1x64xf32> -> vector<1x64xf32>
      %get3A_32 = arith.constant 0 : index
      %get3A_33 = arith.constant 0 : index
      %get3A_34 = vector.load %arg3[%get3A_32, %get3A_33] : memref<1x64xf32, #tpu.memory_space<vmem>>, vector<1x64xf32>
      %add3A_35 = arith.addf %dot_general3A_31, %get3A_34 : vector<1x64xf32>
      %max3A = arith.constant 0.000000e+00 : f32
      %max3A_36 = vector.broadcast %max3A : f32 to vector<1x64xf32>
      %max3A_37 = arith.maximumf %add3A_35, %max3A_36 : vector<1x64xf32>
      %get3A_38 = arith.constant 0 : index
      %get3A_39 = arith.constant 0 : index
      %get3A_40 = vector.load %arg4[%get3A_38, %get3A_39] : memref<64x32xf32, #tpu.memory_space<vmem>>, vector<64x32xf32>
      %dot_general3A_41 = arith.constant dense<0.000000e+00> : vector<1x32xf32>
      %dot_general3A_42 = tpu.matmul %max3A_37, %get3A_40, %dot_general3A_41 {dimension_numbers = #tpu.dot_dimension_numbers<[1], [0], [0], [1], [0, 0, 1, 1], [], []>, transpose_lhs_hint = false} : vector<1x64xf32>, vector<64x32xf32>, vector<1x32xf32> -> vector<1x32xf32>
      %get3A_43 = arith.constant 0 : index
      %get3A_44 = arith.constant 0 : index
      %get3A_45 = vector.load %arg5[%get3A_43, %get3A_44] : memref<1x32xf32, #tpu.memory_space<vmem>>, vector<1x32xf32>
      %add3A_46 = arith.addf %dot_general3A_42, %get3A_45 : vector<1x32xf32>
      %max3A_47 = arith.constant 0.000000e+00 : f32
      %max3A_48 = vector.broadcast %max3A_47 : f32 to vector<1x32xf32>
      %max3A_49 = arith.maximumf %add3A_46, %max3A_48 : vector<1x32xf32>
      %get3A_50 = arith.constant 0 : index
      %get3A_51 = arith.constant 0 : index
      %get3A_52 = vector.load %arg6[%get3A_50, %get3A_51] : memref<32x10xf32, #tpu.memory_space<vmem>>, vector<32x10xf32>
      %dot_general3A_53 = arith.constant dense<0.000000e+00> : vector<1x10xf32>
      %dot_general3A_54 = tpu.matmul %max3A_49, %get3A_52, %dot_general3A_53 {dimension_numbers = #tpu.dot_dimension_numbers<[1], [0], [0], [1], [0, 0, 1, 1], [], []>, transpose_lhs_hint = false} : vector<1x32xf32>, vector<32x10xf32>, vector<1x10xf32> -> vector<1x10xf32>
      %get3A_55 = arith.constant 0 : index
      %get3A_56 = arith.constant 0 : index
      %get3A_57 = vector.load %arg7[%get3A_55, %get3A_56] : memref<1x10xf32, #tpu.memory_space<vmem>>, vector<1x10xf32>
      %add3A_58 = arith.addf %dot_general3A_54, %get3A_57 : vector<1x10xf32>
      %swap3A_59 = arith.constant 0 : index
      %swap3A_60 = arith.constant 0 : index
      %swap3A_61 = vector.load %arg8[%swap3A_59, %swap3A_60] : memref<1x10xf32, #tpu.memory_space<vmem>>, vector<1x10xf32>
      tpu.vector_store %arg8[%swap3A_59, %swap3A_60], %add3A_58 {strides = array<i32>} : memref<1x10xf32, #tpu.memory_space<vmem>>, vector<1x10xf32>,
    } else {
    }
    return
  }
  func.func @transform_0(%arg0: i32) -> (i32, i32) {
    %c0_i32 = arith.constant 0 : i32
    %c0_i32_0 = arith.constant 0 : i32
    return %arg0, %c0_i32 : i32, i32
  }
  func.func @transform_1(%arg0: i32) -> (i32, i32) {
    %c0_i32 = arith.constant 0 : i32
    %c0_i32_0 = arith.constant 0 : i32
    %c0_i32_1 = arith.constant 0 : i32
    return %c0_i32, %c0_i32_0 : i32, i32
  }
  func.func @transform_2(%arg0: i32) -> (i32, i32) {
    %c0_i32 = arith.constant 0 : i32
    %c0_i32_0 = arith.constant 0 : i32
    %c0_i32_1 = arith.constant 0 : i32
    return %c0_i32, %c0_i32_0 : i32, i32
  }
  func.func @transform_3(%arg0: i32) -> (i32, i32) {
    %c0_i32 = arith.constant 0 : i32
    %c0_i32_0 = arith.constant 0 : i32
    %c0_i32_1 = arith.constant 0 : i32
    return %c0_i32, %c0_i32_0 : i32, i32
  }
  func.func @transform_4(%arg0: i32) -> (i32, i32) {
    %c0_i32 = arith.constant 0 : i32
    %c0_i32_0 = arith.constant 0 : i32
    %c0_i32_1 = arith.constant 0 : i32
    return %c0_i32, %c0_i32_0 : i32, i32
  }
  func.func @transform_5(%arg0: i32) -> (i32, i32) {
    %c0_i32 = arith.constant 0 : i32
    %c0_i32_0 = arith.constant 0 : i32
    %c0_i32_1 = arith.constant 0 : i32
    return %c0_i32, %c0_i32_0 : i32, i32
  }
  func.func @transform_6(%arg0: i32) -> (i32, i32) {
    %c0_i32 = arith.constant 0 : i32
    %c0_i32_0 = arith.constant 0 : i32
    %c0_i32_1 = arith.constant 0 : i32
    return %c0_i32, %c0_i32_0 : i32, i32
  }
  func.func @transform_7(%arg0: i32) -> (i32, i32) {
    %c0_i32 = arith.constant 0 : i32
    %c0_i32_0 = arith.constant 0 : i32
    %c0_i32_1 = arith.constant 0 : i32
    return %c0_i32, %c0_i32_0 : i32, i32
  }
}

</mosaic_0001>

<sc_bundles>
// kernel: kernel.18.cloned.1.call-start
scs
__scs_entry_jumppad:
0x0: {  	(pc) =	sbr.rel $0x88, $3  }
0x1: {  	(tag) =	ssettag $0x0;
	lr =	simm.s32 $0x1  }
0x2: {  	[smem:$0x3F93] =	sst lr;
	_ =	strace $0xD0000000  }
0x3: {  	_ = 	snop  }
0x4: {  	_ = 	snop  }
0x5: {  	_ = 	snop  }
0x6: {  	_ = 	snop  }
0x7: {  	_ = 	snop  }
__scs_overlays_trampoline_lowered:
0x8: {  	[smem:$0x3FA2] =	sst s0  }
0x9: {  	[smem:$0x3FA3] =	sst s1  }
0xa: {  	[smem:$0x3FA4] =	sst s2  }
0xb: {  	[smem:$0x3FA5] =	sst s3  }
0xc: {  	[smem:$0x3FA6] =	sst s4  }
0xd: {  	[smem:$0x3FA7] =	sst s5  }
0xe: {  	[smem:$0x3FA8] =	sst s6  }
0xf: {  	[smem:$0x3FA9] =	sst s7  }
0x10: {  	[smem:$0x3FAA] =	sst s8  }
0x11: {  	[smem:$0x3FAB] =	sst s9;
	s0 =	simm.s32 @!p0 $0x0  }
0x12: {  	s1 =	sld [smem:$0x3F91];
	s0 =	simm.s32 @p0 $0x1  }
0x13: {  	[smem:$0x3FAC] =	sst s0;
	s0 =	simm.s32 @!p1 $0x0  }
0x14: {  	s2 =	sld [smem:$0x3F90];
	s0 =	simm.s32 @p1 $0x1  }
0x15: {  	[smem:$0x3FAD] =	sst s0;
	s0 =	simm.s32 @!p2 $0x0  }
0x16: {  	s3 =	sld [smem:$0x3FDB];
	s0 =	simm.s32 @p2 $0x1  }
0x17: {  	s4 =	simm.s32 $0x1BF5;
	[smem:$0x3FAF] =	sst s0  }
0x18: {  	s0 =	sld [smem:$0x3F92];
	_ =	swait.ge [sflag:s4], $0x0  }
0x19: {  	s7 =	sld [smem:$0x3F93]  }
0x1a: {  	s8 =	sadd.s32 $0xFFFFE003, lr  }
0x1b: {  	s9 =	sadd.s32 $0xFFFFFEF7, lr;
	s5 =	simm.s32 $0xFFFFFFFF;
	p2 =	slt.u32 s8, $0xFFFFF086  }
0x1c: {  	p1 =	slt.u32 s9, $0xF7A;
	s5 =	simm.s32 @!p2 $0x0  }
0x1d: {  	s5 =	simm.s32 @p1 $0x1;
	p0 =	seq.s32 s7, s2  }
0x1e: {  	s7 =	smul.u32 @!p0 $0xF7A, s2;
	p2 =	seq.s32 @!p0 s5, $0x0  }
0x1f: {  	s9 =	smul.u32 $0xF7A, s1;
	s8 =	simm.s32 @!p0 $0x1BF5;
	p2 =	por !p2, p0  }
0x20: {  	[sflag:s8] =	ssyncset.s32 @!p0 $0xFFFFF086;
	s6 =	sadd.s32 @!p0 s3, s7;
	s7 =	simm.s32 @!p0 $0x108  }
0x21: {  	s3 =	sadd.s32 s3, s9;
	s6 =	sadd.s32 @!p0 $0x88, s6;
	s7 =	simm.s32 @p2 $0x1082  }
0x22: {  	[simem:s7], [sflag:s8] =	dma.local @!p0 [hbm:s6], $0xF7A  }
0x23: {  	s9 =	sor.u32 $0xD0000000, s2;
	s6 =	simm.s32 $0x108;
	_ =	swait.ge @!p0 [sflag:s8], $0x0  }
0x24: {  	s3 =	sadd.s32 $0x88, s3;
	s6 =	simm.s32 @!p1 $0x1082;
	[sflag:s4] =	ssyncset.s32 $0xFFFFF086  }
0x25: {  	[simem:s6], [sflag:s4] =	dma.local [hbm:s3], $0xF7A  }
0x26: {  	[smem:$0x3F93] =	sst s1;
	(tag) =	ssettag s2;
	_ =	strace s9  }
0x27: {  	s1 =	sld [smem:$0x3FA3]  }
0x28: {  	s2 =	sld [smem:$0x3FA4]  }
0x29: {  	s4 =	sld [smem:$0x3FA6]  }
0x2a: {  	p0 =	seq.s32 s5, $0x0;
	s5 =	sld [smem:$0x3FA7]  }
0x2b: {  	s6 =	sld [smem:$0x3FA8]  }
0x2c: {  	s7 =	sld [smem:$0x3FA9]  }
0x2d: {  	s3 =	simm.s32 $0x108;
	s8 =	sld [smem:$0x3FAA]  }
0x2e: {  	s3 =	simm.s32 @!p0 $0x1082;
	s9 =	sld [smem:$0x3FAB]  }
0x2f: {  	lr =	sadd.s32 s0, s3;
	s0 =	sld [smem:$0x3FA2]  }
0x30: {  	s3 =	sld [smem:$0x3FA5]  }
0x31: {  	[smem:$0x3FAE] =	sst s10  }
0x32: {  	s10 =	sld [smem:$0x3FAC];
	_ =	sdelay $0x3  }
0x33: {  	p0 =	seq.s32 s10, $0x1;
	s10 =	sld [smem:$0x3FAE];
	_ =	sdelay $0x3  }
0x34: {  	[smem:$0x3FAE] =	sst s10  }
0x35: {  	s10 =	sld [smem:$0x3FAD];
	_ =	sdelay $0x3  }
0x36: {  	p1 =	seq.s32 s10, $0x1;
	s10 =	sld [smem:$0x3FAE];
	_ =	sdelay $0x3  }
0x37: {  	[smem:$0x3FAE] =	sst s10  }
0x38: {  	s10 =	sld [smem:$0x3FAF]  }
0x39: {  	_ = 	snop;
	(pc) =	sbr.ind lr, $3  }
0x3a: {  	_ = 	snop  }
0x3b: {  	_ = 	snop  }
0x3c: {  	p2 =	seq.s32 s10, $0x1;
	s10 =	sld [smem:$0x3FAE]  }
0x3d: {  	_ =	shalt  }
0x3e: {  	_ =	shalt  }
0x3f: {  	_ =	shalt  }
0x40: {  	_ =	shalt  }
0x41: {  	_ =	shalt  }
0x42: {  	_ =	shalt  }
0x43: {  	_ =	shalt  }
0x44: {  	_ =	shalt  }
0x45: {  	_ =	shalt  }
0x46: {  	_ =	shalt  }
0x47: {  	_ =	shalt  }
0x48: {  	_ =	shalt  }
0x49: {  	_ =	shalt  }
0x4a: {  	_ =	shalt  }
0x4b: {  	_ =	shalt  }
0x4c: {  	_ =	shalt  }
0x4d: {  	_ =	shalt  }
0x4e: {  	_ =	shalt  }
0x4f: {  	_ =	shalt  }
0x50: {  	_ =	shalt  }
0x51: {  	_ =	shalt  }
0x52: {  	_ =	shalt  }
0x53: {  	_ =	shalt  }
0x54: {  	_ =	shalt  }
0x55: {  	_ =	shalt  }
0x56: {  	_ =	shalt  }
0x57: {  	_ =	shalt  }
0x58: {  	_ =	shalt  }
0x59: {  	_ =	shalt  }
0x5a: {  	_ =	shalt  }
0x5b: {  	_ =	shalt  }
0x5c: {  	_ =	shalt  }
0x5d: {  	_ =	shalt  }
0x5e: {  	_ =	shalt  }
0x5f: {  	_ =	shalt  }
0x60: {  	_ =	shalt  }
0x61: {  	_ =	shalt  }
0x62: {  	_ =	shalt  }
0x63: {  	_ =	shalt  }
0x64: {  	_ =	shalt  }
0x65: {  	_ =	shalt  }
0x66: {  	_ =	shalt  }
0x67: {  	_ =	shalt  }
0x68: {  	_ =	shalt  }
0x69: {  	_ =	shalt  }
0x6a: {  	_ =	shalt  }
0x6b: {  	_ =	shalt  }
0x6c: {  	_ =	shalt  }
0x6d: {  	_ =	shalt  }
0x6e: {  	_ =	shalt  }
0x6f: {  	_ =	shalt  }
0x70: {  	_ =	shalt  }
0x71: {  	_ =	shalt  }
0x72: {  	_ =	shalt  }
0x73: {  	_ =	shalt  }
0x74: {  	_ =	shalt  }
0x75: {  	_ =	shalt  }
0x76: {  	_ =	shalt  }
0x77: {  	_ =	shalt  }
0x78: {  	_ =	shalt  }
0x79: {  	_ =	shalt  }
0x7a: {  	_ =	shalt  }
0x7b: {  	_ =	shalt  }
0x7c: {  	_ =	shalt  }
0x7d: {  	_ =	shalt  }
0x7e: {  	_ =	shalt  }
0x7f: {  	_ =	shalt  }
0x80: {  	_ =	shalt  }
0x81: {  	_ =	shalt  }
0x82: {  	_ =	shalt  }
0x83: {  	_ =	shalt  }
0x84: {  	_ =	shalt  }
0x85: {  	_ =	shalt  }
0x86: {  	_ =	shalt  }
0x87: {  	_ =	shalt  }
.Lfunc_end0:
.L_simem_size_0:
called_computation_lowered:
.L_overlay_start_0:
0x88: {  	s2 =	sld [smem:$0x3FD9]  }
0x89: {  	s3 =	sld [smem:$0x3FFE];
	_ =	sdelay $0x1  }
0x8a: {  	s1 =	srdreg.scid  }
0x8b: {  	s0 =	sand.u32 $0x1, s1  }
0x8c: {  	s17 =	sshll.u32 s0, $0xA;
	s2 =	sadd.s32 s3, s2  }
0x8d: {  	s2 =	sadd.s32 s2, s17  }
0x8e: {  	[smem:$0x3FBA] =	sst s2  }
0x8f: {  	_ = 	snop  }
0x90: {  	(tm) =	ssettm $0x1  }
0x91: {  	s18 =	sld [smem:$0x3FFB];
	_ =	sdelay $0x3  }
0x92: {  	_ =	strace s18  }
0x93: {  	s2 =	sld [smem:$0x3FFC];
	_ =	sdelay $0x3  }
0x94: {  	_ =	strace s2  }
0x95: {  	s2 =	sld [smem:$0x3FFD];
	_ =	sdelay $0x3  }
0x96: {  	_ =	strace s2  }
0x97: {  	_ =	strace $0x8FFFFFFF  }
0x98: {  	s19 =	sld [smem:$0x3FDB];
	_ =	sdelay $0x1  }
0x99: {  	s20 =	simm.s32 $_scs_section_size  }
0x9a: {  	s4 =	simm.s32 $_size__tile_overlayer_lowered;
	s5 =	simm.s32 $_tile_overlayer_lowered  }
0x9b: {  	s6 =	simm.s32 $0x1BFF;
	s21 =	sshll.u32 s5, $0x1;
	s3 =	sadd.s32 s20, s19  }
0x9c: {  	s22 =	simm.s32 $0x0;
	s4 =	sshll.u32 s4, $0x1;
	s5 =	sadd.s32 s21, s3  }
0x9d: {  	[timem:s22], [sflag:s6] =	dma.local [hbm:s5], s4  }
0x9e: {  	_ =	swait.ge [sflag:s6], s4  }
0x9f: {  	s4 =	ssub.s32 $0x0, s4;
	[sflag:s6] =	ssyncset.done $0x0  }
0xa0: {  	[sflag:s6] =	ssyncadd.s32 s4;
	_ =	sdelay $0x1  }
0xa1: {  	s23 =	simm.s32 $0x1B8B  }
0xa2: {  	_ =	swait.ge [sflag:s23], $0x1  }
0xa3: {  	[sflag:s23] =	ssyncset.done $0x0  }
0xa4: {  	[sflag:s23] =	ssyncadd.s32 $0xFFFFFFFF  }
0xa5: {  	s4 =	sld [smem:$0x0]  }
0xa6: {  	s5 =	sand.u32 $0xFFFFFFFE, s1  }
0xa7: {  	p0 =	sne.s32 s1, s5  }
0xa8: {  	s5 =	sshll.u32 @p0 s5, $0xE  }
0xa9: {  	s5 =	sadd.s32 @p0 $0x11B8D, s5;
	s6 =	sshll.u32 @p0 s4, $0x11  }
0xaa: {  	s5 =	sor.u32 @p0 s6, s5  }
0xab: {  	[sflag:s5] =	ssyncadd.remote.s32 @p0 $0x1;
	_ =	sdelay $0x1  }
0xac: {  	s5 =	simm.s32 @p0 $0x1B8D  }
0xad: {  	_ =	swait.eq @p0 [sflag:s5], $0x1  }
0xae: {  	[sflag:s5] =	ssyncadd.s32 @p0 $0xFFFFFFFF  }
0xaf: {  	s6 =	sshll.u32 @!p0 s1, $0xE  }
0xb0: {  	s6 =	sor.u32 @!p0 $0x4000, s6;
	s5 =	simm.s32 @!p0 $0x1B8D  }
0xb1: {  	s4 =	sshll.u32 @!p0 s4, $0x11;
	s6 =	sadd.s32 @!p0 $0x11B8D, s6;
	_ =	swait.eq @!p0 [sflag:s5], $0x1  }
0xb2: {  	s4 =	sor.u32 @!p0 s4, s6;
	[sflag:s5] =	ssyncadd.s32 @!p0 $0xFFFFFFFF  }
0xb3: {  	s25 =	simm.s32 $0x1B8E;
	s24 =	sld [smem:$0x3FFE];
	[sflag:s4] =	ssyncadd.remote.s32 @!p0 $0x1  }
0xb4: {  	s26 =	simm.s32 $execute0_lowered;
	[smem:$0x3FD2] =	sst s25  }
0xb5: {  	s5 =	sshll.u32 s26, $0x1;
	_ =	strace $0x80000049;
	[dreg:$0x1] =	wrdreg $0xFFFFFFFF  }
0xb6: {  	s28 =	simm.s32 $_size_execute0_lowered;
	s3 =	sadd.s32 s3, s5;
	[dreg:$0x0] =	wrdreg $0x0  }
0xb7: {  	s5 =	sshll.u32 s28, $0x1;
	[dreg:$0x2] =	wrdreg s3  }
0xb8: {  	[dreg:$0x3] =	wrdreg s5  }
0xb9: {  	[dreg:$0x4] =	wrdreg $0xC0  }
0xba: {  	_ =	task [dreg:s22], $0x5FFFF  }
0xbb: {  	[dreg:$0x1] =	wrdreg $0xFFFFFFFF  }
0xbc: {  	[dreg:$0x0] =	wrdreg $0x60  }
0xbd: {  	[dreg:$0x2] =	wrdreg s24  }
0xbe: {  	[dreg:$0x3] =	wrdreg $0xB0000  }
0xbf: {  	[dreg:$0x4] =	wrdreg $0x9  }
0xc0: {  	_ =	task.clear_ibuf [dreg:s22], $0x5FFFF;
	_ =	strace $0x90000049  }
0xc1: {  	s29 =	simm.s32 $0x9;
	_ =	strace $0x8000004B  }
0xc2: {  	_ =	swait.ge [sflag:s29], $0x1  }
0xc3: {  	[sflag:s29] =	ssyncadd.s32 $0xFFFFFFFF  }
0xc4: {  	_ =	strace $0x9000004B  }
0xc5: {  	_ =	sfence  }
0xc6: {  	s30 =	sld [smem:$0x0];
	_ =	sdelay $0x2  }
0xc7: {  	s31 =	sshll.u32 s1, $0xD;
	s1 =	sshrl.u32 s1, $0x2  }
0xc8: {  	s4 =	sand.u32 $0x4000, s31;
	s1 =	sadd.s32 s1, s30  }
0xc9: {  	s0 =	sor.u32 s4, s0;
	s1 =	sshll.u32 s1, $0x11  }
0xca: {  	s0 =	sor.u32 s1, s0  }
0xcb: {  	s0 =	sadd.s32 $0x8F2B, s0  }
0xcc: {  	[sflag:s0] =	ssyncadd.remote.s32 $0x1  }
0xcd: {  	_ =	sfence.sel $0xFFFF  }
0xce: {  	[dreg:$0x0] =	wrdreg $0xFFFFFFFF;
	(pc) =	sbr.abs _section_cstart, $3  }
0xcf: {  	[dreg:$0x1] =	wrdreg $0xFFFFFFFF  }
0xd0: {  	_ =	task.clear_ibuf [dreg:s22], $0x2FFFF;
	_ =	strace $0x9FFFFFFF  }
0xd1: {  	(tm) =	ssettm $0x7FFFFFFF  }
tec
execute0_lowered:
.L_overlay_start_1:
0x0: {  	(tag) =	ssettag $0x1  }
0x1: {  	s6 =	rddreg [dreg:$0x0]  }
0x2: {  	s1 =	rddreg [dreg:$0x1];
	s2 =	srdreg.scid  }
0x3: {  	s0 =	rddreg [dreg:$0x2];
	s3 =	simm.s32 $0x0;
	s15 =	simm.s32 $0x1800  }
0x4: {  	s16 =	simm.s32 $0x80;
	s17 =	simm.s32 $0x3000;
	s18 =	simm.s32 $0x7000  }
0x5: {  	s19 =	simm.s32 $0x1;
	s20 =	simm.s32 $0x2;
	s21 =	simm.s32 $0x2B00  }
0x6: {  	s22 =	simm.s32 $0x2B80;
	s23 =	simm.s32 $0x0;
	s7 =	sand.u32 $0x1, s2  }
0x7: {  	s2 =	stileid.u32;
	[smem:$0x7FF] =	sst s3;
	s4 =	sadd.s32 $0x1D000, s6  }
0x8: {  	s9 =	sadd.s32 $0x10800, s6;
	s10 =	sadd.s32 $0x6800, s6;
	s5 =	smul.u32 $0x140000, s7  }
0x9: {  	s8 =	smul.u32 $0x14000, s2;
	_ =	strace $0x8000004A;
	s11 =	sshll.u32 s2, $0x1  }
0xa: {  	s12 =	ssub.s32 $0x2, s7;
	s26 =	smul.u32 $0x50000, s2;
	s30 =	sshll.u32 s2, $0x6  }
0xb: {  	s7 =	sor.u32 s7, s11;
	s28 =	sshrl.u32 s12, $0x1;
	s8 =	sadd.s32 s8, s5  }
0xc: {  	s5 =	sadd.s32 $0x1A800, s6;
	s7 =	smul.u32 $0x2800, s7;
	s29 =	sshrl.u32 s26, $0x2  }
0xd: {  	s12 =	ssub.s32 s12, s28;
	s8 =	sshrl.u32 s8, $0x3;
	s14 =	sadd.s32 s29, s1  }
0xe: {  	s12 =	smax.u32 s12, $0x1;
	s13 =	sadd.s32 s8, s6;
	s31 =	sshrl.u32 s7, $0x3  }
0xf: {  	s6 =	sor.u32 $0x1C03, s30;
	s7 =	sadd.s32 s9, s31;
	s11 =	sadd.s32 $0x280, s31  }
0x10: {  	s8 =	sadd.s32 s10, s31;
	s9 =	sadd.s32 s9, s11;
	s10 =	sadd.s32 s10, s11  }
0x11: {  	s11 =	sadd.s32 $0x95000, s13;
	s13 =	sshrl.u32 s14, $0x3;
	s14 =	simm.s32 $0x3  }
.LBB2_1:
0x12: {  	[spmem:s13], [sflag:s6] =	dma.local [hbm:s5], $0x2800  }
0x13: {  	_ =	swait.ge [sflag:s14], $0x2800  }
0x14: {  	[sflag:s14] =	ssyncset.done $0x0  }
0x15: {  	[sflag:s14] =	ssyncadd.s32 $0xFFFFD800  }
0x16: {  	[tilespmem:s3], [sflag:$0x3] =	stream.linear.gather [hbm4b:s7+s3], $0x1800, $0x38;
	[tilespmem:$0x1F000] =	vst v63  }
0x17: {  	_ =	swait.ge [sflag:s14], $0x1800  }
0x18: {  	[sflag:s14] =	ssyncset.done $0x0  }
0x19: {  	[sflag:s14] =	ssyncadd.s32 $0xFFFFE800  }
0x1a: {  	[tilespmem:s15], [sflag:$0x3] =	stream.linear.gather [hbm4b:s8+s3], $0x1800, $0x38;
	[tilespmem:$0x1F000] =	vst v63  }
0x1b: {  	_ =	swait.ge [sflag:s14], $0x1800  }
0x1c: {  	[sflag:s14] =	ssyncset.done $0x0  }
0x1d: {  	[sflag:s14] =	ssyncadd.s32 $0xFFFFE800  }
0x1e: {  	[bflag:$0x0] =	sbarrier.arrive $0xFFFF  }
0x1f: {  	[tilespmem:s17], [sflag:$0x1] =	stream.indirect.gather [hbm4b:s4+s16], $0x80, s3, s16, $0xb8;
	[tilespmem:$0x1F000] =	vst v63  }
0x20: {  	_ = 	snop  }
0x21: {  	[tilespmem:s18], [sflag:$0x2] =	stream.indirect.gather [hbm4b:s4+s16], $0x80, s16, s16, $0xb8;
	[tilespmem:$0x1F000] =	vst v63  }
0x22: {  	_ =	swait.ge [sflag:s19], $0x4000  }
0x23: {  	[sflag:s19] =	ssyncset.done $0x0  }
0x24: {  	s24 =	simm.s32 $0x1800;
	[sflag:s19] =	ssyncadd.s32 $0xFFFFC000  }
0x25: {  	[spmem:s1] =	stream.indirect.scatter.add.f32 [tilespmem:s17], [sflag:$0x3], $0x80, s24, s16, $0xb8;
	[tilespmem:$0x1F000] =	vst v63  }
0x26: {  	_ =	swait.ge [sflag:s14], $0x4000  }
0x27: {  	[sflag:s14] =	ssyncset.done $0x0  }
0x28: {  	s30 =	simm.s32 $0x100;
	[sflag:s14] =	ssyncadd.s32 $0xFFFFC000  }
0x29: {  	[tilespmem:s17], [sflag:$0x1] =	stream.indirect.gather [hbm4b:s4+s16], $0x80, s30, s16, $0xb8;
	[tilespmem:$0x1F000] =	vst v63  }
0x2a: {  	_ =	swait.ge [sflag:s20], $0x4000  }
0x2b: {  	[sflag:s20] =	ssyncset.done $0x0  }
0x2c: {  	s31 =	simm.s32 $0x1880;
	[sflag:s20] =	ssyncadd.s32 $0xFFFFC000  }
0x2d: {  	[spmem:s1] =	stream.indirect.scatter.add.f32 [tilespmem:s18], [sflag:$0x3], $0x80, s31, s16, $0xb8;
	[tilespmem:$0x1F000] =	vst v63  }
0x2e: {  	_ =	swait.ge [sflag:s14], $0x4000  }
0x2f: {  	[sflag:s14] =	ssyncset.done $0x0  }
0x30: {  	s25 =	simm.s32 $0x180;
	s24 =	simm.s32 $0x400;
	[sflag:s14] =	ssyncadd.s32 $0xFFFFC000  }
.LBB2_2:
0x31: {  	[tilespmem:s18], [sflag:$0x2] =	stream.indirect.gather [hbm4b:s4+s16], $0x80, s25, s16, $0xb8;
	[tilespmem:$0x1F000] =	vst v63  }
0x32: {  	s25 =	smov.u32 s24  }
0x33: {  	p0 =	sne.s32 s24, $0x4C00;
	s24 =	sadd.s32 $0x400, s24;
	_ =	swait.ge [sflag:s19], $0x4000  }
0x34: {  	s25 =	sshra.s32 s25, $0x2;
	[sflag:s19] =	ssyncset.done $0x0  }
0x35: {  	s26 =	sadd.s32 $0x1800, s25;
	[sflag:s19] =	ssyncadd.s32 $0xFFFFC000  }
0x36: {  	[spmem:s1] =	stream.indirect.scatter.add.f32 [tilespmem:s17], [sflag:$0x3], $0x80, s26, s16, $0xb8;
	[tilespmem:$0x1F000] =	vst v63  }
0x37: {  	_ =	swait.ge [sflag:s14], $0x4000  }
0x38: {  	[sflag:s14] =	ssyncset.done $0x0  }
0x39: {  	s26 =	sadd.s32 $0x100, s25;
	[sflag:s14] =	ssyncadd.s32 $0xFFFFC000  }
0x3a: {  	[tilespmem:s17], [sflag:$0x1] =	stream.indirect.gather [hbm4b:s4+s16], $0x80, s26, s16, $0xb8;
	[tilespmem:$0x1F000] =	vst v63  }
0x3b: {  	_ =	swait.ge [sflag:s20], $0x4000  }
0x3c: {  	[sflag:s20] =	ssyncset.done $0x0  }
.Ltmp0:
0x3d: {  	s26 =	sadd.s32 $0x1880, s25;
	[sflag:s20] =	ssyncadd.s32 $0xFFFFC000;
	(pc) =	sbr.rel @p0 .LBB2_2-.Ltmp0, $4  }
0x3e: {  	[spmem:s1] =	stream.indirect.scatter.add.f32 [tilespmem:s18], [sflag:$0x3], $0x80, s26, s16, $0xb8;
	[tilespmem:$0x1F000] =	vst v63  }
0x3f: {  	_ =	swait.ge [sflag:s14], $0x4000  }
0x40: {  	[sflag:s14] =	ssyncset.done $0x0  }
0x41: {  	s25 =	sadd.s32 $0x180, s25;
	[sflag:s14] =	ssyncadd.s32 $0xFFFFC000  }
0x42: {  	[tilespmem:s18], [sflag:$0x2] =	stream.indirect.gather [hbm4b:s4+s16], $0x80, s25, s16, $0xb8;
	[tilespmem:$0x1F000] =	vst v63  }
0x43: {  	s24 =	simm.s32 $0x0  }
0x44: {  	[tilespmem:s24], [sflag:$0x3] =	stream.linear.gather [hbm4b:s9+s24], $0x1400, $0x38;
	[tilespmem:$0x1F000] =	vst v63  }
0x45: {  	_ =	swait.ge [sflag:s14], $0x1400  }
0x46: {  	[sflag:s14] =	ssyncset.done $0x0  }
0x47: {  	[sflag:s14] =	ssyncadd.s32 $0xFFFFEC00  }
0x48: {  	[tilespmem:s15], [sflag:$0x3] =	stream.linear.gather [hbm4b:s10+s24], $0x1400, $0x38;
	[tilespmem:$0x1F000] =	vst v63  }
0x49: {  	_ =	swait.ge [sflag:s14], $0x1400  }
0x4a: {  	[sflag:s14] =	ssyncset.done $0x0  }
0x4b: {  	[sflag:s14] =	ssyncadd.s32 $0xFFFFEC00  }
0x4c: {  	_ =	swait.ge [sflag:s19], $0x4000  }
0x4d: {  	[sflag:s19] =	ssyncset.done $0x0  }
0x4e: {  	s29 =	simm.s32 $0x1800;
	[sflag:s19] =	ssyncadd.s32 $0xFFFFC000  }
0x4f: {  	[spmem:s1] =	stream.indirect.scatter.add.f32 [tilespmem:s17], [sflag:$0x3], $0x80, s29, s16, $0xb8;
	[tilespmem:$0x1F000] =	vst v63  }
0x50: {  	_ =	swait.ge [sflag:s14], $0x4000  }
0x51: {  	[sflag:s14] =	ssyncset.done $0x0  }
0x52: {  	s30 =	simm.s32 $0x100;
	[sflag:s14] =	ssyncadd.s32 $0xFFFFC000  }
0x53: {  	[tilespmem:s17], [sflag:$0x1] =	stream.indirect.gather [hbm4b:s4+s16], $0x80, s30, s16, $0xb8;
	[tilespmem:$0x1F000] =	vst v63  }
0x54: {  	_ =	swait.ge [sflag:s20], $0x4000  }
0x55: {  	[sflag:s20] =	ssyncset.done $0x0  }
0x56: {  	s31 =	simm.s32 $0x1880;
	[sflag:s20] =	ssyncadd.s32 $0xFFFFC000  }
0x57: {  	[spmem:s1] =	stream.indirect.scatter.add.f32 [tilespmem:s18], [sflag:$0x3], $0x80, s31, s16, $0xb8;
	[tilespmem:$0x1F000] =	vst v63  }
0x58: {  	_ =	swait.ge [sflag:s14], $0x4000  }
0x59: {  	[sflag:s14] =	ssyncset.done $0x0  }
0x5a: {  	s25 =	simm.s32 $0x180;
	s24 =	simm.s32 $0x400;
	[sflag:s14] =	ssyncadd.s32 $0xFFFFC000  }
.LBB2_4:
0x5b: {  	[tilespmem:s18], [sflag:$0x2] =	stream.indirect.gather [hbm4b:s4+s16], $0x80, s25, s16, $0xb8;
	[tilespmem:$0x1F000] =	vst v63  }
0x5c: {  	s25 =	smov.u32 s24  }
0x5d: {  	p0 =	sne.s32 s24, $0x4800;
	s24 =	sadd.s32 $0x400, s24;
	_ =	swait.ge [sflag:s19], $0x4000  }
0x5e: {  	s25 =	sshra.s32 s25, $0x2;
	[sflag:s19] =	ssyncset.done $0x0  }
0x5f: {  	s26 =	sadd.s32 $0x1800, s25;
	[sflag:s19] =	ssyncadd.s32 $0xFFFFC000  }
0x60: {  	[spmem:s1] =	stream.indirect.scatter.add.f32 [tilespmem:s17], [sflag:$0x3], $0x80, s26, s16, $0xb8;
	[tilespmem:$0x1F000] =	vst v63  }
0x61: {  	_ =	swait.ge [sflag:s14], $0x4000  }
0x62: {  	[sflag:s14] =	ssyncset.done $0x0  }
0x63: {  	s26 =	sadd.s32 $0x100, s25;
	[sflag:s14] =	ssyncadd.s32 $0xFFFFC000  }
0x64: {  	[tilespmem:s17], [sflag:$0x1] =	stream.indirect.gather [hbm4b:s4+s16], $0x80, s26, s16, $0xb8;
	[tilespmem:$0x1F000] =	vst v63  }
0x65: {  	_ =	swait.ge [sflag:s20], $0x4000  }
0x66: {  	[sflag:s20] =	ssyncset.done $0x0  }
.Ltmp1:
0x67: {  	s26 =	sadd.s32 $0x1880, s25;
	[sflag:s20] =	ssyncadd.s32 $0xFFFFC000;
	(pc) =	sbr.rel @p0 .LBB2_4-.Ltmp1, $4  }
0x68: {  	[spmem:s1] =	stream.indirect.scatter.add.f32 [tilespmem:s18], [sflag:$0x3], $0x80, s26, s16, $0xb8;
	[tilespmem:$0x1F000] =	vst v63  }
0x69: {  	_ =	swait.ge [sflag:s14], $0x4000  }
0x6a: {  	[sflag:s14] =	ssyncset.done $0x0  }
0x6b: {  	s25 =	sadd.s32 $0x180, s25;
	[sflag:s14] =	ssyncadd.s32 $0xFFFFC000  }
0x6c: {  	[tilespmem:s18], [sflag:$0x2] =	stream.indirect.gather [hbm4b:s4+s16], $0x80, s25, s16, $0xb8;
	[tilespmem:$0x1F000] =	vst v63  }
0x6d: {  	_ =	swait.ge [sflag:s19], $0x4000  }
0x6e: {  	[sflag:s19] =	ssyncset.done $0x0  }
0x6f: {  	[sflag:s19] =	ssyncadd.s32 $0xFFFFC000  }
0x70: {  	[spmem:s1] =	stream.indirect.scatter.add.f32 [tilespmem:s17], [sflag:$0x3], $0x80, s21, s16, $0xb8;
	[tilespmem:$0x1F000] =	vst v63  }
0x71: {  	_ =	swait.ge [sflag:s14], $0x4000  }
0x72: {  	[sflag:s14] =	ssyncset.done $0x0  }
0x73: {  	[sflag:s14] =	ssyncadd.s32 $0xFFFFC000  }
0x74: {  	_ =	swait.ge [sflag:s20], $0x4000  }
0x75: {  	[sflag:s20] =	ssyncset.done $0x0  }
0x76: {  	[sflag:s20] =	ssyncadd.s32 $0xFFFFC000  }
0x77: {  	[spmem:s1] =	stream.indirect.scatter.add.f32 [tilespmem:s18], [sflag:$0x3], $0x80, s22, s16, $0xb8;
	[tilespmem:$0x1F000] =	vst v63  }
0x78: {  	_ =	swait.ge [sflag:s14], $0x4000  }
0x79: {  	s23 =	sadd.s32 $0x1, s23;
	[sflag:s14] =	ssyncset.done $0x0  }
0x7a: {  	p0 =	sne.s32 s23, s12;
	[sflag:s14] =	ssyncadd.s32 $0xFFFFC000  }
.Ltmp2:
0x7b: {  	[bflag:$0x0] =	sbarrier.arrive $0xFFFF;
	(pc) =	sbr.rel @p0 .LBB2_1-.Ltmp2, $4  }
0x7c: {  	[hbm:s11], [sflag:s6] =	dma.local [spmem:s13], $0x2800  }
0x7d: {  	_ =	swait.ge [sflag:s14], $0x2800  }
0x7e: {  	[sflag:s14] =	ssyncset.done $0x0  }
0x7f: {  	[sflag:s14] =	ssyncadd.s32 $0xFFFFD800  }
0x80: {  	_ =	sfence.sel $0x180000  }
0x81: {  	[bflag:$0x0] =	sbarrier.arrive $0xFFFF  }
0x82: {  	p0 =	sne.s32 s2, $0x0;
	_ =	strace $0x9000004A  }
0x83: {  	s0 =	sadd.s32 @!p0 $0x100000, s0;
	[bflag:$0x2] =	sbarrier.arrive $0xFFFF  }
0x84: {  	[sflag:s0] =	ssyncadd.tile.s32 @!p0 $0x1;
	_ =	shalt  }
.Lfunc_end2:
_tile_overlayer_lowered:
.L_overlay_start_2:
0x85: {  	(tag) =	ssettag $0x2  }
0x86: {  	s0 =	rddreg [dreg:$0x0];
	s2 =	stileid.u32  }
0x87: {  	s1 =	rddreg [dreg:$0x1];
	p0 =	sne.s32 s2, $0x0  }
0x88: {  	s3 =	rddreg [dreg:$0x2];
	[bflag:$0x3] =	sbarrier.arrive $0xFFFF;
	s2 =	simm.s32 @!p0 $0x1C03  }
0x89: {  	[timem:s3], [sflag:s2] =	dma.local @!p0 [hbm:s0], s1  }
0x8a: {  	s0 =	simm.s32 @!p0 $0x3  }
0x8b: {  	_ =	swait.ge @!p0 [sflag:s0], s1  }
0x8c: {  	s1 =	ssub.s32 @!p0 $0x0, s1;
	[sflag:s0] =	ssyncset.done @!p0 $0x0  }
0x8d: {  	[sflag:s0] =	ssyncadd.s32 @!p0 s1  }
0x8e: {  	[bflag:$0x3] =	sbarrier.arrive $0xFFFF  }
0x8f: {  	_ =	shalt  }

// kernel: kernel.21.cloned.1.call-start
scs
__scs_entry_jumppad:
0x0: {  	(pc) =	sbr.rel $0x88, $3  }
0x1: {  	(tag) =	ssettag $0x0;
	lr =	simm.s32 $0x1  }
0x2: {  	[smem:$0x3F93] =	sst lr;
	_ =	strace $0xD0000000  }
0x3: {  	_ = 	snop  }
0x4: {  	_ = 	snop  }
0x5: {  	_ = 	snop  }
0x6: {  	_ = 	snop  }
0x7: {  	_ = 	snop  }
__scs_overlays_trampoline_lowered:
0x8: {  	[smem:$0x3FA2] =	sst s0  }
0x9: {  	[smem:$0x3FA3] =	sst s1  }
0xa: {  	[smem:$0x3FA4] =	sst s2  }
0xb: {  	[smem:$0x3FA5] =	sst s3  }
0xc: {  	[smem:$0x3FA6] =	sst s4  }
0xd: {  	[smem:$0x3FA7] =	sst s5  }
0xe: {  	[smem:$0x3FA8] =	sst s6  }
0xf: {  	[smem:$0x3FA9] =	sst s7  }
0x10: {  	[smem:$0x3FAA] =	sst s8  }
0x11: {  	[smem:$0x3FAB] =	sst s9;
	s0 =	simm.s32 @!p0 $0x0  }
0x12: {  	s1 =	sld [smem:$0x3F91];
	s0 =	simm.s32 @p0 $0x1  }
0x13: {  	[smem:$0x3FAC] =	sst s0;
	s0 =	simm.s32 @!p1 $0x0  }
0x14: {  	s2 =	sld [smem:$0x3F90];
	s0 =	simm.s32 @p1 $0x1  }
0x15: {  	[smem:$0x3FAD] =	sst s0;
	s0 =	simm.s32 @!p2 $0x0  }
0x16: {  	s3 =	sld [smem:$0x3FDB];
	s0 =	simm.s32 @p2 $0x1  }
0x17: {  	s4 =	simm.s32 $0x1BF5;
	[smem:$0x3FAF] =	sst s0  }
0x18: {  	s0 =	sld [smem:$0x3F92];
	_ =	swait.ge [sflag:s4], $0x0  }
0x19: {  	s7 =	sld [smem:$0x3F93]  }
0x1a: {  	s8 =	sadd.s32 $0xFFFFE003, lr  }
0x1b: {  	s9 =	sadd.s32 $0xFFFFFEF7, lr;
	s5 =	simm.s32 $0xFFFFFFFF;
	p2 =	slt.u32 s8, $0xFFFFF086  }
0x1c: {  	p1 =	slt.u32 s9, $0xF7A;
	s5 =	simm.s32 @!p2 $0x0  }
0x1d: {  	s5 =	simm.s32 @p1 $0x1;
	p0 =	seq.s32 s7, s2  }
0x1e: {  	s7 =	smul.u32 @!p0 $0xF7A, s2;
	p2 =	seq.s32 @!p0 s5, $0x0  }
0x1f: {  	s9 =	smul.u32 $0xF7A, s1;
	s8 =	simm.s32 @!p0 $0x1BF5;
	p2 =	por !p2, p0  }
0x20: {  	[sflag:s8] =	ssyncset.s32 @!p0 $0xFFFFF086;
	s6 =	sadd.s32 @!p0 s3, s7;
	s7 =	simm.s32 @!p0 $0x108  }
0x21: {  	s3 =	sadd.s32 s3, s9;
	s6 =	sadd.s32 @!p0 $0x88, s6;
	s7 =	simm.s32 @p2 $0x1082  }
0x22: {  	[simem:s7], [sflag:s8] =	dma.local @!p0 [hbm:s6], $0xF7A  }
0x23: {  	s9 =	sor.u32 $0xD0000000, s2;
	s6 =	simm.s32 $0x108;
	_ =	swait.ge @!p0 [sflag:s8], $0x0  }
0x24: {  	s3 =	sadd.s32 $0x88, s3;
	s6 =	simm.s32 @!p1 $0x1082;
	[sflag:s4] =	ssyncset.s32 $0xFFFFF086  }
0x25: {  	[simem:s6], [sflag:s4] =	dma.local [hbm:s3], $0xF7A  }
0x26: {  	[smem:$0x3F93] =	sst s1;
	(tag) =	ssettag s2;
	_ =	strace s9  }
0x27: {  	s1 =	sld [smem:$0x3FA3]  }
0x28: {  	s2 =	sld [smem:$0x3FA4]  }
0x29: {  	s4 =	sld [smem:$0x3FA6]  }
0x2a: {  	p0 =	seq.s32 s5, $0x0;
	s5 =	sld [smem:$0x3FA7]  }
0x2b: {  	s6 =	sld [smem:$0x3FA8]  }
0x2c: {  	s7 =	sld [smem:$0x3FA9]  }
0x2d: {  	s3 =	simm.s32 $0x108;
	s8 =	sld [smem:$0x3FAA]  }
0x2e: {  	s3 =	simm.s32 @!p0 $0x1082;
	s9 =	sld [smem:$0x3FAB]  }
0x2f: {  	lr =	sadd.s32 s0, s3;
	s0 =	sld [smem:$0x3FA2]  }
0x30: {  	s3 =	sld [smem:$0x3FA5]  }
0x31: {  	[smem:$0x3FAE] =	sst s10  }
0x32: {  	s10 =	sld [smem:$0x3FAC];
	_ =	sdelay $0x3  }
0x33: {  	p0 =	seq.s32 s10, $0x1;
	s10 =	sld [smem:$0x3FAE];
	_ =	sdelay $0x3  }
0x34: {  	[smem:$0x3FAE] =	sst s10  }
0x35: {  	s10 =	sld [smem:$0x3FAD];
	_ =	sdelay $0x3  }
0x36: {  	p1 =	seq.s32 s10, $0x1;
	s10 =	sld [smem:$0x3FAE];
	_ =	sdelay $0x3  }
0x37: {  	[smem:$0x3FAE] =	sst s10  }
0x38: {  	s10 =	sld [smem:$0x3FAF]  }
0x39: {  	_ = 	snop;
	(pc) =	sbr.ind lr, $3  }
0x3a: {  	_ = 	snop  }
0x3b: {  	_ = 	snop  }
0x3c: {  	p2 =	seq.s32 s10, $0x1;
	s10 =	sld [smem:$0x3FAE]  }
0x3d: {  	_ =	shalt  }
0x3e: {  	_ =	shalt  }
0x3f: {  	_ =	shalt  }
0x40: {  	_ =	shalt  }
0x41: {  	_ =	shalt  }
0x42: {  	_ =	shalt  }
0x43: {  	_ =	shalt  }
0x44: {  	_ =	shalt  }
0x45: {  	_ =	shalt  }
0x46: {  	_ =	shalt  }
0x47: {  	_ =	shalt  }
0x48: {  	_ =	shalt  }
0x49: {  	_ =	shalt  }
0x4a: {  	_ =	shalt  }
0x4b: {  	_ =	shalt  }
0x4c: {  	_ =	shalt  }
0x4d: {  	_ =	shalt  }
0x4e: {  	_ =	shalt  }
0x4f: {  	_ =	shalt  }
0x50: {  	_ =	shalt  }
0x51: {  	_ =	shalt  }
0x52: {  	_ =	shalt  }
0x53: {  	_ =	shalt  }
0x54: {  	_ =	shalt  }
0x55: {  	_ =	shalt  }
0x56: {  	_ =	shalt  }
0x57: {  	_ =	shalt  }
0x58: {  	_ =	shalt  }
0x59: {  	_ =	shalt  }
0x5a: {  	_ =	shalt  }
0x5b: {  	_ =	shalt  }
0x5c: {  	_ =	shalt  }
0x5d: {  	_ =	shalt  }
0x5e: {  	_ =	shalt  }
0x5f: {  	_ =	shalt  }
0x60: {  	_ =	shalt  }
0x61: {  	_ =	shalt  }
0x62: {  	_ =	shalt  }
0x63: {  	_ =	shalt  }
0x64: {  	_ =	shalt  }
0x65: {  	_ =	shalt  }
0x66: {  	_ =	shalt  }
0x67: {  	_ =	shalt  }
0x68: {  	_ =	shalt  }
0x69: {  	_ =	shalt  }
0x6a: {  	_ =	shalt  }
0x6b: {  	_ =	shalt  }
0x6c: {  	_ =	shalt  }
0x6d: {  	_ =	shalt  }
0x6e: {  	_ =	shalt  }
0x6f: {  	_ =	shalt  }
0x70: {  	_ =	shalt  }
0x71: {  	_ =	shalt  }
0x72: {  	_ =	shalt  }
0x73: {  	_ =	shalt  }
0x74: {  	_ =	shalt  }
0x75: {  	_ =	shalt  }
0x76: {  	_ =	shalt  }
0x77: {  	_ =	shalt  }
0x78: {  	_ =	shalt  }
0x79: {  	_ =	shalt  }
0x7a: {  	_ =	shalt  }
0x7b: {  	_ =	shalt  }
0x7c: {  	_ =	shalt  }
0x7d: {  	_ =	shalt  }
0x7e: {  	_ =	shalt  }
0x7f: {  	_ =	shalt  }
0x80: {  	_ =	shalt  }
0x81: {  	_ =	shalt  }
0x82: {  	_ =	shalt  }
0x83: {  	_ =	shalt  }
0x84: {  	_ =	shalt  }
0x85: {  	_ =	shalt  }
0x86: {  	_ =	shalt  }
0x87: {  	_ =	shalt  }
.Lfunc_end0:
.L_simem_size_0:
called_computation.1_lowered:
.L_overlay_start_0:
0x88: {  	s2 =	sld [smem:$0x3FD9]  }
0x89: {  	s3 =	sld [smem:$0x3FFE];
	_ =	sdelay $0x1  }
0x8a: {  	s1 =	srdreg.scid  }
0x8b: {  	s0 =	sand.u32 $0x1, s1  }
0x8c: {  	s16 =	sshll.u32 s0, $0xA;
	s2 =	sadd.s32 s3, s2  }
0x8d: {  	s2 =	sadd.s32 s2, s16  }
0x8e: {  	[smem:$0x3FBA] =	sst s2  }
0x8f: {  	_ = 	snop  }
0x90: {  	(tm) =	ssettm $0x1  }
0x91: {  	s17 =	sld [smem:$0x3FFB];
	_ =	sdelay $0x3  }
0x92: {  	_ =	strace s17  }
0x93: {  	s2 =	sld [smem:$0x3FFC];
	_ =	sdelay $0x3  }
0x94: {  	_ =	strace s2  }
0x95: {  	s2 =	sld [smem:$0x3FFD];
	_ =	sdelay $0x3  }
0x96: {  	_ =	strace s2  }
0x97: {  	_ =	strace $0x8FFFFFFF  }
0x98: {  	s18 =	sld [smem:$0x3FDB];
	_ =	sdelay $0x1  }
0x99: {  	s19 =	simm.s32 $_scs_section_size  }
0x9a: {  	s4 =	simm.s32 $_size__tile_overlayer_lowered;
	s5 =	simm.s32 $_tile_overlayer_lowered  }
0x9b: {  	s22 =	simm.s32 $0x1BFF;
	s21 =	sshll.u32 s5, $0x1;
	s2 =	sadd.s32 s19, s18  }
0x9c: {  	s6 =	simm.s32 $0x0;
	s20 =	sshll.u32 s4, $0x1;
	s4 =	sadd.s32 s21, s2  }
0x9d: {  	[timem:s6], [sflag:s22] =	dma.local [hbm:s4], s20  }
0x9e: {  	_ =	swait.ge [sflag:s22], s20  }
0x9f: {  	s3 =	ssub.s32 $0x0, s20;
	[sflag:s22] =	ssyncset.done $0x0  }
0xa0: {  	[sflag:s22] =	ssyncadd.s32 s3;
	_ =	sdelay $0x1  }
0xa1: {  	s23 =	simm.s32 $0x1B8B  }
0xa2: {  	_ =	swait.ge [sflag:s23], $0x1  }
0xa3: {  	[sflag:s23] =	ssyncset.done $0x0  }
0xa4: {  	s25 =	simm.s32 $0x1B8E;
	s24 =	sld [smem:$0x3FFE];
	[sflag:s23] =	ssyncadd.s32 $0xFFFFFFFF  }
0xa5: {  	s26 =	simm.s32 $execute0_lowered;
	[smem:$0x3FD2] =	sst s25  }
0xa6: {  	s4 =	sshll.u32 s26, $0x1;
	_ =	strace $0x80000046;
	[dreg:$0x1] =	wrdreg $0xFFFFFFFF  }
0xa7: {  	s28 =	simm.s32 $_size_execute0_lowered;
	s2 =	sadd.s32 s2, s4;
	[dreg:$0x0] =	wrdreg $0x0  }
0xa8: {  	s4 =	sshll.u32 s28, $0x1;
	[dreg:$0x2] =	wrdreg s2  }
0xa9: {  	[dreg:$0x3] =	wrdreg s4  }
0xaa: {  	[dreg:$0x4] =	wrdreg $0xC0  }
0xab: {  	_ =	task [dreg:s6], $0x5FFFF  }
0xac: {  	[dreg:$0x1] =	wrdreg $0xFFFFFFFF  }
0xad: {  	[dreg:$0x0] =	wrdreg $0x60  }
0xae: {  	[dreg:$0x2] =	wrdreg s24  }
0xaf: {  	[dreg:$0x3] =	wrdreg $0xB0000  }
0xb0: {  	[dreg:$0x4] =	wrdreg $0xA  }
0xb1: {  	_ =	task.clear_ibuf [dreg:s6], $0x5FFFF;
	_ =	strace $0x90000046  }
0xb2: {  	s29 =	simm.s32 $0xA;
	_ =	strace $0x80000048  }
0xb3: {  	_ =	swait.ge [sflag:s29], $0x1  }
0xb4: {  	[sflag:s29] =	ssyncadd.s32 $0xFFFFFFFF  }
0xb5: {  	_ =	strace $0x90000048  }
0xb6: {  	_ =	sfence  }
0xb7: {  	s30 =	sld [smem:$0x0];
	_ =	sdelay $0x2  }
0xb8: {  	s31 =	sshll.u32 s1, $0xD;
	s1 =	sshrl.u32 s1, $0x2  }
0xb9: {  	s3 =	sand.u32 $0x4000, s31;
	s1 =	sadd.s32 s1, s30  }
0xba: {  	s0 =	sor.u32 s3, s0;
	s1 =	sshll.u32 s1, $0x11  }
0xbb: {  	s0 =	sor.u32 s1, s0  }
0xbc: {  	s0 =	sadd.s32 $0x8F2B, s0  }
0xbd: {  	[sflag:s0] =	ssyncadd.remote.s32 $0x1  }
0xbe: {  	_ =	sfence.sel $0xFFFF  }
0xbf: {  	[dreg:$0x0] =	wrdreg $0xFFFFFFFF;
	(pc) =	sbr.abs _section_cstart, $3  }
0xc0: {  	[dreg:$0x1] =	wrdreg $0xFFFFFFFF  }
0xc1: {  	_ =	task.clear_ibuf [dreg:s6], $0x2FFFF;
	_ =	strace $0x9FFFFFFF  }
0xc2: {  	(tm) =	ssettm $0x7FFFFFFF  }
0xc3: {  	_ =	shalt  }
tec
execute0_lowered:
.L_overlay_start_1:
0x0: {  	(tag) =	ssettag $0x1  }
0x1: {  	s6 =	rddreg [dreg:$0x0]  }
0x2: {  	s1 =	rddreg [dreg:$0x1];
	s2 =	srdreg.scid  }
0x3: {  	s0 =	rddreg [dreg:$0x2];
	s3 =	simm.s32 $0x0;
	s15 =	simm.s32 $0x1800  }
0x4: {  	s16 =	simm.s32 $0x80;
	s17 =	simm.s32 $0x3000;
	s18 =	simm.s32 $0x7000  }
0x5: {  	s19 =	simm.s32 $0x1;
	s20 =	simm.s32 $0x2;
	s21 =	simm.s32 $0x2B00  }
0x6: {  	s22 =	simm.s32 $0x2B80;
	s23 =	simm.s32 $0x0;
	s7 =	sand.u32 $0x1, s2  }
0x7: {  	s2 =	stileid.u32;
	[smem:$0x7FF] =	sst s3;
	s4 =	sadd.s32 $0x1D000, s6  }
0x8: {  	s9 =	sadd.s32 $0x6800, s6;
	s10 =	sadd.s32 $0x10800, s6;
	s5 =	smul.u32 $0x140000, s7  }
0x9: {  	s8 =	smul.u32 $0x14000, s2;
	_ =	strace $0x80000047;
	s11 =	sshll.u32 s2, $0x1  }
0xa: {  	s12 =	ssub.s32 $0x2, s7;
	s26 =	smul.u32 $0x50000, s2;
	s30 =	sshll.u32 s2, $0x6  }
0xb: {  	s7 =	sor.u32 s7, s11;
	s28 =	sshrl.u32 s12, $0x1;
	s8 =	sadd.s32 s8, s5  }
0xc: {  	s5 =	sadd.s32 $0x1A800, s6;
	s7 =	smul.u32 $0x2800, s7;
	s29 =	sshrl.u32 s26, $0x2  }
0xd: {  	s12 =	ssub.s32 s12, s28;
	s8 =	sshrl.u32 s8, $0x3;
	s14 =	sadd.s32 s29, s1  }
0xe: {  	s12 =	smax.u32 s12, $0x1;
	s13 =	sadd.s32 s8, s6;
	s31 =	sshrl.u32 s7, $0x3  }
0xf: {  	s6 =	sor.u32 $0x1C03, s30;
	s7 =	sadd.s32 s9, s31;
	s11 =	sadd.s32 $0x280, s31  }
0x10: {  	s8 =	sadd.s32 s10, s31;
	s9 =	sadd.s32 s9, s11;
	s10 =	sadd.s32 s10, s11  }
0x11: {  	s11 =	sadd.s32 $0x45000, s13;
	s13 =	sshrl.u32 s14, $0x3;
	s14 =	simm.s32 $0x3  }
.LBB2_1:
0x12: {  	[spmem:s13], [sflag:s6] =	dma.local [hbm:s5], $0x2800  }
0x13: {  	_ =	swait.ge [sflag:s14], $0x2800  }
0x14: {  	[sflag:s14] =	ssyncset.done $0x0  }
0x15: {  	[sflag:s14] =	ssyncadd.s32 $0xFFFFD800  }
0x16: {  	[tilespmem:s3], [sflag:$0x3] =	stream.linear.gather [hbm4b:s7+s3], $0x1800, $0x38;
	[tilespmem:$0x1F000] =	vst v63  }
0x17: {  	_ =	swait.ge [sflag:s14], $0x1800  }
0x18: {  	[sflag:s14] =	ssyncset.done $0x0  }
0x19: {  	[sflag:s14] =	ssyncadd.s32 $0xFFFFE800  }
0x1a: {  	[tilespmem:s15], [sflag:$0x3] =	stream.linear.gather [hbm4b:s8+s3], $0x1800, $0x38;
	[tilespmem:$0x1F000] =	vst v63  }
0x1b: {  	_ =	swait.ge [sflag:s14], $0x1800  }
0x1c: {  	[sflag:s14] =	ssyncset.done $0x0  }
0x1d: {  	[sflag:s14] =	ssyncadd.s32 $0xFFFFE800  }
0x1e: {  	[bflag:$0x0] =	sbarrier.arrive $0xFFFF  }
0x1f: {  	[tilespmem:s17], [sflag:$0x1] =	stream.indirect.gather [hbm4b:s4+s16], $0x80, s3, s16, $0xb8;
	[tilespmem:$0x1F000] =	vst v63  }
0x20: {  	_ = 	snop  }
0x21: {  	[tilespmem:s18], [sflag:$0x2] =	stream.indirect.gather [hbm4b:s4+s16], $0x80, s16, s16, $0xb8;
	[tilespmem:$0x1F000] =	vst v63  }
0x22: {  	_ =	swait.ge [sflag:s19], $0x4000  }
0x23: {  	[sflag:s19] =	ssyncset.done $0x0  }
0x24: {  	s24 =	simm.s32 $0x1800;
	[sflag:s19] =	ssyncadd.s32 $0xFFFFC000  }
0x25: {  	[spmem:s1] =	stream.indirect.scatter.add.f32 [tilespmem:s17], [sflag:$0x3], $0x80, s24, s16, $0xb8;
	[tilespmem:$0x1F000] =	vst v63  }
0x26: {  	_ =	swait.ge [sflag:s14], $0x4000  }
0x27: {  	[sflag:s14] =	ssyncset.done $0x0  }
0x28: {  	s30 =	simm.s32 $0x100;
	[sflag:s14] =	ssyncadd.s32 $0xFFFFC000  }
0x29: {  	[tilespmem:s17], [sflag:$0x1] =	stream.indirect.gather [hbm4b:s4+s16], $0x80, s30, s16, $0xb8;
	[tilespmem:$0x1F000] =	vst v63  }
0x2a: {  	_ =	swait.ge [sflag:s20], $0x4000  }
0x2b: {  	[sflag:s20] =	ssyncset.done $0x0  }
0x2c: {  	s31 =	simm.s32 $0x1880;
	[sflag:s20] =	ssyncadd.s32 $0xFFFFC000  }
0x2d: {  	[spmem:s1] =	stream.indirect.scatter.add.f32 [tilespmem:s18], [sflag:$0x3], $0x80, s31, s16, $0xb8;
	[tilespmem:$0x1F000] =	vst v63  }
0x2e: {  	_ =	swait.ge [sflag:s14], $0x4000  }
0x2f: {  	[sflag:s14] =	ssyncset.done $0x0  }
0x30: {  	s25 =	simm.s32 $0x180;
	s24 =	simm.s32 $0x400;
	[sflag:s14] =	ssyncadd.s32 $0xFFFFC000  }
.LBB2_2:
0x31: {  	[tilespmem:s18], [sflag:$0x2] =	stream.indirect.gather [hbm4b:s4+s16], $0x80, s25, s16, $0xb8;
	[tilespmem:$0x1F000] =	vst v63  }
0x32: {  	s25 =	smov.u32 s24  }
0x33: {  	p0 =	sne.s32 s24, $0x4C00;
	s24 =	sadd.s32 $0x400, s24;
	_ =	swait.ge [sflag:s19], $0x4000  }
0x34: {  	s25 =	sshra.s32 s25, $0x2;
	[sflag:s19] =	ssyncset.done $0x0  }
0x35: {  	s26 =	sadd.s32 $0x1800, s25;
	[sflag:s19] =	ssyncadd.s32 $0xFFFFC000  }
0x36: {  	[spmem:s1] =	stream.indirect.scatter.add.f32 [tilespmem:s17], [sflag:$0x3], $0x80, s26, s16, $0xb8;
	[tilespmem:$0x1F000] =	vst v63  }
0x37: {  	_ =	swait.ge [sflag:s14], $0x4000  }
0x38: {  	[sflag:s14] =	ssyncset.done $0x0  }
0x39: {  	s26 =	sadd.s32 $0x100, s25;
	[sflag:s14] =	ssyncadd.s32 $0xFFFFC000  }
0x3a: {  	[tilespmem:s17], [sflag:$0x1] =	stream.indirect.gather [hbm4b:s4+s16], $0x80, s26, s16, $0xb8;
	[tilespmem:$0x1F000] =	vst v63  }
0x3b: {  	_ =	swait.ge [sflag:s20], $0x4000  }
0x3c: {  	[sflag:s20] =	ssyncset.done $0x0  }
.Ltmp0:
0x3d: {  	s26 =	sadd.s32 $0x1880, s25;
	[sflag:s20] =	ssyncadd.s32 $0xFFFFC000;
	(pc) =	sbr.rel @p0 .LBB2_2-.Ltmp0, $4  }
0x3e: {  	[spmem:s1] =	stream.indirect.scatter.add.f32 [tilespmem:s18], [sflag:$0x3], $0x80, s26, s16, $0xb8;
	[tilespmem:$0x1F000] =	vst v63  }
0x3f: {  	_ =	swait.ge [sflag:s14], $0x4000  }
0x40: {  	[sflag:s14] =	ssyncset.done $0x0  }
0x41: {  	s25 =	sadd.s32 $0x180, s25;
	[sflag:s14] =	ssyncadd.s32 $0xFFFFC000  }
0x42: {  	[tilespmem:s18], [sflag:$0x2] =	stream.indirect.gather [hbm4b:s4+s16], $0x80, s25, s16, $0xb8;
	[tilespmem:$0x1F000] =	vst v63  }
0x43: {  	s24 =	simm.s32 $0x0  }
0x44: {  	[tilespmem:s24], [sflag:$0x3] =	stream.linear.gather [hbm4b:s9+s24], $0x1400, $0x38;
	[tilespmem:$0x1F000] =	vst v63  }
0x45: {  	_ =	swait.ge [sflag:s14], $0x1400  }
0x46: {  	[sflag:s14] =	ssyncset.done $0x0  }
0x47: {  	[sflag:s14] =	ssyncadd.s32 $0xFFFFEC00  }
0x48: {  	[tilespmem:s15], [sflag:$0x3] =	stream.linear.gather [hbm4b:s10+s24], $0x1400, $0x38;
	[tilespmem:$0x1F000] =	vst v63  }
0x49: {  	_ =	swait.ge [sflag:s14], $0x1400  }
0x4a: {  	[sflag:s14] =	ssyncset.done $0x0  }
0x4b: {  	[sflag:s14] =	ssyncadd.s32 $0xFFFFEC00  }
0x4c: {  	_ =	swait.ge [sflag:s19], $0x4000  }
0x4d: {  	[sflag:s19] =	ssyncset.done $0x0  }
0x4e: {  	s29 =	simm.s32 $0x1800;
	[sflag:s19] =	ssyncadd.s32 $0xFFFFC000  }
0x4f: {  	[spmem:s1] =	stream.indirect.scatter.add.f32 [tilespmem:s17], [sflag:$0x3], $0x80, s29, s16, $0xb8;
	[tilespmem:$0x1F000] =	vst v63  }
0x50: {  	_ =	swait.ge [sflag:s14], $0x4000  }
0x51: {  	[sflag:s14] =	ssyncset.done $0x0  }
0x52: {  	s30 =	simm.s32 $0x100;
	[sflag:s14] =	ssyncadd.s32 $0xFFFFC000  }
0x53: {  	[tilespmem:s17], [sflag:$0x1] =	stream.indirect.gather [hbm4b:s4+s16], $0x80, s30, s16, $0xb8;
	[tilespmem:$0x1F000] =	vst v63  }
0x54: {  	_ =	swait.ge [sflag:s20], $0x4000  }
0x55: {  	[sflag:s20] =	ssyncset.done $0x0  }
0x56: {  	s31 =	simm.s32 $0x1880;
	[sflag:s20] =	ssyncadd.s32 $0xFFFFC000  }
0x57: {  	[spmem:s1] =	stream.indirect.scatter.add.f32 [tilespmem:s18], [sflag:$0x3], $0x80, s31, s16, $0xb8;
	[tilespmem:$0x1F000] =	vst v63  }
0x58: {  	_ =	swait.ge [sflag:s14], $0x4000  }
0x59: {  	[sflag:s14] =	ssyncset.done $0x0  }
0x5a: {  	s25 =	simm.s32 $0x180;
	s24 =	simm.s32 $0x400;
	[sflag:s14] =	ssyncadd.s32 $0xFFFFC000  }
.LBB2_4:
0x5b: {  	[tilespmem:s18], [sflag:$0x2] =	stream.indirect.gather [hbm4b:s4+s16], $0x80, s25, s16, $0xb8;
	[tilespmem:$0x1F000] =	vst v63  }
0x5c: {  	s25 =	smov.u32 s24  }
0x5d: {  	p0 =	sne.s32 s24, $0x4800;
	s24 =	sadd.s32 $0x400, s24;
	_ =	swait.ge [sflag:s19], $0x4000  }
0x5e: {  	s25 =	sshra.s32 s25, $0x2;
	[sflag:s19] =	ssyncset.done $0x0  }
0x5f: {  	s26 =	sadd.s32 $0x1800, s25;
	[sflag:s19] =	ssyncadd.s32 $0xFFFFC000  }
0x60: {  	[spmem:s1] =	stream.indirect.scatter.add.f32 [tilespmem:s17], [sflag:$0x3], $0x80, s26, s16, $0xb8;
	[tilespmem:$0x1F000] =	vst v63  }
0x61: {  	_ =	swait.ge [sflag:s14], $0x4000  }
0x62: {  	[sflag:s14] =	ssyncset.done $0x0  }
0x63: {  	s26 =	sadd.s32 $0x100, s25;
	[sflag:s14] =	ssyncadd.s32 $0xFFFFC000  }
0x64: {  	[tilespmem:s17], [sflag:$0x1] =	stream.indirect.gather [hbm4b:s4+s16], $0x80, s26, s16, $0xb8;
	[tilespmem:$0x1F000] =	vst v63  }
0x65: {  	_ =	swait.ge [sflag:s20], $0x4000  }
0x66: {  	[sflag:s20] =	ssyncset.done $0x0  }
.Ltmp1:
0x67: {  	s26 =	sadd.s32 $0x1880, s25;
	[sflag:s20] =	ssyncadd.s32 $0xFFFFC000;
	(pc) =	sbr.rel @p0 .LBB2_4-.Ltmp1, $4  }
0x68: {  	[spmem:s1] =	stream.indirect.scatter.add.f32 [tilespmem:s18], [sflag:$0x3], $0x80, s26, s16, $0xb8;
	[tilespmem:$0x1F000] =	vst v63  }
0x69: {  	_ =	swait.ge [sflag:s14], $0x4000  }
0x6a: {  	[sflag:s14] =	ssyncset.done $0x0  }
0x6b: {  	s25 =	sadd.s32 $0x180, s25;
	[sflag:s14] =	ssyncadd.s32 $0xFFFFC000  }
0x6c: {  	[tilespmem:s18], [sflag:$0x2] =	stream.indirect.gather [hbm4b:s4+s16], $0x80, s25, s16, $0xb8;
	[tilespmem:$0x1F000] =	vst v63  }
0x6d: {  	_ =	swait.ge [sflag:s19], $0x4000  }
0x6e: {  	[sflag:s19] =	ssyncset.done $0x0  }
0x6f: {  	[sflag:s19] =	ssyncadd.s32 $0xFFFFC000  }
0x70: {  	[spmem:s1] =	stream.indirect.scatter.add.f32 [tilespmem:s17], [sflag:$0x3], $0x80, s21, s16, $0xb8;
	[tilespmem:$0x1F000] =	vst v63  }
0x71: {  	_ =	swait.ge [sflag:s14], $0x4000  }
0x72: {  	[sflag:s14] =	ssyncset.done $0x0  }
0x73: {  	[sflag:s14] =	ssyncadd.s32 $0xFFFFC000  }
0x74: {  	_ =	swait.ge [sflag:s20], $0x4000  }
0x75: {  	[sflag:s20] =	ssyncset.done $0x0  }
0x76: {  	[sflag:s20] =	ssyncadd.s32 $0xFFFFC000  }
0x77: {  	[spmem:s1] =	stream.indirect.scatter.add.f32 [tilespmem:s18], [sflag:$0x3], $0x80, s22, s16, $0xb8;
	[tilespmem:$0x1F000] =	vst v63  }
0x78: {  	_ =	swait.ge [sflag:s14], $0x4000  }
0x79: {  	s23 =	sadd.s32 $0x1, s23;
	[sflag:s14] =	ssyncset.done $0x0  }
0x7a: {  	p0 =	sne.s32 s23, s12;
	[sflag:s14] =	ssyncadd.s32 $0xFFFFC000  }
.Ltmp2:
0x7b: {  	[bflag:$0x0] =	sbarrier.arrive $0xFFFF;
	(pc) =	sbr.rel @p0 .LBB2_1-.Ltmp2, $4  }
0x7c: {  	[hbm:s11], [sflag:s6] =	dma.local [spmem:s13], $0x2800  }
0x7d: {  	_ =	swait.ge [sflag:s14], $0x2800  }
0x7e: {  	[sflag:s14] =	ssyncset.done $0x0  }
0x7f: {  	[sflag:s14] =	ssyncadd.s32 $0xFFFFD800  }
0x80: {  	_ =	sfence.sel $0x180000  }
0x81: {  	[bflag:$0x0] =	sbarrier.arrive $0xFFFF  }
0x82: {  	p0 =	sne.s32 s2, $0x0;
	_ =	strace $0x90000047  }
0x83: {  	s0 =	sadd.s32 @!p0 $0x100000, s0;
	[bflag:$0x2] =	sbarrier.arrive $0xFFFF  }
0x84: {  	[sflag:s0] =	ssyncadd.tile.s32 @!p0 $0x1;
	_ =	shalt  }
.Lfunc_end2:
_tile_overlayer_lowered:
.L_overlay_start_2:
0x85: {  	(tag) =	ssettag $0x2  }
0x86: {  	s0 =	rddreg [dreg:$0x0];
	s2 =	stileid.u32  }
0x87: {  	s1 =	rddreg [dreg:$0x1];
	p0 =	sne.s32 s2, $0x0  }
0x88: {  	s3 =	rddreg [dreg:$0x2];
	[bflag:$0x3] =	sbarrier.arrive $0xFFFF;
	s2 =	simm.s32 @!p0 $0x1C03  }
0x89: {  	[timem:s3], [sflag:s2] =	dma.local @!p0 [hbm:s0], s1  }
0x8a: {  	s0 =	simm.s32 @!p0 $0x3  }
0x8b: {  	_ =	swait.ge @!p0 [sflag:s0], s1  }
0x8c: {  	s1 =	ssub.s32 @!p0 $0x0, s1;
	[sflag:s0] =	ssyncset.done @!p0 $0x0  }
0x8d: {  	[sflag:s0] =	ssyncadd.s32 @!p0 s1  }
0x8e: {  	[bflag:$0x3] =	sbarrier.arrive $0xFFFF  }
0x8f: {  	_ =	shalt  }

// kernel: kernel.24.cloned.1.call-start
scs
__scs_entry_jumppad:
0x0: {  	(pc) =	sbr.rel $0x88, $3  }
0x1: {  	(tag) =	ssettag $0x0;
	lr =	simm.s32 $0x1  }
0x2: {  	[smem:$0x3F93] =	sst lr;
	_ =	strace $0xD0000000  }
0x3: {  	_ = 	snop  }
0x4: {  	_ = 	snop  }
0x5: {  	_ = 	snop  }
0x6: {  	_ = 	snop  }
0x7: {  	_ = 	snop  }
__scs_overlays_trampoline_lowered:
0x8: {  	[smem:$0x3FA2] =	sst s0  }
0x9: {  	[smem:$0x3FA3] =	sst s1  }
0xa: {  	[smem:$0x3FA4] =	sst s2  }
0xb: {  	[smem:$0x3FA5] =	sst s3  }
0xc: {  	[smem:$0x3FA6] =	sst s4  }
0xd: {  	[smem:$0x3FA7] =	sst s5  }
0xe: {  	[smem:$0x3FA8] =	sst s6  }
0xf: {  	[smem:$0x3FA9] =	sst s7  }
0x10: {  	[smem:$0x3FAA] =	sst s8  }
0x11: {  	[smem:$0x3FAB] =	sst s9;
	s0 =	simm.s32 @!p0 $0x0  }
0x12: {  	s1 =	sld [smem:$0x3F91];
	s0 =	simm.s32 @p0 $0x1  }
0x13: {  	[smem:$0x3FAC] =	sst s0;
	s0 =	simm.s32 @!p1 $0x0  }
0x14: {  	s2 =	sld [smem:$0x3F90];
	s0 =	simm.s32 @p1 $0x1  }
0x15: {  	[smem:$0x3FAD] =	sst s0;
	s0 =	simm.s32 @!p2 $0x0  }
0x16: {  	s3 =	sld [smem:$0x3FDB];
	s0 =	simm.s32 @p2 $0x1  }
0x17: {  	s4 =	simm.s32 $0x1BF5;
	[smem:$0x3FAF] =	sst s0  }
0x18: {  	s0 =	sld [smem:$0x3F92];
	_ =	swait.ge [sflag:s4], $0x0  }
0x19: {  	s7 =	sld [smem:$0x3F93]  }
0x1a: {  	s8 =	sadd.s32 $0xFFFFE003, lr  }
0x1b: {  	s9 =	sadd.s32 $0xFFFFFEF7, lr;
	s5 =	simm.s32 $0xFFFFFFFF;
	p2 =	slt.u32 s8, $0xFFFFF086  }
0x1c: {  	p1 =	slt.u32 s9, $0xF7A;
	s5 =	simm.s32 @!p2 $0x0  }
0x1d: {  	s5 =	simm.s32 @p1 $0x1;
	p0 =	seq.s32 s7, s2  }
0x1e: {  	s7 =	smul.u32 @!p0 $0xF7A, s2;
	p2 =	seq.s32 @!p0 s5, $0x0  }
0x1f: {  	s9 =	smul.u32 $0xF7A, s1;
	s8 =	simm.s32 @!p0 $0x1BF5;
	p2 =	por !p2, p0  }
0x20: {  	[sflag:s8] =	ssyncset.s32 @!p0 $0xFFFFF086;
	s6 =	sadd.s32 @!p0 s3, s7;
	s7 =	simm.s32 @!p0 $0x108  }
0x21: {  	s3 =	sadd.s32 s3, s9;
	s6 =	sadd.s32 @!p0 $0x88, s6;
	s7 =	simm.s32 @p2 $0x1082  }
0x22: {  	[simem:s7], [sflag:s8] =	dma.local @!p0 [hbm:s6], $0xF7A  }
0x23: {  	s9 =	sor.u32 $0xD0000000, s2;
	s6 =	simm.s32 $0x108;
	_ =	swait.ge @!p0 [sflag:s8], $0x0  }
0x24: {  	s3 =	sadd.s32 $0x88, s3;
	s6 =	simm.s32 @!p1 $0x1082;
	[sflag:s4] =	ssyncset.s32 $0xFFFFF086  }
0x25: {  	[simem:s6], [sflag:s4] =	dma.local [hbm:s3], $0xF7A  }
0x26: {  	[smem:$0x3F93] =	sst s1;
	(tag) =	ssettag s2;
	_ =	strace s9  }
0x27: {  	s1 =	sld [smem:$0x3FA3]  }
0x28: {  	s2 =	sld [smem:$0x3FA4]  }
0x29: {  	s4 =	sld [smem:$0x3FA6]  }
0x2a: {  	p0 =	seq.s32 s5, $0x0;
	s5 =	sld [smem:$0x3FA7]  }
0x2b: {  	s6 =	sld [smem:$0x3FA8]  }
0x2c: {  	s7 =	sld [smem:$0x3FA9]  }
0x2d: {  	s3 =	simm.s32 $0x108;
	s8 =	sld [smem:$0x3FAA]  }
0x2e: {  	s3 =	simm.s32 @!p0 $0x1082;
	s9 =	sld [smem:$0x3FAB]  }
0x2f: {  	lr =	sadd.s32 s0, s3;
	s0 =	sld [smem:$0x3FA2]  }
0x30: {  	s3 =	sld [smem:$0x3FA5]  }
0x31: {  	[smem:$0x3FAE] =	sst s10  }
0x32: {  	s10 =	sld [smem:$0x3FAC];
	_ =	sdelay $0x3  }
0x33: {  	p0 =	seq.s32 s10, $0x1;
	s10 =	sld [smem:$0x3FAE];
	_ =	sdelay $0x3  }
0x34: {  	[smem:$0x3FAE] =	sst s10  }
0x35: {  	s10 =	sld [smem:$0x3FAD];
	_ =	sdelay $0x3  }
0x36: {  	p1 =	seq.s32 s10, $0x1;
	s10 =	sld [smem:$0x3FAE];
	_ =	sdelay $0x3  }
0x37: {  	[smem:$0x3FAE] =	sst s10  }
0x38: {  	s10 =	sld [smem:$0x3FAF]  }
0x39: {  	_ = 	snop;
	(pc) =	sbr.ind lr, $3  }
0x3a: {  	_ = 	snop  }
0x3b: {  	_ = 	snop  }
0x3c: {  	p2 =	seq.s32 s10, $0x1;
	s10 =	sld [smem:$0x3FAE]  }
0x3d: {  	_ =	shalt  }
0x3e: {  	_ =	shalt  }
0x3f: {  	_ =	shalt  }
0x40: {  	_ =	shalt  }
0x41: {  	_ =	shalt  }
0x42: {  	_ =	shalt  }
0x43: {  	_ =	shalt  }
0x44: {  	_ =	shalt  }
0x45: {  	_ =	shalt  }
0x46: {  	_ =	shalt  }
0x47: {  	_ =	shalt  }
0x48: {  	_ =	shalt  }
0x49: {  	_ =	shalt  }
0x4a: {  	_ =	shalt  }
0x4b: {  	_ =	shalt  }
0x4c: {  	_ =	shalt  }
0x4d: {  	_ =	shalt  }
0x4e: {  	_ =	shalt  }
0x4f: {  	_ =	shalt  }
0x50: {  	_ =	shalt  }
0x51: {  	_ =	shalt  }
0x52: {  	_ =	shalt  }
0x53: {  	_ =	shalt  }
0x54: {  	_ =	shalt  }
0x55: {  	_ =	shalt  }
0x56: {  	_ =	shalt  }
0x57: {  	_ =	shalt  }
0x58: {  	_ =	shalt  }
0x59: {  	_ =	shalt  }
0x5a: {  	_ =	shalt  }
0x5b: {  	_ =	shalt  }
0x5c: {  	_ =	shalt  }
0x5d: {  	_ =	shalt  }
0x5e: {  	_ =	shalt  }
0x5f: {  	_ =	shalt  }
0x60: {  	_ =	shalt  }
0x61: {  	_ =	shalt  }
0x62: {  	_ =	shalt  }
0x63: {  	_ =	shalt  }
0x64: {  	_ =	shalt  }
0x65: {  	_ =	shalt  }
0x66: {  	_ =	shalt  }
0x67: {  	_ =	shalt  }
0x68: {  	_ =	shalt  }
0x69: {  	_ =	shalt  }
0x6a: {  	_ =	shalt  }
0x6b: {  	_ =	shalt  }
0x6c: {  	_ =	shalt  }
0x6d: {  	_ =	shalt  }
0x6e: {  	_ =	shalt  }
0x6f: {  	_ =	shalt  }
0x70: {  	_ =	shalt  }
0x71: {  	_ =	shalt  }
0x72: {  	_ =	shalt  }
0x73: {  	_ =	shalt  }
0x74: {  	_ =	shalt  }
0x75: {  	_ =	shalt  }
0x76: {  	_ =	shalt  }
0x77: {  	_ =	shalt  }
0x78: {  	_ =	shalt  }
0x79: {  	_ =	shalt  }
0x7a: {  	_ =	shalt  }
0x7b: {  	_ =	shalt  }
0x7c: {  	_ =	shalt  }
0x7d: {  	_ =	shalt  }
0x7e: {  	_ =	shalt  }
0x7f: {  	_ =	shalt  }
0x80: {  	_ =	shalt  }
0x81: {  	_ =	shalt  }
0x82: {  	_ =	shalt  }
0x83: {  	_ =	shalt  }
0x84: {  	_ =	shalt  }
0x85: {  	_ =	shalt  }
0x86: {  	_ =	shalt  }
0x87: {  	_ =	shalt  }
.Lfunc_end0:
.L_simem_size_0:
called_computation.2_lowered:
.L_overlay_start_0:
0x88: {  	s2 =	sld [smem:$0x3FD9]  }
0x89: {  	s3 =	sld [smem:$0x3FFE];
	_ =	sdelay $0x1  }
0x8a: {  	s1 =	srdreg.scid  }
0x8b: {  	s0 =	sand.u32 $0x1, s1  }
0x8c: {  	s16 =	sshll.u32 s0, $0xA;
	s2 =	sadd.s32 s3, s2  }
0x8d: {  	s2 =	sadd.s32 s2, s16  }
0x8e: {  	[smem:$0x3FBA] =	sst s2  }
0x8f: {  	_ = 	snop  }
0x90: {  	(tm) =	ssettm $0x1  }
0x91: {  	s17 =	sld [smem:$0x3FFB];
	_ =	sdelay $0x3  }
0x92: {  	_ =	strace s17  }
0x93: {  	s2 =	sld [smem:$0x3FFC];
	_ =	sdelay $0x3  }
0x94: {  	_ =	strace s2  }
0x95: {  	s2 =	sld [smem:$0x3FFD];
	_ =	sdelay $0x3  }
0x96: {  	_ =	strace s2  }
0x97: {  	_ =	strace $0x8FFFFFFF  }
0x98: {  	s18 =	sld [smem:$0x3FDB];
	_ =	sdelay $0x1  }
0x99: {  	s19 =	simm.s32 $_scs_section_size  }
0x9a: {  	s4 =	simm.s32 $_size__tile_overlayer_lowered;
	s5 =	simm.s32 $_tile_overlayer_lowered  }
0x9b: {  	s22 =	simm.s32 $0x1BFF;
	s21 =	sshll.u32 s5, $0x1;
	s2 =	sadd.s32 s19, s18  }
0x9c: {  	s6 =	simm.s32 $0x0;
	s20 =	sshll.u32 s4, $0x1;
	s4 =	sadd.s32 s21, s2  }
0x9d: {  	[timem:s6], [sflag:s22] =	dma.local [hbm:s4], s20  }
0x9e: {  	_ =	swait.ge [sflag:s22], s20  }
0x9f: {  	s3 =	ssub.s32 $0x0, s20;
	[sflag:s22] =	ssyncset.done $0x0  }
0xa0: {  	[sflag:s22] =	ssyncadd.s32 s3;
	_ =	sdelay $0x1  }
0xa1: {  	s23 =	simm.s32 $0x1B8B  }
0xa2: {  	_ =	swait.ge [sflag:s23], $0x1  }
0xa3: {  	[sflag:s23] =	ssyncset.done $0x0  }
0xa4: {  	s25 =	simm.s32 $0x1B8E;
	s24 =	sld [smem:$0x3FFE];
	[sflag:s23] =	ssyncadd.s32 $0xFFFFFFFF  }
0xa5: {  	s26 =	simm.s32 $execute0_lowered;
	[smem:$0x3FD2] =	sst s25  }
0xa6: {  	s4 =	sshll.u32 s26, $0x1;
	_ =	strace $0x8000004C;
	[dreg:$0x1] =	wrdreg $0xFFFFFFFF  }
0xa7: {  	s28 =	simm.s32 $_size_execute0_lowered;
	s2 =	sadd.s32 s2, s4;
	[dreg:$0x0] =	wrdreg $0x0  }
0xa8: {  	s4 =	sshll.u32 s28, $0x1;
	[dreg:$0x2] =	wrdreg s2  }
0xa9: {  	[dreg:$0x3] =	wrdreg s4  }
0xaa: {  	[dreg:$0x4] =	wrdreg $0xC0  }
0xab: {  	_ =	task [dreg:s6], $0x5FFFF  }
0xac: {  	[dreg:$0x1] =	wrdreg $0xFFFFFFFF  }
0xad: {  	[dreg:$0x0] =	wrdreg $0x60  }
0xae: {  	[dreg:$0x2] =	wrdreg s24  }
0xaf: {  	[dreg:$0x3] =	wrdreg $0xB0000  }
0xb0: {  	[dreg:$0x4] =	wrdreg $0x9  }
0xb1: {  	_ =	task.clear_ibuf [dreg:s6], $0x5FFFF;
	_ =	strace $0x9000004C  }
0xb2: {  	s29 =	simm.s32 $0x9;
	_ =	strace $0x8000004E  }
0xb3: {  	_ =	swait.ge [sflag:s29], $0x1  }
0xb4: {  	[sflag:s29] =	ssyncadd.s32 $0xFFFFFFFF  }
0xb5: {  	_ =	strace $0x9000004E  }
0xb6: {  	_ =	sfence  }
0xb7: {  	s30 =	sld [smem:$0x0];
	_ =	sdelay $0x2  }
0xb8: {  	s31 =	sshll.u32 s1, $0xD;
	s1 =	sshrl.u32 s1, $0x2  }
0xb9: {  	s3 =	sand.u32 $0x4000, s31;
	s1 =	sadd.s32 s1, s30  }
0xba: {  	s0 =	sor.u32 s3, s0;
	s1 =	sshll.u32 s1, $0x11  }
0xbb: {  	s0 =	sor.u32 s1, s0  }
0xbc: {  	s0 =	sadd.s32 $0x8F2B, s0  }
0xbd: {  	[sflag:s0] =	ssyncadd.remote.s32 $0x1  }
0xbe: {  	_ =	sfence.sel $0xFFFF  }
0xbf: {  	[dreg:$0x0] =	wrdreg $0xFFFFFFFF;
	(pc) =	sbr.abs _section_cstart, $3  }
0xc0: {  	[dreg:$0x1] =	wrdreg $0xFFFFFFFF  }
0xc1: {  	_ =	task.clear_ibuf [dreg:s6], $0x2FFFF;
	_ =	strace $0x9FFFFFFF  }
0xc2: {  	(tm) =	ssettm $0x7FFFFFFF  }
0xc3: {  	_ =	shalt  }
tec
execute0_lowered:
.L_overlay_start_1:
0x0: {  	(tag) =	ssettag $0x1  }
0x1: {  	s6 =	rddreg [dreg:$0x0]  }
0x2: {  	s1 =	rddreg [dreg:$0x1];
	s2 =	srdreg.scid  }
0x3: {  	s0 =	rddreg [dreg:$0x2];
	s3 =	simm.s32 $0x0;
	s15 =	simm.s32 $0x1800  }
0x4: {  	s16 =	simm.s32 $0x80;
	s17 =	simm.s32 $0x3000;
	s18 =	simm.s32 $0x7000  }
0x5: {  	s19 =	simm.s32 $0x1;
	s20 =	simm.s32 $0x2;
	s21 =	simm.s32 $0x2B00  }
0x6: {  	s22 =	simm.s32 $0x2B80;
	s23 =	simm.s32 $0x0;
	s7 =	sand.u32 $0x1, s2  }
0x7: {  	s2 =	stileid.u32;
	[smem:$0x7FF] =	sst s3;
	s4 =	sadd.s32 $0x1D000, s6  }
0x8: {  	s9 =	sadd.s32 $0x6800, s6;
	s10 =	sadd.s32 $0x10800, s6;
	s5 =	smul.u32 $0x140000, s7  }
0x9: {  	s8 =	smul.u32 $0x14000, s2;
	_ =	strace $0x8000004D;
	s11 =	sshll.u32 s2, $0x1  }
0xa: {  	s12 =	ssub.s32 $0x2, s7;
	s26 =	smul.u32 $0x50000, s2;
	s30 =	sshll.u32 s2, $0x6  }
0xb: {  	s7 =	sor.u32 s7, s11;
	s28 =	sshrl.u32 s12, $0x1;
	s8 =	sadd.s32 s8, s5  }
0xc: {  	s5 =	sadd.s32 $0x1A800, s6;
	s7 =	smul.u32 $0x2800, s7;
	s29 =	sshrl.u32 s26, $0x2  }
0xd: {  	s12 =	ssub.s32 s12, s28;
	s8 =	sshrl.u32 s8, $0x3;
	s14 =	sadd.s32 s29, s1  }
0xe: {  	s12 =	smax.u32 s12, $0x1;
	s13 =	sadd.s32 s8, s6;
	s31 =	sshrl.u32 s7, $0x3  }
0xf: {  	s6 =	sor.u32 $0x1C03, s30;
	s7 =	sadd.s32 s9, s31;
	s11 =	sadd.s32 $0x280, s31  }
0x10: {  	s8 =	sadd.s32 s10, s31;
	s9 =	sadd.s32 s9, s11;
	s10 =	sadd.s32 s10, s11  }
0x11: {  	s11 =	sadd.s32 $0x6D000, s13;
	s13 =	sshrl.u32 s14, $0x3;
	s14 =	simm.s32 $0x3  }
.LBB2_1:
0x12: {  	[spmem:s13], [sflag:s6] =	dma.local [hbm:s5], $0x2800  }
0x13: {  	_ =	swait.ge [sflag:s14], $0x2800  }
0x14: {  	[sflag:s14] =	ssyncset.done $0x0  }
0x15: {  	[sflag:s14] =	ssyncadd.s32 $0xFFFFD800  }
0x16: {  	[tilespmem:s3], [sflag:$0x3] =	stream.linear.gather [hbm4b:s7+s3], $0x1800, $0x38;
	[tilespmem:$0x1F000] =	vst v63  }
0x17: {  	_ =	swait.ge [sflag:s14], $0x1800  }
0x18: {  	[sflag:s14] =	ssyncset.done $0x0  }
0x19: {  	[sflag:s14] =	ssyncadd.s32 $0xFFFFE800  }
0x1a: {  	[tilespmem:s15], [sflag:$0x3] =	stream.linear.gather [hbm4b:s8+s3], $0x1800, $0x38;
	[tilespmem:$0x1F000] =	vst v63  }
0x1b: {  	_ =	swait.ge [sflag:s14], $0x1800  }
0x1c: {  	[sflag:s14] =	ssyncset.done $0x0  }
0x1d: {  	[sflag:s14] =	ssyncadd.s32 $0xFFFFE800  }
0x1e: {  	[bflag:$0x0] =	sbarrier.arrive $0xFFFF  }
0x1f: {  	[tilespmem:s17], [sflag:$0x1] =	stream.indirect.gather [hbm4b:s4+s16], $0x80, s3, s16, $0xb8;
	[tilespmem:$0x1F000] =	vst v63  }
0x20: {  	_ = 	snop  }
0x21: {  	[tilespmem:s18], [sflag:$0x2] =	stream.indirect.gather [hbm4b:s4+s16], $0x80, s16, s16, $0xb8;
	[tilespmem:$0x1F000] =	vst v63  }
0x22: {  	_ =	swait.ge [sflag:s19], $0x4000  }
0x23: {  	[sflag:s19] =	ssyncset.done $0x0  }
0x24: {  	s24 =	simm.s32 $0x1800;
	[sflag:s19] =	ssyncadd.s32 $0xFFFFC000  }
0x25: {  	[spmem:s1] =	stream.indirect.scatter.add.f32 [tilespmem:s17], [sflag:$0x3], $0x80, s24, s16, $0xb8;
	[tilespmem:$0x1F000] =	vst v63  }
0x26: {  	_ =	swait.ge [sflag:s14], $0x4000  }
0x27: {  	[sflag:s14] =	ssyncset.done $0x0  }
0x28: {  	s30 =	simm.s32 $0x100;
	[sflag:s14] =	ssyncadd.s32 $0xFFFFC000  }
0x29: {  	[tilespmem:s17], [sflag:$0x1] =	stream.indirect.gather [hbm4b:s4+s16], $0x80, s30, s16, $0xb8;
	[tilespmem:$0x1F000] =	vst v63  }
0x2a: {  	_ =	swait.ge [sflag:s20], $0x4000  }
0x2b: {  	[sflag:s20] =	ssyncset.done $0x0  }
0x2c: {  	s31 =	simm.s32 $0x1880;
	[sflag:s20] =	ssyncadd.s32 $0xFFFFC000  }
0x2d: {  	[spmem:s1] =	stream.indirect.scatter.add.f32 [tilespmem:s18], [sflag:$0x3], $0x80, s31, s16, $0xb8;
	[tilespmem:$0x1F000] =	vst v63  }
0x2e: {  	_ =	swait.ge [sflag:s14], $0x4000  }
0x2f: {  	[sflag:s14] =	ssyncset.done $0x0  }
0x30: {  	s25 =	simm.s32 $0x180;
	s24 =	simm.s32 $0x400;
	[sflag:s14] =	ssyncadd.s32 $0xFFFFC000  }
.LBB2_2:
0x31: {  	[tilespmem:s18], [sflag:$0x2] =	stream.indirect.gather [hbm4b:s4+s16], $0x80, s25, s16, $0xb8;
	[tilespmem:$0x1F000] =	vst v63  }
0x32: {  	s25 =	smov.u32 s24  }
0x33: {  	p0 =	sne.s32 s24, $0x4C00;
	s24 =	sadd.s32 $0x400, s24;
	_ =	swait.ge [sflag:s19], $0x4000  }
0x34: {  	s25 =	sshra.s32 s25, $0x2;
	[sflag:s19] =	ssyncset.done $0x0  }
0x35: {  	s26 =	sadd.s32 $0x1800, s25;
	[sflag:s19] =	ssyncadd.s32 $0xFFFFC000  }
0x36: {  	[spmem:s1] =	stream.indirect.scatter.add.f32 [tilespmem:s17], [sflag:$0x3], $0x80, s26, s16, $0xb8;
	[tilespmem:$0x1F000] =	vst v63  }
0x37: {  	_ =	swait.ge [sflag:s14], $0x4000  }
0x38: {  	[sflag:s14] =	ssyncset.done $0x0  }
0x39: {  	s26 =	sadd.s32 $0x100, s25;
	[sflag:s14] =	ssyncadd.s32 $0xFFFFC000  }
0x3a: {  	[tilespmem:s17], [sflag:$0x1] =	stream.indirect.gather [hbm4b:s4+s16], $0x80, s26, s16, $0xb8;
	[tilespmem:$0x1F000] =	vst v63  }
0x3b: {  	_ =	swait.ge [sflag:s20], $0x4000  }
0x3c: {  	[sflag:s20] =	ssyncset.done $0x0  }
.Ltmp0:
0x3d: {  	s26 =	sadd.s32 $0x1880, s25;
	[sflag:s20] =	ssyncadd.s32 $0xFFFFC000;
	(pc) =	sbr.rel @p0 .LBB2_2-.Ltmp0, $4  }
0x3e: {  	[spmem:s1] =	stream.indirect.scatter.add.f32 [tilespmem:s18], [sflag:$0x3], $0x80, s26, s16, $0xb8;
	[tilespmem:$0x1F000] =	vst v63  }
0x3f: {  	_ =	swait.ge [sflag:s14], $0x4000  }
0x40: {  	[sflag:s14] =	ssyncset.done $0x0  }
0x41: {  	s25 =	sadd.s32 $0x180, s25;
	[sflag:s14] =	ssyncadd.s32 $0xFFFFC000  }
0x42: {  	[tilespmem:s18], [sflag:$0x2] =	stream.indirect.gather [hbm4b:s4+s16], $0x80, s25, s16, $0xb8;
	[tilespmem:$0x1F000] =	vst v63  }
0x43: {  	s24 =	simm.s32 $0x0  }
0x44: {  	[tilespmem:s24], [sflag:$0x3] =	stream.linear.gather [hbm4b:s9+s24], $0x1400, $0x38;
	[tilespmem:$0x1F000] =	vst v63  }
0x45: {  	_ =	swait.ge [sflag:s14], $0x1400  }
0x46: {  	[sflag:s14] =	ssyncset.done $0x0  }
0x47: {  	[sflag:s14] =	ssyncadd.s32 $0xFFFFEC00  }
0x48: {  	[tilespmem:s15], [sflag:$0x3] =	stream.linear.gather [hbm4b:s10+s24], $0x1400, $0x38;
	[tilespmem:$0x1F000] =	vst v63  }
0x49: {  	_ =	swait.ge [sflag:s14], $0x1400  }
0x4a: {  	[sflag:s14] =	ssyncset.done $0x0  }
0x4b: {  	[sflag:s14] =	ssyncadd.s32 $0xFFFFEC00  }
0x4c: {  	_ =	swait.ge [sflag:s19], $0x4000  }
0x4d: {  	[sflag:s19] =	ssyncset.done $0x0  }
0x4e: {  	s29 =	simm.s32 $0x1800;
	[sflag:s19] =	ssyncadd.s32 $0xFFFFC000  }
0x4f: {  	[spmem:s1] =	stream.indirect.scatter.add.f32 [tilespmem:s17], [sflag:$0x3], $0x80, s29, s16, $0xb8;
	[tilespmem:$0x1F000] =	vst v63  }
0x50: {  	_ =	swait.ge [sflag:s14], $0x4000  }
0x51: {  	[sflag:s14] =	ssyncset.done $0x0  }
0x52: {  	s30 =	simm.s32 $0x100;
	[sflag:s14] =	ssyncadd.s32 $0xFFFFC000  }
0x53: {  	[tilespmem:s17], [sflag:$0x1] =	stream.indirect.gather [hbm4b:s4+s16], $0x80, s30, s16, $0xb8;
	[tilespmem:$0x1F000] =	vst v63  }
0x54: {  	_ =	swait.ge [sflag:s20], $0x4000  }
0x55: {  	[sflag:s20] =	ssyncset.done $0x0  }
0x56: {  	s31 =	simm.s32 $0x1880;
	[sflag:s20] =	ssyncadd.s32 $0xFFFFC000  }
0x57: {  	[spmem:s1] =	stream.indirect.scatter.add.f32 [tilespmem:s18], [sflag:$0x3], $0x80, s31, s16, $0xb8;
	[tilespmem:$0x1F000] =	vst v63  }
0x58: {  	_ =	swait.ge [sflag:s14], $0x4000  }
0x59: {  	[sflag:s14] =	ssyncset.done $0x0  }
0x5a: {  	s25 =	simm.s32 $0x180;
	s24 =	simm.s32 $0x400;
	[sflag:s14] =	ssyncadd.s32 $0xFFFFC000  }
.LBB2_4:
0x5b: {  	[tilespmem:s18], [sflag:$0x2] =	stream.indirect.gather [hbm4b:s4+s16], $0x80, s25, s16, $0xb8;
	[tilespmem:$0x1F000] =	vst v63  }
0x5c: {  	s25 =	smov.u32 s24  }
0x5d: {  	p0 =	sne.s32 s24, $0x4800;
	s24 =	sadd.s32 $0x400, s24;
	_ =	swait.ge [sflag:s19], $0x4000  }
0x5e: {  	s25 =	sshra.s32 s25, $0x2;
	[sflag:s19] =	ssyncset.done $0x0  }
0x5f: {  	s26 =	sadd.s32 $0x1800, s25;
	[sflag:s19] =	ssyncadd.s32 $0xFFFFC000  }
0x60: {  	[spmem:s1] =	stream.indirect.scatter.add.f32 [tilespmem:s17], [sflag:$0x3], $0x80, s26, s16, $0xb8;
	[tilespmem:$0x1F000] =	vst v63  }
0x61: {  	_ =	swait.ge [sflag:s14], $0x4000  }
0x62: {  	[sflag:s14] =	ssyncset.done $0x0  }
0x63: {  	s26 =	sadd.s32 $0x100, s25;
	[sflag:s14] =	ssyncadd.s32 $0xFFFFC000  }
0x64: {  	[tilespmem:s17], [sflag:$0x1] =	stream.indirect.gather [hbm4b:s4+s16], $0x80, s26, s16, $0xb8;
	[tilespmem:$0x1F000] =	vst v63  }
0x65: {  	_ =	swait.ge [sflag:s20], $0x4000  }
0x66: {  	[sflag:s20] =	ssyncset.done $0x0  }
.Ltmp1:
0x67: {  	s26 =	sadd.s32 $0x1880, s25;
	[sflag:s20] =	ssyncadd.s32 $0xFFFFC000;
	(pc) =	sbr.rel @p0 .LBB2_4-.Ltmp1, $4  }
0x68: {  	[spmem:s1] =	stream.indirect.scatter.add.f32 [tilespmem:s18], [sflag:$0x3], $0x80, s26, s16, $0xb8;
	[tilespmem:$0x1F000] =	vst v63  }
0x69: {  	_ =	swait.ge [sflag:s14], $0x4000  }
0x6a: {  	[sflag:s14] =	ssyncset.done $0x0  }
0x6b: {  	s25 =	sadd.s32 $0x180, s25;
	[sflag:s14] =	ssyncadd.s32 $0xFFFFC000  }
0x6c: {  	[tilespmem:s18], [sflag:$0x2] =	stream.indirect.gather [hbm4b:s4+s16], $0x80, s25, s16, $0xb8;
	[tilespmem:$0x1F000] =	vst v63  }
0x6d: {  	_ =	swait.ge [sflag:s19], $0x4000  }
0x6e: {  	[sflag:s19] =	ssyncset.done $0x0  }
0x6f: {  	[sflag:s19] =	ssyncadd.s32 $0xFFFFC000  }
0x70: {  	[spmem:s1] =	stream.indirect.scatter.add.f32 [tilespmem:s17], [sflag:$0x3], $0x80, s21, s16, $0xb8;
	[tilespmem:$0x1F000] =	vst v63  }
0x71: {  	_ =	swait.ge [sflag:s14], $0x4000  }
0x72: {  	[sflag:s14] =	ssyncset.done $0x0  }
0x73: {  	[sflag:s14] =	ssyncadd.s32 $0xFFFFC000  }
0x74: {  	_ =	swait.ge [sflag:s20], $0x4000  }
0x75: {  	[sflag:s20] =	ssyncset.done $0x0  }
0x76: {  	[sflag:s20] =	ssyncadd.s32 $0xFFFFC000  }
0x77: {  	[spmem:s1] =	stream.indirect.scatter.add.f32 [tilespmem:s18], [sflag:$0x3], $0x80, s22, s16, $0xb8;
	[tilespmem:$0x1F000] =	vst v63  }
0x78: {  	_ =	swait.ge [sflag:s14], $0x4000  }
0x79: {  	s23 =	sadd.s32 $0x1, s23;
	[sflag:s14] =	ssyncset.done $0x0  }
0x7a: {  	p0 =	sne.s32 s23, s12;
	[sflag:s14] =	ssyncadd.s32 $0xFFFFC000  }
.Ltmp2:
0x7b: {  	[bflag:$0x0] =	sbarrier.arrive $0xFFFF;
	(pc) =	sbr.rel @p0 .LBB2_1-.Ltmp2, $4  }
0x7c: {  	[hbm:s11], [sflag:s6] =	dma.local [spmem:s13], $0x2800  }
0x7d: {  	_ =	swait.ge [sflag:s14], $0x2800  }
0x7e: {  	[sflag:s14] =	ssyncset.done $0x0  }
0x7f: {  	[sflag:s14] =	ssyncadd.s32 $0xFFFFD800  }
0x80: {  	_ =	sfence.sel $0x180000  }
0x81: {  	[bflag:$0x0] =	sbarrier.arrive $0xFFFF  }
0x82: {  	p0 =	sne.s32 s2, $0x0;
	_ =	strace $0x9000004D  }
0x83: {  	s0 =	sadd.s32 @!p0 $0x100000, s0;
	[bflag:$0x2] =	sbarrier.arrive $0xFFFF  }
0x84: {  	[sflag:s0] =	ssyncadd.tile.s32 @!p0 $0x1;
	_ =	shalt  }
.Lfunc_end2:
_tile_overlayer_lowered:
.L_overlay_start_2:
0x85: {  	(tag) =	ssettag $0x2  }
0x86: {  	s0 =	rddreg [dreg:$0x0];
	s2 =	stileid.u32  }
0x87: {  	s1 =	rddreg [dreg:$0x1];
	p0 =	sne.s32 s2, $0x0  }
0x88: {  	s3 =	rddreg [dreg:$0x2];
	[bflag:$0x3] =	sbarrier.arrive $0xFFFF;
	s2 =	simm.s32 @!p0 $0x1C03  }
0x89: {  	[timem:s3], [sflag:s2] =	dma.local @!p0 [hbm:s0], s1  }
0x8a: {  	s0 =	simm.s32 @!p0 $0x3  }
0x8b: {  	_ =	swait.ge @!p0 [sflag:s0], s1  }
0x8c: {  	s1 =	ssub.s32 @!p0 $0x0, s1;
	[sflag:s0] =	ssyncset.done @!p0 $0x0  }
0x8d: {  	[sflag:s0] =	ssyncadd.s32 @!p0 s1  }
0x8e: {  	[bflag:$0x3] =	sbarrier.arrive $0xFFFF  }
0x8f: {  	_ =	shalt  }

// kernel: kernel.27.cloned.1.call-start
scs
__scs_entry_jumppad:
0x0: {  	(pc) =	sbr.rel $0x88, $3  }
0x1: {  	(tag) =	ssettag $0x0;
	lr =	simm.s32 $0x1  }
0x2: {  	[smem:$0x3F93] =	sst lr;
	_ =	strace $0xD0000000  }
0x3: {  	_ = 	snop  }
0x4: {  	_ = 	snop  }
0x5: {  	_ = 	snop  }
0x6: {  	_ = 	snop  }
0x7: {  	_ = 	snop  }
__scs_overlays_trampoline_lowered:
0x8: {  	[smem:$0x3FA2] =	sst s0  }
0x9: {  	[smem:$0x3FA3] =	sst s1  }
0xa: {  	[smem:$0x3FA4] =	sst s2  }
0xb: {  	[smem:$0x3FA5] =	sst s3  }
0xc: {  	[smem:$0x3FA6] =	sst s4  }
0xd: {  	[smem:$0x3FA7] =	sst s5  }
0xe: {  	[smem:$0x3FA8] =	sst s6  }
0xf: {  	[smem:$0x3FA9] =	sst s7  }
0x10: {  	[smem:$0x3FAA] =	sst s8  }
0x11: {  	[smem:$0x3FAB] =	sst s9;
	s0 =	simm.s32 @!p0 $0x0  }
0x12: {  	s1 =	sld [smem:$0x3F91];
	s0 =	simm.s32 @p0 $0x1  }
0x13: {  	[smem:$0x3FAC] =	sst s0;
	s0 =	simm.s32 @!p1 $0x0  }
0x14: {  	s2 =	sld [smem:$0x3F90];
	s0 =	simm.s32 @p1 $0x1  }
0x15: {  	[smem:$0x3FAD] =	sst s0;
	s0 =	simm.s32 @!p2 $0x0  }
0x16: {  	s3 =	sld [smem:$0x3FDB];
	s0 =	simm.s32 @p2 $0x1  }
0x17: {  	s4 =	simm.s32 $0x1BF5;
	[smem:$0x3FAF] =	sst s0  }
0x18: {  	s0 =	sld [smem:$0x3F92];
	_ =	swait.ge [sflag:s4], $0x0  }
0x19: {  	s7 =	sld [smem:$0x3F93]  }
0x1a: {  	s8 =	sadd.s32 $0xFFFFE003, lr  }
0x1b: {  	s9 =	sadd.s32 $0xFFFFFEF7, lr;
	s5 =	simm.s32 $0xFFFFFFFF;
	p2 =	slt.u32 s8, $0xFFFFF086  }
0x1c: {  	p1 =	slt.u32 s9, $0xF7A;
	s5 =	simm.s32 @!p2 $0x0  }
0x1d: {  	s5 =	simm.s32 @p1 $0x1;
	p0 =	seq.s32 s7, s2  }
0x1e: {  	s7 =	smul.u32 @!p0 $0xF7A, s2;
	p2 =	seq.s32 @!p0 s5, $0x0  }
0x1f: {  	s9 =	smul.u32 $0xF7A, s1;
	s8 =	simm.s32 @!p0 $0x1BF5;
	p2 =	por !p2, p0  }
0x20: {  	[sflag:s8] =	ssyncset.s32 @!p0 $0xFFFFF086;
	s6 =	sadd.s32 @!p0 s3, s7;
	s7 =	simm.s32 @!p0 $0x108  }
0x21: {  	s3 =	sadd.s32 s3, s9;
	s6 =	sadd.s32 @!p0 $0x88, s6;
	s7 =	simm.s32 @p2 $0x1082  }
0x22: {  	[simem:s7], [sflag:s8] =	dma.local @!p0 [hbm:s6], $0xF7A  }
0x23: {  	s9 =	sor.u32 $0xD0000000, s2;
	s6 =	simm.s32 $0x108;
	_ =	swait.ge @!p0 [sflag:s8], $0x0  }
0x24: {  	s3 =	sadd.s32 $0x88, s3;
	s6 =	simm.s32 @!p1 $0x1082;
	[sflag:s4] =	ssyncset.s32 $0xFFFFF086  }
0x25: {  	[simem:s6], [sflag:s4] =	dma.local [hbm:s3], $0xF7A  }
0x26: {  	[smem:$0x3F93] =	sst s1;
	(tag) =	ssettag s2;
	_ =	strace s9  }
0x27: {  	s1 =	sld [smem:$0x3FA3]  }
0x28: {  	s2 =	sld [smem:$0x3FA4]  }
0x29: {  	s4 =	sld [smem:$0x3FA6]  }
0x2a: {  	p0 =	seq.s32 s5, $0x0;
	s5 =	sld [smem:$0x3FA7]  }
0x2b: {  	s6 =	sld [smem:$0x3FA8]  }
0x2c: {  	s7 =	sld [smem:$0x3FA9]  }
0x2d: {  	s3 =	simm.s32 $0x108;
	s8 =	sld [smem:$0x3FAA]  }
0x2e: {  	s3 =	simm.s32 @!p0 $0x1082;
	s9 =	sld [smem:$0x3FAB]  }
0x2f: {  	lr =	sadd.s32 s0, s3;
	s0 =	sld [smem:$0x3FA2]  }
0x30: {  	s3 =	sld [smem:$0x3FA5]  }
0x31: {  	[smem:$0x3FAE] =	sst s10  }
0x32: {  	s10 =	sld [smem:$0x3FAC];
	_ =	sdelay $0x3  }
0x33: {  	p0 =	seq.s32 s10, $0x1;
	s10 =	sld [smem:$0x3FAE];
	_ =	sdelay $0x3  }
0x34: {  	[smem:$0x3FAE] =	sst s10  }
0x35: {  	s10 =	sld [smem:$0x3FAD];
	_ =	sdelay $0x3  }
0x36: {  	p1 =	seq.s32 s10, $0x1;
	s10 =	sld [smem:$0x3FAE];
	_ =	sdelay $0x3  }
0x37: {  	[smem:$0x3FAE] =	sst s10  }
0x38: {  	s10 =	sld [smem:$0x3FAF]  }
0x39: {  	_ = 	snop;
	(pc) =	sbr.ind lr, $3  }
0x3a: {  	_ = 	snop  }
0x3b: {  	_ = 	snop  }
0x3c: {  	p2 =	seq.s32 s10, $0x1;
	s10 =	sld [smem:$0x3FAE]  }
0x3d: {  	_ =	shalt  }
0x3e: {  	_ =	shalt  }
0x3f: {  	_ =	shalt  }
0x40: {  	_ =	shalt  }
0x41: {  	_ =	shalt  }
0x42: {  	_ =	shalt  }
0x43: {  	_ =	shalt  }
0x44: {  	_ =	shalt  }
0x45: {  	_ =	shalt  }
0x46: {  	_ =	shalt  }
0x47: {  	_ =	shalt  }
0x48: {  	_ =	shalt  }
0x49: {  	_ =	shalt  }
0x4a: {  	_ =	shalt  }
0x4b: {  	_ =	shalt  }
0x4c: {  	_ =	shalt  }
0x4d: {  	_ =	shalt  }
0x4e: {  	_ =	shalt  }
0x4f: {  	_ =	shalt  }
0x50: {  	_ =	shalt  }
0x51: {  	_ =	shalt  }
0x52: {  	_ =	shalt  }
0x53: {  	_ =	shalt  }
0x54: {  	_ =	shalt  }
0x55: {  	_ =	shalt  }
0x56: {  	_ =	shalt  }
0x57: {  	_ =	shalt  }
0x58: {  	_ =	shalt  }
0x59: {  	_ =	shalt  }
0x5a: {  	_ =	shalt  }
0x5b: {  	_ =	shalt  }
0x5c: {  	_ =	shalt  }
0x5d: {  	_ =	shalt  }
0x5e: {  	_ =	shalt  }
0x5f: {  	_ =	shalt  }
0x60: {  	_ =	shalt  }
0x61: {  	_ =	shalt  }
0x62: {  	_ =	shalt  }
0x63: {  	_ =	shalt  }
0x64: {  	_ =	shalt  }
0x65: {  	_ =	shalt  }
0x66: {  	_ =	shalt  }
0x67: {  	_ =	shalt  }
0x68: {  	_ =	shalt  }
0x69: {  	_ =	shalt  }
0x6a: {  	_ =	shalt  }
0x6b: {  	_ =	shalt  }
0x6c: {  	_ =	shalt  }
0x6d: {  	_ =	shalt  }
0x6e: {  	_ =	shalt  }
0x6f: {  	_ =	shalt  }
0x70: {  	_ =	shalt  }
0x71: {  	_ =	shalt  }
0x72: {  	_ =	shalt  }
0x73: {  	_ =	shalt  }
0x74: {  	_ =	shalt  }
0x75: {  	_ =	shalt  }
0x76: {  	_ =	shalt  }
0x77: {  	_ =	shalt  }
0x78: {  	_ =	shalt  }
0x79: {  	_ =	shalt  }
0x7a: {  	_ =	shalt  }
0x7b: {  	_ =	shalt  }
0x7c: {  	_ =	shalt  }
0x7d: {  	_ =	shalt  }
0x7e: {  	_ =	shalt  }
0x7f: {  	_ =	shalt  }
0x80: {  	_ =	shalt  }
0x81: {  	_ =	shalt  }
0x82: {  	_ =	shalt  }
0x83: {  	_ =	shalt  }
0x84: {  	_ =	shalt  }
0x85: {  	_ =	shalt  }
0x86: {  	_ =	shalt  }
0x87: {  	_ =	shalt  }
.Lfunc_end0:
.L_simem_size_0:
called_computation.3_lowered:
.L_overlay_start_0:
0x88: {  	s2 =	sld [smem:$0x3FD9]  }
0x89: {  	s3 =	sld [smem:$0x3FFE];
	_ =	sdelay $0x1  }
0x8a: {  	s1 =	srdreg.scid  }
0x8b: {  	s0 =	sand.u32 $0x1, s1  }
0x8c: {  	s16 =	sshll.u32 s0, $0xA;
	s2 =	sadd.s32 s3, s2  }
0x8d: {  	s2 =	sadd.s32 s2, s16  }
0x8e: {  	[smem:$0x3FBA] =	sst s2  }
0x8f: {  	_ = 	snop  }
0x90: {  	(tm) =	ssettm $0x1  }
0x91: {  	s17 =	sld [smem:$0x3FFB];
	_ =	sdelay $0x3  }
0x92: {  	_ =	strace s17  }
0x93: {  	s2 =	sld [smem:$0x3FFC];
	_ =	sdelay $0x3  }
0x94: {  	_ =	strace s2  }
0x95: {  	s2 =	sld [smem:$0x3FFD];
	_ =	sdelay $0x3  }
0x96: {  	_ =	strace s2  }
0x97: {  	_ =	strace $0x8FFFFFFF  }
0x98: {  	s18 =	sld [smem:$0x3FDB];
	_ =	sdelay $0x1  }
0x99: {  	s19 =	simm.s32 $_scs_section_size  }
0x9a: {  	s4 =	simm.s32 $_size__tile_overlayer_lowered;
	s5 =	simm.s32 $_tile_overlayer_lowered  }
0x9b: {  	s22 =	simm.s32 $0x1BFF;
	s21 =	sshll.u32 s5, $0x1;
	s2 =	sadd.s32 s19, s18  }
0x9c: {  	s6 =	simm.s32 $0x0;
	s20 =	sshll.u32 s4, $0x1;
	s4 =	sadd.s32 s21, s2  }
0x9d: {  	[timem:s6], [sflag:s22] =	dma.local [hbm:s4], s20  }
0x9e: {  	_ =	swait.ge [sflag:s22], s20  }
0x9f: {  	s3 =	ssub.s32 $0x0, s20;
	[sflag:s22] =	ssyncset.done $0x0  }
0xa0: {  	[sflag:s22] =	ssyncadd.s32 s3;
	_ =	sdelay $0x1  }
0xa1: {  	s23 =	simm.s32 $0x1B8B  }
0xa2: {  	_ =	swait.ge [sflag:s23], $0x1  }
0xa3: {  	[sflag:s23] =	ssyncset.done $0x0  }
0xa4: {  	s25 =	simm.s32 $0x1B8E;
	s24 =	sld [smem:$0x3FFE];
	[sflag:s23] =	ssyncadd.s32 $0xFFFFFFFF  }
0xa5: {  	s26 =	simm.s32 $execute0_lowered;
	[smem:$0x3FD2] =	sst s25  }
0xa6: {  	s4 =	sshll.u32 s26, $0x1;
	_ =	strace $0x8000004F;
	[dreg:$0x1] =	wrdreg $0xFFFFFFFF  }
0xa7: {  	s28 =	simm.s32 $_size_execute0_lowered;
	s2 =	sadd.s32 s2, s4;
	[dreg:$0x0] =	wrdreg $0x0  }
0xa8: {  	s4 =	sshll.u32 s28, $0x1;
	[dreg:$0x2] =	wrdreg s2  }
0xa9: {  	[dreg:$0x3] =	wrdreg s4  }
0xaa: {  	[dreg:$0x4] =	wrdreg $0xC0  }
0xab: {  	_ =	task [dreg:s6], $0x5FFFF  }
0xac: {  	[dreg:$0x1] =	wrdreg $0xFFFFFFFF  }
0xad: {  	[dreg:$0x0] =	wrdreg $0x60  }
0xae: {  	[dreg:$0x2] =	wrdreg s24  }
0xaf: {  	[dreg:$0x3] =	wrdreg $0xB0000  }
0xb0: {  	[dreg:$0x4] =	wrdreg $0x9  }
0xb1: {  	_ =	task.clear_ibuf [dreg:s6], $0x5FFFF;
	_ =	strace $0x9000004F  }
0xb2: {  	s29 =	simm.s32 $0x9;
	_ =	strace $0x80000051  }
0xb3: {  	_ =	swait.ge [sflag:s29], $0x1  }
0xb4: {  	[sflag:s29] =	ssyncadd.s32 $0xFFFFFFFF  }
0xb5: {  	_ =	strace $0x90000051  }
0xb6: {  	_ =	sfence  }
0xb7: {  	s30 =	sld [smem:$0x0];
	_ =	sdelay $0x2  }
0xb8: {  	s31 =	sshll.u32 s1, $0xD;
	s1 =	sshrl.u32 s1, $0x2  }
0xb9: {  	s3 =	sand.u32 $0x4000, s31;
	s1 =	sadd.s32 s1, s30  }
0xba: {  	s0 =	sor.u32 s3, s0;
	s1 =	sshll.u32 s1, $0x11  }
0xbb: {  	s0 =	sor.u32 s1, s0  }
0xbc: {  	s0 =	sadd.s32 $0x8F2B, s0  }
0xbd: {  	[sflag:s0] =	ssyncadd.remote.s32 $0x1  }
0xbe: {  	_ =	sfence.sel $0xFFFF  }
0xbf: {  	[dreg:$0x0] =	wrdreg $0xFFFFFFFF;
	(pc) =	sbr.abs _section_cstart, $3  }
0xc0: {  	[dreg:$0x1] =	wrdreg $0xFFFFFFFF  }
0xc1: {  	_ =	task.clear_ibuf [dreg:s6], $0x2FFFF;
	_ =	strace $0x9FFFFFFF  }
0xc2: {  	(tm) =	ssettm $0x7FFFFFFF  }
0xc3: {  	_ =	shalt  }
tec
execute0_lowered:
.L_overlay_start_1:
0x0: {  	(tag) =	ssettag $0x1  }
0x1: {  	s6 =	rddreg [dreg:$0x0]  }
0x2: {  	s1 =	rddreg [dreg:$0x1];
	s2 =	srdreg.scid  }
0x3: {  	s0 =	rddreg [dreg:$0x2];
	s3 =	simm.s32 $0x0;
	s15 =	simm.s32 $0x1800  }
0x4: {  	s16 =	simm.s32 $0x80;
	s17 =	simm.s32 $0x3000;
	s18 =	simm.s32 $0x7000  }
0x5: {  	s19 =	simm.s32 $0x1;
	s20 =	simm.s32 $0x2;
	s21 =	simm.s32 $0x2B00  }
0x6: {  	s22 =	simm.s32 $0x2B80;
	s23 =	simm.s32 $0x0;
	s7 =	sand.u32 $0x1, s2  }
0x7: {  	s2 =	stileid.u32;
	[smem:$0x7FF] =	sst s3;
	s4 =	sadd.s32 $0x1D000, s6  }
0x8: {  	s9 =	sadd.s32 $0x6800, s6;
	s10 =	sadd.s32 $0x10800, s6;
	s5 =	smul.u32 $0x140000, s7  }
0x9: {  	s8 =	smul.u32 $0x14000, s2;
	_ =	strace $0x80000050;
	s11 =	sshll.u32 s2, $0x1  }
0xa: {  	s12 =	ssub.s32 $0x2, s7;
	s26 =	smul.u32 $0x50000, s2;
	s30 =	sshll.u32 s2, $0x6  }
0xb: {  	s7 =	sor.u32 s7, s11;
	s28 =	sshrl.u32 s12, $0x1;
	s8 =	sadd.s32 s8, s5  }
0xc: {  	s5 =	sadd.s32 $0x1A800, s6;
	s7 =	smul.u32 $0x2800, s7;
	s29 =	sshrl.u32 s26, $0x2  }
0xd: {  	s12 =	ssub.s32 s12, s28;
	s8 =	sshrl.u32 s8, $0x3;
	s14 =	sadd.s32 s29, s1  }
0xe: {  	s12 =	smax.u32 s12, $0x1;
	s13 =	sadd.s32 s8, s6;
	s31 =	sshrl.u32 s7, $0x3  }
0xf: {  	s6 =	sor.u32 $0x1C03, s30;
	s7 =	sadd.s32 s9, s31;
	s11 =	sadd.s32 $0x280, s31  }
0x10: {  	s8 =	sadd.s32 s10, s31;
	s9 =	sadd.s32 s9, s11;
	s10 =	sadd.s32 s10, s11  }
0x11: {  	s11 =	sadd.s32 $0x95000, s13;
	s13 =	sshrl.u32 s14, $0x3;
	s14 =	simm.s32 $0x3  }
.LBB2_1:
0x12: {  	[spmem:s13], [sflag:s6] =	dma.local [hbm:s5], $0x2800  }
0x13: {  	_ =	swait.ge [sflag:s14], $0x2800  }
0x14: {  	[sflag:s14] =	ssyncset.done $0x0  }
0x15: {  	[sflag:s14] =	ssyncadd.s32 $0xFFFFD800  }
0x16: {  	[tilespmem:s3], [sflag:$0x3] =	stream.linear.gather [hbm4b:s7+s3], $0x1800, $0x38;
	[tilespmem:$0x1F000] =	vst v63  }
0x17: {  	_ =	swait.ge [sflag:s14], $0x1800  }
0x18: {  	[sflag:s14] =	ssyncset.done $0x0  }
0x19: {  	[sflag:s14] =	ssyncadd.s32 $0xFFFFE800  }
0x1a: {  	[tilespmem:s15], [sflag:$0x3] =	stream.linear.gather [hbm4b:s8+s3], $0x1800, $0x38;
	[tilespmem:$0x1F000] =	vst v63  }
0x1b: {  	_ =	swait.ge [sflag:s14], $0x1800  }
0x1c: {  	[sflag:s14] =	ssyncset.done $0x0  }
0x1d: {  	[sflag:s14] =	ssyncadd.s32 $0xFFFFE800  }
0x1e: {  	[bflag:$0x0] =	sbarrier.arrive $0xFFFF  }
0x1f: {  	[tilespmem:s17], [sflag:$0x1] =	stream.indirect.gather [hbm4b:s4+s16], $0x80, s3, s16, $0xb8;
	[tilespmem:$0x1F000] =	vst v63  }
0x20: {  	_ = 	snop  }
0x21: {  	[tilespmem:s18], [sflag:$0x2] =	stream.indirect.gather [hbm4b:s4+s16], $0x80, s16, s16, $0xb8;
	[tilespmem:$0x1F000] =	vst v63  }
0x22: {  	_ =	swait.ge [sflag:s19], $0x4000  }
0x23: {  	[sflag:s19] =	ssyncset.done $0x0  }
0x24: {  	s24 =	simm.s32 $0x1800;
	[sflag:s19] =	ssyncadd.s32 $0xFFFFC000  }
0x25: {  	[spmem:s1] =	stream.indirect.scatter.add.f32 [tilespmem:s17], [sflag:$0x3], $0x80, s24, s16, $0xb8;
	[tilespmem:$0x1F000] =	vst v63  }
0x26: {  	_ =	swait.ge [sflag:s14], $0x4000  }
0x27: {  	[sflag:s14] =	ssyncset.done $0x0  }
0x28: {  	s30 =	simm.s32 $0x100;
	[sflag:s14] =	ssyncadd.s32 $0xFFFFC000  }
0x29: {  	[tilespmem:s17], [sflag:$0x1] =	stream.indirect.gather [hbm4b:s4+s16], $0x80, s30, s16, $0xb8;
	[tilespmem:$0x1F000] =	vst v63  }
0x2a: {  	_ =	swait.ge [sflag:s20], $0x4000  }
0x2b: {  	[sflag:s20] =	ssyncset.done $0x0  }
0x2c: {  	s31 =	simm.s32 $0x1880;
	[sflag:s20] =	ssyncadd.s32 $0xFFFFC000  }
0x2d: {  	[spmem:s1] =	stream.indirect.scatter.add.f32 [tilespmem:s18], [sflag:$0x3], $0x80, s31, s16, $0xb8;
	[tilespmem:$0x1F000] =	vst v63  }
0x2e: {  	_ =	swait.ge [sflag:s14], $0x4000  }
0x2f: {  	[sflag:s14] =	ssyncset.done $0x0  }
0x30: {  	s25 =	simm.s32 $0x180;
	s24 =	simm.s32 $0x400;
	[sflag:s14] =	ssyncadd.s32 $0xFFFFC000  }
.LBB2_2:
0x31: {  	[tilespmem:s18], [sflag:$0x2] =	stream.indirect.gather [hbm4b:s4+s16], $0x80, s25, s16, $0xb8;
	[tilespmem:$0x1F000] =	vst v63  }
0x32: {  	s25 =	smov.u32 s24  }
0x33: {  	p0 =	sne.s32 s24, $0x4C00;
	s24 =	sadd.s32 $0x400, s24;
	_ =	swait.ge [sflag:s19], $0x4000  }
0x34: {  	s25 =	sshra.s32 s25, $0x2;
	[sflag:s19] =	ssyncset.done $0x0  }
0x35: {  	s26 =	sadd.s32 $0x1800, s25;
	[sflag:s19] =	ssyncadd.s32 $0xFFFFC000  }
0x36: {  	[spmem:s1] =	stream.indirect.scatter.add.f32 [tilespmem:s17], [sflag:$0x3], $0x80, s26, s16, $0xb8;
	[tilespmem:$0x1F000] =	vst v63  }
0x37: {  	_ =	swait.ge [sflag:s14], $0x4000  }
0x38: {  	[sflag:s14] =	ssyncset.done $0x0  }
0x39: {  	s26 =	sadd.s32 $0x100, s25;
	[sflag:s14] =	ssyncadd.s32 $0xFFFFC000  }
0x3a: {  	[tilespmem:s17], [sflag:$0x1] =	stream.indirect.gather [hbm4b:s4+s16], $0x80, s26, s16, $0xb8;
	[tilespmem:$0x1F000] =	vst v63  }
0x3b: {  	_ =	swait.ge [sflag:s20], $0x4000  }
0x3c: {  	[sflag:s20] =	ssyncset.done $0x0  }
.Ltmp0:
0x3d: {  	s26 =	sadd.s32 $0x1880, s25;
	[sflag:s20] =	ssyncadd.s32 $0xFFFFC000;
	(pc) =	sbr.rel @p0 .LBB2_2-.Ltmp0, $4  }
0x3e: {  	[spmem:s1] =	stream.indirect.scatter.add.f32 [tilespmem:s18], [sflag:$0x3], $0x80, s26, s16, $0xb8;
	[tilespmem:$0x1F000] =	vst v63  }
0x3f: {  	_ =	swait.ge [sflag:s14], $0x4000  }
0x40: {  	[sflag:s14] =	ssyncset.done $0x0  }
0x41: {  	s25 =	sadd.s32 $0x180, s25;
	[sflag:s14] =	ssyncadd.s32 $0xFFFFC000  }
0x42: {  	[tilespmem:s18], [sflag:$0x2] =	stream.indirect.gather [hbm4b:s4+s16], $0x80, s25, s16, $0xb8;
	[tilespmem:$0x1F000] =	vst v63  }
0x43: {  	s24 =	simm.s32 $0x0  }
0x44: {  	[tilespmem:s24], [sflag:$0x3] =	stream.linear.gather [hbm4b:s9+s24], $0x1400, $0x38;
	[tilespmem:$0x1F000] =	vst v63  }
0x45: {  	_ =	swait.ge [sflag:s14], $0x1400  }
0x46: {  	[sflag:s14] =	ssyncset.done $0x0  }
0x47: {  	[sflag:s14] =	ssyncadd.s32 $0xFFFFEC00  }
0x48: {  	[tilespmem:s15], [sflag:$0x3] =	stream.linear.gather [hbm4b:s10+s24], $0x1400, $0x38;
	[tilespmem:$0x1F000] =	vst v63  }
0x49: {  	_ =	swait.ge [sflag:s14], $0x1400  }
0x4a: {  	[sflag:s14] =	ssyncset.done $0x0  }
0x4b: {  	[sflag:s14] =	ssyncadd.s32 $0xFFFFEC00  }
0x4c: {  	_ =	swait.ge [sflag:s19], $0x4000  }
0x4d: {  	[sflag:s19] =	ssyncset.done $0x0  }
0x4e: {  	s29 =	simm.s32 $0x1800;
	[sflag:s19] =	ssyncadd.s32 $0xFFFFC000  }
0x4f: {  	[spmem:s1] =	stream.indirect.scatter.add.f32 [tilespmem:s17], [sflag:$0x3], $0x80, s29, s16, $0xb8;
	[tilespmem:$0x1F000] =	vst v63  }
0x50: {  	_ =	swait.ge [sflag:s14], $0x4000  }
0x51: {  	[sflag:s14] =	ssyncset.done $0x0  }
0x52: {  	s30 =	simm.s32 $0x100;
	[sflag:s14] =	ssyncadd.s32 $0xFFFFC000  }
0x53: {  	[tilespmem:s17], [sflag:$0x1] =	stream.indirect.gather [hbm4b:s4+s16], $0x80, s30, s16, $0xb8;
	[tilespmem:$0x1F000] =	vst v63  }
0x54: {  	_ =	swait.ge [sflag:s20], $0x4000  }
0x55: {  	[sflag:s20] =	ssyncset.done $0x0  }
0x56: {  	s31 =	simm.s32 $0x1880;
	[sflag:s20] =	ssyncadd.s32 $0xFFFFC000  }
0x57: {  	[spmem:s1] =	stream.indirect.scatter.add.f32 [tilespmem:s18], [sflag:$0x3], $0x80, s31, s16, $0xb8;
	[tilespmem:$0x1F000] =	vst v63  }
0x58: {  	_ =	swait.ge [sflag:s14], $0x4000  }
0x59: {  	[sflag:s14] =	ssyncset.done $0x0  }
0x5a: {  	s25 =	simm.s32 $0x180;
	s24 =	simm.s32 $0x400;
	[sflag:s14] =	ssyncadd.s32 $0xFFFFC000  }
.LBB2_4:
0x5b: {  	[tilespmem:s18], [sflag:$0x2] =	stream.indirect.gather [hbm4b:s4+s16], $0x80, s25, s16, $0xb8;
	[tilespmem:$0x1F000] =	vst v63  }
0x5c: {  	s25 =	smov.u32 s24  }
0x5d: {  	p0 =	sne.s32 s24, $0x4800;
	s24 =	sadd.s32 $0x400, s24;
	_ =	swait.ge [sflag:s19], $0x4000  }
0x5e: {  	s25 =	sshra.s32 s25, $0x2;
	[sflag:s19] =	ssyncset.done $0x0  }
0x5f: {  	s26 =	sadd.s32 $0x1800, s25;
	[sflag:s19] =	ssyncadd.s32 $0xFFFFC000  }
0x60: {  	[spmem:s1] =	stream.indirect.scatter.add.f32 [tilespmem:s17], [sflag:$0x3], $0x80, s26, s16, $0xb8;
	[tilespmem:$0x1F000] =	vst v63  }
0x61: {  	_ =	swait.ge [sflag:s14], $0x4000  }
0x62: {  	[sflag:s14] =	ssyncset.done $0x0  }
0x63: {  	s26 =	sadd.s32 $0x100, s25;
	[sflag:s14] =	ssyncadd.s32 $0xFFFFC000  }
0x64: {  	[tilespmem:s17], [sflag:$0x1] =	stream.indirect.gather [hbm4b:s4+s16], $0x80, s26, s16, $0xb8;
	[tilespmem:$0x1F000] =	vst v63  }
0x65: {  	_ =	swait.ge [sflag:s20], $0x4000  }
0x66: {  	[sflag:s20] =	ssyncset.done $0x0  }
.Ltmp1:
0x67: {  	s26 =	sadd.s32 $0x1880, s25;
	[sflag:s20] =	ssyncadd.s32 $0xFFFFC000;
	(pc) =	sbr.rel @p0 .LBB2_4-.Ltmp1, $4  }
0x68: {  	[spmem:s1] =	stream.indirect.scatter.add.f32 [tilespmem:s18], [sflag:$0x3], $0x80, s26, s16, $0xb8;
	[tilespmem:$0x1F000] =	vst v63  }
0x69: {  	_ =	swait.ge [sflag:s14], $0x4000  }
0x6a: {  	[sflag:s14] =	ssyncset.done $0x0  }
0x6b: {  	s25 =	sadd.s32 $0x180, s25;
	[sflag:s14] =	ssyncadd.s32 $0xFFFFC000  }
0x6c: {  	[tilespmem:s18], [sflag:$0x2] =	stream.indirect.gather [hbm4b:s4+s16], $0x80, s25, s16, $0xb8;
	[tilespmem:$0x1F000] =	vst v63  }
0x6d: {  	_ =	swait.ge [sflag:s19], $0x4000  }
0x6e: {  	[sflag:s19] =	ssyncset.done $0x0  }
0x6f: {  	[sflag:s19] =	ssyncadd.s32 $0xFFFFC000  }
0x70: {  	[spmem:s1] =	stream.indirect.scatter.add.f32 [tilespmem:s17], [sflag:$0x3], $0x80, s21, s16, $0xb8;
	[tilespmem:$0x1F000] =	vst v63  }
0x71: {  	_ =	swait.ge [sflag:s14], $0x4000  }
0x72: {  	[sflag:s14] =	ssyncset.done $0x0  }
0x73: {  	[sflag:s14] =	ssyncadd.s32 $0xFFFFC000  }
0x74: {  	_ =	swait.ge [sflag:s20], $0x4000  }
0x75: {  	[sflag:s20] =	ssyncset.done $0x0  }
0x76: {  	[sflag:s20] =	ssyncadd.s32 $0xFFFFC000  }
0x77: {  	[spmem:s1] =	stream.indirect.scatter.add.f32 [tilespmem:s18], [sflag:$0x3], $0x80, s22, s16, $0xb8;
	[tilespmem:$0x1F000] =	vst v63  }
0x78: {  	_ =	swait.ge [sflag:s14], $0x4000  }
0x79: {  	s23 =	sadd.s32 $0x1, s23;
	[sflag:s14] =	ssyncset.done $0x0  }
0x7a: {  	p0 =	sne.s32 s23, s12;
	[sflag:s14] =	ssyncadd.s32 $0xFFFFC000  }
.Ltmp2:
0x7b: {  	[bflag:$0x0] =	sbarrier.arrive $0xFFFF;
	(pc) =	sbr.rel @p0 .LBB2_1-.Ltmp2, $4  }
0x7c: {  	[hbm:s11], [sflag:s6] =	dma.local [spmem:s13], $0x2800  }
0x7d: {  	_ =	swait.ge [sflag:s14], $0x2800  }
0x7e: {  	[sflag:s14] =	ssyncset.done $0x0  }
0x7f: {  	[sflag:s14] =	ssyncadd.s32 $0xFFFFD800  }
0x80: {  	_ =	sfence.sel $0x180000  }
0x81: {  	[bflag:$0x0] =	sbarrier.arrive $0xFFFF  }
0x82: {  	p0 =	sne.s32 s2, $0x0;
	_ =	strace $0x90000050  }
0x83: {  	s0 =	sadd.s32 @!p0 $0x100000, s0;
	[bflag:$0x2] =	sbarrier.arrive $0xFFFF  }
0x84: {  	[sflag:s0] =	ssyncadd.tile.s32 @!p0 $0x1;
	_ =	shalt  }
.Lfunc_end2:
_tile_overlayer_lowered:
.L_overlay_start_2:
0x85: {  	(tag) =	ssettag $0x2  }
0x86: {  	s0 =	rddreg [dreg:$0x0];
	s2 =	stileid.u32  }
0x87: {  	s1 =	rddreg [dreg:$0x1];
	p0 =	sne.s32 s2, $0x0  }
0x88: {  	s3 =	rddreg [dreg:$0x2];
	[bflag:$0x3] =	sbarrier.arrive $0xFFFF;
	s2 =	simm.s32 @!p0 $0x1C03  }
0x89: {  	[timem:s3], [sflag:s2] =	dma.local @!p0 [hbm:s0], s1  }
0x8a: {  	s0 =	simm.s32 @!p0 $0x3  }
0x8b: {  	_ =	swait.ge @!p0 [sflag:s0], s1  }
0x8c: {  	s1 =	ssub.s32 @!p0 $0x0, s1;
	[sflag:s0] =	ssyncset.done @!p0 $0x0  }
0x8d: {  	[sflag:s0] =	ssyncadd.s32 @!p0 s1  }
0x8e: {  	[bflag:$0x3] =	sbarrier.arrive $0xFFFF  }
0x8f: {  	_ =	shalt  }

// kernel: kernel.30.cloned.1.call-start
scs
__scs_entry_jumppad:
0x0: {  	(pc) =	sbr.rel $0x88, $3  }
0x1: {  	(tag) =	ssettag $0x0;
	lr =	simm.s32 $0x1  }
0x2: {  	[smem:$0x3F93] =	sst lr;
	_ =	strace $0xD0000000  }
0x3: {  	_ = 	snop  }
0x4: {  	_ = 	snop  }
0x5: {  	_ = 	snop  }
0x6: {  	_ = 	snop  }
0x7: {  	_ = 	snop  }
__scs_overlays_trampoline_lowered:
0x8: {  	[smem:$0x3FA2] =	sst s0  }
0x9: {  	[smem:$0x3FA3] =	sst s1  }
0xa: {  	[smem:$0x3FA4] =	sst s2  }
0xb: {  	[smem:$0x3FA5] =	sst s3  }
0xc: {  	[smem:$0x3FA6] =	sst s4  }
0xd: {  	[smem:$0x3FA7] =	sst s5  }
0xe: {  	[smem:$0x3FA8] =	sst s6  }
0xf: {  	[smem:$0x3FA9] =	sst s7  }
0x10: {  	[smem:$0x3FAA] =	sst s8  }
0x11: {  	[smem:$0x3FAB] =	sst s9;
	s0 =	simm.s32 @!p0 $0x0  }
0x12: {  	s1 =	sld [smem:$0x3F91];
	s0 =	simm.s32 @p0 $0x1  }
0x13: {  	[smem:$0x3FAC] =	sst s0;
	s0 =	simm.s32 @!p1 $0x0  }
0x14: {  	s2 =	sld [smem:$0x3F90];
	s0 =	simm.s32 @p1 $0x1  }
0x15: {  	[smem:$0x3FAD] =	sst s0;
	s0 =	simm.s32 @!p2 $0x0  }
0x16: {  	s3 =	sld [smem:$0x3FDB];
	s0 =	simm.s32 @p2 $0x1  }
0x17: {  	s4 =	simm.s32 $0x1BF5;
	[smem:$0x3FAF] =	sst s0  }
0x18: {  	s0 =	sld [smem:$0x3F92];
	_ =	swait.ge [sflag:s4], $0x0  }
0x19: {  	s7 =	sld [smem:$0x3F93]  }
0x1a: {  	s8 =	sadd.s32 $0xFFFFE003, lr  }
0x1b: {  	s9 =	sadd.s32 $0xFFFFFEF7, lr;
	s5 =	simm.s32 $0xFFFFFFFF;
	p2 =	slt.u32 s8, $0xFFFFF086  }
0x1c: {  	p1 =	slt.u32 s9, $0xF7A;
	s5 =	simm.s32 @!p2 $0x0  }
0x1d: {  	s5 =	simm.s32 @p1 $0x1;
	p0 =	seq.s32 s7, s2  }
0x1e: {  	s7 =	smul.u32 @!p0 $0xF7A, s2;
	p2 =	seq.s32 @!p0 s5, $0x0  }
0x1f: {  	s9 =	smul.u32 $0xF7A, s1;
	s8 =	simm.s32 @!p0 $0x1BF5;
	p2 =	por !p2, p0  }
0x20: {  	[sflag:s8] =	ssyncset.s32 @!p0 $0xFFFFF086;
	s6 =	sadd.s32 @!p0 s3, s7;
	s7 =	simm.s32 @!p0 $0x108  }
0x21: {  	s3 =	sadd.s32 s3, s9;
	s6 =	sadd.s32 @!p0 $0x88, s6;
	s7 =	simm.s32 @p2 $0x1082  }
0x22: {  	[simem:s7], [sflag:s8] =	dma.local @!p0 [hbm:s6], $0xF7A  }
0x23: {  	s9 =	sor.u32 $0xD0000000, s2;
	s6 =	simm.s32 $0x108;
	_ =	swait.ge @!p0 [sflag:s8], $0x0  }
0x24: {  	s3 =	sadd.s32 $0x88, s3;
	s6 =	simm.s32 @!p1 $0x1082;
	[sflag:s4] =	ssyncset.s32 $0xFFFFF086  }
0x25: {  	[simem:s6], [sflag:s4] =	dma.local [hbm:s3], $0xF7A  }
0x26: {  	[smem:$0x3F93] =	sst s1;
	(tag) =	ssettag s2;
	_ =	strace s9  }
0x27: {  	s1 =	sld [smem:$0x3FA3]  }
0x28: {  	s2 =	sld [smem:$0x3FA4]  }
0x29: {  	s4 =	sld [smem:$0x3FA6]  }
0x2a: {  	p0 =	seq.s32 s5, $0x0;
	s5 =	sld [smem:$0x3FA7]  }
0x2b: {  	s6 =	sld [smem:$0x3FA8]  }
0x2c: {  	s7 =	sld [smem:$0x3FA9]  }
0x2d: {  	s3 =	simm.s32 $0x108;
	s8 =	sld [smem:$0x3FAA]  }
0x2e: {  	s3 =	simm.s32 @!p0 $0x1082;
	s9 =	sld [smem:$0x3FAB]  }
0x2f: {  	lr =	sadd.s32 s0, s3;
	s0 =	sld [smem:$0x3FA2]  }
0x30: {  	s3 =	sld [smem:$0x3FA5]  }
0x31: {  	[smem:$0x3FAE] =	sst s10  }
0x32: {  	s10 =	sld [smem:$0x3FAC];
	_ =	sdelay $0x3  }
0x33: {  	p0 =	seq.s32 s10, $0x1;
	s10 =	sld [smem:$0x3FAE];
	_ =	sdelay $0x3  }
0x34: {  	[smem:$0x3FAE] =	sst s10  }
0x35: {  	s10 =	sld [smem:$0x3FAD];
	_ =	sdelay $0x3  }
0x36: {  	p1 =	seq.s32 s10, $0x1;
	s10 =	sld [smem:$0x3FAE];
	_ =	sdelay $0x3  }
0x37: {  	[smem:$0x3FAE] =	sst s10  }
0x38: {  	s10 =	sld [smem:$0x3FAF]  }
0x39: {  	_ = 	snop;
	(pc) =	sbr.ind lr, $3  }
0x3a: {  	_ = 	snop  }
0x3b: {  	_ = 	snop  }
0x3c: {  	p2 =	seq.s32 s10, $0x1;
	s10 =	sld [smem:$0x3FAE]  }
0x3d: {  	_ =	shalt  }
0x3e: {  	_ =	shalt  }
0x3f: {  	_ =	shalt  }
0x40: {  	_ =	shalt  }
0x41: {  	_ =	shalt  }
0x42: {  	_ =	shalt  }
0x43: {  	_ =	shalt  }
0x44: {  	_ =	shalt  }
0x45: {  	_ =	shalt  }
0x46: {  	_ =	shalt  }
0x47: {  	_ =	shalt  }
0x48: {  	_ =	shalt  }
0x49: {  	_ =	shalt  }
0x4a: {  	_ =	shalt  }
0x4b: {  	_ =	shalt  }
0x4c: {  	_ =	shalt  }
0x4d: {  	_ =	shalt  }
0x4e: {  	_ =	shalt  }
0x4f: {  	_ =	shalt  }
0x50: {  	_ =	shalt  }
0x51: {  	_ =	shalt  }
0x52: {  	_ =	shalt  }
0x53: {  	_ =	shalt  }
0x54: {  	_ =	shalt  }
0x55: {  	_ =	shalt  }
0x56: {  	_ =	shalt  }
0x57: {  	_ =	shalt  }
0x58: {  	_ =	shalt  }
0x59: {  	_ =	shalt  }
0x5a: {  	_ =	shalt  }
0x5b: {  	_ =	shalt  }
0x5c: {  	_ =	shalt  }
0x5d: {  	_ =	shalt  }
0x5e: {  	_ =	shalt  }
0x5f: {  	_ =	shalt  }
0x60: {  	_ =	shalt  }
0x61: {  	_ =	shalt  }
0x62: {  	_ =	shalt  }
0x63: {  	_ =	shalt  }
0x64: {  	_ =	shalt  }
0x65: {  	_ =	shalt  }
0x66: {  	_ =	shalt  }
0x67: {  	_ =	shalt  }
0x68: {  	_ =	shalt  }
0x69: {  	_ =	shalt  }
0x6a: {  	_ =	shalt  }
0x6b: {  	_ =	shalt  }
0x6c: {  	_ =	shalt  }
0x6d: {  	_ =	shalt  }
0x6e: {  	_ =	shalt  }
0x6f: {  	_ =	shalt  }
0x70: {  	_ =	shalt  }
0x71: {  	_ =	shalt  }
0x72: {  	_ =	shalt  }
0x73: {  	_ =	shalt  }
0x74: {  	_ =	shalt  }
0x75: {  	_ =	shalt  }
0x76: {  	_ =	shalt  }
0x77: {  	_ =	shalt  }
0x78: {  	_ =	shalt  }
0x79: {  	_ =	shalt  }
0x7a: {  	_ =	shalt  }
0x7b: {  	_ =	shalt  }
0x7c: {  	_ =	shalt  }
0x7d: {  	_ =	shalt  }
0x7e: {  	_ =	shalt  }
0x7f: {  	_ =	shalt  }
0x80: {  	_ =	shalt  }
0x81: {  	_ =	shalt  }
0x82: {  	_ =	shalt  }
0x83: {  	_ =	shalt  }
0x84: {  	_ =	shalt  }
0x85: {  	_ =	shalt  }
0x86: {  	_ =	shalt  }
0x87: {  	_ =	shalt  }
.Lfunc_end0:
.L_simem_size_0:
called_computation.4_lowered:
.L_overlay_start_0:
0x88: {  	s2 =	sld [smem:$0x3FD9]  }
0x89: {  	s3 =	sld [smem:$0x3FFE];
	_ =	sdelay $0x1  }
0x8a: {  	s1 =	srdreg.scid  }
0x8b: {  	s0 =	sand.u32 $0x1, s1  }
0x8c: {  	s16 =	sshll.u32 s0, $0xA;
	s2 =	sadd.s32 s3, s2  }
0x8d: {  	s2 =	sadd.s32 s2, s16  }
0x8e: {  	[smem:$0x3FBA] =	sst s2  }
0x8f: {  	_ = 	snop  }
0x90: {  	(tm) =	ssettm $0x1  }
0x91: {  	s17 =	sld [smem:$0x3FFB];
	_ =	sdelay $0x3  }
0x92: {  	_ =	strace s17  }
0x93: {  	s2 =	sld [smem:$0x3FFC];
	_ =	sdelay $0x3  }
0x94: {  	_ =	strace s2  }
0x95: {  	s2 =	sld [smem:$0x3FFD];
	_ =	sdelay $0x3  }
0x96: {  	_ =	strace s2  }
0x97: {  	_ =	strace $0x8FFFFFFF  }
0x98: {  	s18 =	sld [smem:$0x3FDB];
	_ =	sdelay $0x1  }
0x99: {  	s19 =	simm.s32 $_scs_section_size  }
0x9a: {  	s4 =	simm.s32 $_size__tile_overlayer_lowered;
	s5 =	simm.s32 $_tile_overlayer_lowered  }
0x9b: {  	s22 =	simm.s32 $0x1BFF;
	s21 =	sshll.u32 s5, $0x1;
	s2 =	sadd.s32 s19, s18  }
0x9c: {  	s6 =	simm.s32 $0x0;
	s20 =	sshll.u32 s4, $0x1;
	s4 =	sadd.s32 s21, s2  }
0x9d: {  	[timem:s6], [sflag:s22] =	dma.local [hbm:s4], s20  }
0x9e: {  	_ =	swait.ge [sflag:s22], s20  }
0x9f: {  	s3 =	ssub.s32 $0x0, s20;
	[sflag:s22] =	ssyncset.done $0x0  }
0xa0: {  	[sflag:s22] =	ssyncadd.s32 s3;
	_ =	sdelay $0x1  }
0xa1: {  	s23 =	simm.s32 $0x1B8B  }
0xa2: {  	_ =	swait.ge [sflag:s23], $0x1  }
0xa3: {  	[sflag:s23] =	ssyncset.done $0x0  }
0xa4: {  	s25 =	simm.s32 $0x1B8E;
	s24 =	sld [smem:$0x3FFE];
	[sflag:s23] =	ssyncadd.s32 $0xFFFFFFFF  }
0xa5: {  	s26 =	simm.s32 $execute0_lowered;
	[smem:$0x3FD2] =	sst s25  }
0xa6: {  	s4 =	sshll.u32 s26, $0x1;
	_ =	strace $0x80000052;
	[dreg:$0x1] =	wrdreg $0xFFFFFFFF  }
0xa7: {  	s28 =	simm.s32 $_size_execute0_lowered;
	s2 =	sadd.s32 s2, s4;
	[dreg:$0x0] =	wrdreg $0x0  }
0xa8: {  	s4 =	sshll.u32 s28, $0x1;
	[dreg:$0x2] =	wrdreg s2  }
0xa9: {  	[dreg:$0x3] =	wrdreg s4  }
0xaa: {  	[dreg:$0x4] =	wrdreg $0xC0  }
0xab: {  	_ =	task [dreg:s6], $0x5FFFF  }
0xac: {  	[dreg:$0x1] =	wrdreg $0xFFFFFFFF  }
0xad: {  	[dreg:$0x0] =	wrdreg $0x60  }
0xae: {  	[dreg:$0x2] =	wrdreg s24  }
0xaf: {  	[dreg:$0x3] =	wrdreg $0xB0000  }
0xb0: {  	[dreg:$0x4] =	wrdreg $0x9  }
0xb1: {  	_ =	task.clear_ibuf [dreg:s6], $0x5FFFF;
	_ =	strace $0x90000052  }
0xb2: {  	s29 =	simm.s32 $0x9;
	_ =	strace $0x80000054  }
0xb3: {  	_ =	swait.ge [sflag:s29], $0x1  }
0xb4: {  	[sflag:s29] =	ssyncadd.s32 $0xFFFFFFFF  }
0xb5: {  	_ =	strace $0x90000054  }
0xb6: {  	_ =	sfence  }
0xb7: {  	s30 =	sld [smem:$0x0];
	_ =	sdelay $0x2  }
0xb8: {  	s31 =	sshll.u32 s1, $0xD;
	s1 =	sshrl.u32 s1, $0x2  }
0xb9: {  	s3 =	sand.u32 $0x4000, s31;
	s1 =	sadd.s32 s1, s30  }
0xba: {  	s0 =	sor.u32 s3, s0;
	s1 =	sshll.u32 s1, $0x11  }
0xbb: {  	s0 =	sor.u32 s1, s0  }
0xbc: {  	s0 =	sadd.s32 $0x8F2B, s0  }
0xbd: {  	[sflag:s0] =	ssyncadd.remote.s32 $0x1  }
0xbe: {  	_ =	sfence.sel $0xFFFF  }
0xbf: {  	[dreg:$0x0] =	wrdreg $0xFFFFFFFF;
	(pc) =	sbr.abs _section_cstart, $3  }
0xc0: {  	[dreg:$0x1] =	wrdreg $0xFFFFFFFF  }
0xc1: {  	_ =	task.clear_ibuf [dreg:s6], $0x2FFFF;
	_ =	strace $0x9FFFFFFF  }
0xc2: {  	(tm) =	ssettm $0x7FFFFFFF  }
0xc3: {  	_ =	shalt  }
tec
execute0_lowered:
.L_overlay_start_1:
0x0: {  	(tag) =	ssettag $0x1  }
0x1: {  	s6 =	rddreg [dreg:$0x0]  }
0x2: {  	s1 =	rddreg [dreg:$0x1];
	s2 =	srdreg.scid  }
0x3: {  	s0 =	rddreg [dreg:$0x2];
	s3 =	simm.s32 $0x0;
	s15 =	simm.s32 $0x1800  }
0x4: {  	s16 =	simm.s32 $0x80;
	s17 =	simm.s32 $0x3000;
	s18 =	simm.s32 $0x7000  }
0x5: {  	s19 =	simm.s32 $0x1;
	s20 =	simm.s32 $0x2;
	s21 =	simm.s32 $0x2B00  }
0x6: {  	s22 =	simm.s32 $0x2B80;
	s23 =	simm.s32 $0x0;
	s7 =	sand.u32 $0x1, s2  }
0x7: {  	s2 =	stileid.u32;
	[smem:$0x7FF] =	sst s3;
	s4 =	sadd.s32 $0x1D000, s6  }
0x8: {  	s9 =	sadd.s32 $0x6800, s6;
	s10 =	sadd.s32 $0x10800, s6;
	s5 =	smul.u32 $0x140000, s7  }
0x9: {  	s8 =	smul.u32 $0x14000, s2;
	_ =	strace $0x80000053;
	s11 =	sshll.u32 s2, $0x1  }
0xa: {  	s12 =	ssub.s32 $0x2, s7;
	s26 =	smul.u32 $0x50000, s2;
	s30 =	sshll.u32 s2, $0x6  }
0xb: {  	s7 =	sor.u32 s7, s11;
	s28 =	sshrl.u32 s12, $0x1;
	s8 =	sadd.s32 s8, s5  }
0xc: {  	s5 =	sadd.s32 $0x1A800, s6;
	s7 =	smul.u32 $0x2800, s7;
	s29 =	sshrl.u32 s26, $0x2  }
0xd: {  	s12 =	ssub.s32 s12, s28;
	s8 =	sshrl.u32 s8, $0x3;
	s14 =	sadd.s32 s29, s1  }
0xe: {  	s12 =	smax.u32 s12, $0x1;
	s13 =	sadd.s32 s8, s6;
	s31 =	sshrl.u32 s7, $0x3  }
0xf: {  	s6 =	sor.u32 $0x1C03, s30;
	s7 =	sadd.s32 s9, s31;
	s11 =	sadd.s32 $0x280, s31  }
0x10: {  	s8 =	sadd.s32 s10, s31;
	s9 =	sadd.s32 s9, s11;
	s10 =	sadd.s32 s10, s11  }
0x11: {  	s11 =	sadd.s32 $0x95000, s13;
	s13 =	sshrl.u32 s14, $0x3;
	s14 =	simm.s32 $0x3  }
.LBB2_1:
0x12: {  	[spmem:s13], [sflag:s6] =	dma.local [hbm:s5], $0x2800  }
0x13: {  	_ =	swait.ge [sflag:s14], $0x2800  }
0x14: {  	[sflag:s14] =	ssyncset.done $0x0  }
0x15: {  	[sflag:s14] =	ssyncadd.s32 $0xFFFFD800  }
0x16: {  	[tilespmem:s3], [sflag:$0x3] =	stream.linear.gather [hbm4b:s7+s3], $0x1800, $0x38;
	[tilespmem:$0x1F000] =	vst v63  }
0x17: {  	_ =	swait.ge [sflag:s14], $0x1800  }
0x18: {  	[sflag:s14] =	ssyncset.done $0x0  }
0x19: {  	[sflag:s14] =	ssyncadd.s32 $0xFFFFE800  }
0x1a: {  	[tilespmem:s15], [sflag:$0x3] =	stream.linear.gather [hbm4b:s8+s3], $0x1800, $0x38;
	[tilespmem:$0x1F000] =	vst v63  }
0x1b: {  	_ =	swait.ge [sflag:s14], $0x1800  }
0x1c: {  	[sflag:s14] =	ssyncset.done $0x0  }
0x1d: {  	[sflag:s14] =	ssyncadd.s32 $0xFFFFE800  }
0x1e: {  	[bflag:$0x0] =	sbarrier.arrive $0xFFFF  }
0x1f: {  	[tilespmem:s17], [sflag:$0x1] =	stream.indirect.gather [hbm4b:s4+s16], $0x80, s3, s16, $0xb8;
	[tilespmem:$0x1F000] =	vst v63  }
0x20: {  	_ = 	snop  }
0x21: {  	[tilespmem:s18], [sflag:$0x2] =	stream.indirect.gather [hbm4b:s4+s16], $0x80, s16, s16, $0xb8;
	[tilespmem:$0x1F000] =	vst v63  }
0x22: {  	_ =	swait.ge [sflag:s19], $0x4000  }
0x23: {  	[sflag:s19] =	ssyncset.done $0x0  }
0x24: {  	s24 =	simm.s32 $0x1800;
	[sflag:s19] =	ssyncadd.s32 $0xFFFFC000  }
0x25: {  	[spmem:s1] =	stream.indirect.scatter.add.f32 [tilespmem:s17], [sflag:$0x3], $0x80, s24, s16, $0xb8;
	[tilespmem:$0x1F000] =	vst v63  }
0x26: {  	_ =	swait.ge [sflag:s14], $0x4000  }
0x27: {  	[sflag:s14] =	ssyncset.done $0x0  }
0x28: {  	s30 =	simm.s32 $0x100;
	[sflag:s14] =	ssyncadd.s32 $0xFFFFC000  }
0x29: {  	[tilespmem:s17], [sflag:$0x1] =	stream.indirect.gather [hbm4b:s4+s16], $0x80, s30, s16, $0xb8;
	[tilespmem:$0x1F000] =	vst v63  }
0x2a: {  	_ =	swait.ge [sflag:s20], $0x4000  }
0x2b: {  	[sflag:s20] =	ssyncset.done $0x0  }
0x2c: {  	s31 =	simm.s32 $0x1880;
	[sflag:s20] =	ssyncadd.s32 $0xFFFFC000  }
0x2d: {  	[spmem:s1] =	stream.indirect.scatter.add.f32 [tilespmem:s18], [sflag:$0x3], $0x80, s31, s16, $0xb8;
	[tilespmem:$0x1F000] =	vst v63  }
0x2e: {  	_ =	swait.ge [sflag:s14], $0x4000  }
0x2f: {  	[sflag:s14] =	ssyncset.done $0x0  }
0x30: {  	s25 =	simm.s32 $0x180;
	s24 =	simm.s32 $0x400;
	[sflag:s14] =	ssyncadd.s32 $0xFFFFC000  }
.LBB2_2:
0x31: {  	[tilespmem:s18], [sflag:$0x2] =	stream.indirect.gather [hbm4b:s4+s16], $0x80, s25, s16, $0xb8;
	[tilespmem:$0x1F000] =	vst v63  }
0x32: {  	s25 =	smov.u32 s24  }
0x33: {  	p0 =	sne.s32 s24, $0x4C00;
	s24 =	sadd.s32 $0x400, s24;
	_ =	swait.ge [sflag:s19], $0x4000  }
0x34: {  	s25 =	sshra.s32 s25, $0x2;
	[sflag:s19] =	ssyncset.done $0x0  }
0x35: {  	s26 =	sadd.s32 $0x1800, s25;
	[sflag:s19] =	ssyncadd.s32 $0xFFFFC000  }
0x36: {  	[spmem:s1] =	stream.indirect.scatter.add.f32 [tilespmem:s17], [sflag:$0x3], $0x80, s26, s16, $0xb8;
	[tilespmem:$0x1F000] =	vst v63  }
0x37: {  	_ =	swait.ge [sflag:s14], $0x4000  }
0x38: {  	[sflag:s14] =	ssyncset.done $0x0  }
0x39: {  	s26 =	sadd.s32 $0x100, s25;
	[sflag:s14] =	ssyncadd.s32 $0xFFFFC000  }
0x3a: {  	[tilespmem:s17], [sflag:$0x1] =	stream.indirect.gather [hbm4b:s4+s16], $0x80, s26, s16, $0xb8;
	[tilespmem:$0x1F000] =	vst v63  }
0x3b: {  	_ =	swait.ge [sflag:s20], $0x4000  }
0x3c: {  	[sflag:s20] =	ssyncset.done $0x0  }
.Ltmp0:
0x3d: {  	s26 =	sadd.s32 $0x1880, s25;
	[sflag:s20] =	ssyncadd.s32 $0xFFFFC000;
	(pc) =	sbr.rel @p0 .LBB2_2-.Ltmp0, $4  }
0x3e: {  	[spmem:s1] =	stream.indirect.scatter.add.f32 [tilespmem:s18], [sflag:$0x3], $0x80, s26, s16, $0xb8;
	[tilespmem:$0x1F000] =	vst v63  }
0x3f: {  	_ =	swait.ge [sflag:s14], $0x4000  }
0x40: {  	[sflag:s14] =	ssyncset.done $0x0  }
0x41: {  	s25 =	sadd.s32 $0x180, s25;
	[sflag:s14] =	ssyncadd.s32 $0xFFFFC000  }
0x42: {  	[tilespmem:s18], [sflag:$0x2] =	stream.indirect.gather [hbm4b:s4+s16], $0x80, s25, s16, $0xb8;
	[tilespmem:$0x1F000] =	vst v63  }
0x43: {  	s24 =	simm.s32 $0x0  }
0x44: {  	[tilespmem:s24], [sflag:$0x3] =	stream.linear.gather [hbm4b:s9+s24], $0x1400, $0x38;
	[tilespmem:$0x1F000] =	vst v63  }
0x45: {  	_ =	swait.ge [sflag:s14], $0x1400  }
0x46: {  	[sflag:s14] =	ssyncset.done $0x0  }
0x47: {  	[sflag:s14] =	ssyncadd.s32 $0xFFFFEC00  }
0x48: {  	[tilespmem:s15], [sflag:$0x3] =	stream.linear.gather [hbm4b:s10+s24], $0x1400, $0x38;
	[tilespmem:$0x1F000] =	vst v63  }
0x49: {  	_ =	swait.ge [sflag:s14], $0x1400  }
0x4a: {  	[sflag:s14] =	ssyncset.done $0x0  }
0x4b: {  	[sflag:s14] =	ssyncadd.s32 $0xFFFFEC00  }
0x4c: {  	_ =	swait.ge [sflag:s19], $0x4000  }
0x4d: {  	[sflag:s19] =	ssyncset.done $0x0  }
0x4e: {  	s29 =	simm.s32 $0x1800;
	[sflag:s19] =	ssyncadd.s32 $0xFFFFC000  }
0x4f: {  	[spmem:s1] =	stream.indirect.scatter.add.f32 [tilespmem:s17], [sflag:$0x3], $0x80, s29, s16, $0xb8;
	[tilespmem:$0x1F000] =	vst v63  }
0x50: {  	_ =	swait.ge [sflag:s14], $0x4000  }
0x51: {  	[sflag:s14] =	ssyncset.done $0x0  }
0x52: {  	s30 =	simm.s32 $0x100;
	[sflag:s14] =	ssyncadd.s32 $0xFFFFC000  }
0x53: {  	[tilespmem:s17], [sflag:$0x1] =	stream.indirect.gather [hbm4b:s4+s16], $0x80, s30, s16, $0xb8;
	[tilespmem:$0x1F000] =	vst v63  }
0x54: {  	_ =	swait.ge [sflag:s20], $0x4000  }
0x55: {  	[sflag:s20] =	ssyncset.done $0x0  }
0x56: {  	s31 =	simm.s32 $0x1880;
	[sflag:s20] =	ssyncadd.s32 $0xFFFFC000  }
0x57: {  	[spmem:s1] =	stream.indirect.scatter.add.f32 [tilespmem:s18], [sflag:$0x3], $0x80, s31, s16, $0xb8;
	[tilespmem:$0x1F000] =	vst v63  }
0x58: {  	_ =	swait.ge [sflag:s14], $0x4000  }
0x59: {  	[sflag:s14] =	ssyncset.done $0x0  }
0x5a: {  	s25 =	simm.s32 $0x180;
	s24 =	simm.s32 $0x400;
	[sflag:s14] =	ssyncadd.s32 $0xFFFFC000  }
.LBB2_4:
0x5b: {  	[tilespmem:s18], [sflag:$0x2] =	stream.indirect.gather [hbm4b:s4+s16], $0x80, s25, s16, $0xb8;
	[tilespmem:$0x1F000] =	vst v63  }
0x5c: {  	s25 =	smov.u32 s24  }
0x5d: {  	p0 =	sne.s32 s24, $0x4800;
	s24 =	sadd.s32 $0x400, s24;
	_ =	swait.ge [sflag:s19], $0x4000  }
0x5e: {  	s25 =	sshra.s32 s25, $0x2;
	[sflag:s19] =	ssyncset.done $0x0  }
0x5f: {  	s26 =	sadd.s32 $0x1800, s25;
	[sflag:s19] =	ssyncadd.s32 $0xFFFFC000  }
0x60: {  	[spmem:s1] =	stream.indirect.scatter.add.f32 [tilespmem:s17], [sflag:$0x3], $0x80, s26, s16, $0xb8;
	[tilespmem:$0x1F000] =	vst v63  }
0x61: {  	_ =	swait.ge [sflag:s14], $0x4000  }
0x62: {  	[sflag:s14] =	ssyncset.done $0x0  }
0x63: {  	s26 =	sadd.s32 $0x100, s25;
	[sflag:s14] =	ssyncadd.s32 $0xFFFFC000  }
0x64: {  	[tilespmem:s17], [sflag:$0x1] =	stream.indirect.gather [hbm4b:s4+s16], $0x80, s26, s16, $0xb8;
	[tilespmem:$0x1F000] =	vst v63  }
0x65: {  	_ =	swait.ge [sflag:s20], $0x4000  }
0x66: {  	[sflag:s20] =	ssyncset.done $0x0  }
.Ltmp1:
0x67: {  	s26 =	sadd.s32 $0x1880, s25;
	[sflag:s20] =	ssyncadd.s32 $0xFFFFC000;
	(pc) =	sbr.rel @p0 .LBB2_4-.Ltmp1, $4  }
0x68: {  	[spmem:s1] =	stream.indirect.scatter.add.f32 [tilespmem:s18], [sflag:$0x3], $0x80, s26, s16, $0xb8;
	[tilespmem:$0x1F000] =	vst v63  }
0x69: {  	_ =	swait.ge [sflag:s14], $0x4000  }
0x6a: {  	[sflag:s14] =	ssyncset.done $0x0  }
0x6b: {  	s25 =	sadd.s32 $0x180, s25;
	[sflag:s14] =	ssyncadd.s32 $0xFFFFC000  }
0x6c: {  	[tilespmem:s18], [sflag:$0x2] =	stream.indirect.gather [hbm4b:s4+s16], $0x80, s25, s16, $0xb8;
	[tilespmem:$0x1F000] =	vst v63  }
0x6d: {  	_ =	swait.ge [sflag:s19], $0x4000  }
0x6e: {  	[sflag:s19] =	ssyncset.done $0x0  }
0x6f: {  	[sflag:s19] =	ssyncadd.s32 $0xFFFFC000  }
0x70: {  	[spmem:s1] =	stream.indirect.scatter.add.f32 [tilespmem:s17], [sflag:$0x3], $0x80, s21, s16, $0xb8;
	[tilespmem:$0x1F000] =	vst v63  }
0x71: {  	_ =	swait.ge [sflag:s14], $0x4000  }
0x72: {  	[sflag:s14] =	ssyncset.done $0x0  }
0x73: {  	[sflag:s14] =	ssyncadd.s32 $0xFFFFC000  }
0x74: {  	_ =	swait.ge [sflag:s20], $0x4000  }
0x75: {  	[sflag:s20] =	ssyncset.done $0x0  }
0x76: {  	[sflag:s20] =	ssyncadd.s32 $0xFFFFC000  }
0x77: {  	[spmem:s1] =	stream.indirect.scatter.add.f32 [tilespmem:s18], [sflag:$0x3], $0x80, s22, s16, $0xb8;
	[tilespmem:$0x1F000] =	vst v63  }
0x78: {  	_ =	swait.ge [sflag:s14], $0x4000  }
0x79: {  	s23 =	sadd.s32 $0x1, s23;
	[sflag:s14] =	ssyncset.done $0x0  }
0x7a: {  	p0 =	sne.s32 s23, s12;
	[sflag:s14] =	ssyncadd.s32 $0xFFFFC000  }
.Ltmp2:
0x7b: {  	[bflag:$0x0] =	sbarrier.arrive $0xFFFF;
	(pc) =	sbr.rel @p0 .LBB2_1-.Ltmp2, $4  }
0x7c: {  	[hbm:s11], [sflag:s6] =	dma.local [spmem:s13], $0x2800  }
0x7d: {  	_ =	swait.ge [sflag:s14], $0x2800  }
0x7e: {  	[sflag:s14] =	ssyncset.done $0x0  }
0x7f: {  	[sflag:s14] =	ssyncadd.s32 $0xFFFFD800  }
0x80: {  	_ =	sfence.sel $0x180000  }
0x81: {  	[bflag:$0x0] =	sbarrier.arrive $0xFFFF  }
0x82: {  	p0 =	sne.s32 s2, $0x0;
	_ =	strace $0x90000053  }
0x83: {  	s0 =	sadd.s32 @!p0 $0x100000, s0;
	[bflag:$0x2] =	sbarrier.arrive $0xFFFF  }
0x84: {  	[sflag:s0] =	ssyncadd.tile.s32 @!p0 $0x1;
	_ =	shalt  }
.Lfunc_end2:
_tile_overlayer_lowered:
.L_overlay_start_2:
0x85: {  	(tag) =	ssettag $0x2  }
0x86: {  	s0 =	rddreg [dreg:$0x0];
	s2 =	stileid.u32  }
0x87: {  	s1 =	rddreg [dreg:$0x1];
	p0 =	sne.s32 s2, $0x0  }
0x88: {  	s3 =	rddreg [dreg:$0x2];
	[bflag:$0x3] =	sbarrier.arrive $0xFFFF;
	s2 =	simm.s32 @!p0 $0x1C03  }
0x89: {  	[timem:s3], [sflag:s2] =	dma.local @!p0 [hbm:s0], s1  }
0x8a: {  	s0 =	simm.s32 @!p0 $0x3  }
0x8b: {  	_ =	swait.ge @!p0 [sflag:s0], s1  }
0x8c: {  	s1 =	ssub.s32 @!p0 $0x0, s1;
	[sflag:s0] =	ssyncset.done @!p0 $0x0  }
0x8d: {  	[sflag:s0] =	ssyncadd.s32 @!p0 s1  }
0x8e: {  	[bflag:$0x3] =	sbarrier.arrive $0xFFFF  }
0x8f: {  	_ =	shalt  }

// kernel: kernel.33.cloned.1.call-start
scs
__scs_entry_jumppad:
0x0: {  	(pc) =	sbr.rel $0x88, $3  }
0x1: {  	(tag) =	ssettag $0x0;
	lr =	simm.s32 $0x1  }
0x2: {  	[smem:$0x3F93] =	sst lr;
	_ =	strace $0xD0000000  }
0x3: {  	_ = 	snop  }
0x4: {  	_ = 	snop  }
0x5: {  	_ = 	snop  }
0x6: {  	_ = 	snop  }
0x7: {  	_ = 	snop  }
__scs_overlays_trampoline_lowered:
0x8: {  	[smem:$0x3FA2] =	sst s0  }
0x9: {  	[smem:$0x3FA3] =	sst s1  }
0xa: {  	[smem:$0x3FA4] =	sst s2  }
0xb: {  	[smem:$0x3FA5] =	sst s3  }
0xc: {  	[smem:$0x3FA6] =	sst s4  }
0xd: {  	[smem:$0x3FA7] =	sst s5  }
0xe: {  	[smem:$0x3FA8] =	sst s6  }
0xf: {  	[smem:$0x3FA9] =	sst s7  }
0x10: {  	[smem:$0x3FAA] =	sst s8  }
0x11: {  	[smem:$0x3FAB] =	sst s9;
	s0 =	simm.s32 @!p0 $0x0  }
0x12: {  	s1 =	sld [smem:$0x3F91];
	s0 =	simm.s32 @p0 $0x1  }
0x13: {  	[smem:$0x3FAC] =	sst s0;
	s0 =	simm.s32 @!p1 $0x0  }
0x14: {  	s2 =	sld [smem:$0x3F90];
	s0 =	simm.s32 @p1 $0x1  }
0x15: {  	[smem:$0x3FAD] =	sst s0;
	s0 =	simm.s32 @!p2 $0x0  }
0x16: {  	s3 =	sld [smem:$0x3FDB];
	s0 =	simm.s32 @p2 $0x1  }
0x17: {  	s4 =	simm.s32 $0x1BF5;
	[smem:$0x3FAF] =	sst s0  }
0x18: {  	s0 =	sld [smem:$0x3F92];
	_ =	swait.ge [sflag:s4], $0x0  }
0x19: {  	s7 =	sld [smem:$0x3F93]  }
0x1a: {  	s8 =	sadd.s32 $0xFFFFE003, lr  }
0x1b: {  	s9 =	sadd.s32 $0xFFFFFEF7, lr;
	s5 =	simm.s32 $0xFFFFFFFF;
	p2 =	slt.u32 s8, $0xFFFFF086  }
0x1c: {  	p1 =	slt.u32 s9, $0xF7A;
	s5 =	simm.s32 @!p2 $0x0  }
0x1d: {  	s5 =	simm.s32 @p1 $0x1;
	p0 =	seq.s32 s7, s2  }
0x1e: {  	s7 =	smul.u32 @!p0 $0xF7A, s2;
	p2 =	seq.s32 @!p0 s5, $0x0  }
0x1f: {  	s9 =	smul.u32 $0xF7A, s1;
	s8 =	simm.s32 @!p0 $0x1BF5;
	p2 =	por !p2, p0  }
0x20: {  	[sflag:s8] =	ssyncset.s32 @!p0 $0xFFFFF086;
	s6 =	sadd.s32 @!p0 s3, s7;
	s7 =	simm.s32 @!p0 $0x108  }
0x21: {  	s3 =	sadd.s32 s3, s9;
	s6 =	sadd.s32 @!p0 $0x88, s6;
	s7 =	simm.s32 @p2 $0x1082  }
0x22: {  	[simem:s7], [sflag:s8] =	dma.local @!p0 [hbm:s6], $0xF7A  }
0x23: {  	s9 =	sor.u32 $0xD0000000, s2;
	s6 =	simm.s32 $0x108;
	_ =	swait.ge @!p0 [sflag:s8], $0x0  }
0x24: {  	s3 =	sadd.s32 $0x88, s3;
	s6 =	simm.s32 @!p1 $0x1082;
	[sflag:s4] =	ssyncset.s32 $0xFFFFF086  }
0x25: {  	[simem:s6], [sflag:s4] =	dma.local [hbm:s3], $0xF7A  }
0x26: {  	[smem:$0x3F93] =	sst s1;
	(tag) =	ssettag s2;
	_ =	strace s9  }
0x27: {  	s1 =	sld [smem:$0x3FA3]  }
0x28: {  	s2 =	sld [smem:$0x3FA4]  }
0x29: {  	s4 =	sld [smem:$0x3FA6]  }
0x2a: {  	p0 =	seq.s32 s5, $0x0;
	s5 =	sld [smem:$0x3FA7]  }
0x2b: {  	s6 =	sld [smem:$0x3FA8]  }
0x2c: {  	s7 =	sld [smem:$0x3FA9]  }
0x2d: {  	s3 =	simm.s32 $0x108;
	s8 =	sld [smem:$0x3FAA]  }
0x2e: {  	s3 =	simm.s32 @!p0 $0x1082;
	s9 =	sld [smem:$0x3FAB]  }
0x2f: {  	lr =	sadd.s32 s0, s3;
	s0 =	sld [smem:$0x3FA2]  }
0x30: {  	s3 =	sld [smem:$0x3FA5]  }
0x31: {  	[smem:$0x3FAE] =	sst s10  }
0x32: {  	s10 =	sld [smem:$0x3FAC];
	_ =	sdelay $0x3  }
0x33: {  	p0 =	seq.s32 s10, $0x1;
	s10 =	sld [smem:$0x3FAE];
	_ =	sdelay $0x3  }
0x34: {  	[smem:$0x3FAE] =	sst s10  }
0x35: {  	s10 =	sld [smem:$0x3FAD];
	_ =	sdelay $0x3  }
0x36: {  	p1 =	seq.s32 s10, $0x1;
	s10 =	sld [smem:$0x3FAE];
	_ =	sdelay $0x3  }
0x37: {  	[smem:$0x3FAE] =	sst s10  }
0x38: {  	s10 =	sld [smem:$0x3FAF]  }
0x39: {  	_ = 	snop;
	(pc) =	sbr.ind lr, $3  }
0x3a: {  	_ = 	snop  }
0x3b: {  	_ = 	snop  }
0x3c: {  	p2 =	seq.s32 s10, $0x1;
	s10 =	sld [smem:$0x3FAE]  }
0x3d: {  	_ =	shalt  }
0x3e: {  	_ =	shalt  }
0x3f: {  	_ =	shalt  }
0x40: {  	_ =	shalt  }
0x41: {  	_ =	shalt  }
0x42: {  	_ =	shalt  }
0x43: {  	_ =	shalt  }
0x44: {  	_ =	shalt  }
0x45: {  	_ =	shalt  }
0x46: {  	_ =	shalt  }
0x47: {  	_ =	shalt  }
0x48: {  	_ =	shalt  }
0x49: {  	_ =	shalt  }
0x4a: {  	_ =	shalt  }
0x4b: {  	_ =	shalt  }
0x4c: {  	_ =	shalt  }
0x4d: {  	_ =	shalt  }
0x4e: {  	_ =	shalt  }
0x4f: {  	_ =	shalt  }
0x50: {  	_ =	shalt  }
0x51: {  	_ =	shalt  }
0x52: {  	_ =	shalt  }
0x53: {  	_ =	shalt  }
0x54: {  	_ =	shalt  }
0x55: {  	_ =	shalt  }
0x56: {  	_ =	shalt  }
0x57: {  	_ =	shalt  }
0x58: {  	_ =	shalt  }
0x59: {  	_ =	shalt  }
0x5a: {  	_ =	shalt  }
0x5b: {  	_ =	shalt  }
0x5c: {  	_ =	shalt  }
0x5d: {  	_ =	shalt  }
0x5e: {  	_ =	shalt  }
0x5f: {  	_ =	shalt  }
0x60: {  	_ =	shalt  }
0x61: {  	_ =	shalt  }
0x62: {  	_ =	shalt  }
0x63: {  	_ =	shalt  }
0x64: {  	_ =	shalt  }
0x65: {  	_ =	shalt  }
0x66: {  	_ =	shalt  }
0x67: {  	_ =	shalt  }
0x68: {  	_ =	shalt  }
0x69: {  	_ =	shalt  }
0x6a: {  	_ =	shalt  }
0x6b: {  	_ =	shalt  }
0x6c: {  	_ =	shalt  }
0x6d: {  	_ =	shalt  }
0x6e: {  	_ =	shalt  }
0x6f: {  	_ =	shalt  }
0x70: {  	_ =	shalt  }
0x71: {  	_ =	shalt  }
0x72: {  	_ =	shalt  }
0x73: {  	_ =	shalt  }
0x74: {  	_ =	shalt  }
0x75: {  	_ =	shalt  }
0x76: {  	_ =	shalt  }
0x77: {  	_ =	shalt  }
0x78: {  	_ =	shalt  }
0x79: {  	_ =	shalt  }
0x7a: {  	_ =	shalt  }
0x7b: {  	_ =	shalt  }
0x7c: {  	_ =	shalt  }
0x7d: {  	_ =	shalt  }
0x7e: {  	_ =	shalt  }
0x7f: {  	_ =	shalt  }
0x80: {  	_ =	shalt  }
0x81: {  	_ =	shalt  }
0x82: {  	_ =	shalt  }
0x83: {  	_ =	shalt  }
0x84: {  	_ =	shalt  }
0x85: {  	_ =	shalt  }
0x86: {  	_ =	shalt  }
0x87: {  	_ =	shalt  }
.Lfunc_end0:
.L_simem_size_0:
called_computation.5_lowered:
.L_overlay_start_0:
0x88: {  	s2 =	sld [smem:$0x3FD9]  }
0x89: {  	s3 =	sld [smem:$0x3FFE];
	_ =	sdelay $0x1  }
0x8a: {  	s1 =	srdreg.scid  }
0x8b: {  	s0 =	sand.u32 $0x1, s1  }
0x8c: {  	s16 =	sshll.u32 s0, $0xA;
	s2 =	sadd.s32 s3, s2  }
0x8d: {  	s2 =	sadd.s32 s2, s16  }
0x8e: {  	[smem:$0x3FBA] =	sst s2  }
0x8f: {  	_ = 	snop  }
0x90: {  	(tm) =	ssettm $0x1  }
0x91: {  	s17 =	sld [smem:$0x3FFB];
	_ =	sdelay $0x3  }
0x92: {  	_ =	strace s17  }
0x93: {  	s2 =	sld [smem:$0x3FFC];
	_ =	sdelay $0x3  }
0x94: {  	_ =	strace s2  }
0x95: {  	s2 =	sld [smem:$0x3FFD];
	_ =	sdelay $0x3  }
0x96: {  	_ =	strace s2  }
0x97: {  	_ =	strace $0x8FFFFFFF  }
0x98: {  	s18 =	sld [smem:$0x3FDB];
	_ =	sdelay $0x1  }
0x99: {  	s19 =	simm.s32 $_scs_section_size  }
0x9a: {  	s4 =	simm.s32 $_size__tile_overlayer_lowered;
	s5 =	simm.s32 $_tile_overlayer_lowered  }
0x9b: {  	s22 =	simm.s32 $0x1BFF;
	s21 =	sshll.u32 s5, $0x1;
	s2 =	sadd.s32 s19, s18  }
0x9c: {  	s6 =	simm.s32 $0x0;
	s20 =	sshll.u32 s4, $0x1;
	s4 =	sadd.s32 s21, s2  }
0x9d: {  	[timem:s6], [sflag:s22] =	dma.local [hbm:s4], s20  }
0x9e: {  	_ =	swait.ge [sflag:s22], s20  }
0x9f: {  	s3 =	ssub.s32 $0x0, s20;
	[sflag:s22] =	ssyncset.done $0x0  }
0xa0: {  	[sflag:s22] =	ssyncadd.s32 s3;
	_ =	sdelay $0x1  }
0xa1: {  	s23 =	simm.s32 $0x1B8B  }
0xa2: {  	_ =	swait.ge [sflag:s23], $0x1  }
0xa3: {  	[sflag:s23] =	ssyncset.done $0x0  }
0xa4: {  	s25 =	simm.s32 $0x1B8E;
	s24 =	sld [smem:$0x3FFE];
	[sflag:s23] =	ssyncadd.s32 $0xFFFFFFFF  }
0xa5: {  	s26 =	simm.s32 $execute0_lowered;
	[smem:$0x3FD2] =	sst s25  }
0xa6: {  	s4 =	sshll.u32 s26, $0x1;
	_ =	strace $0x80000055;
	[dreg:$0x1] =	wrdreg $0xFFFFFFFF  }
0xa7: {  	s28 =	simm.s32 $_size_execute0_lowered;
	s2 =	sadd.s32 s2, s4;
	[dreg:$0x0] =	wrdreg $0x0  }
0xa8: {  	s4 =	sshll.u32 s28, $0x1;
	[dreg:$0x2] =	wrdreg s2  }
0xa9: {  	[dreg:$0x3] =	wrdreg s4  }
0xaa: {  	[dreg:$0x4] =	wrdreg $0xC0  }
0xab: {  	_ =	task [dreg:s6], $0x5FFFF  }
0xac: {  	[dreg:$0x1] =	wrdreg $0xFFFFFFFF  }
0xad: {  	[dreg:$0x0] =	wrdreg $0x60  }
0xae: {  	[dreg:$0x2] =	wrdreg s24  }
0xaf: {  	[dreg:$0x3] =	wrdreg $0xB0000  }
0xb0: {  	[dreg:$0x4] =	wrdreg $0x9  }
0xb1: {  	_ =	task.clear_ibuf [dreg:s6], $0x5FFFF;
	_ =	strace $0x90000055  }
0xb2: {  	s29 =	simm.s32 $0x9;
	_ =	strace $0x80000057  }
0xb3: {  	_ =	swait.ge [sflag:s29], $0x1  }
0xb4: {  	[sflag:s29] =	ssyncadd.s32 $0xFFFFFFFF  }
0xb5: {  	_ =	strace $0x90000057  }
0xb6: {  	_ =	sfence  }
0xb7: {  	s30 =	sld [smem:$0x0];
	_ =	sdelay $0x2  }
0xb8: {  	s31 =	sshll.u32 s1, $0xD;
	s1 =	sshrl.u32 s1, $0x2  }
0xb9: {  	s3 =	sand.u32 $0x4000, s31;
	s1 =	sadd.s32 s1, s30  }
0xba: {  	s0 =	sor.u32 s3, s0;
	s1 =	sshll.u32 s1, $0x11  }
0xbb: {  	s0 =	sor.u32 s1, s0  }
0xbc: {  	s0 =	sadd.s32 $0x8F2B, s0  }
0xbd: {  	[sflag:s0] =	ssyncadd.remote.s32 $0x1  }
0xbe: {  	_ =	sfence.sel $0xFFFF  }
0xbf: {  	[dreg:$0x0] =	wrdreg $0xFFFFFFFF;
	(pc) =	sbr.abs _section_cstart, $3  }
0xc0: {  	[dreg:$0x1] =	wrdreg $0xFFFFFFFF  }
0xc1: {  	_ =	task.clear_ibuf [dreg:s6], $0x2FFFF;
	_ =	strace $0x9FFFFFFF  }
0xc2: {  	(tm) =	ssettm $0x7FFFFFFF  }
0xc3: {  	_ =	shalt  }
tec
execute0_lowered:
.L_overlay_start_1:
0x0: {  	(tag) =	ssettag $0x1  }
0x1: {  	s6 =	rddreg [dreg:$0x0]  }
0x2: {  	s1 =	rddreg [dreg:$0x1];
	s2 =	srdreg.scid  }
0x3: {  	s0 =	rddreg [dreg:$0x2];
	s3 =	simm.s32 $0x0;
	s15 =	simm.s32 $0x1800  }
0x4: {  	s16 =	simm.s32 $0x80;
	s17 =	simm.s32 $0x3000;
	s18 =	simm.s32 $0x7000  }
0x5: {  	s19 =	simm.s32 $0x1;
	s20 =	simm.s32 $0x2;
	s21 =	simm.s32 $0x2B00  }
0x6: {  	s22 =	simm.s32 $0x2B80;
	s23 =	simm.s32 $0x0;
	s7 =	sand.u32 $0x1, s2  }
0x7: {  	s2 =	stileid.u32;
	[smem:$0x7FF] =	sst s3;
	s4 =	sadd.s32 $0x1D000, s6  }
0x8: {  	s9 =	sadd.s32 $0x6800, s6;
	s10 =	sadd.s32 $0x10800, s6;
	s5 =	smul.u32 $0x140000, s7  }
0x9: {  	s8 =	smul.u32 $0x14000, s2;
	_ =	strace $0x80000056;
	s11 =	sshll.u32 s2, $0x1  }
0xa: {  	s12 =	ssub.s32 $0x2, s7;
	s26 =	smul.u32 $0x50000, s2;
	s30 =	sshll.u32 s2, $0x6  }
0xb: {  	s7 =	sor.u32 s7, s11;
	s28 =	sshrl.u32 s12, $0x1;
	s8 =	sadd.s32 s8, s5  }
0xc: {  	s5 =	sadd.s32 $0x1A800, s6;
	s7 =	smul.u32 $0x2800, s7;
	s29 =	sshrl.u32 s26, $0x2  }
0xd: {  	s12 =	ssub.s32 s12, s28;
	s8 =	sshrl.u32 s8, $0x3;
	s14 =	sadd.s32 s29, s1  }
0xe: {  	s12 =	smax.u32 s12, $0x1;
	s13 =	sadd.s32 s8, s6;
	s31 =	sshrl.u32 s7, $0x3  }
0xf: {  	s6 =	sor.u32 $0x1C03, s30;
	s7 =	sadd.s32 s9, s31;
	s11 =	sadd.s32 $0x280, s31  }
0x10: {  	s8 =	sadd.s32 s10, s31;
	s9 =	sadd.s32 s9, s11;
	s10 =	sadd.s32 s10, s11  }
0x11: {  	s11 =	sadd.s32 $0x6D000, s13;
	s13 =	sshrl.u32 s14, $0x3;
	s14 =	simm.s32 $0x3  }
.LBB2_1:
0x12: {  	[spmem:s13], [sflag:s6] =	dma.local [hbm:s5], $0x2800  }
0x13: {  	_ =	swait.ge [sflag:s14], $0x2800  }
0x14: {  	[sflag:s14] =	ssyncset.done $0x0  }
0x15: {  	[sflag:s14] =	ssyncadd.s32 $0xFFFFD800  }
0x16: {  	[tilespmem:s3], [sflag:$0x3] =	stream.linear.gather [hbm4b:s7+s3], $0x1800, $0x38;
	[tilespmem:$0x1F000] =	vst v63  }
0x17: {  	_ =	swait.ge [sflag:s14], $0x1800  }
0x18: {  	[sflag:s14] =	ssyncset.done $0x0  }
0x19: {  	[sflag:s14] =	ssyncadd.s32 $0xFFFFE800  }
0x1a: {  	[tilespmem:s15], [sflag:$0x3] =	stream.linear.gather [hbm4b:s8+s3], $0x1800, $0x38;
	[tilespmem:$0x1F000] =	vst v63  }
0x1b: {  	_ =	swait.ge [sflag:s14], $0x1800  }
0x1c: {  	[sflag:s14] =	ssyncset.done $0x0  }
0x1d: {  	[sflag:s14] =	ssyncadd.s32 $0xFFFFE800  }
0x1e: {  	[bflag:$0x0] =	sbarrier.arrive $0xFFFF  }
0x1f: {  	[tilespmem:s17], [sflag:$0x1] =	stream.indirect.gather [hbm4b:s4+s16], $0x80, s3, s16, $0xb8;
	[tilespmem:$0x1F000] =	vst v63  }
0x20: {  	_ = 	snop  }
0x21: {  	[tilespmem:s18], [sflag:$0x2] =	stream.indirect.gather [hbm4b:s4+s16], $0x80, s16, s16, $0xb8;
	[tilespmem:$0x1F000] =	vst v63  }
0x22: {  	_ =	swait.ge [sflag:s19], $0x4000  }
0x23: {  	[sflag:s19] =	ssyncset.done $0x0  }
0x24: {  	s24 =	simm.s32 $0x1800;
	[sflag:s19] =	ssyncadd.s32 $0xFFFFC000  }
0x25: {  	[spmem:s1] =	stream.indirect.scatter.add.f32 [tilespmem:s17], [sflag:$0x3], $0x80, s24, s16, $0xb8;
	[tilespmem:$0x1F000] =	vst v63  }
0x26: {  	_ =	swait.ge [sflag:s14], $0x4000  }
0x27: {  	[sflag:s14] =	ssyncset.done $0x0  }
0x28: {  	s30 =	simm.s32 $0x100;
	[sflag:s14] =	ssyncadd.s32 $0xFFFFC000  }
0x29: {  	[tilespmem:s17], [sflag:$0x1] =	stream.indirect.gather [hbm4b:s4+s16], $0x80, s30, s16, $0xb8;
	[tilespmem:$0x1F000] =	vst v63  }
0x2a: {  	_ =	swait.ge [sflag:s20], $0x4000  }
0x2b: {  	[sflag:s20] =	ssyncset.done $0x0  }
0x2c: {  	s31 =	simm.s32 $0x1880;
	[sflag:s20] =	ssyncadd.s32 $0xFFFFC000  }
0x2d: {  	[spmem:s1] =	stream.indirect.scatter.add.f32 [tilespmem:s18], [sflag:$0x3], $0x80, s31, s16, $0xb8;
	[tilespmem:$0x1F000] =	vst v63  }
0x2e: {  	_ =	swait.ge [sflag:s14], $0x4000  }
0x2f: {  	[sflag:s14] =	ssyncset.done $0x0  }
0x30: {  	s25 =	simm.s32 $0x180;
	s24 =	simm.s32 $0x400;
	[sflag:s14] =	ssyncadd.s32 $0xFFFFC000  }
.LBB2_2:
0x31: {  	[tilespmem:s18], [sflag:$0x2] =	stream.indirect.gather [hbm4b:s4+s16], $0x80, s25, s16, $0xb8;
	[tilespmem:$0x1F000] =	vst v63  }
0x32: {  	s25 =	smov.u32 s24  }
0x33: {  	p0 =	sne.s32 s24, $0x4C00;
	s24 =	sadd.s32 $0x400, s24;
	_ =	swait.ge [sflag:s19], $0x4000  }
0x34: {  	s25 =	sshra.s32 s25, $0x2;
	[sflag:s19] =	ssyncset.done $0x0  }
0x35: {  	s26 =	sadd.s32 $0x1800, s25;
	[sflag:s19] =	ssyncadd.s32 $0xFFFFC000  }
0x36: {  	[spmem:s1] =	stream.indirect.scatter.add.f32 [tilespmem:s17], [sflag:$0x3], $0x80, s26, s16, $0xb8;
	[tilespmem:$0x1F000] =	vst v63  }
0x37: {  	_ =	swait.ge [sflag:s14], $0x4000  }
0x38: {  	[sflag:s14] =	ssyncset.done $0x0  }
0x39: {  	s26 =	sadd.s32 $0x100, s25;
	[sflag:s14] =	ssyncadd.s32 $0xFFFFC000  }
0x3a: {  	[tilespmem:s17], [sflag:$0x1] =	stream.indirect.gather [hbm4b:s4+s16], $0x80, s26, s16, $0xb8;
	[tilespmem:$0x1F000] =	vst v63  }
0x3b: {  	_ =	swait.ge [sflag:s20], $0x4000  }
0x3c: {  	[sflag:s20] =	ssyncset.done $0x0  }
.Ltmp0:
0x3d: {  	s26 =	sadd.s32 $0x1880, s25;
	[sflag:s20] =	ssyncadd.s32 $0xFFFFC000;
	(pc) =	sbr.rel @p0 .LBB2_2-.Ltmp0, $4  }
0x3e: {  	[spmem:s1] =	stream.indirect.scatter.add.f32 [tilespmem:s18], [sflag:$0x3], $0x80, s26, s16, $0xb8;
	[tilespmem:$0x1F000] =	vst v63  }
0x3f: {  	_ =	swait.ge [sflag:s14], $0x4000  }
0x40: {  	[sflag:s14] =	ssyncset.done $0x0  }
0x41: {  	s25 =	sadd.s32 $0x180, s25;
	[sflag:s14] =	ssyncadd.s32 $0xFFFFC000  }
0x42: {  	[tilespmem:s18], [sflag:$0x2] =	stream.indirect.gather [hbm4b:s4+s16], $0x80, s25, s16, $0xb8;
	[tilespmem:$0x1F000] =	vst v63  }
0x43: {  	s24 =	simm.s32 $0x0  }
0x44: {  	[tilespmem:s24], [sflag:$0x3] =	stream.linear.gather [hbm4b:s9+s24], $0x1400, $0x38;
	[tilespmem:$0x1F000] =	vst v63  }
0x45: {  	_ =	swait.ge [sflag:s14], $0x1400  }
0x46: {  	[sflag:s14] =	ssyncset.done $0x0  }
0x47: {  	[sflag:s14] =	ssyncadd.s32 $0xFFFFEC00  }
0x48: {  	[tilespmem:s15], [sflag:$0x3] =	stream.linear.gather [hbm4b:s10+s24], $0x1400, $0x38;
	[tilespmem:$0x1F000] =	vst v63  }
0x49: {  	_ =	swait.ge [sflag:s14], $0x1400  }
0x4a: {  	[sflag:s14] =	ssyncset.done $0x0  }
0x4b: {  	[sflag:s14] =	ssyncadd.s32 $0xFFFFEC00  }
0x4c: {  	_ =	swait.ge [sflag:s19], $0x4000  }
0x4d: {  	[sflag:s19] =	ssyncset.done $0x0  }
0x4e: {  	s29 =	simm.s32 $0x1800;
	[sflag:s19] =	ssyncadd.s32 $0xFFFFC000  }
0x4f: {  	[spmem:s1] =	stream.indirect.scatter.add.f32 [tilespmem:s17], [sflag:$0x3], $0x80, s29, s16, $0xb8;
	[tilespmem:$0x1F000] =	vst v63  }
0x50: {  	_ =	swait.ge [sflag:s14], $0x4000  }
0x51: {  	[sflag:s14] =	ssyncset.done $0x0  }
0x52: {  	s30 =	simm.s32 $0x100;
	[sflag:s14] =	ssyncadd.s32 $0xFFFFC000  }
0x53: {  	[tilespmem:s17], [sflag:$0x1] =	stream.indirect.gather [hbm4b:s4+s16], $0x80, s30, s16, $0xb8;
	[tilespmem:$0x1F000] =	vst v63  }
0x54: {  	_ =	swait.ge [sflag:s20], $0x4000  }
0x55: {  	[sflag:s20] =	ssyncset.done $0x0  }
0x56: {  	s31 =	simm.s32 $0x1880;
	[sflag:s20] =	ssyncadd.s32 $0xFFFFC000  }
0x57: {  	[spmem:s1] =	stream.indirect.scatter.add.f32 [tilespmem:s18], [sflag:$0x3], $0x80, s31, s16, $0xb8;
	[tilespmem:$0x1F000] =	vst v63  }
0x58: {  	_ =	swait.ge [sflag:s14], $0x4000  }
0x59: {  	[sflag:s14] =	ssyncset.done $0x0  }
0x5a: {  	s25 =	simm.s32 $0x180;
	s24 =	simm.s32 $0x400;
	[sflag:s14] =	ssyncadd.s32 $0xFFFFC000  }
.LBB2_4:
0x5b: {  	[tilespmem:s18], [sflag:$0x2] =	stream.indirect.gather [hbm4b:s4+s16], $0x80, s25, s16, $0xb8;
	[tilespmem:$0x1F000] =	vst v63  }
0x5c: {  	s25 =	smov.u32 s24  }
0x5d: {  	p0 =	sne.s32 s24, $0x4800;
	s24 =	sadd.s32 $0x400, s24;
	_ =	swait.ge [sflag:s19], $0x4000  }
0x5e: {  	s25 =	sshra.s32 s25, $0x2;
	[sflag:s19] =	ssyncset.done $0x0  }
0x5f: {  	s26 =	sadd.s32 $0x1800, s25;
	[sflag:s19] =	ssyncadd.s32 $0xFFFFC000  }
0x60: {  	[spmem:s1] =	stream.indirect.scatter.add.f32 [tilespmem:s17], [sflag:$0x3], $0x80, s26, s16, $0xb8;
	[tilespmem:$0x1F000] =	vst v63  }
0x61: {  	_ =	swait.ge [sflag:s14], $0x4000  }
0x62: {  	[sflag:s14] =	ssyncset.done $0x0  }
0x63: {  	s26 =	sadd.s32 $0x100, s25;
	[sflag:s14] =	ssyncadd.s32 $0xFFFFC000  }
0x64: {  	[tilespmem:s17], [sflag:$0x1] =	stream.indirect.gather [hbm4b:s4+s16], $0x80, s26, s16, $0xb8;
	[tilespmem:$0x1F000] =	vst v63  }
0x65: {  	_ =	swait.ge [sflag:s20], $0x4000  }
0x66: {  	[sflag:s20] =	ssyncset.done $0x0  }
.Ltmp1:
0x67: {  	s26 =	sadd.s32 $0x1880, s25;
	[sflag:s20] =	ssyncadd.s32 $0xFFFFC000;
	(pc) =	sbr.rel @p0 .LBB2_4-.Ltmp1, $4  }
0x68: {  	[spmem:s1] =	stream.indirect.scatter.add.f32 [tilespmem:s18], [sflag:$0x3], $0x80, s26, s16, $0xb8;
	[tilespmem:$0x1F000] =	vst v63  }
0x69: {  	_ =	swait.ge [sflag:s14], $0x4000  }
0x6a: {  	[sflag:s14] =	ssyncset.done $0x0  }
0x6b: {  	s25 =	sadd.s32 $0x180, s25;
	[sflag:s14] =	ssyncadd.s32 $0xFFFFC000  }
0x6c: {  	[tilespmem:s18], [sflag:$0x2] =	stream.indirect.gather [hbm4b:s4+s16], $0x80, s25, s16, $0xb8;
	[tilespmem:$0x1F000] =	vst v63  }
0x6d: {  	_ =	swait.ge [sflag:s19], $0x4000  }
0x6e: {  	[sflag:s19] =	ssyncset.done $0x0  }
0x6f: {  	[sflag:s19] =	ssyncadd.s32 $0xFFFFC000  }
0x70: {  	[spmem:s1] =	stream.indirect.scatter.add.f32 [tilespmem:s17], [sflag:$0x3], $0x80, s21, s16, $0xb8;
	[tilespmem:$0x1F000] =	vst v63  }
0x71: {  	_ =	swait.ge [sflag:s14], $0x4000  }
0x72: {  	[sflag:s14] =	ssyncset.done $0x0  }
0x73: {  	[sflag:s14] =	ssyncadd.s32 $0xFFFFC000  }
0x74: {  	_ =	swait.ge [sflag:s20], $0x4000  }
0x75: {  	[sflag:s20] =	ssyncset.done $0x0  }
0x76: {  	[sflag:s20] =	ssyncadd.s32 $0xFFFFC000  }
0x77: {  	[spmem:s1] =	stream.indirect.scatter.add.f32 [tilespmem:s18], [sflag:$0x3], $0x80, s22, s16, $0xb8;
	[tilespmem:$0x1F000] =	vst v63  }
0x78: {  	_ =	swait.ge [sflag:s14], $0x4000  }
0x79: {  	s23 =	sadd.s32 $0x1, s23;
	[sflag:s14] =	ssyncset.done $0x0  }
0x7a: {  	p0 =	sne.s32 s23, s12;
	[sflag:s14] =	ssyncadd.s32 $0xFFFFC000  }
.Ltmp2:
0x7b: {  	[bflag:$0x0] =	sbarrier.arrive $0xFFFF;
	(pc) =	sbr.rel @p0 .LBB2_1-.Ltmp2, $4  }
0x7c: {  	[hbm:s11], [sflag:s6] =	dma.local [spmem:s13], $0x2800  }
0x7d: {  	_ =	swait.ge [sflag:s14], $0x2800  }
0x7e: {  	[sflag:s14] =	ssyncset.done $0x0  }
0x7f: {  	[sflag:s14] =	ssyncadd.s32 $0xFFFFD800  }
0x80: {  	_ =	sfence.sel $0x180000  }
0x81: {  	[bflag:$0x0] =	sbarrier.arrive $0xFFFF  }
0x82: {  	p0 =	sne.s32 s2, $0x0;
	_ =	strace $0x90000056  }
0x83: {  	s0 =	sadd.s32 @!p0 $0x100000, s0;
	[bflag:$0x2] =	sbarrier.arrive $0xFFFF  }
0x84: {  	[sflag:s0] =	ssyncadd.tile.s32 @!p0 $0x1;
	_ =	shalt  }
.Lfunc_end2:
_tile_overlayer_lowered:
.L_overlay_start_2:
0x85: {  	(tag) =	ssettag $0x2  }
0x86: {  	s0 =	rddreg [dreg:$0x0];
	s2 =	stileid.u32  }
0x87: {  	s1 =	rddreg [dreg:$0x1];
	p0 =	sne.s32 s2, $0x0  }
0x88: {  	s3 =	rddreg [dreg:$0x2];
	[bflag:$0x3] =	sbarrier.arrive $0xFFFF;
	s2 =	simm.s32 @!p0 $0x1C03  }
0x89: {  	[timem:s3], [sflag:s2] =	dma.local @!p0 [hbm:s0], s1  }
0x8a: {  	s0 =	simm.s32 @!p0 $0x3  }
0x8b: {  	_ =	swait.ge @!p0 [sflag:s0], s1  }
0x8c: {  	s1 =	ssub.s32 @!p0 $0x0, s1;
	[sflag:s0] =	ssyncset.done @!p0 $0x0  }
0x8d: {  	[sflag:s0] =	ssyncadd.s32 @!p0 s1  }
0x8e: {  	[bflag:$0x3] =	sbarrier.arrive $0xFFFF  }
0x8f: {  	_ =	shalt  }

</sc_bundles>
